<compile_context>
chip_gen: v7x
topology: tpu7x:2x2x1
jax: 0.10.2.dev20260603
libtpu: 0.0.44.dev20260713+nightly
codegen_flags: <defaults>
</compile_context>

<pallas_src>
import functools

import jax
import jax.numpy as jnp
from jax import lax
from jax.experimental import pallas as pl
from jax.experimental.pallas import tpu as pltpu
from jax.experimental.pallas import tpu_sc as plsc

_RATIO1, _R1 = 0.5, 0.2
_RATIO2, _R2 = 0.25, 0.4
_MAXN = 64
_EPS = 1e-5
_NB = 8
_HI = jax.lax.Precision.HIGHEST


def _fps_body(pos_ref, post_ref, batch_ref, sel_ref, m_ref, dist_ref,
              *, np_, ratio):
    pos = pos_ref[...]
    batch = batch_ref[...]
    iota_n = lax.broadcasted_iota(jnp.int32, (_NB, np_), 1)
    brow = lax.broadcasted_iota(jnp.int32, (_NB, 1), 0)
    masks = batch == brow
    n = jnp.sum(masks.astype(jnp.int32), axis=1)
    m0 = jnp.ceil(ratio * n.astype(jnp.float32)).astype(jnp.int32)
    m = jnp.where(n > 0, jnp.maximum(m0, 1), 0)
    m_ref[0, :] = m
    first = jnp.min(jnp.where(masks, iota_n, np_), axis=1)
    first = jnp.minimum(first, np_ - 1)

    def onehot_rows(idx8):
        oh = (lax.broadcasted_iota(jnp.int32, (_NB, np_), 1)
              == idx8[:, None]).astype(jnp.float32)
        return jnp.dot(oh, pos, precision=_HI,
                       preferred_element_type=jnp.float32)

    sel_ref[0, :] = first
    cur0 = onehot_rows(first)
    dist_ref[...] = jnp.where(masks, jnp.inf, -jnp.inf)

    def body(i, cur):
        d = jnp.zeros((_NB, np_), jnp.float32)
        for k in range(6):
            t = post_ref[k:k + 1, :] - cur[:, k:k + 1]
            d = d + t * t
        nd = jnp.minimum(dist_ref[...], d)
        mx = jnp.max(nd, axis=1, keepdims=True)
        nxt = jnp.min(jnp.where(
            nd == mx, lax.broadcasted_iota(jnp.int32, (_NB, np_), 1), np_),
            axis=1)
        nxt = jnp.minimum(nxt, np_ - 1)
        active = i < m
        sel_ref[pl.ds(i, 1), :] = jnp.where(active, nxt, 0)[None, :]
        dist_ref[...] = jnp.where(active[:, None], nd, dist_ref[...])
        return jnp.where(active[:, None], onehot_rows(nxt), cur)

    lax.fori_loop(1, jnp.max(m), body, cur0)


def _fps(pos_p, batch_p, ratio, bound):
    np_ = pos_p.shape[0]
    sel, m = pl.pallas_call(
        functools.partial(_fps_body, np_=np_, ratio=ratio),
        out_shape=(jax.ShapeDtypeStruct((bound, _NB), jnp.int32),
                   jax.ShapeDtypeStruct((1, _NB), jnp.int32)),
        scratch_shapes=[pltpu.VMEM((_NB, np_), jnp.float32)],
    )(pos_p, pos_p.T, batch_p.reshape(1, np_))
    return sel, m[0]


def _radius_body(pxt_ref, bx_ref, py_ref, by_ref, col_ref, nv_ref, *, np_, r2):
    C = 512
    bx = bx_ref[...]
    py = py_ref[...]
    by = by_ref[...]
    riota = lax.broadcasted_iota(jnp.int32, (1, 1, _MAXN), 2).astype(jnp.float32)
    tri_r = lax.broadcasted_iota(jnp.int32, (C, C), 0)
    tri_c = lax.broadcasted_iota(jnp.int32, (C, C), 1)
    ut = (tri_r <= tri_c).astype(jnp.float32)
    iota_x = lax.broadcasted_iota(jnp.int32, (1, np_), 1)
    bymin = jnp.min(by)
    bymax = jnp.max(by)
    start = jnp.min(jnp.where(bx >= bymin, iota_x, np_))
    end = jnp.max(jnp.where(bx <= bymax, iota_x + 1, 0))
    c_lo = start // C
    c_hi = jnp.maximum((end + C - 1) // C, c_lo)

    def chunk(c, acc):
        carry, cnt = acc
        off = pl.multiple_of(c * C, C)
        d2c = jnp.zeros((8, C), jnp.float32)
        for k in range(6):
            t = py[:, k:k + 1] - pxt_ref[k:k + 1, pl.ds(off, C)]
            d2c = d2c + t * t
        ec = ((d2c <= r2) & (bx_ref[0:1, pl.ds(off, C)] == by)
              ).astype(jnp.float32)
        cum = jnp.dot(ec, ut, preferred_element_type=jnp.float32) + carry
        cnt = cnt + jnp.sum((cum[:, :, None] <= riota).astype(jnp.float32),
                            axis=1)
        return cum[:, C - 1:C], cnt

    carry, cnt = lax.fori_loop(
        c_lo, c_hi, chunk,
        (jnp.zeros((8, 1), jnp.float32), jnp.zeros((8, _MAXN), jnp.float32)))
    cnt = cnt + (c_lo * C).astype(jnp.float32)
    total = carry[:, 0].astype(jnp.int32)
    nv = jnp.minimum(total, _MAXN)
    nv_ref[...] = nv[:, None]
    col = cnt.astype(jnp.int32)
    valid = lax.broadcasted_iota(jnp.int32, (8, _MAXN), 1) < nv[:, None]
    col_ref[...] = jnp.where(valid, jnp.clip(col, 0, np_ - 1), 0)


def _radius(pos_x, batch_x, pos_y, batch_y, r2):
    np_ = pos_x.shape[0]
    ny = pos_y.shape[0]
    col, nv = pl.pallas_call(
        functools.partial(_radius_body, np_=np_, r2=r2),
        grid=(ny // 8,),
        in_specs=[
            pl.BlockSpec((6, np_), lambda i: (0, 0)),
            pl.BlockSpec((1, np_), lambda i: (0, 0)),
            pl.BlockSpec((8, 6), lambda i: (i, 0)),
            pl.BlockSpec((8, 1), lambda i: (i, 0)),
        ],
        out_specs=[
            pl.BlockSpec((8, _MAXN), lambda i: (i, 0)),
            pl.BlockSpec((8, 1), lambda i: (i, 0)),
        ],
        out_shape=(jax.ShapeDtypeStruct((ny, _MAXN), jnp.int32),
                   jax.ShapeDtypeStruct((ny, 1), jnp.int32)),
    )(pos_x.T, batch_x.reshape(1, np_), pos_y, batch_y.reshape(ny, 1))
    return col, nv


def _norm_relu(x, g, bt):
    return jax.nn.relu(g * x / jnp.sqrt(1.0 + _EPS) + bt)


def _mlp_body(g_ref, py_ref, w1_ref, b1_ref, g1_ref, t1_ref,
              w2_ref, b2_ref, g2_ref, t2_ref, w3_ref, b3_ref, out_ref,
              *, din):
    g = g_ref[...]
    py = py_ref[...][:, :6]
    w1 = w1_ref[...]
    if din == 6:
        x = jnp.dot(g[:, :6] - py, w1, precision=_HI,
                    preferred_element_type=jnp.float32) + b1_ref[...]
    else:
        rel = g[:, 128:134] - py
        x = (jnp.dot(g[:, :128], w1[:128, :], precision=_HI,
                     preferred_element_type=jnp.float32)
             + jnp.dot(rel, w1[128:134, :], precision=_HI,
                       preferred_element_type=jnp.float32) + b1_ref[...])
    x = _norm_relu(x, g1_ref[...], t1_ref[...])
    x = jnp.dot(x, w2_ref[...], precision=_HI,
                preferred_element_type=jnp.float32) + b2_ref[...]
    x = _norm_relu(x, g2_ref[...], t2_ref[...])
    out_ref[...] = jnp.dot(x, w3_ref[...], precision=_HI,
                           preferred_element_type=jnp.float32) + b3_ref[...]


def _groupmax_body(msg_ref, nv_ref, out_ref, *, dout):
    BY = 64
    nv = nv_ref[...]
    mx = jnp.full((BY, dout), -jnp.inf, jnp.float32)
    for k in range(_MAXN):
        keep = nv > k
        mx = jnp.maximum(mx, jnp.where(keep, msg_ref[k], -jnp.inf))
    out_ref[...] = jnp.where(mx > -jnp.inf, mx, 0.0)


def _conv(grows, pos_y, nv, layers, din, dout):
    nyp = pos_y.shape[0]
    (w1, b1, g1, t1), (w2, b2, g2, t2), (w3, b3, _, _) = layers
    full = lambda a: pl.BlockSpec(a.shape, lambda i: tuple(0 for _ in a.shape))
    BRy = next(b for b in (2048, 1280, 1024, 512, 256, 128, 64)
               if nyp % b == 0)
    nrows = grows.shape[0]
    msg = pl.pallas_call(
        functools.partial(_mlp_body, din=din),
        grid=(nrows // BRy,),
        in_specs=[
            pl.BlockSpec((BRy, grows.shape[1]), lambda i: (i, 0)),
            pl.BlockSpec((BRy, 16), lambda i: (i % (nyp // BRy), 0)),
            full(w1), full(b1), full(g1), full(t1),
            full(w2), full(b2), full(g2), full(t2),
            full(w3), full(b3),
        ],
        out_specs=pl.BlockSpec((BRy, dout), lambda i: (i, 0)),
        out_shape=jax.ShapeDtypeStruct((nrows, dout), jnp.float32),
    )(grows, pos_y, w1, b1, g1, t1, w2, b2, g2, t2, w3, b3)
    msg3 = msg.reshape(_MAXN, nyp, dout)
    return pl.pallas_call(
        functools.partial(_groupmax_body, dout=dout),
        grid=(nyp // 64,),
        in_specs=[
            pl.BlockSpec((_MAXN, 64, dout), lambda i: (0, i, 0)),
            pl.BlockSpec((64, 1), lambda i: (i, 0)),
        ],
        out_specs=pl.BlockSpec((64, dout), lambda i: (i, 0)),
        out_shape=jax.ShapeDtypeStruct((nyp, dout), jnp.float32),
    )(msg3, nv)


def _final_body(x2_ref, py_ref, b2_ref, w1_ref, b1_ref, g1_ref, t1_ref,
                w2_ref, b2w_ref, g2_ref, t2_ref, w3_ref, b3_ref,
                hw1_ref, hb1_ref, hw2_ref, hb2_ref, out_ref):
    x2 = x2_ref[...]
    py = py_ref[...][:, :6]
    w1 = w1_ref[...]
    x = (jnp.dot(x2, w1[:256, :], precision=_HI,
                 preferred_element_type=jnp.float32)
         + jnp.dot(py, w1[256:262, :], precision=_HI,
                   preferred_element_type=jnp.float32) + b1_ref[...])
    x = _norm_relu(x, g1_ref[...], t1_ref[...])
    x = jnp.dot(x, w2_ref[...], precision=_HI,
                preferred_element_type=jnp.float32) + b2w_ref[...]
    x = _norm_relu(x, g2_ref[...], t2_ref[...])
    h = jnp.dot(x, w3_ref[...], precision=_HI,
                preferred_element_type=jnp.float32) + b3_ref[...]
    b2 = b2_ref[...]
    rows = []
    for b in range(_NB):
        hb = jnp.where(b2 == b, h, -jnp.inf)
        rows.append(jnp.max(hb, axis=0, keepdims=True))
    gpool = jnp.concatenate(rows, axis=0)
    gpool = jnp.where(gpool > -jnp.inf, gpool, 0.0)
    y = jax.nn.relu(jnp.dot(gpool, hw1_ref[...], precision=_HI,
                            preferred_element_type=jnp.float32) + hb1_ref[...])
    out_ref[...] = jnp.dot(y, hw2_ref[...], precision=_HI,
                           preferred_element_type=jnp.float32) + hb2_ref[...]


def _final(x2, pos_y, batch2, sa3, head):
    (w1, b1, g1, t1), (w2, b2w, g2, t2), (w3, b3, _, _) = sa3
    (hw1, hb1, _, _), (hw2, hb2, _, _) = head
    args = (x2, pos_y, batch2.reshape(-1, 1), w1, b1, g1, t1,
            w2, b2w, g2, t2, w3, b3, hw1, hb1, hw2, hb2)
    return pl.pallas_call(
        _final_body,
        out_shape=jax.ShapeDtypeStruct((_NB, 512), jnp.float32),
    )(*args)


def _gather_rows(table, idx):
    V, D = table.shape
    B = idx.shape[0]
    CS = 128
    bpw = B // 32
    nch = bpw // CS
    mesh = plsc.VectorSubcoreMesh(core_axis_name="c", subcore_axis_name="s")

    @functools.partial(
        pl.kernel, mesh=mesh,
        compiler_params=pltpu.CompilerParams(use_tc_tiling_on_sc=False),
        out_type=jax.ShapeDtypeStruct((B, D), jnp.float32),
        scratch_types=[
            pltpu.VMEM((CS,), jnp.int32),
            pltpu.VMEM((CS, D), jnp.float32),
            pltpu.SemaphoreType.DMA,
        ],
    )
    def k(table_hbm, idx_hbm, out_hbm, idx_v, rows_v, sem):
        wid = lax.axis_index("s") * 2 + lax.axis_index("c")

        def chunk(ci, carry):
            base = wid * bpw + ci * CS
            pltpu.sync_copy(idx_hbm.at[pl.ds(base, CS)], idx_v)
            pltpu.async_copy(table_hbm.at[idx_v], rows_v, sem).wait()
            pltpu.sync_copy(rows_v, out_hbm.at[pl.ds(base, CS)])
            return carry

        lax.fori_loop(0, nch, chunk, 0)

    return k(table, idx)


def _compact(sel, m, bound, cap):
    ar = jnp.arange(bound, dtype=jnp.int32)
    idx = jnp.zeros((cap,), jnp.int32)
    off = jnp.zeros((), jnp.int32)
    for b in range(_NB):
        tgt = jnp.where(ar < m[b], off + ar, cap)
        idx = idx.at[tgt].set(sel[:, b], mode='drop')
        off = off + m[b]
    return idx, off


def _rup(x, m):
    return (x + m - 1) // m * m


def kernel(synapse_cordi, batch_index, weight, params):
    del weight
    pos = synapse_cordi.astype(jnp.float32)
    batch = batch_index.astype(jnp.int32)
    N = pos.shape[0]
    NP = _rup(N, 512)
    cap1 = (N + _NB) // 2
    bound1 = (N + 1) // 2
    cap1p = _rup(cap1, 512)
    cap2 = (cap1 + 3 * _NB) // 4
    bound2 = (cap1 + 3) // 4
    cap2p = _rup(cap2, 64)

    pos_p = jnp.zeros((NP, 6), jnp.float32).at[:N].set(pos)
    batch_p = jnp.full((NP,), _NB, jnp.int32).at[:N].set(batch)

    sel1, m1 = _fps(pos_p, batch_p, _RATIO1, bound1)
    idx1, n1 = _compact(sel1, m1, bound1, cap1)
    idx1p = jnp.zeros((8192,), jnp.int32).at[:cap1].set(idx1)

    bflt = batch_p.astype(jnp.float32)[:, None]
    t1 = jnp.concatenate([pos_p, bflt, jnp.zeros((NP, 9), jnp.float32)], 1)
    rows1 = _gather_rows(t1, idx1p)[:cap1p]
    pos1_p = jnp.zeros((cap1p, 16), jnp.float32).at[:, :6].set(rows1[:, :6])
    b1raw = rows1[:, 6].astype(jnp.int32)
    batch1_p = jnp.where(jnp.arange(cap1p) < n1, b1raw, _NB)
    pos1_p = jnp.where((jnp.arange(cap1p) < n1)[:, None], pos1_p, 0.0)

    col1, nv1 = _radius(pos_p, batch_p, pos1_p[:, :6], batch1_p, _R1 * _R1)
    g1 = _gather_rows(t1, col1.T.reshape(-1))
    x1 = _conv(g1, pos1_p, nv1, params['sa1'], 6, 128)

    sel2, m2 = _fps(pos1_p[:, :6], batch1_p, _RATIO2, bound2)
    idx2, n2 = _compact(sel2, m2, bound2, cap2)
    idx2p = jnp.zeros((8192,), jnp.int32).at[:cap2].set(idx2)

    b1flt = batch1_p.astype(jnp.float32)[:, None]
    t2 = jnp.concatenate([x1, pos1_p[:, :6], b1flt,
                          jnp.zeros((cap1p, 9), jnp.float32)], 1)
    rows2 = _gather_rows(t2, idx2p)[:cap2p]
    pos2_p = jnp.zeros((cap2p, 16), jnp.float32).at[:, :6].set(rows2[:, 128:134])
    b2raw = rows2[:, 134].astype(jnp.int32)
    batch2_p = jnp.where(jnp.arange(cap2p) < n2, b2raw, _NB)
    pos2_p = jnp.where((jnp.arange(cap2p) < n2)[:, None], pos2_p, 0.0)

    col2, nv2 = _radius(pos1_p[:, :6], batch1_p, pos2_p[:, :6], batch2_p,
                        _R2 * _R2)
    g2 = _gather_rows(t2, col2.T.reshape(-1))
    x2 = _conv(g2, pos2_p, nv2, params['sa2'], 134, 256)

    return _final(x2, pos2_p, batch2_p, params['sa3'], params['head'])

# --- scband reference (transcript-rebuilt; emitter-appended) ---
"""Pipeline reference for scband-weight-point-net2-4037269258370 (READ-ONLY COPY).

The authoritative reference and input builder live on the scoring server;
editing this copy changes nothing except your own understanding.
"""

import jax, jax.numpy as jnp
import numpy as np

RATIO1, R1 = 0.5, 0.2
RATIO2, R2 = 0.25, 0.4
MAXN = 64
EPS = 1e-5

def fps_np(pos, batch, ratio):
    pos = np.asarray(pos); batch = np.asarray(batch)
    out = []
    for b in np.unique(batch):
        loc = np.where(batch == b)[0]
        p = pos[loc]
        n = loc.shape[0]
        m = max(1, int(np.ceil(ratio * n)))
        sel = np.zeros(m, dtype=np.int64)
        dist = np.full(n, np.inf)
        for i in range(1, m):
            d = ((p - p[sel[i - 1]]) ** 2).sum(axis=1)
            dist = np.minimum(dist, d)
            sel[i] = int(np.argmax(dist))
        out.append(loc[sel])
    return np.concatenate(out)

def radius_np(pos_x, pos_y, r, batch_x, batch_y, max_n):
    pos_x = np.asarray(pos_x); pos_y = np.asarray(pos_y)
    batch_x = np.asarray(batch_x); batch_y = np.asarray(batch_y)
    rows, cols = [], []
    r2 = r * r
    for b in np.unique(batch_y):
        xi = np.where(batch_x == b)[0]
        yi = np.where(batch_y == b)[0]
        if xi.size == 0 or yi.size == 0:
            continue
        D = ((pos_y[yi][:, None, :] - pos_x[xi][None, :, :]) ** 2).sum(-1)
        for j in range(yi.shape[0]):
            nb = xi[np.where(D[j] <= r2)[0][:max_n]]
            rows.append(np.full(nb.shape[0], yi[j], dtype=np.int64))
            cols.append(nb)
    return np.concatenate(rows), np.concatenate(cols)

def mlp_apply(layers, x):
    L = len(layers)
    for i, (W, b, g, bt) in enumerate(layers):
        x = x @ W + b
        if i < L - 1:
            if g is not None:
                x = g * x / jnp.sqrt(1.0 + EPS) + bt
            x = jax.nn.relu(x)
    return x

def seg_max(x, idx, n):
    out = jax.ops.segment_max(x, idx, num_segments=n)
    return jnp.where(jnp.isfinite(out), out, 0.0)

def make_mlp(key, dims, norm=True):
    layers = []
    for i in range(len(dims) - 1):
        key, k1 = jax.random.split(key)
        W = jax.random.normal(k1, (dims[i], dims[i + 1]), jnp.float32) / np.sqrt(dims[i])
        b = jnp.zeros((dims[i + 1],), jnp.float32)
        if norm and i < len(dims) - 2:
            g = jnp.ones((dims[i + 1],), jnp.float32)
            bt = jnp.zeros((dims[i + 1],), jnp.float32)
        else:
            g = None; bt = None
        layers.append((W, b, g, bt))
    return layers

def setup_inputs(seed: int = 0):
    key = jax.random.key(seed)
    k1, k2, k3, k4 = jax.random.split(key, 4)
    N = 10000
    synapse_cordi = jax.random.uniform(k1, (N, 6), jnp.float32)
    batch_index = jnp.sort(jax.random.randint(k2, (N,), 0, 8).astype(jnp.int64))
    weight = jax.random.uniform(k3, (N,), jnp.float32)
    kk = jax.random.split(k4, 4)
    params = {
        'sa1': make_mlp(kk[0], [6, 64, 64, 128]),
        'sa2': make_mlp(kk[1], [134, 128, 128, 256]),
        'sa3': make_mlp(kk[2], [262, 256, 512, 1024]),
        'head': make_mlp(kk[3], [1024, 512, 512], norm=False),
    }
    return {'synapse_cordi': synapse_cordi, 'batch_index': batch_index, 'weight': weight, 'params': params}

def _fps_traced(pos, mask, m, bound):
    first = jnp.argmax(mask).astype(jnp.int32)
    sel0 = jnp.zeros((bound,), jnp.int32).at[0].set(first)
    dist0 = jnp.where(mask, jnp.inf, -jnp.inf)
    def body(i, carry):
        sel, dist = carry
        d = ((pos - pos[sel[i - 1]]) ** 2).sum(axis=1)
        nd = jnp.minimum(dist, d)
        nxt = jnp.argmax(nd).astype(jnp.int32)
        active = i < m
        dist = jnp.where(active, nd, dist)
        sel = sel.at[i].set(jnp.where(active, nxt, sel[i]))
        return sel, dist
    sel, _ = jax.lax.fori_loop(1, bound, body, (sel0, dist0))
    return sel

def _fps_all(pos, batch, ratio, bound, cap, nbatch):
    sels, ms = [], []
    for b in range(nbatch):
        mask = batch == b
        n = jnp.sum(mask).astype(jnp.int32)
        m0 = jnp.ceil(ratio * n.astype(jnp.float32)).astype(jnp.int32)
        m = jnp.where(n > 0, jnp.maximum(m0, 1), 0)
        sels.append(_fps_traced(pos, mask, m, bound))
        ms.append(m)
    idx = jnp.zeros((cap,), jnp.int32)
    off = jnp.zeros((), jnp.int32)
    ar = jnp.arange(bound, dtype=jnp.int32)
    for sel, m in zip(sels, ms):
        tgt = jnp.where(ar < m, off + ar, cap)
        idx = idx.at[tgt].set(sel, mode='drop')
        off = off + m
    return idx, off

def _radius_traced(pos_x, batch_x, pos_y, batch_y, r2, maxn):
    Nx = pos_x.shape[0]
    idxN = jnp.arange(Nx, dtype=jnp.int32)
    ar = jnp.arange(maxn)
    def per_y(yb):
        py, by = yb
        d2 = ((py[None, :] - pos_x) ** 2).sum(axis=1)
        elig = (d2 <= r2) & (batch_x == by)
        rank = jnp.cumsum(elig) - 1
        tgt = jnp.where(elig & (rank < maxn), rank, maxn)
        cols = jnp.zeros((maxn,), jnp.int32).at[tgt].set(idxN, mode='drop')
        nv = jnp.minimum(jnp.sum(elig.astype(jnp.int32)), maxn)
        return cols, ar < nv
    return jax.lax.map(per_y, (pos_y, batch_y))

def _build_indices(pos, batch):
    N = pos.shape[0]
    nB = 8
    cap1 = (N + nB) // 2
    bound1 = (N + 1) // 2
    idx1, n1 = _fps_all(pos, batch, RATIO1, bound1, cap1, nB)
    valid1 = jnp.arange(cap1) < n1
    pos1 = pos[idx1]
    batch1 = jnp.where(valid1, batch[idx1], nB)
    col1, vm1 = _radius_traced(pos, batch, pos1, batch1, R1 * R1, MAXN)
    cap2 = (cap1 + 3 * nB) // 4
    bound2 = (cap1 + 3) // 4
    idx2, n2 = _fps_all(pos1, batch1, RATIO2, bound2, cap2, nB)
    valid2 = jnp.arange(cap2) < n2
    batch2 = jnp.where(valid2, batch1[idx2], nB)
    col2, vm2 = _radius_traced(pos1, batch1, pos1[idx2], batch2, R2 * R2, MAXN)
    return (idx1, col1, vm1, idx2, col2, vm2, batch2, nB)

def _forward(pos, params, idx1, col1, vm1, idx2, col2, vm2, batch2, nB):
    pos1 = pos[idx1]
    rel1 = pos[col1] - pos1[:, None, :]
    msg1 = mlp_apply(params['sa1'], rel1)
    msg1 = jnp.where(vm1[..., None], msg1, -jnp.inf)
    x1 = msg1.max(axis=1)
    x1 = jnp.where(jnp.isfinite(x1), x1, 0.0)
    pos2 = pos1[idx2]
    rel2 = pos1[col2] - pos2[:, None, :]
    inp2 = jnp.concatenate([x1[col2], rel2], axis=-1)
    msg2 = mlp_apply(params['sa2'], inp2)
    msg2 = jnp.where(vm2[..., None], msg2, -jnp.inf)
    x2 = msg2.max(axis=1)
    x2 = jnp.where(jnp.isfinite(x2), x2, 0.0)
    h = mlp_apply(params['sa3'], jnp.concatenate([x2, pos2], axis=-1))
    g = seg_max(h, batch2, nB + 1)[:nB]
    return mlp_apply(params['head'], g)

def reference(synapse_cordi, batch_index, weight, params):
    idxs = _build_indices(synapse_cordi, batch_index)
    return _forward(synapse_cordi, params, *idxs)

if __name__ == "__main__":
    import jax
    _d = setup_inputs()
    print(jax.jit(kernel)(*tuple(_d.values())))

</pallas_src>

<mosaic_0001>
#map = affine_map<(d0, d1) -> (0, 0)>
#map1 = affine_map<(d0, d1) -> (0)>
module attributes {stable_mosaic.version = 14 : i64} {
  func.func @k(%arg0: i32, %arg1: i32, %arg2: memref<10240x16xf32, #tpu.memory_space<hbm>>, %arg3: memref<8192xi32, #tpu.memory_space<hbm>>, %arg4: memref<8192x16xf32, #tpu.memory_space<hbm>>, %arg5: memref<128xi32, #tpu.memory_space<vmem>>, %arg6: memref<128x16xf32, #tpu.memory_space<vmem>>, %arg7: memref<!tpu.dma_semaphore, #tpu.memory_space<semaphore_mem>>) attributes {dimension_semantics = [#tpu.dimension_semantics<core_parallel>, #tpu.dimension_semantics<subcore_parallel>], iteration_bounds = array<i64: 2, 16>, scalar_prefetch = 0 : i64, scratch_operands = 3 : i64, tpu.core_type = #tpu.core_type<sc_vector_subcore>, window_params = [{transform_indices = #map}, {transform_indices = #map1}, {transform_indices = #map}]} {
    %mul3A = arith.constant 2 : i32
    %mul3A_0 = arith.muli %arg1, %mul3A : i32
    %add3A = arith.addi %mul3A_0, %arg0 : i32
    %scan3A = arith.constant 0 : i32
    %scan3A_1 = arith.constant 0 : i32
    %scan3A_2 = arith.constant 2 : i32
    %scan3A_3 = arith.addi %scan3A_1, %scan3A_2 : i32
    %scan3A_4 = arith.constant 1 : i32
    scf.for %scan3A_6 = %scan3A_1 to %scan3A_3 step %scan3A_4  : i32 {
      %mul3A_7 = arith.constant 256 : i32
      %mul3A_8 = arith.muli %add3A, %mul3A_7 : i32
      %mul3A_9 = arith.constant 128 : i32
      %mul3A_10 = arith.muli %scan3A_6, %mul3A_9 : i32
      %add3A_11 = arith.addi %mul3A_8, %mul3A_10 : i32
      "tpu.region"() ({
        %run_scoped3A = tpu.sem_alloc : memref<!tpu.dma_semaphore, #tpu.memory_space<semaphore_mem>>
        %dma_start3A_16 = tpu.memref_slice %arg3[%add3A_11] : memref<8192xi32, #tpu.memory_space<hbm>> -> memref<128xi32, #tpu.memory_space<hbm>>
        %dma_start3A_17 = tpu.memref_slice %arg3[%add3A_11] : memref<8192xi32, #tpu.memory_space<hbm>> -> memref<128xi32, #tpu.memory_space<hbm>>
        tpu.enqueue_dma source(%dma_start3A_17 : memref<128xi32, #tpu.memory_space<hbm>>) target(%arg5 : memref<128xi32, #tpu.memory_space<vmem>>) target_semaphore(%run_scoped3A : memref<!tpu.dma_semaphore, #tpu.memory_space<semaphore_mem>>)
        %dma_wait3A_18 = tpu.memref_slice %arg3[%add3A_11] : memref<8192xi32, #tpu.memory_space<hbm>> -> memref<128xi32, #tpu.memory_space<hbm>>
        %dma_wait3A_19 = tpu.memref_slice %arg3[%add3A_11] : memref<8192xi32, #tpu.memory_space<hbm>> -> memref<128xi32, #tpu.memory_space<hbm>>
        tpu.wait_dma2 semaphore(%run_scoped3A : memref<!tpu.dma_semaphore, #tpu.memory_space<semaphore_mem>>) src(%dma_wait3A_19 : memref<128xi32, #tpu.memory_space<hbm>>) dst(%arg5 : memref<128xi32, #tpu.memory_space<vmem>>)
        tpu.yield
      }) : () -> ()
      %dma_start3A = arith.constant 0 : i32
      %dma_start3A_12 = arith.constant 0 : i32
      %dma_start3A_13 = tpu.memref_slice %arg2[%dma_start3A, %dma_start3A_12] : memref<10240x16xf32, #tpu.memory_space<hbm>> -> memref<10240x16xf32, #tpu.memory_space<hbm>>
      tpu.enqueue_indirect_dma source(%dma_start3A_13 : memref<10240x16xf32, #tpu.memory_space<hbm>>) target(%arg6 : memref<128x16xf32, #tpu.memory_space<vmem>>) offsets(%arg5 : memref<128xi32, #tpu.memory_space<vmem>>) semaphore(%arg7 : memref<!tpu.dma_semaphore, #tpu.memory_space<semaphore_mem>>)
      %dma_wait3A = arith.constant 0 : i32
      %dma_wait3A_14 = arith.constant 0 : i32
      %dma_wait3A_15 = tpu.memref_slice %arg2[%dma_wait3A, %dma_wait3A_14] : memref<10240x16xf32, #tpu.memory_space<hbm>> -> memref<10240x16xf32, #tpu.memory_space<hbm>>
      tpu.wait_indirect_dma semaphore(%arg7 : memref<!tpu.dma_semaphore, #tpu.memory_space<semaphore_mem>>) src(%dma_wait3A_15 : memref<10240x16xf32, #tpu.memory_space<hbm>>) dst(%arg6 : memref<128x16xf32, #tpu.memory_space<vmem>>)
      "tpu.region"() ({
        %run_scoped3A = tpu.sem_alloc : memref<!tpu.dma_semaphore, #tpu.memory_space<semaphore_mem>>
        %dma_start3A_16 = arith.constant 0 : i32
        %dma_start3A_17 = tpu.memref_slice %arg4[%add3A_11, %dma_start3A_16] : memref<8192x16xf32, #tpu.memory_space<hbm>> -> memref<128x16xf32, #tpu.memory_space<hbm>>
        %dma_start3A_18 = arith.constant 0 : i32
        %dma_start3A_19 = tpu.memref_slice %arg4[%add3A_11, %dma_start3A_18] : memref<8192x16xf32, #tpu.memory_space<hbm>> -> memref<128x16xf32, #tpu.memory_space<hbm>>
        tpu.enqueue_dma source(%arg6 : memref<128x16xf32, #tpu.memory_space<vmem>>) target(%dma_start3A_19 : memref<128x16xf32, #tpu.memory_space<hbm>>) target_semaphore(%run_scoped3A : memref<!tpu.dma_semaphore, #tpu.memory_space<semaphore_mem>>)
        %dma_wait3A_20 = arith.constant 0 : i32
        %dma_wait3A_21 = tpu.memref_slice %arg4[%add3A_11, %dma_wait3A_20] : memref<8192x16xf32, #tpu.memory_space<hbm>> -> memref<128x16xf32, #tpu.memory_space<hbm>>
        %dma_wait3A_22 = arith.constant 0 : i32
        %dma_wait3A_23 = tpu.memref_slice %arg4[%add3A_11, %dma_wait3A_22] : memref<8192x16xf32, #tpu.memory_space<hbm>> -> memref<128x16xf32, #tpu.memory_space<hbm>>
        tpu.wait_dma2 semaphore(%run_scoped3A : memref<!tpu.dma_semaphore, #tpu.memory_space<semaphore_mem>>) src(%arg6 : memref<128x16xf32, #tpu.memory_space<vmem>>) dst(%dma_wait3A_23 : memref<128x16xf32, #tpu.memory_space<hbm>>)
        tpu.yield
      }) : () -> ()
    }
    %scan3A_5 = arith.constant 2 : i32
    return
  }
}

#map = affine_map<(d0, d1) -> (0, 0)>
#map1 = affine_map<(d0, d1) -> (0)>
module attributes {stable_mosaic.version = 14 : i64} {
  func.func @k(%arg0: i32, %arg1: i32, %arg2: memref<5120x144xf32, #tpu.memory_space<hbm>>, %arg3: memref<81920xi32, #tpu.memory_space<hbm>>, %arg4: memref<81920x144xf32, #tpu.memory_space<hbm>>, %arg5: memref<128xi32, #tpu.memory_space<vmem>>, %arg6: memref<128x144xf32, #tpu.memory_space<vmem>>, %arg7: memref<!tpu.dma_semaphore, #tpu.memory_space<semaphore_mem>>) attributes {dimension_semantics = [#tpu.dimension_semantics<core_parallel>, #tpu.dimension_semantics<subcore_parallel>], iteration_bounds = array<i64: 2, 16>, scalar_prefetch = 0 : i64, scratch_operands = 3 : i64, tpu.core_type = #tpu.core_type<sc_vector_subcore>, window_params = [{transform_indices = #map}, {transform_indices = #map1}, {transform_indices = #map}]} {
    %mul3A = arith.constant 2 : i32
    %mul3A_0 = arith.muli %arg1, %mul3A : i32
    %add3A = arith.addi %mul3A_0, %arg0 : i32
    %scan3A = arith.constant 0 : i32
    %scan3A_1 = arith.constant 0 : i32
    %scan3A_2 = arith.constant 20 : i32
    %scan3A_3 = arith.addi %scan3A_1, %scan3A_2 : i32
    %scan3A_4 = arith.constant 1 : i32
    scf.for %scan3A_6 = %scan3A_1 to %scan3A_3 step %scan3A_4  : i32 {
      %mul3A_7 = arith.constant 2560 : i32
      %mul3A_8 = arith.muli %add3A, %mul3A_7 : i32
      %mul3A_9 = arith.constant 128 : i32
      %mul3A_10 = arith.muli %scan3A_6, %mul3A_9 : i32
      %add3A_11 = arith.addi %mul3A_8, %mul3A_10 : i32
      "tpu.region"() ({
        %run_scoped3A = tpu.sem_alloc : memref<!tpu.dma_semaphore, #tpu.memory_space<semaphore_mem>>
        %dma_start3A_16 = tpu.memref_slice %arg3[%add3A_11] : memref<81920xi32, #tpu.memory_space<hbm>> -> memref<128xi32, #tpu.memory_space<hbm>>
        %dma_start3A_17 = tpu.memref_slice %arg3[%add3A_11] : memref<81920xi32, #tpu.memory_space<hbm>> -> memref<128xi32, #tpu.memory_space<hbm>>
        tpu.enqueue_dma source(%dma_start3A_17 : memref<128xi32, #tpu.memory_space<hbm>>) target(%arg5 : memref<128xi32, #tpu.memory_space<vmem>>) target_semaphore(%run_scoped3A : memref<!tpu.dma_semaphore, #tpu.memory_space<semaphore_mem>>)
        %dma_wait3A_18 = tpu.memref_slice %arg3[%add3A_11] : memref<81920xi32, #tpu.memory_space<hbm>> -> memref<128xi32, #tpu.memory_space<hbm>>
        %dma_wait3A_19 = tpu.memref_slice %arg3[%add3A_11] : memref<81920xi32, #tpu.memory_space<hbm>> -> memref<128xi32, #tpu.memory_space<hbm>>
        tpu.wait_dma2 semaphore(%run_scoped3A : memref<!tpu.dma_semaphore, #tpu.memory_space<semaphore_mem>>) src(%dma_wait3A_19 : memref<128xi32, #tpu.memory_space<hbm>>) dst(%arg5 : memref<128xi32, #tpu.memory_space<vmem>>)
        tpu.yield
      }) : () -> ()
      %dma_start3A = arith.constant 0 : i32
      %dma_start3A_12 = arith.constant 0 : i32
      %dma_start3A_13 = tpu.memref_slice %arg2[%dma_start3A, %dma_start3A_12] : memref<5120x144xf32, #tpu.memory_space<hbm>> -> memref<5120x144xf32, #tpu.memory_space<hbm>>
      tpu.enqueue_indirect_dma source(%dma_start3A_13 : memref<5120x144xf32, #tpu.memory_space<hbm>>) target(%arg6 : memref<128x144xf32, #tpu.memory_space<vmem>>) offsets(%arg5 : memref<128xi32, #tpu.memory_space<vmem>>) semaphore(%arg7 : memref<!tpu.dma_semaphore, #tpu.memory_space<semaphore_mem>>)
      %dma_wait3A = arith.constant 0 : i32
      %dma_wait3A_14 = arith.constant 0 : i32
      %dma_wait3A_15 = tpu.memref_slice %arg2[%dma_wait3A, %dma_wait3A_14] : memref<5120x144xf32, #tpu.memory_space<hbm>> -> memref<5120x144xf32, #tpu.memory_space<hbm>>
      tpu.wait_indirect_dma semaphore(%arg7 : memref<!tpu.dma_semaphore, #tpu.memory_space<semaphore_mem>>) src(%dma_wait3A_15 : memref<5120x144xf32, #tpu.memory_space<hbm>>) dst(%arg6 : memref<128x144xf32, #tpu.memory_space<vmem>>)
      "tpu.region"() ({
        %run_scoped3A = tpu.sem_alloc : memref<!tpu.dma_semaphore, #tpu.memory_space<semaphore_mem>>
        %dma_start3A_16 = arith.constant 0 : i32
        %dma_start3A_17 = tpu.memref_slice %arg4[%add3A_11, %dma_start3A_16] : memref<81920x144xf32, #tpu.memory_space<hbm>> -> memref<128x144xf32, #tpu.memory_space<hbm>>
        %dma_start3A_18 = arith.constant 0 : i32
        %dma_start3A_19 = tpu.memref_slice %arg4[%add3A_11, %dma_start3A_18] : memref<81920x144xf32, #tpu.memory_space<hbm>> -> memref<128x144xf32, #tpu.memory_space<hbm>>
        tpu.enqueue_dma source(%arg6 : memref<128x144xf32, #tpu.memory_space<vmem>>) target(%dma_start3A_19 : memref<128x144xf32, #tpu.memory_space<hbm>>) target_semaphore(%run_scoped3A : memref<!tpu.dma_semaphore, #tpu.memory_space<semaphore_mem>>)
        %dma_wait3A_20 = arith.constant 0 : i32
        %dma_wait3A_21 = tpu.memref_slice %arg4[%add3A_11, %dma_wait3A_20] : memref<81920x144xf32, #tpu.memory_space<hbm>> -> memref<128x144xf32, #tpu.memory_space<hbm>>
        %dma_wait3A_22 = arith.constant 0 : i32
        %dma_wait3A_23 = tpu.memref_slice %arg4[%add3A_11, %dma_wait3A_22] : memref<81920x144xf32, #tpu.memory_space<hbm>> -> memref<128x144xf32, #tpu.memory_space<hbm>>
        tpu.wait_dma2 semaphore(%run_scoped3A : memref<!tpu.dma_semaphore, #tpu.memory_space<semaphore_mem>>) src(%arg6 : memref<128x144xf32, #tpu.memory_space<vmem>>) dst(%dma_wait3A_23 : memref<128x144xf32, #tpu.memory_space<hbm>>)
        tpu.yield
      }) : () -> ()
    }
    %scan3A_5 = arith.constant 20 : i32
    return
  }
}

#map = affine_map<(d0, d1) -> (0, 0)>
#map1 = affine_map<(d0, d1) -> (0)>
module attributes {stable_mosaic.version = 14 : i64} {
  func.func @k(%arg0: i32, %arg1: i32, %arg2: memref<5120x144xf32, #tpu.memory_space<hbm>>, %arg3: memref<8192xi32, #tpu.memory_space<hbm>>, %arg4: memref<8192x144xf32, #tpu.memory_space<hbm>>, %arg5: memref<128xi32, #tpu.memory_space<vmem>>, %arg6: memref<128x144xf32, #tpu.memory_space<vmem>>, %arg7: memref<!tpu.dma_semaphore, #tpu.memory_space<semaphore_mem>>) attributes {dimension_semantics = [#tpu.dimension_semantics<core_parallel>, #tpu.dimension_semantics<subcore_parallel>], iteration_bounds = array<i64: 2, 16>, scalar_prefetch = 0 : i64, scratch_operands = 3 : i64, tpu.core_type = #tpu.core_type<sc_vector_subcore>, window_params = [{transform_indices = #map}, {transform_indices = #map1}, {transform_indices = #map}]} {
    %mul3A = arith.constant 2 : i32
    %mul3A_0 = arith.muli %arg1, %mul3A : i32
    %add3A = arith.addi %mul3A_0, %arg0 : i32
    %scan3A = arith.constant 0 : i32
    %scan3A_1 = arith.constant 0 : i32
    %scan3A_2 = arith.constant 2 : i32
    %scan3A_3 = arith.addi %scan3A_1, %scan3A_2 : i32
    %scan3A_4 = arith.constant 1 : i32
    scf.for %scan3A_6 = %scan3A_1 to %scan3A_3 step %scan3A_4  : i32 {
      %mul3A_7 = arith.constant 256 : i32
      %mul3A_8 = arith.muli %add3A, %mul3A_7 : i32
      %mul3A_9 = arith.constant 128 : i32
      %mul3A_10 = arith.muli %scan3A_6, %mul3A_9 : i32
      %add3A_11 = arith.addi %mul3A_8, %mul3A_10 : i32
      "tpu.region"() ({
        %run_scoped3A = tpu.sem_alloc : memref<!tpu.dma_semaphore, #tpu.memory_space<semaphore_mem>>
        %dma_start3A_16 = tpu.memref_slice %arg3[%add3A_11] : memref<8192xi32, #tpu.memory_space<hbm>> -> memref<128xi32, #tpu.memory_space<hbm>>
        %dma_start3A_17 = tpu.memref_slice %arg3[%add3A_11] : memref<8192xi32, #tpu.memory_space<hbm>> -> memref<128xi32, #tpu.memory_space<hbm>>
        tpu.enqueue_dma source(%dma_start3A_17 : memref<128xi32, #tpu.memory_space<hbm>>) target(%arg5 : memref<128xi32, #tpu.memory_space<vmem>>) target_semaphore(%run_scoped3A : memref<!tpu.dma_semaphore, #tpu.memory_space<semaphore_mem>>)
        %dma_wait3A_18 = tpu.memref_slice %arg3[%add3A_11] : memref<8192xi32, #tpu.memory_space<hbm>> -> memref<128xi32, #tpu.memory_space<hbm>>
        %dma_wait3A_19 = tpu.memref_slice %arg3[%add3A_11] : memref<8192xi32, #tpu.memory_space<hbm>> -> memref<128xi32, #tpu.memory_space<hbm>>
        tpu.wait_dma2 semaphore(%run_scoped3A : memref<!tpu.dma_semaphore, #tpu.memory_space<semaphore_mem>>) src(%dma_wait3A_19 : memref<128xi32, #tpu.memory_space<hbm>>) dst(%arg5 : memref<128xi32, #tpu.memory_space<vmem>>)
        tpu.yield
      }) : () -> ()
      %dma_start3A = arith.constant 0 : i32
      %dma_start3A_12 = arith.constant 0 : i32
      %dma_start3A_13 = tpu.memref_slice %arg2[%dma_start3A, %dma_start3A_12] : memref<5120x144xf32, #tpu.memory_space<hbm>> -> memref<5120x144xf32, #tpu.memory_space<hbm>>
      tpu.enqueue_indirect_dma source(%dma_start3A_13 : memref<5120x144xf32, #tpu.memory_space<hbm>>) target(%arg6 : memref<128x144xf32, #tpu.memory_space<vmem>>) offsets(%arg5 : memref<128xi32, #tpu.memory_space<vmem>>) semaphore(%arg7 : memref<!tpu.dma_semaphore, #tpu.memory_space<semaphore_mem>>)
      %dma_wait3A = arith.constant 0 : i32
      %dma_wait3A_14 = arith.constant 0 : i32
      %dma_wait3A_15 = tpu.memref_slice %arg2[%dma_wait3A, %dma_wait3A_14] : memref<5120x144xf32, #tpu.memory_space<hbm>> -> memref<5120x144xf32, #tpu.memory_space<hbm>>
      tpu.wait_indirect_dma semaphore(%arg7 : memref<!tpu.dma_semaphore, #tpu.memory_space<semaphore_mem>>) src(%dma_wait3A_15 : memref<5120x144xf32, #tpu.memory_space<hbm>>) dst(%arg6 : memref<128x144xf32, #tpu.memory_space<vmem>>)
      "tpu.region"() ({
        %run_scoped3A = tpu.sem_alloc : memref<!tpu.dma_semaphore, #tpu.memory_space<semaphore_mem>>
        %dma_start3A_16 = arith.constant 0 : i32
        %dma_start3A_17 = tpu.memref_slice %arg4[%add3A_11, %dma_start3A_16] : memref<8192x144xf32, #tpu.memory_space<hbm>> -> memref<128x144xf32, #tpu.memory_space<hbm>>
        %dma_start3A_18 = arith.constant 0 : i32
        %dma_start3A_19 = tpu.memref_slice %arg4[%add3A_11, %dma_start3A_18] : memref<8192x144xf32, #tpu.memory_space<hbm>> -> memref<128x144xf32, #tpu.memory_space<hbm>>
        tpu.enqueue_dma source(%arg6 : memref<128x144xf32, #tpu.memory_space<vmem>>) target(%dma_start3A_19 : memref<128x144xf32, #tpu.memory_space<hbm>>) target_semaphore(%run_scoped3A : memref<!tpu.dma_semaphore, #tpu.memory_space<semaphore_mem>>)
        %dma_wait3A_20 = arith.constant 0 : i32
        %dma_wait3A_21 = tpu.memref_slice %arg4[%add3A_11, %dma_wait3A_20] : memref<8192x144xf32, #tpu.memory_space<hbm>> -> memref<128x144xf32, #tpu.memory_space<hbm>>
        %dma_wait3A_22 = arith.constant 0 : i32
        %dma_wait3A_23 = tpu.memref_slice %arg4[%add3A_11, %dma_wait3A_22] : memref<8192x144xf32, #tpu.memory_space<hbm>> -> memref<128x144xf32, #tpu.memory_space<hbm>>
        tpu.wait_dma2 semaphore(%run_scoped3A : memref<!tpu.dma_semaphore, #tpu.memory_space<semaphore_mem>>) src(%arg6 : memref<128x144xf32, #tpu.memory_space<vmem>>) dst(%dma_wait3A_23 : memref<128x144xf32, #tpu.memory_space<hbm>>)
        tpu.yield
      }) : () -> ()
    }
    %scan3A_5 = arith.constant 2 : i32
    return
  }
}

#map = affine_map<(d0, d1) -> (0, 0)>
#map1 = affine_map<(d0, d1) -> (0)>
module attributes {stable_mosaic.version = 14 : i64} {
  func.func @k(%arg0: i32, %arg1: i32, %arg2: memref<10240x16xf32, #tpu.memory_space<hbm>>, %arg3: memref<327680xi32, #tpu.memory_space<hbm>>, %arg4: memref<327680x16xf32, #tpu.memory_space<hbm>>, %arg5: memref<128xi32, #tpu.memory_space<vmem>>, %arg6: memref<128x16xf32, #tpu.memory_space<vmem>>, %arg7: memref<!tpu.dma_semaphore, #tpu.memory_space<semaphore_mem>>) attributes {dimension_semantics = [#tpu.dimension_semantics<core_parallel>, #tpu.dimension_semantics<subcore_parallel>], iteration_bounds = array<i64: 2, 16>, scalar_prefetch = 0 : i64, scratch_operands = 3 : i64, tpu.core_type = #tpu.core_type<sc_vector_subcore>, window_params = [{transform_indices = #map}, {transform_indices = #map1}, {transform_indices = #map}]} {
    %mul3A = arith.constant 2 : i32
    %mul3A_0 = arith.muli %arg1, %mul3A : i32
    %add3A = arith.addi %mul3A_0, %arg0 : i32
    %scan3A = arith.constant 0 : i32
    %scan3A_1 = arith.constant 0 : i32
    %scan3A_2 = arith.constant 80 : i32
    %scan3A_3 = arith.addi %scan3A_1, %scan3A_2 : i32
    %scan3A_4 = arith.constant 1 : i32
    scf.for %scan3A_6 = %scan3A_1 to %scan3A_3 step %scan3A_4  : i32 {
      %mul3A_7 = arith.constant 10240 : i32
      %mul3A_8 = arith.muli %add3A, %mul3A_7 : i32
      %mul3A_9 = arith.constant 128 : i32
      %mul3A_10 = arith.muli %scan3A_6, %mul3A_9 : i32
      %add3A_11 = arith.addi %mul3A_8, %mul3A_10 : i32
      "tpu.region"() ({
        %run_scoped3A = tpu.sem_alloc : memref<!tpu.dma_semaphore, #tpu.memory_space<semaphore_mem>>
        %dma_start3A_16 = tpu.memref_slice %arg3[%add3A_11] : memref<327680xi32, #tpu.memory_space<hbm>> -> memref<128xi32, #tpu.memory_space<hbm>>
        %dma_start3A_17 = tpu.memref_slice %arg3[%add3A_11] : memref<327680xi32, #tpu.memory_space<hbm>> -> memref<128xi32, #tpu.memory_space<hbm>>
        tpu.enqueue_dma source(%dma_start3A_17 : memref<128xi32, #tpu.memory_space<hbm>>) target(%arg5 : memref<128xi32, #tpu.memory_space<vmem>>) target_semaphore(%run_scoped3A : memref<!tpu.dma_semaphore, #tpu.memory_space<semaphore_mem>>)
        %dma_wait3A_18 = tpu.memref_slice %arg3[%add3A_11] : memref<327680xi32, #tpu.memory_space<hbm>> -> memref<128xi32, #tpu.memory_space<hbm>>
        %dma_wait3A_19 = tpu.memref_slice %arg3[%add3A_11] : memref<327680xi32, #tpu.memory_space<hbm>> -> memref<128xi32, #tpu.memory_space<hbm>>
        tpu.wait_dma2 semaphore(%run_scoped3A : memref<!tpu.dma_semaphore, #tpu.memory_space<semaphore_mem>>) src(%dma_wait3A_19 : memref<128xi32, #tpu.memory_space<hbm>>) dst(%arg5 : memref<128xi32, #tpu.memory_space<vmem>>)
        tpu.yield
      }) : () -> ()
      %dma_start3A = arith.constant 0 : i32
      %dma_start3A_12 = arith.constant 0 : i32
      %dma_start3A_13 = tpu.memref_slice %arg2[%dma_start3A, %dma_start3A_12] : memref<10240x16xf32, #tpu.memory_space<hbm>> -> memref<10240x16xf32, #tpu.memory_space<hbm>>
      tpu.enqueue_indirect_dma source(%dma_start3A_13 : memref<10240x16xf32, #tpu.memory_space<hbm>>) target(%arg6 : memref<128x16xf32, #tpu.memory_space<vmem>>) offsets(%arg5 : memref<128xi32, #tpu.memory_space<vmem>>) semaphore(%arg7 : memref<!tpu.dma_semaphore, #tpu.memory_space<semaphore_mem>>)
      %dma_wait3A = arith.constant 0 : i32
      %dma_wait3A_14 = arith.constant 0 : i32
      %dma_wait3A_15 = tpu.memref_slice %arg2[%dma_wait3A, %dma_wait3A_14] : memref<10240x16xf32, #tpu.memory_space<hbm>> -> memref<10240x16xf32, #tpu.memory_space<hbm>>
      tpu.wait_indirect_dma semaphore(%arg7 : memref<!tpu.dma_semaphore, #tpu.memory_space<semaphore_mem>>) src(%dma_wait3A_15 : memref<10240x16xf32, #tpu.memory_space<hbm>>) dst(%arg6 : memref<128x16xf32, #tpu.memory_space<vmem>>)
      "tpu.region"() ({
        %run_scoped3A = tpu.sem_alloc : memref<!tpu.dma_semaphore, #tpu.memory_space<semaphore_mem>>
        %dma_start3A_16 = arith.constant 0 : i32
        %dma_start3A_17 = tpu.memref_slice %arg4[%add3A_11, %dma_start3A_16] : memref<327680x16xf32, #tpu.memory_space<hbm>> -> memref<128x16xf32, #tpu.memory_space<hbm>>
        %dma_start3A_18 = arith.constant 0 : i32
        %dma_start3A_19 = tpu.memref_slice %arg4[%add3A_11, %dma_start3A_18] : memref<327680x16xf32, #tpu.memory_space<hbm>> -> memref<128x16xf32, #tpu.memory_space<hbm>>
        tpu.enqueue_dma source(%arg6 : memref<128x16xf32, #tpu.memory_space<vmem>>) target(%dma_start3A_19 : memref<128x16xf32, #tpu.memory_space<hbm>>) target_semaphore(%run_scoped3A : memref<!tpu.dma_semaphore, #tpu.memory_space<semaphore_mem>>)
        %dma_wait3A_20 = arith.constant 0 : i32
        %dma_wait3A_21 = tpu.memref_slice %arg4[%add3A_11, %dma_wait3A_20] : memref<327680x16xf32, #tpu.memory_space<hbm>> -> memref<128x16xf32, #tpu.memory_space<hbm>>
        %dma_wait3A_22 = arith.constant 0 : i32
        %dma_wait3A_23 = tpu.memref_slice %arg4[%add3A_11, %dma_wait3A_22] : memref<327680x16xf32, #tpu.memory_space<hbm>> -> memref<128x16xf32, #tpu.memory_space<hbm>>
        tpu.wait_dma2 semaphore(%run_scoped3A : memref<!tpu.dma_semaphore, #tpu.memory_space<semaphore_mem>>) src(%arg6 : memref<128x16xf32, #tpu.memory_space<vmem>>) dst(%dma_wait3A_23 : memref<128x16xf32, #tpu.memory_space<hbm>>)
        tpu.yield
      }) : () -> ()
    }
    %scan3A_5 = arith.constant 80 : i32
    return
  }
}

module attributes {stable_mosaic.version = 14 : i64} {
  func.func @_fps_body(%arg0: memref<10240x6xf32, #tpu.memory_space<vmem>>, %arg1: memref<6x10240xf32, #tpu.memory_space<vmem>>, %arg2: memref<1x10240xi32, #tpu.memory_space<vmem>>, %arg3: memref<5000x8xi32, #tpu.memory_space<vmem>>, %arg4: memref<1x8xi32, #tpu.memory_space<vmem>>, %arg5: memref<8x10240xf32, #tpu.memory_space<vmem>>) attributes {dimension_semantics = [], scalar_prefetch = 0 : i64, scratch_operands = 1 : i64, tpu.core_type = #tpu.core_type<tc>} {
    %get3A = arith.constant 0 : index
    %get3A_0 = arith.constant 0 : index
    %get3A_1 = vector.load %arg0[%get3A, %get3A_0] : memref<10240x6xf32, #tpu.memory_space<vmem>>, vector<10240x6xf32>
    %get3A_2 = arith.constant 0 : index
    %get3A_3 = arith.constant 0 : index
    %get3A_4 = vector.load %arg2[%get3A_2, %get3A_3] : memref<1x10240xi32, #tpu.memory_space<vmem>>, vector<1x10240xi32>
    %iota3A = tpu.iota {dimensions = array<i32: 1>} : vector<8x10240xi32>
    %iota3A_5 = tpu.iota {dimensions = array<i32: 0>} : vector<8x1xi32>
    %eq3A = vector.broadcast %get3A_4 : vector<1x10240xi32> to vector<8x10240xi32>
    %eq3A_6 = vector.broadcast %iota3A_5 : vector<8x1xi32> to vector<8x10240xi32>
    %eq3A_7 = arith.cmpi eq, %eq3A, %eq3A_6 : vector<8x10240xi32>
    %convert_element_type3A = arith.extui %eq3A_7 : vector<8x10240xi1> to vector<8x10240xi32>
    %reduce_sum3A = arith.constant dense<0> : vector<8xi32>
    %reduce_sum3A_8 = vector.multi_reduction <add>, %convert_element_type3A, %reduce_sum3A [1] : vector<8x10240xi32> to vector<8xi32>
    %convert_element_type3A_9 = arith.sitofp %reduce_sum3A_8 : vector<8xi32> to vector<8xf32>
    %mul3A = arith.constant 5.000000e-01 : f32
    %mul3A_10 = vector.broadcast %mul3A : f32 to vector<8xf32>
    %mul3A_11 = arith.mulf %mul3A_10, %convert_element_type3A_9 : vector<8xf32>
    %ceil3A = math.ceil %mul3A_11 : vector<8xf32>
    %convert_element_type3A_12 = arith.fptosi %ceil3A : vector<8xf32> to vector<8xi32>
    %gt3A = arith.constant 0 : i32
    %gt3A_13 = vector.broadcast %gt3A : i32 to vector<8xi32>
    %gt3A_14 = arith.cmpi sgt, %reduce_sum3A_8, %gt3A_13 : vector<8xi32>
    %max3A = arith.constant 1 : i32
    %max3A_15 = vector.broadcast %max3A : i32 to vector<8xi32>
    %max3A_16 = arith.maxsi %convert_element_type3A_12, %max3A_15 : vector<8xi32>
    %jit3A = arith.constant 0 : i32
    %broadcast_in_dim3A = vector.broadcast %jit3A : i32 to vector<8xi32>
    %select_n3A = arith.select %gt3A_14, %max3A_16, %broadcast_in_dim3A : vector<8xi1>, vector<8xi32>
    %swap3A = arith.constant 0 : index
    %swap3A_17 = arith.constant 0 : index
    %swap3A_18 = vector.load %arg4[%swap3A, %swap3A_17] : memref<1x8xi32, #tpu.memory_space<vmem>>, vector<1x8xi32>
    %swap3A_19 = vector.shape_cast %swap3A_18 : vector<1x8xi32> to vector<8xi32>
    %swap3A_20 = vector.shape_cast %select_n3A : vector<8xi32> to vector<1x8xi32>
    tpu.vector_store %arg4[%swap3A, %swap3A_17], %swap3A_20 {strides = array<i32>} : memref<1x8xi32, #tpu.memory_space<vmem>>, vector<1x8xi32>,
    %jit3A_21 = arith.constant 10240 : i32
    %broadcast_in_dim3A_22 = vector.broadcast %jit3A_21 : i32 to vector<8x10240xi32>
    %select_n3A_23 = arith.select %eq3A_7, %iota3A, %broadcast_in_dim3A_22 : vector<8x10240xi1>, vector<8x10240xi32>
    %reduce_min3A = arith.constant dense<2147483647> : vector<8xi32>
    %reduce_min3A_24 = vector.multi_reduction <minsi>, %select_n3A_23, %reduce_min3A [1] : vector<8x10240xi32> to vector<8xi32>
    %min3A = arith.constant 10239 : i32
    %min3A_25 = vector.broadcast %min3A : i32 to vector<8xi32>
    %min3A_26 = arith.minsi %reduce_min3A_24, %min3A_25 : vector<8xi32>
    %swap3A_27 = arith.constant 0 : index
    %swap3A_28 = arith.constant 0 : index
    %swap3A_29 = vector.load %arg3[%swap3A_27, %swap3A_28] : memref<5000x8xi32, #tpu.memory_space<vmem>>, vector<1x8xi32>
    %swap3A_30 = vector.shape_cast %swap3A_29 : vector<1x8xi32> to vector<8xi32>
    %swap3A_31 = vector.shape_cast %min3A_26 : vector<8xi32> to vector<1x8xi32>
    tpu.vector_store %arg3[%swap3A_27, %swap3A_28], %swap3A_31 {strides = array<i32>} : memref<5000x8xi32, #tpu.memory_space<vmem>>, vector<1x8xi32>,
    %iota3A_32 = tpu.iota {dimensions = array<i32: 1>} : vector<8x10240xi32>
    %broadcast_in_dim3A_33 = vector.shape_cast %min3A_26 : vector<8xi32> to vector<8x1xi32>
    %eq3A_34 = vector.broadcast %broadcast_in_dim3A_33 : vector<8x1xi32> to vector<8x10240xi32>
    %eq3A_35 = arith.cmpi eq, %iota3A_32, %eq3A_34 : vector<8x10240xi32>
    %convert_element_type3A_36 = arith.extui %eq3A_35 : vector<8x10240xi1> to vector<8x10240xi32>
    %convert_element_type3A_37 = arith.sitofp %convert_element_type3A_36 : vector<8x10240xi32> to vector<8x10240xf32>
    %dot_general3A = arith.constant dense<0.000000e+00> : vector<8x6xf32>
    %dot_general3A_38 = tpu.matmul %convert_element_type3A_37, %get3A_1, %dot_general3A {dimension_numbers = #tpu.dot_dimension_numbers<[1], [0], [0], [1], [0, 0, 1, 1], [], []>, precision = #tpu.contract_precision<fp32>, transpose_lhs_hint = false} : vector<8x10240xf32>, vector<10240x6xf32>, vector<8x6xf32> -> vector<8x6xf32>
    %jit3A_39 = arith.constant 0x7F800000 : f32
    %jit3A_40 = arith.constant 0xFF800000 : f32
    %broadcast_in_dim3A_41 = vector.broadcast %jit3A_39 : f32 to vector<8x10240xf32>
    %broadcast_in_dim3A_42 = vector.broadcast %jit3A_40 : f32 to vector<8x10240xf32>
    %select_n3A_43 = arith.select %eq3A_7, %broadcast_in_dim3A_41, %broadcast_in_dim3A_42 : vector<8x10240xi1>, vector<8x10240xf32>
    %swap3A_44 = arith.constant 0 : index
    %swap3A_45 = arith.constant 0 : index
    %swap3A_46 = vector.load %arg5[%swap3A_44, %swap3A_45] : memref<8x10240xf32, #tpu.memory_space<vmem>>, vector<8x10240xf32>
    tpu.vector_store %arg5[%swap3A_44, %swap3A_45], %select_n3A_43 {strides = array<i32>} : memref<8x10240xf32, #tpu.memory_space<vmem>>, vector<8x10240xf32>,
    %reduce_max3A = vector.shape_cast %select_n3A : vector<8xi32> to vector<1x8xi32>
    %reduce_max3A_47 = arith.constant dense<-2147483648> : vector<1xi32>
    %reduce_max3A_48 = vector.multi_reduction <maxsi>, %reduce_max3A, %reduce_max3A_47 [1] : vector<1x8xi32> to vector<1xi32>
    %reduce_max3A_49 = vector.shape_cast %reduce_max3A_48 : vector<1xi32> to vector<1x1xi32>
    %reduce_max3A_50 = vector.extract %reduce_max3A_49[0, 0] : i32 from vector<1x1xi32>
    %while3A = arith.constant 1 : i32
    %while3A_51 = arith.subi %reduce_max3A_50, %while3A : i32
    %while3A_52 = arith.addi %while3A, %while3A_51 : i32
    %while3A_53 = arith.constant 1 : i32
    %while3A_54 = arith.divsi %while3A_51, %while3A_53 : i32
    %while3A_55 = arith.muli %while3A_54, %while3A_53 : i32
    %while3A_56 = arith.addi %while3A, %while3A_55 : i32
    %while3A_57 = arith.constant 1 : i32
    %while3A_58 = scf.for %while3A_61 = %while3A to %while3A_56 step %while3A_57 iter_args(%while3A_62 = %dot_general3A_38) -> (vector<8x6xf32>)  : i32 {
      %broadcast_in_dim3A_63 = arith.constant 0.000000e+00 : f32
      %broadcast_in_dim3A_64 = vector.broadcast %broadcast_in_dim3A_63 : f32 to vector<8x10240xf32>
      %get3A_65 = arith.constant 0 : index
      %get3A_66 = arith.constant 0 : index
      %get3A_67 = vector.load %arg1[%get3A_65, %get3A_66] : memref<6x10240xf32, #tpu.memory_space<vmem>>, vector<1x10240xf32>
      %slice3A = vector.extract_strided_slice %while3A_62 {offsets = [0, 0], sizes = [8, 1], strides = [1, 1]} : vector<8x6xf32> to vector<8x1xf32>
      %sub3A = vector.broadcast %get3A_67 : vector<1x10240xf32> to vector<8x10240xf32>
      %sub3A_68 = vector.broadcast %slice3A : vector<8x1xf32> to vector<8x10240xf32>
      %sub3A_69 = arith.subf %sub3A, %sub3A_68 : vector<8x10240xf32>
      %mul3A_70 = arith.mulf %sub3A_69, %sub3A_69 : vector<8x10240xf32>
      %add3A = arith.addf %broadcast_in_dim3A_64, %mul3A_70 : vector<8x10240xf32>
      %get3A_71 = arith.constant 1 : index
      %get3A_72 = arith.constant 0 : index
      %get3A_73 = vector.load %arg1[%get3A_71, %get3A_72] : memref<6x10240xf32, #tpu.memory_space<vmem>>, vector<1x10240xf32>
      %slice3A_74 = vector.extract_strided_slice %while3A_62 {offsets = [0, 1], sizes = [8, 1], strides = [1, 1]} : vector<8x6xf32> to vector<8x1xf32>
      %sub3A_75 = vector.broadcast %get3A_73 : vector<1x10240xf32> to vector<8x10240xf32>
      %sub3A_76 = vector.broadcast %slice3A_74 : vector<8x1xf32> to vector<8x10240xf32>
      %sub3A_77 = arith.subf %sub3A_75, %sub3A_76 : vector<8x10240xf32>
      %mul3A_78 = arith.mulf %sub3A_77, %sub3A_77 : vector<8x10240xf32>
      %add3A_79 = arith.addf %add3A, %mul3A_78 : vector<8x10240xf32>
      %get3A_80 = arith.constant 2 : index
      %get3A_81 = arith.constant 0 : index
      %get3A_82 = vector.load %arg1[%get3A_80, %get3A_81] : memref<6x10240xf32, #tpu.memory_space<vmem>>, vector<1x10240xf32>
      %slice3A_83 = vector.extract_strided_slice %while3A_62 {offsets = [0, 2], sizes = [8, 1], strides = [1, 1]} : vector<8x6xf32> to vector<8x1xf32>
      %sub3A_84 = vector.broadcast %get3A_82 : vector<1x10240xf32> to vector<8x10240xf32>
      %sub3A_85 = vector.broadcast %slice3A_83 : vector<8x1xf32> to vector<8x10240xf32>
      %sub3A_86 = arith.subf %sub3A_84, %sub3A_85 : vector<8x10240xf32>
      %mul3A_87 = arith.mulf %sub3A_86, %sub3A_86 : vector<8x10240xf32>
      %add3A_88 = arith.addf %add3A_79, %mul3A_87 : vector<8x10240xf32>
      %get3A_89 = arith.constant 3 : index
      %get3A_90 = arith.constant 0 : index
      %get3A_91 = vector.load %arg1[%get3A_89, %get3A_90] : memref<6x10240xf32, #tpu.memory_space<vmem>>, vector<1x10240xf32>
      %slice3A_92 = vector.extract_strided_slice %while3A_62 {offsets = [0, 3], sizes = [8, 1], strides = [1, 1]} : vector<8x6xf32> to vector<8x1xf32>
      %sub3A_93 = vector.broadcast %get3A_91 : vector<1x10240xf32> to vector<8x10240xf32>
      %sub3A_94 = vector.broadcast %slice3A_92 : vector<8x1xf32> to vector<8x10240xf32>
      %sub3A_95 = arith.subf %sub3A_93, %sub3A_94 : vector<8x10240xf32>
      %mul3A_96 = arith.mulf %sub3A_95, %sub3A_95 : vector<8x10240xf32>
      %add3A_97 = arith.addf %add3A_88, %mul3A_96 : vector<8x10240xf32>
      %get3A_98 = arith.constant 4 : index
      %get3A_99 = arith.constant 0 : index
      %get3A_100 = vector.load %arg1[%get3A_98, %get3A_99] : memref<6x10240xf32, #tpu.memory_space<vmem>>, vector<1x10240xf32>
      %slice3A_101 = vector.extract_strided_slice %while3A_62 {offsets = [0, 4], sizes = [8, 1], strides = [1, 1]} : vector<8x6xf32> to vector<8x1xf32>
      %sub3A_102 = vector.broadcast %get3A_100 : vector<1x10240xf32> to vector<8x10240xf32>
      %sub3A_103 = vector.broadcast %slice3A_101 : vector<8x1xf32> to vector<8x10240xf32>
      %sub3A_104 = arith.subf %sub3A_102, %sub3A_103 : vector<8x10240xf32>
      %mul3A_105 = arith.mulf %sub3A_104, %sub3A_104 : vector<8x10240xf32>
      %add3A_106 = arith.addf %add3A_97, %mul3A_105 : vector<8x10240xf32>
      %get3A_107 = arith.constant 5 : index
      %get3A_108 = arith.constant 0 : index
      %get3A_109 = vector.load %arg1[%get3A_107, %get3A_108] : memref<6x10240xf32, #tpu.memory_space<vmem>>, vector<1x10240xf32>
      %slice3A_110 = vector.extract_strided_slice %while3A_62 {offsets = [0, 5], sizes = [8, 1], strides = [1, 1]} : vector<8x6xf32> to vector<8x1xf32>
      %sub3A_111 = vector.broadcast %get3A_109 : vector<1x10240xf32> to vector<8x10240xf32>
      %sub3A_112 = vector.broadcast %slice3A_110 : vector<8x1xf32> to vector<8x10240xf32>
      %sub3A_113 = arith.subf %sub3A_111, %sub3A_112 : vector<8x10240xf32>
      %mul3A_114 = arith.mulf %sub3A_113, %sub3A_113 : vector<8x10240xf32>
      %add3A_115 = arith.addf %add3A_106, %mul3A_114 : vector<8x10240xf32>
      %get3A_116 = arith.constant 0 : index
      %get3A_117 = arith.constant 0 : index
      %get3A_118 = vector.load %arg5[%get3A_116, %get3A_117] : memref<8x10240xf32, #tpu.memory_space<vmem>>, vector<8x10240xf32>
      %min3A_119 = arith.minimumf %get3A_118, %add3A_115 : vector<8x10240xf32>
      %reduce_max3A_120 = arith.constant dense<0xFF800000> : vector<8xf32>
      %reduce_max3A_121 = vector.multi_reduction <maximumf>, %min3A_119, %reduce_max3A_120 [1] : vector<8x10240xf32> to vector<8xf32>
      %broadcast_in_dim3A_122 = vector.shape_cast %reduce_max3A_121 : vector<8xf32> to vector<8x1xf32>
      %eq3A_123 = vector.broadcast %broadcast_in_dim3A_122 : vector<8x1xf32> to vector<8x10240xf32>
      %eq3A_124 = arith.cmpf oeq, %min3A_119, %eq3A_123 : vector<8x10240xf32>
      %iota3A_125 = tpu.iota {dimensions = array<i32: 1>} : vector<8x10240xi32>
      %jit3A_126 = arith.constant 10240 : i32
      %broadcast_in_dim3A_127 = vector.broadcast %jit3A_126 : i32 to vector<8x10240xi32>
      %select_n3A_128 = arith.select %eq3A_124, %iota3A_125, %broadcast_in_dim3A_127 : vector<8x10240xi1>, vector<8x10240xi32>
      %reduce_min3A_129 = arith.constant dense<2147483647> : vector<8xi32>
      %reduce_min3A_130 = vector.multi_reduction <minsi>, %select_n3A_128, %reduce_min3A_129 [1] : vector<8x10240xi32> to vector<8xi32>
      %min3A_131 = arith.constant 10239 : i32
      %min3A_132 = vector.broadcast %min3A_131 : i32 to vector<8xi32>
      %min3A_133 = arith.minsi %reduce_min3A_130, %min3A_132 : vector<8xi32>
      %lt3A = vector.broadcast %while3A_61 : i32 to vector<8xi32>
      %lt3A_134 = arith.cmpi slt, %lt3A, %select_n3A : vector<8xi32>
      %jit3A_135 = arith.constant 0 : i32
      %broadcast_in_dim3A_136 = vector.broadcast %jit3A_135 : i32 to vector<8xi32>
      %select_n3A_137 = arith.select %lt3A_134, %min3A_133, %broadcast_in_dim3A_136 : vector<8xi1>, vector<8xi32>
      %broadcast_in_dim3A_138 = vector.shape_cast %select_n3A_137 : vector<8xi32> to vector<1x8xi32>
      %swap3A_139 = arith.index_cast %while3A_61 : i32 to index
      %swap3A_140 = arith.constant 0 : index
      %swap3A_141 = vector.load %arg3[%swap3A_139, %swap3A_140] : memref<5000x8xi32, #tpu.memory_space<vmem>>, vector<1x8xi32>
      tpu.vector_store %arg3[%swap3A_139, %swap3A_140], %broadcast_in_dim3A_138 {strides = array<i32>} : memref<5000x8xi32, #tpu.memory_space<vmem>>, vector<1x8xi32>,
      %broadcast_in_dim3A_142 = vector.shape_cast %lt3A_134 : vector<8xi1> to vector<8x1xi1>
      %get3A_143 = arith.constant 0 : index
      %get3A_144 = arith.constant 0 : index
      %get3A_145 = vector.load %arg5[%get3A_143, %get3A_144] : memref<8x10240xf32, #tpu.memory_space<vmem>>, vector<8x10240xf32>
      %broadcast_in_dim3A_146 = vector.shape_cast %broadcast_in_dim3A_142 : vector<8x1xi1> to vector<8x1xi1>
      %broadcast_in_dim3A_147 = vector.broadcast %broadcast_in_dim3A_146 : vector<8x1xi1> to vector<8x10240xi1>
      %select_n3A_148 = arith.select %broadcast_in_dim3A_147, %min3A_119, %get3A_145 : vector<8x10240xi1>, vector<8x10240xf32>
      %swap3A_149 = arith.constant 0 : index
      %swap3A_150 = arith.constant 0 : index
      %swap3A_151 = vector.load %arg5[%swap3A_149, %swap3A_150] : memref<8x10240xf32, #tpu.memory_space<vmem>>, vector<8x10240xf32>
      tpu.vector_store %arg5[%swap3A_149, %swap3A_150], %select_n3A_148 {strides = array<i32>} : memref<8x10240xf32, #tpu.memory_space<vmem>>, vector<8x10240xf32>,
      %broadcast_in_dim3A_152 = vector.shape_cast %lt3A_134 : vector<8xi1> to vector<8x1xi1>
      %iota3A_153 = tpu.iota {dimensions = array<i32: 1>} : vector<8x10240xi32>
      %broadcast_in_dim3A_154 = vector.shape_cast %min3A_133 : vector<8xi32> to vector<8x1xi32>
      %eq3A_155 = vector.broadcast %broadcast_in_dim3A_154 : vector<8x1xi32> to vector<8x10240xi32>
      %eq3A_156 = arith.cmpi eq, %iota3A_153, %eq3A_155 : vector<8x10240xi32>
      %convert_element_type3A_157 = arith.extui %eq3A_156 : vector<8x10240xi1> to vector<8x10240xi32>
      %convert_element_type3A_158 = arith.sitofp %convert_element_type3A_157 : vector<8x10240xi32> to vector<8x10240xf32>
      %dot_general3A_159 = arith.constant dense<0.000000e+00> : vector<8x6xf32>
      %dot_general3A_160 = tpu.matmul %convert_element_type3A_158, %get3A_1, %dot_general3A_159 {dimension_numbers = #tpu.dot_dimension_numbers<[1], [0], [0], [1], [0, 0, 1, 1], [], []>, precision = #tpu.contract_precision<fp32>, transpose_lhs_hint = false} : vector<8x10240xf32>, vector<10240x6xf32>, vector<8x6xf32> -> vector<8x6xf32>
      %broadcast_in_dim3A_161 = vector.shape_cast %broadcast_in_dim3A_152 : vector<8x1xi1> to vector<8x1xi1>
      %broadcast_in_dim3A_162 = vector.broadcast %broadcast_in_dim3A_161 : vector<8x1xi1> to vector<8x6xi1>
      %select_n3A_163 = arith.select %broadcast_in_dim3A_162, %dot_general3A_160, %while3A_62 : vector<8x6xi1>, vector<8x6xf32>
      scf.yield %select_n3A_163 : vector<8x6xf32>
    }
    %while3A_59 = arith.constant 1 : i32
    %while3A_60 = scf.for %while3A_61 = %while3A_56 to %while3A_52 step %while3A_59 iter_args(%while3A_62 = %while3A_58) -> (vector<8x6xf32>)  : i32 {
      %broadcast_in_dim3A_63 = arith.constant 0.000000e+00 : f32
      %broadcast_in_dim3A_64 = vector.broadcast %broadcast_in_dim3A_63 : f32 to vector<8x10240xf32>
      %get3A_65 = arith.constant 0 : index
      %get3A_66 = arith.constant 0 : index
      %get3A_67 = vector.load %arg1[%get3A_65, %get3A_66] : memref<6x10240xf32, #tpu.memory_space<vmem>>, vector<1x10240xf32>
      %slice3A = vector.extract_strided_slice %while3A_62 {offsets = [0, 0], sizes = [8, 1], strides = [1, 1]} : vector<8x6xf32> to vector<8x1xf32>
      %sub3A = vector.broadcast %get3A_67 : vector<1x10240xf32> to vector<8x10240xf32>
      %sub3A_68 = vector.broadcast %slice3A : vector<8x1xf32> to vector<8x10240xf32>
      %sub3A_69 = arith.subf %sub3A, %sub3A_68 : vector<8x10240xf32>
      %mul3A_70 = arith.mulf %sub3A_69, %sub3A_69 : vector<8x10240xf32>
      %add3A = arith.addf %broadcast_in_dim3A_64, %mul3A_70 : vector<8x10240xf32>
      %get3A_71 = arith.constant 1 : index
      %get3A_72 = arith.constant 0 : index
      %get3A_73 = vector.load %arg1[%get3A_71, %get3A_72] : memref<6x10240xf32, #tpu.memory_space<vmem>>, vector<1x10240xf32>
      %slice3A_74 = vector.extract_strided_slice %while3A_62 {offsets = [0, 1], sizes = [8, 1], strides = [1, 1]} : vector<8x6xf32> to vector<8x1xf32>
      %sub3A_75 = vector.broadcast %get3A_73 : vector<1x10240xf32> to vector<8x10240xf32>
      %sub3A_76 = vector.broadcast %slice3A_74 : vector<8x1xf32> to vector<8x10240xf32>
      %sub3A_77 = arith.subf %sub3A_75, %sub3A_76 : vector<8x10240xf32>
      %mul3A_78 = arith.mulf %sub3A_77, %sub3A_77 : vector<8x10240xf32>
      %add3A_79 = arith.addf %add3A, %mul3A_78 : vector<8x10240xf32>
      %get3A_80 = arith.constant 2 : index
      %get3A_81 = arith.constant 0 : index
      %get3A_82 = vector.load %arg1[%get3A_80, %get3A_81] : memref<6x10240xf32, #tpu.memory_space<vmem>>, vector<1x10240xf32>
      %slice3A_83 = vector.extract_strided_slice %while3A_62 {offsets = [0, 2], sizes = [8, 1], strides = [1, 1]} : vector<8x6xf32> to vector<8x1xf32>
      %sub3A_84 = vector.broadcast %get3A_82 : vector<1x10240xf32> to vector<8x10240xf32>
      %sub3A_85 = vector.broadcast %slice3A_83 : vector<8x1xf32> to vector<8x10240xf32>
      %sub3A_86 = arith.subf %sub3A_84, %sub3A_85 : vector<8x10240xf32>
      %mul3A_87 = arith.mulf %sub3A_86, %sub3A_86 : vector<8x10240xf32>
      %add3A_88 = arith.addf %add3A_79, %mul3A_87 : vector<8x10240xf32>
      %get3A_89 = arith.constant 3 : index
      %get3A_90 = arith.constant 0 : index
      %get3A_91 = vector.load %arg1[%get3A_89, %get3A_90] : memref<6x10240xf32, #tpu.memory_space<vmem>>, vector<1x10240xf32>
      %slice3A_92 = vector.extract_strided_slice %while3A_62 {offsets = [0, 3], sizes = [8, 1], strides = [1, 1]} : vector<8x6xf32> to vector<8x1xf32>
      %sub3A_93 = vector.broadcast %get3A_91 : vector<1x10240xf32> to vector<8x10240xf32>
      %sub3A_94 = vector.broadcast %slice3A_92 : vector<8x1xf32> to vector<8x10240xf32>
      %sub3A_95 = arith.subf %sub3A_93, %sub3A_94 : vector<8x10240xf32>
      %mul3A_96 = arith.mulf %sub3A_95, %sub3A_95 : vector<8x10240xf32>
      %add3A_97 = arith.addf %add3A_88, %mul3A_96 : vector<8x10240xf32>
      %get3A_98 = arith.constant 4 : index
      %get3A_99 = arith.constant 0 : index
      %get3A_100 = vector.load %arg1[%get3A_98, %get3A_99] : memref<6x10240xf32, #tpu.memory_space<vmem>>, vector<1x10240xf32>
      %slice3A_101 = vector.extract_strided_slice %while3A_62 {offsets = [0, 4], sizes = [8, 1], strides = [1, 1]} : vector<8x6xf32> to vector<8x1xf32>
      %sub3A_102 = vector.broadcast %get3A_100 : vector<1x10240xf32> to vector<8x10240xf32>
      %sub3A_103 = vector.broadcast %slice3A_101 : vector<8x1xf32> to vector<8x10240xf32>
      %sub3A_104 = arith.subf %sub3A_102, %sub3A_103 : vector<8x10240xf32>
      %mul3A_105 = arith.mulf %sub3A_104, %sub3A_104 : vector<8x10240xf32>
      %add3A_106 = arith.addf %add3A_97, %mul3A_105 : vector<8x10240xf32>
      %get3A_107 = arith.constant 5 : index
      %get3A_108 = arith.constant 0 : index
      %get3A_109 = vector.load %arg1[%get3A_107, %get3A_108] : memref<6x10240xf32, #tpu.memory_space<vmem>>, vector<1x10240xf32>
      %slice3A_110 = vector.extract_strided_slice %while3A_62 {offsets = [0, 5], sizes = [8, 1], strides = [1, 1]} : vector<8x6xf32> to vector<8x1xf32>
      %sub3A_111 = vector.broadcast %get3A_109 : vector<1x10240xf32> to vector<8x10240xf32>
      %sub3A_112 = vector.broadcast %slice3A_110 : vector<8x1xf32> to vector<8x10240xf32>
      %sub3A_113 = arith.subf %sub3A_111, %sub3A_112 : vector<8x10240xf32>
      %mul3A_114 = arith.mulf %sub3A_113, %sub3A_113 : vector<8x10240xf32>
      %add3A_115 = arith.addf %add3A_106, %mul3A_114 : vector<8x10240xf32>
      %get3A_116 = arith.constant 0 : index
      %get3A_117 = arith.constant 0 : index
      %get3A_118 = vector.load %arg5[%get3A_116, %get3A_117] : memref<8x10240xf32, #tpu.memory_space<vmem>>, vector<8x10240xf32>
      %min3A_119 = arith.minimumf %get3A_118, %add3A_115 : vector<8x10240xf32>
      %reduce_max3A_120 = arith.constant dense<0xFF800000> : vector<8xf32>
      %reduce_max3A_121 = vector.multi_reduction <maximumf>, %min3A_119, %reduce_max3A_120 [1] : vector<8x10240xf32> to vector<8xf32>
      %broadcast_in_dim3A_122 = vector.shape_cast %reduce_max3A_121 : vector<8xf32> to vector<8x1xf32>
      %eq3A_123 = vector.broadcast %broadcast_in_dim3A_122 : vector<8x1xf32> to vector<8x10240xf32>
      %eq3A_124 = arith.cmpf oeq, %min3A_119, %eq3A_123 : vector<8x10240xf32>
      %iota3A_125 = tpu.iota {dimensions = array<i32: 1>} : vector<8x10240xi32>
      %jit3A_126 = arith.constant 10240 : i32
      %broadcast_in_dim3A_127 = vector.broadcast %jit3A_126 : i32 to vector<8x10240xi32>
      %select_n3A_128 = arith.select %eq3A_124, %iota3A_125, %broadcast_in_dim3A_127 : vector<8x10240xi1>, vector<8x10240xi32>
      %reduce_min3A_129 = arith.constant dense<2147483647> : vector<8xi32>
      %reduce_min3A_130 = vector.multi_reduction <minsi>, %select_n3A_128, %reduce_min3A_129 [1] : vector<8x10240xi32> to vector<8xi32>
      %min3A_131 = arith.constant 10239 : i32
      %min3A_132 = vector.broadcast %min3A_131 : i32 to vector<8xi32>
      %min3A_133 = arith.minsi %reduce_min3A_130, %min3A_132 : vector<8xi32>
      %lt3A = vector.broadcast %while3A_61 : i32 to vector<8xi32>
      %lt3A_134 = arith.cmpi slt, %lt3A, %select_n3A : vector<8xi32>
      %jit3A_135 = arith.constant 0 : i32
      %broadcast_in_dim3A_136 = vector.broadcast %jit3A_135 : i32 to vector<8xi32>
      %select_n3A_137 = arith.select %lt3A_134, %min3A_133, %broadcast_in_dim3A_136 : vector<8xi1>, vector<8xi32>
      %broadcast_in_dim3A_138 = vector.shape_cast %select_n3A_137 : vector<8xi32> to vector<1x8xi32>
      %swap3A_139 = arith.index_cast %while3A_61 : i32 to index
      %swap3A_140 = arith.constant 0 : index
      %swap3A_141 = vector.load %arg3[%swap3A_139, %swap3A_140] : memref<5000x8xi32, #tpu.memory_space<vmem>>, vector<1x8xi32>
      tpu.vector_store %arg3[%swap3A_139, %swap3A_140], %broadcast_in_dim3A_138 {strides = array<i32>} : memref<5000x8xi32, #tpu.memory_space<vmem>>, vector<1x8xi32>,
      %broadcast_in_dim3A_142 = vector.shape_cast %lt3A_134 : vector<8xi1> to vector<8x1xi1>
      %get3A_143 = arith.constant 0 : index
      %get3A_144 = arith.constant 0 : index
      %get3A_145 = vector.load %arg5[%get3A_143, %get3A_144] : memref<8x10240xf32, #tpu.memory_space<vmem>>, vector<8x10240xf32>
      %broadcast_in_dim3A_146 = vector.shape_cast %broadcast_in_dim3A_142 : vector<8x1xi1> to vector<8x1xi1>
      %broadcast_in_dim3A_147 = vector.broadcast %broadcast_in_dim3A_146 : vector<8x1xi1> to vector<8x10240xi1>
      %select_n3A_148 = arith.select %broadcast_in_dim3A_147, %min3A_119, %get3A_145 : vector<8x10240xi1>, vector<8x10240xf32>
      %swap3A_149 = arith.constant 0 : index
      %swap3A_150 = arith.constant 0 : index
      %swap3A_151 = vector.load %arg5[%swap3A_149, %swap3A_150] : memref<8x10240xf32, #tpu.memory_space<vmem>>, vector<8x10240xf32>
      tpu.vector_store %arg5[%swap3A_149, %swap3A_150], %select_n3A_148 {strides = array<i32>} : memref<8x10240xf32, #tpu.memory_space<vmem>>, vector<8x10240xf32>,
      %broadcast_in_dim3A_152 = vector.shape_cast %lt3A_134 : vector<8xi1> to vector<8x1xi1>
      %iota3A_153 = tpu.iota {dimensions = array<i32: 1>} : vector<8x10240xi32>
      %broadcast_in_dim3A_154 = vector.shape_cast %min3A_133 : vector<8xi32> to vector<8x1xi32>
      %eq3A_155 = vector.broadcast %broadcast_in_dim3A_154 : vector<8x1xi32> to vector<8x10240xi32>
      %eq3A_156 = arith.cmpi eq, %iota3A_153, %eq3A_155 : vector<8x10240xi32>
      %convert_element_type3A_157 = arith.extui %eq3A_156 : vector<8x10240xi1> to vector<8x10240xi32>
      %convert_element_type3A_158 = arith.sitofp %convert_element_type3A_157 : vector<8x10240xi32> to vector<8x10240xf32>
      %dot_general3A_159 = arith.constant dense<0.000000e+00> : vector<8x6xf32>
      %dot_general3A_160 = tpu.matmul %convert_element_type3A_158, %get3A_1, %dot_general3A_159 {dimension_numbers = #tpu.dot_dimension_numbers<[1], [0], [0], [1], [0, 0, 1, 1], [], []>, precision = #tpu.contract_precision<fp32>, transpose_lhs_hint = false} : vector<8x10240xf32>, vector<10240x6xf32>, vector<8x6xf32> -> vector<8x6xf32>
      %broadcast_in_dim3A_161 = vector.shape_cast %broadcast_in_dim3A_152 : vector<8x1xi1> to vector<8x1xi1>
      %broadcast_in_dim3A_162 = vector.broadcast %broadcast_in_dim3A_161 : vector<8x1xi1> to vector<8x6xi1>
      %select_n3A_163 = arith.select %broadcast_in_dim3A_162, %dot_general3A_160, %while3A_62 : vector<8x6xi1>, vector<8x6xf32>
      scf.yield %select_n3A_163 : vector<8x6xf32>
    }
    return
  }
}

module attributes {stable_mosaic.version = 14 : i64} {
  func.func @_radius_body(%arg0: i32, %arg1: memref<6x10240xf32, #tpu.memory_space<vmem>>, %arg2: memref<1x10240xi32, #tpu.memory_space<vmem>>, %arg3: memref<8x6xf32, #tpu.memory_space<vmem>>, %arg4: memref<8x1xi32, #tpu.memory_space<vmem>>, %arg5: memref<8x64xi32, #tpu.memory_space<vmem>>, %arg6: memref<8x1xi32, #tpu.memory_space<vmem>>) attributes {dimension_semantics = [#tpu.dimension_semantics<arbitrary>], iteration_bounds = array<i64: 640>, scalar_prefetch = 0 : i64, scratch_operands = 0 : i64, tpu.core_type = #tpu.core_type<tc>, window_params = [{pipeline_mode = #tpu.pipeline_mode<synchronous>, transform_indices = @transform_0, window_bounds = array<i64: 6, 10240>}, {pipeline_mode = #tpu.pipeline_mode<synchronous>, transform_indices = @transform_1, window_bounds = array<i64: 1, 10240>}, {transform_indices = @transform_2, window_bounds = array<i64: 8, 6>}, {transform_indices = @transform_3, window_bounds = array<i64: 8, 1>}, {transform_indices = @transform_4, window_bounds = array<i64: 8, 64>}, {transform_indices = @transform_5, window_bounds = array<i64: 8, 1>}]} {
    %get3A = arith.constant 0 : index
    %get3A_0 = arith.constant 0 : index
    %get3A_1 = vector.load %arg2[%get3A, %get3A_0] : memref<1x10240xi32, #tpu.memory_space<vmem>>, vector<1x10240xi32>
    %get3A_2 = arith.constant 0 : index
    %get3A_3 = arith.constant 0 : index
    %get3A_4 = vector.load %arg3[%get3A_2, %get3A_3] : memref<8x6xf32, #tpu.memory_space<vmem>>, vector<8x6xf32>
    %get3A_5 = arith.constant 0 : index
    %get3A_6 = arith.constant 0 : index
    %get3A_7 = vector.load %arg4[%get3A_5, %get3A_6] : memref<8x1xi32, #tpu.memory_space<vmem>>, vector<8x1xi32>
    %iota3A = tpu.iota {dimensions = array<i32: 2>} : vector<1x1x64xi32>
    %convert_element_type3A = arith.sitofp %iota3A : vector<1x1x64xi32> to vector<1x1x64xf32>
    %iota3A_8 = tpu.iota {dimensions = array<i32: 0>} : vector<512x512xi32>
    %iota3A_9 = tpu.iota {dimensions = array<i32: 1>} : vector<512x512xi32>
    %le3A = arith.cmpi sle, %iota3A_8, %iota3A_9 : vector<512x512xi32>
    %convert_element_type3A_10 = arith.extui %le3A : vector<512x512xi1> to vector<512x512xi32>
    %convert_element_type3A_11 = arith.sitofp %convert_element_type3A_10 : vector<512x512xi32> to vector<512x512xf32>
    %iota3A_12 = tpu.iota {dimensions = array<i32: 1>} : vector<1x10240xi32>
    %reduce_min3A = vector.shape_cast %get3A_7 : vector<8x1xi32> to vector<1x8x1xi32>
    %reduce_min3A_13 = arith.constant dense<2147483647> : vector<1xi32>
    %reduce_min3A_14 = vector.multi_reduction <minsi>, %reduce_min3A, %reduce_min3A_13 [1, 2] : vector<1x8x1xi32> to vector<1xi32>
    %reduce_min3A_15 = vector.shape_cast %reduce_min3A_14 : vector<1xi32> to vector<1x1x1xi32>
    %reduce_min3A_16 = vector.extract %reduce_min3A_15[0, 0, 0] : i32 from vector<1x1x1xi32>
    %reduce_max3A = vector.shape_cast %get3A_7 : vector<8x1xi32> to vector<1x8x1xi32>
    %reduce_max3A_17 = arith.constant dense<-2147483648> : vector<1xi32>
    %reduce_max3A_18 = vector.multi_reduction <maxsi>, %reduce_max3A, %reduce_max3A_17 [1, 2] : vector<1x8x1xi32> to vector<1xi32>
    %reduce_max3A_19 = vector.shape_cast %reduce_max3A_18 : vector<1xi32> to vector<1x1x1xi32>
    %reduce_max3A_20 = vector.extract %reduce_max3A_19[0, 0, 0] : i32 from vector<1x1x1xi32>
    %ge3A = vector.broadcast %reduce_min3A_16 : i32 to vector<1x10240xi32>
    %ge3A_21 = arith.cmpi sge, %get3A_1, %ge3A : vector<1x10240xi32>
    %jit3A = arith.constant 10240 : i32
    %broadcast_in_dim3A = vector.broadcast %jit3A : i32 to vector<1x10240xi32>
    %select_n3A = arith.select %ge3A_21, %iota3A_12, %broadcast_in_dim3A : vector<1x10240xi1>, vector<1x10240xi32>
    %reduce_min3A_22 = vector.shape_cast %select_n3A : vector<1x10240xi32> to vector<1x1x10240xi32>
    %reduce_min3A_23 = arith.constant dense<2147483647> : vector<1xi32>
    %reduce_min3A_24 = vector.multi_reduction <minsi>, %reduce_min3A_22, %reduce_min3A_23 [1, 2] : vector<1x1x10240xi32> to vector<1xi32>
    %reduce_min3A_25 = vector.shape_cast %reduce_min3A_24 : vector<1xi32> to vector<1x1x1xi32>
    %reduce_min3A_26 = vector.extract %reduce_min3A_25[0, 0, 0] : i32 from vector<1x1x1xi32>
    %le3A_27 = vector.broadcast %reduce_max3A_20 : i32 to vector<1x10240xi32>
    %le3A_28 = arith.cmpi sle, %get3A_1, %le3A_27 : vector<1x10240xi32>
    %add3A = arith.constant 1 : i32
    %add3A_29 = vector.broadcast %add3A : i32 to vector<1x10240xi32>
    %add3A_30 = arith.addi %iota3A_12, %add3A_29 : vector<1x10240xi32>
    %jit3A_31 = arith.constant 0 : i32
    %broadcast_in_dim3A_32 = vector.broadcast %jit3A_31 : i32 to vector<1x10240xi32>
    %select_n3A_33 = arith.select %le3A_28, %add3A_30, %broadcast_in_dim3A_32 : vector<1x10240xi1>, vector<1x10240xi32>
    %reduce_max3A_34 = vector.shape_cast %select_n3A_33 : vector<1x10240xi32> to vector<1x1x10240xi32>
    %reduce_max3A_35 = arith.constant dense<-2147483648> : vector<1xi32>
    %reduce_max3A_36 = vector.multi_reduction <maxsi>, %reduce_max3A_34, %reduce_max3A_35 [1, 2] : vector<1x1x10240xi32> to vector<1xi32>
    %reduce_max3A_37 = vector.shape_cast %reduce_max3A_36 : vector<1xi32> to vector<1x1x1xi32>
    %reduce_max3A_38 = vector.extract %reduce_max3A_37[0, 0, 0] : i32 from vector<1x1x1xi32>
    %jit3A_39 = arith.constant 512 : i32
    %div3A = arith.divsi %reduce_min3A_26, %jit3A_39 : i32
    %sign3A = arith.constant 0 : i32
    %sign3A_40 = arith.cmpi sgt, %reduce_min3A_26, %sign3A : i32
    %sign3A_41 = arith.extui %sign3A_40 : i1 to i32
    %sign3A_42 = arith.constant 0 : i32
    %sign3A_43 = arith.cmpi slt, %reduce_min3A_26, %sign3A_42 : i32
    %sign3A_44 = arith.extui %sign3A_43 : i1 to i32
    %sign3A_45 = arith.subi %sign3A_41, %sign3A_44 : i32
    %sign3A_46 = arith.constant 0 : i32
    %sign3A_47 = arith.cmpi sgt, %jit3A_39, %sign3A_46 : i32
    %sign3A_48 = arith.extui %sign3A_47 : i1 to i32
    %sign3A_49 = arith.constant 0 : i32
    %sign3A_50 = arith.cmpi slt, %jit3A_39, %sign3A_49 : i32
    %sign3A_51 = arith.extui %sign3A_50 : i1 to i32
    %sign3A_52 = arith.subi %sign3A_48, %sign3A_51 : i32
    %ne3A = arith.cmpi ne, %sign3A_45, %sign3A_52 : i32
    %rem3A = arith.remsi %reduce_min3A_26, %jit3A_39 : i32
    %ne3A_53 = arith.constant 0 : i32
    %ne3A_54 = arith.cmpi ne, %rem3A, %ne3A_53 : i32
    %and3A = arith.andi %ne3A, %ne3A_54 : i1
    %sub3A = arith.constant 1 : i32
    %sub3A_55 = arith.subi %div3A, %sub3A : i32
    %select_n3A_56 = arith.select %and3A, %sub3A_55, %div3A : i32
    %add3A_57 = arith.constant 512 : i32
    %add3A_58 = arith.addi %reduce_max3A_38, %add3A_57 : i32
    %sub3A_59 = arith.constant 1 : i32
    %sub3A_60 = arith.subi %add3A_58, %sub3A_59 : i32
    %jit3A_61 = arith.constant 512 : i32
    %div3A_62 = arith.divsi %sub3A_60, %jit3A_61 : i32
    %sign3A_63 = arith.constant 0 : i32
    %sign3A_64 = arith.cmpi sgt, %sub3A_60, %sign3A_63 : i32
    %sign3A_65 = arith.extui %sign3A_64 : i1 to i32
    %sign3A_66 = arith.constant 0 : i32
    %sign3A_67 = arith.cmpi slt, %sub3A_60, %sign3A_66 : i32
    %sign3A_68 = arith.extui %sign3A_67 : i1 to i32
    %sign3A_69 = arith.subi %sign3A_65, %sign3A_68 : i32
    %sign3A_70 = arith.constant 0 : i32
    %sign3A_71 = arith.cmpi sgt, %jit3A_61, %sign3A_70 : i32
    %sign3A_72 = arith.extui %sign3A_71 : i1 to i32
    %sign3A_73 = arith.constant 0 : i32
    %sign3A_74 = arith.cmpi slt, %jit3A_61, %sign3A_73 : i32
    %sign3A_75 = arith.extui %sign3A_74 : i1 to i32
    %sign3A_76 = arith.subi %sign3A_72, %sign3A_75 : i32
    %ne3A_77 = arith.cmpi ne, %sign3A_69, %sign3A_76 : i32
    %rem3A_78 = arith.remsi %sub3A_60, %jit3A_61 : i32
    %ne3A_79 = arith.constant 0 : i32
    %ne3A_80 = arith.cmpi ne, %rem3A_78, %ne3A_79 : i32
    %and3A_81 = arith.andi %ne3A_77, %ne3A_80 : i1
    %sub3A_82 = arith.constant 1 : i32
    %sub3A_83 = arith.subi %div3A_62, %sub3A_82 : i32
    %select_n3A_84 = arith.select %and3A_81, %sub3A_83, %div3A_62 : i32
    %max3A = arith.maxsi %select_n3A_84, %select_n3A_56 : i32
    %broadcast_in_dim3A_85 = arith.constant 0.000000e+00 : f32
    %broadcast_in_dim3A_86 = vector.broadcast %broadcast_in_dim3A_85 : f32 to vector<8x1xf32>
    %broadcast_in_dim3A_87 = arith.constant 0.000000e+00 : f32
    %broadcast_in_dim3A_88 = vector.broadcast %broadcast_in_dim3A_87 : f32 to vector<8x64xf32>
    %while3A = arith.subi %max3A, %select_n3A_56 : i32
    %while3A_89 = arith.addi %select_n3A_56, %while3A : i32
    %while3A_90 = arith.constant 1 : i32
    %while3A_91 = arith.divsi %while3A, %while3A_90 : i32
    %while3A_92 = arith.muli %while3A_91, %while3A_90 : i32
    %while3A_93 = arith.addi %select_n3A_56, %while3A_92 : i32
    %while3A_94 = arith.constant 1 : i32
    %while3A_95:2 = scf.for %while3A_124 = %select_n3A_56 to %while3A_93 step %while3A_94 iter_args(%while3A_125 = %broadcast_in_dim3A_86, %while3A_126 = %broadcast_in_dim3A_88) -> (vector<8x1xf32>, vector<8x64xf32>)  : i32 {
      %mul3A_127 = arith.constant 512 : i32
      %mul3A_128 = arith.muli %while3A_124, %mul3A_127 : i32
      %multiple_of3A = tpu.assume_multiple %mul3A_128, 512 : i32
      %broadcast_in_dim3A_129 = arith.constant 0.000000e+00 : f32
      %broadcast_in_dim3A_130 = vector.broadcast %broadcast_in_dim3A_129 : f32 to vector<8x512xf32>
      %slice3A = vector.extract_strided_slice %get3A_4 {offsets = [0, 0], sizes = [8, 1], strides = [1, 1]} : vector<8x6xf32> to vector<8x1xf32>
      %get3A_131 = arith.constant 0 : index
      %get3A_132 = arith.index_cast %multiple_of3A : i32 to index
      %get3A_133 = vector.load %arg1[%get3A_131, %get3A_132] : memref<6x10240xf32, #tpu.memory_space<vmem>>, vector<1x512xf32>
      %sub3A_134 = vector.broadcast %slice3A : vector<8x1xf32> to vector<8x512xf32>
      %sub3A_135 = vector.broadcast %get3A_133 : vector<1x512xf32> to vector<8x512xf32>
      %sub3A_136 = arith.subf %sub3A_134, %sub3A_135 : vector<8x512xf32>
      %mul3A_137 = arith.mulf %sub3A_136, %sub3A_136 : vector<8x512xf32>
      %add3A_138 = arith.addf %broadcast_in_dim3A_130, %mul3A_137 : vector<8x512xf32>
      %slice3A_139 = vector.extract_strided_slice %get3A_4 {offsets = [0, 1], sizes = [8, 1], strides = [1, 1]} : vector<8x6xf32> to vector<8x1xf32>
      %get3A_140 = arith.constant 1 : index
      %get3A_141 = arith.index_cast %multiple_of3A : i32 to index
      %get3A_142 = vector.load %arg1[%get3A_140, %get3A_141] : memref<6x10240xf32, #tpu.memory_space<vmem>>, vector<1x512xf32>
      %sub3A_143 = vector.broadcast %slice3A_139 : vector<8x1xf32> to vector<8x512xf32>
      %sub3A_144 = vector.broadcast %get3A_142 : vector<1x512xf32> to vector<8x512xf32>
      %sub3A_145 = arith.subf %sub3A_143, %sub3A_144 : vector<8x512xf32>
      %mul3A_146 = arith.mulf %sub3A_145, %sub3A_145 : vector<8x512xf32>
      %add3A_147 = arith.addf %add3A_138, %mul3A_146 : vector<8x512xf32>
      %slice3A_148 = vector.extract_strided_slice %get3A_4 {offsets = [0, 2], sizes = [8, 1], strides = [1, 1]} : vector<8x6xf32> to vector<8x1xf32>
      %get3A_149 = arith.constant 2 : index
      %get3A_150 = arith.index_cast %multiple_of3A : i32 to index
      %get3A_151 = vector.load %arg1[%get3A_149, %get3A_150] : memref<6x10240xf32, #tpu.memory_space<vmem>>, vector<1x512xf32>
      %sub3A_152 = vector.broadcast %slice3A_148 : vector<8x1xf32> to vector<8x512xf32>
      %sub3A_153 = vector.broadcast %get3A_151 : vector<1x512xf32> to vector<8x512xf32>
      %sub3A_154 = arith.subf %sub3A_152, %sub3A_153 : vector<8x512xf32>
      %mul3A_155 = arith.mulf %sub3A_154, %sub3A_154 : vector<8x512xf32>
      %add3A_156 = arith.addf %add3A_147, %mul3A_155 : vector<8x512xf32>
      %slice3A_157 = vector.extract_strided_slice %get3A_4 {offsets = [0, 3], sizes = [8, 1], strides = [1, 1]} : vector<8x6xf32> to vector<8x1xf32>
      %get3A_158 = arith.constant 3 : index
      %get3A_159 = arith.index_cast %multiple_of3A : i32 to index
      %get3A_160 = vector.load %arg1[%get3A_158, %get3A_159] : memref<6x10240xf32, #tpu.memory_space<vmem>>, vector<1x512xf32>
      %sub3A_161 = vector.broadcast %slice3A_157 : vector<8x1xf32> to vector<8x512xf32>
      %sub3A_162 = vector.broadcast %get3A_160 : vector<1x512xf32> to vector<8x512xf32>
      %sub3A_163 = arith.subf %sub3A_161, %sub3A_162 : vector<8x512xf32>
      %mul3A_164 = arith.mulf %sub3A_163, %sub3A_163 : vector<8x512xf32>
      %add3A_165 = arith.addf %add3A_156, %mul3A_164 : vector<8x512xf32>
      %slice3A_166 = vector.extract_strided_slice %get3A_4 {offsets = [0, 4], sizes = [8, 1], strides = [1, 1]} : vector<8x6xf32> to vector<8x1xf32>
      %get3A_167 = arith.constant 4 : index
      %get3A_168 = arith.index_cast %multiple_of3A : i32 to index
      %get3A_169 = vector.load %arg1[%get3A_167, %get3A_168] : memref<6x10240xf32, #tpu.memory_space<vmem>>, vector<1x512xf32>
      %sub3A_170 = vector.broadcast %slice3A_166 : vector<8x1xf32> to vector<8x512xf32>
      %sub3A_171 = vector.broadcast %get3A_169 : vector<1x512xf32> to vector<8x512xf32>
      %sub3A_172 = arith.subf %sub3A_170, %sub3A_171 : vector<8x512xf32>
      %mul3A_173 = arith.mulf %sub3A_172, %sub3A_172 : vector<8x512xf32>
      %add3A_174 = arith.addf %add3A_165, %mul3A_173 : vector<8x512xf32>
      %slice3A_175 = vector.extract_strided_slice %get3A_4 {offsets = [0, 5], sizes = [8, 1], strides = [1, 1]} : vector<8x6xf32> to vector<8x1xf32>
      %get3A_176 = arith.constant 5 : index
      %get3A_177 = arith.index_cast %multiple_of3A : i32 to index
      %get3A_178 = vector.load %arg1[%get3A_176, %get3A_177] : memref<6x10240xf32, #tpu.memory_space<vmem>>, vector<1x512xf32>
      %sub3A_179 = vector.broadcast %slice3A_175 : vector<8x1xf32> to vector<8x512xf32>
      %sub3A_180 = vector.broadcast %get3A_178 : vector<1x512xf32> to vector<8x512xf32>
      %sub3A_181 = arith.subf %sub3A_179, %sub3A_180 : vector<8x512xf32>
      %mul3A_182 = arith.mulf %sub3A_181, %sub3A_181 : vector<8x512xf32>
      %add3A_183 = arith.addf %add3A_174, %mul3A_182 : vector<8x512xf32>
      %le3A_184 = arith.constant 4.000000e-02 : f32
      %le3A_185 = vector.broadcast %le3A_184 : f32 to vector<8x512xf32>
      %le3A_186 = arith.cmpf ole, %add3A_183, %le3A_185 : vector<8x512xf32>
      %get3A_187 = arith.constant 0 : index
      %get3A_188 = arith.index_cast %multiple_of3A : i32 to index
      %get3A_189 = vector.load %arg2[%get3A_187, %get3A_188] : memref<1x10240xi32, #tpu.memory_space<vmem>>, vector<1x512xi32>
      %eq3A = vector.broadcast %get3A_189 : vector<1x512xi32> to vector<8x512xi32>
      %eq3A_190 = vector.broadcast %get3A_7 : vector<8x1xi32> to vector<8x512xi32>
      %eq3A_191 = arith.cmpi eq, %eq3A, %eq3A_190 : vector<8x512xi32>
      %and3A_192 = arith.andi %le3A_186, %eq3A_191 : vector<8x512xi1>
      %convert_element_type3A_193 = arith.extui %and3A_192 : vector<8x512xi1> to vector<8x512xi32>
      %convert_element_type3A_194 = arith.sitofp %convert_element_type3A_193 : vector<8x512xi32> to vector<8x512xf32>
      %dot_general3A = arith.constant dense<0.000000e+00> : vector<8x512xf32>
      %dot_general3A_195 = tpu.matmul %convert_element_type3A_194, %convert_element_type3A_11, %dot_general3A {dimension_numbers = #tpu.dot_dimension_numbers<[1], [0], [0], [1], [0, 0, 1, 1], [], []>, transpose_lhs_hint = false} : vector<8x512xf32>, vector<512x512xf32>, vector<8x512xf32> -> vector<8x512xf32>
      %add3A_196 = vector.broadcast %while3A_125 : vector<8x1xf32> to vector<8x512xf32>
      %add3A_197 = arith.addf %dot_general3A_195, %add3A_196 : vector<8x512xf32>
      %broadcast_in_dim3A_198 = vector.shape_cast %add3A_197 : vector<8x512xf32> to vector<8x512x1xf32>
      %le3A_199 = vector.broadcast %broadcast_in_dim3A_198 : vector<8x512x1xf32> to vector<8x512x64xf32>
      %le3A_200 = vector.broadcast %convert_element_type3A : vector<1x1x64xf32> to vector<8x512x64xf32>
      %le3A_201 = arith.cmpf ole, %le3A_199, %le3A_200 : vector<8x512x64xf32>
      %convert_element_type3A_202 = arith.extui %le3A_201 : vector<8x512x64xi1> to vector<8x512x64xi32>
      %convert_element_type3A_203 = arith.sitofp %convert_element_type3A_202 : vector<8x512x64xi32> to vector<8x512x64xf32>
      %reduce_sum3A = arith.constant dense<0.000000e+00> : vector<8x64xf32>
      %reduce_sum3A_204 = vector.multi_reduction <add>, %convert_element_type3A_203, %reduce_sum3A [1] : vector<8x512x64xf32> to vector<8x64xf32>
      %add3A_205 = arith.addf %while3A_126, %reduce_sum3A_204 : vector<8x64xf32>
      %slice3A_206 = vector.extract_strided_slice %add3A_197 {offsets = [0, 511], sizes = [8, 1], strides = [1, 1]} : vector<8x512xf32> to vector<8x1xf32>
      scf.yield %slice3A_206, %add3A_205 : vector<8x1xf32>, vector<8x64xf32>
    }
    %while3A_96 = arith.constant 1 : i32
    %while3A_97:2 = scf.for %while3A_124 = %while3A_93 to %while3A_89 step %while3A_96 iter_args(%while3A_125 = %while3A_95#0, %while3A_126 = %while3A_95#1) -> (vector<8x1xf32>, vector<8x64xf32>)  : i32 {
      %mul3A_127 = arith.constant 512 : i32
      %mul3A_128 = arith.muli %while3A_124, %mul3A_127 : i32
      %multiple_of3A = tpu.assume_multiple %mul3A_128, 512 : i32
      %broadcast_in_dim3A_129 = arith.constant 0.000000e+00 : f32
      %broadcast_in_dim3A_130 = vector.broadcast %broadcast_in_dim3A_129 : f32 to vector<8x512xf32>
      %slice3A = vector.extract_strided_slice %get3A_4 {offsets = [0, 0], sizes = [8, 1], strides = [1, 1]} : vector<8x6xf32> to vector<8x1xf32>
      %get3A_131 = arith.constant 0 : index
      %get3A_132 = arith.index_cast %multiple_of3A : i32 to index
      %get3A_133 = vector.load %arg1[%get3A_131, %get3A_132] : memref<6x10240xf32, #tpu.memory_space<vmem>>, vector<1x512xf32>
      %sub3A_134 = vector.broadcast %slice3A : vector<8x1xf32> to vector<8x512xf32>
      %sub3A_135 = vector.broadcast %get3A_133 : vector<1x512xf32> to vector<8x512xf32>
      %sub3A_136 = arith.subf %sub3A_134, %sub3A_135 : vector<8x512xf32>
      %mul3A_137 = arith.mulf %sub3A_136, %sub3A_136 : vector<8x512xf32>
      %add3A_138 = arith.addf %broadcast_in_dim3A_130, %mul3A_137 : vector<8x512xf32>
      %slice3A_139 = vector.extract_strided_slice %get3A_4 {offsets = [0, 1], sizes = [8, 1], strides = [1, 1]} : vector<8x6xf32> to vector<8x1xf32>
      %get3A_140 = arith.constant 1 : index
      %get3A_141 = arith.index_cast %multiple_of3A : i32 to index
      %get3A_142 = vector.load %arg1[%get3A_140, %get3A_141] : memref<6x10240xf32, #tpu.memory_space<vmem>>, vector<1x512xf32>
      %sub3A_143 = vector.broadcast %slice3A_139 : vector<8x1xf32> to vector<8x512xf32>
      %sub3A_144 = vector.broadcast %get3A_142 : vector<1x512xf32> to vector<8x512xf32>
      %sub3A_145 = arith.subf %sub3A_143, %sub3A_144 : vector<8x512xf32>
      %mul3A_146 = arith.mulf %sub3A_145, %sub3A_145 : vector<8x512xf32>
      %add3A_147 = arith.addf %add3A_138, %mul3A_146 : vector<8x512xf32>
      %slice3A_148 = vector.extract_strided_slice %get3A_4 {offsets = [0, 2], sizes = [8, 1], strides = [1, 1]} : vector<8x6xf32> to vector<8x1xf32>
      %get3A_149 = arith.constant 2 : index
      %get3A_150 = arith.index_cast %multiple_of3A : i32 to index
      %get3A_151 = vector.load %arg1[%get3A_149, %get3A_150] : memref<6x10240xf32, #tpu.memory_space<vmem>>, vector<1x512xf32>
      %sub3A_152 = vector.broadcast %slice3A_148 : vector<8x1xf32> to vector<8x512xf32>
      %sub3A_153 = vector.broadcast %get3A_151 : vector<1x512xf32> to vector<8x512xf32>
      %sub3A_154 = arith.subf %sub3A_152, %sub3A_153 : vector<8x512xf32>
      %mul3A_155 = arith.mulf %sub3A_154, %sub3A_154 : vector<8x512xf32>
      %add3A_156 = arith.addf %add3A_147, %mul3A_155 : vector<8x512xf32>
      %slice3A_157 = vector.extract_strided_slice %get3A_4 {offsets = [0, 3], sizes = [8, 1], strides = [1, 1]} : vector<8x6xf32> to vector<8x1xf32>
      %get3A_158 = arith.constant 3 : index
      %get3A_159 = arith.index_cast %multiple_of3A : i32 to index
      %get3A_160 = vector.load %arg1[%get3A_158, %get3A_159] : memref<6x10240xf32, #tpu.memory_space<vmem>>, vector<1x512xf32>
      %sub3A_161 = vector.broadcast %slice3A_157 : vector<8x1xf32> to vector<8x512xf32>
      %sub3A_162 = vector.broadcast %get3A_160 : vector<1x512xf32> to vector<8x512xf32>
      %sub3A_163 = arith.subf %sub3A_161, %sub3A_162 : vector<8x512xf32>
      %mul3A_164 = arith.mulf %sub3A_163, %sub3A_163 : vector<8x512xf32>
      %add3A_165 = arith.addf %add3A_156, %mul3A_164 : vector<8x512xf32>
      %slice3A_166 = vector.extract_strided_slice %get3A_4 {offsets = [0, 4], sizes = [8, 1], strides = [1, 1]} : vector<8x6xf32> to vector<8x1xf32>
      %get3A_167 = arith.constant 4 : index
      %get3A_168 = arith.index_cast %multiple_of3A : i32 to index
      %get3A_169 = vector.load %arg1[%get3A_167, %get3A_168] : memref<6x10240xf32, #tpu.memory_space<vmem>>, vector<1x512xf32>
      %sub3A_170 = vector.broadcast %slice3A_166 : vector<8x1xf32> to vector<8x512xf32>
      %sub3A_171 = vector.broadcast %get3A_169 : vector<1x512xf32> to vector<8x512xf32>
      %sub3A_172 = arith.subf %sub3A_170, %sub3A_171 : vector<8x512xf32>
      %mul3A_173 = arith.mulf %sub3A_172, %sub3A_172 : vector<8x512xf32>
      %add3A_174 = arith.addf %add3A_165, %mul3A_173 : vector<8x512xf32>
      %slice3A_175 = vector.extract_strided_slice %get3A_4 {offsets = [0, 5], sizes = [8, 1], strides = [1, 1]} : vector<8x6xf32> to vector<8x1xf32>
      %get3A_176 = arith.constant 5 : index
      %get3A_177 = arith.index_cast %multiple_of3A : i32 to index
      %get3A_178 = vector.load %arg1[%get3A_176, %get3A_177] : memref<6x10240xf32, #tpu.memory_space<vmem>>, vector<1x512xf32>
      %sub3A_179 = vector.broadcast %slice3A_175 : vector<8x1xf32> to vector<8x512xf32>
      %sub3A_180 = vector.broadcast %get3A_178 : vector<1x512xf32> to vector<8x512xf32>
      %sub3A_181 = arith.subf %sub3A_179, %sub3A_180 : vector<8x512xf32>
      %mul3A_182 = arith.mulf %sub3A_181, %sub3A_181 : vector<8x512xf32>
      %add3A_183 = arith.addf %add3A_174, %mul3A_182 : vector<8x512xf32>
      %le3A_184 = arith.constant 4.000000e-02 : f32
      %le3A_185 = vector.broadcast %le3A_184 : f32 to vector<8x512xf32>
      %le3A_186 = arith.cmpf ole, %add3A_183, %le3A_185 : vector<8x512xf32>
      %get3A_187 = arith.constant 0 : index
      %get3A_188 = arith.index_cast %multiple_of3A : i32 to index
      %get3A_189 = vector.load %arg2[%get3A_187, %get3A_188] : memref<1x10240xi32, #tpu.memory_space<vmem>>, vector<1x512xi32>
      %eq3A = vector.broadcast %get3A_189 : vector<1x512xi32> to vector<8x512xi32>
      %eq3A_190 = vector.broadcast %get3A_7 : vector<8x1xi32> to vector<8x512xi32>
      %eq3A_191 = arith.cmpi eq, %eq3A, %eq3A_190 : vector<8x512xi32>
      %and3A_192 = arith.andi %le3A_186, %eq3A_191 : vector<8x512xi1>
      %convert_element_type3A_193 = arith.extui %and3A_192 : vector<8x512xi1> to vector<8x512xi32>
      %convert_element_type3A_194 = arith.sitofp %convert_element_type3A_193 : vector<8x512xi32> to vector<8x512xf32>
      %dot_general3A = arith.constant dense<0.000000e+00> : vector<8x512xf32>
      %dot_general3A_195 = tpu.matmul %convert_element_type3A_194, %convert_element_type3A_11, %dot_general3A {dimension_numbers = #tpu.dot_dimension_numbers<[1], [0], [0], [1], [0, 0, 1, 1], [], []>, transpose_lhs_hint = false} : vector<8x512xf32>, vector<512x512xf32>, vector<8x512xf32> -> vector<8x512xf32>
      %add3A_196 = vector.broadcast %while3A_125 : vector<8x1xf32> to vector<8x512xf32>
      %add3A_197 = arith.addf %dot_general3A_195, %add3A_196 : vector<8x512xf32>
      %broadcast_in_dim3A_198 = vector.shape_cast %add3A_197 : vector<8x512xf32> to vector<8x512x1xf32>
      %le3A_199 = vector.broadcast %broadcast_in_dim3A_198 : vector<8x512x1xf32> to vector<8x512x64xf32>
      %le3A_200 = vector.broadcast %convert_element_type3A : vector<1x1x64xf32> to vector<8x512x64xf32>
      %le3A_201 = arith.cmpf ole, %le3A_199, %le3A_200 : vector<8x512x64xf32>
      %convert_element_type3A_202 = arith.extui %le3A_201 : vector<8x512x64xi1> to vector<8x512x64xi32>
      %convert_element_type3A_203 = arith.sitofp %convert_element_type3A_202 : vector<8x512x64xi32> to vector<8x512x64xf32>
      %reduce_sum3A = arith.constant dense<0.000000e+00> : vector<8x64xf32>
      %reduce_sum3A_204 = vector.multi_reduction <add>, %convert_element_type3A_203, %reduce_sum3A [1] : vector<8x512x64xf32> to vector<8x64xf32>
      %add3A_205 = arith.addf %while3A_126, %reduce_sum3A_204 : vector<8x64xf32>
      %slice3A_206 = vector.extract_strided_slice %add3A_197 {offsets = [0, 511], sizes = [8, 1], strides = [1, 1]} : vector<8x512xf32> to vector<8x1xf32>
      scf.yield %slice3A_206, %add3A_205 : vector<8x1xf32>, vector<8x64xf32>
    }
    %mul3A = arith.constant 512 : i32
    %mul3A_98 = arith.muli %select_n3A_56, %mul3A : i32
    %convert_element_type3A_99 = arith.sitofp %mul3A_98 : i32 to f32
    %add3A_100 = vector.broadcast %convert_element_type3A_99 : f32 to vector<8x64xf32>
    %add3A_101 = arith.addf %while3A_97#1, %add3A_100 : vector<8x64xf32>
    %squeeze3A = vector.shape_cast %while3A_97#0 : vector<8x1xf32> to vector<8xf32>
    %convert_element_type3A_102 = arith.fptosi %squeeze3A : vector<8xf32> to vector<8xi32>
    %min3A = arith.constant 64 : i32
    %min3A_103 = vector.broadcast %min3A : i32 to vector<8xi32>
    %min3A_104 = arith.minsi %convert_element_type3A_102, %min3A_103 : vector<8xi32>
    %broadcast_in_dim3A_105 = vector.shape_cast %min3A_104 : vector<8xi32> to vector<8x1xi32>
    %swap3A = arith.constant 0 : index
    %swap3A_106 = arith.constant 0 : index
    %swap3A_107 = vector.load %arg6[%swap3A, %swap3A_106] : memref<8x1xi32, #tpu.memory_space<vmem>>, vector<8x1xi32>
    tpu.vector_store %arg6[%swap3A, %swap3A_106], %broadcast_in_dim3A_105 {strides = array<i32>} : memref<8x1xi32, #tpu.memory_space<vmem>>, vector<8x1xi32>,
    %convert_element_type3A_108 = arith.fptosi %add3A_101 : vector<8x64xf32> to vector<8x64xi32>
    %iota3A_109 = tpu.iota {dimensions = array<i32: 1>} : vector<8x64xi32>
    %broadcast_in_dim3A_110 = vector.shape_cast %min3A_104 : vector<8xi32> to vector<8x1xi32>
    %lt3A = vector.broadcast %broadcast_in_dim3A_110 : vector<8x1xi32> to vector<8x64xi32>
    %lt3A_111 = arith.cmpi slt, %iota3A_109, %lt3A : vector<8x64xi32>
    %jit3A_112 = arith.constant 0 : i32
    %jit3A_113 = arith.constant 10239 : i32
    %max3A_114 = vector.broadcast %jit3A_112 : i32 to vector<8x64xi32>
    %max3A_115 = arith.maxsi %max3A_114, %convert_element_type3A_108 : vector<8x64xi32>
    %min3A_116 = vector.broadcast %jit3A_113 : i32 to vector<8x64xi32>
    %min3A_117 = arith.minsi %min3A_116, %max3A_115 : vector<8x64xi32>
    %jit3A_118 = arith.constant 0 : i32
    %broadcast_in_dim3A_119 = vector.broadcast %jit3A_118 : i32 to vector<8x64xi32>
    %select_n3A_120 = arith.select %lt3A_111, %min3A_117, %broadcast_in_dim3A_119 : vector<8x64xi1>, vector<8x64xi32>
    %swap3A_121 = arith.constant 0 : index
    %swap3A_122 = arith.constant 0 : index
    %swap3A_123 = vector.load %arg5[%swap3A_121, %swap3A_122] : memref<8x64xi32, #tpu.memory_space<vmem>>, vector<8x64xi32>
    tpu.vector_store %arg5[%swap3A_121, %swap3A_122], %select_n3A_120 {strides = array<i32>} : memref<8x64xi32, #tpu.memory_space<vmem>>, vector<8x64xi32>,
    return
  }
  func.func @transform_0(%arg0: i32) -> (i32, i32) {
    %c0_i32 = arith.constant 0 : i32
    %c0_i32_0 = arith.constant 0 : i32
    %c0_i32_1 = arith.constant 0 : i32
    return %c0_i32, %c0_i32_0 : i32, i32
  }
  func.func @transform_1(%arg0: i32) -> (i32, i32) {
    %c0_i32 = arith.constant 0 : i32
    %c0_i32_0 = arith.constant 0 : i32
    %c0_i32_1 = arith.constant 0 : i32
    return %c0_i32, %c0_i32_0 : i32, i32
  }
  func.func @transform_2(%arg0: i32) -> (i32, i32) {
    %c0_i32 = arith.constant 0 : i32
    %c0_i32_0 = arith.constant 0 : i32
    return %arg0, %c0_i32 : i32, i32
  }
  func.func @transform_3(%arg0: i32) -> (i32, i32) {
    %c0_i32 = arith.constant 0 : i32
    %c0_i32_0 = arith.constant 0 : i32
    return %arg0, %c0_i32 : i32, i32
  }
  func.func @transform_4(%arg0: i32) -> (i32, i32) {
    %c0_i32 = arith.constant 0 : i32
    %c0_i32_0 = arith.constant 0 : i32
    return %arg0, %c0_i32 : i32, i32
  }
  func.func @transform_5(%arg0: i32) -> (i32, i32) {
    %c0_i32 = arith.constant 0 : i32
    %c0_i32_0 = arith.constant 0 : i32
    return %arg0, %c0_i32 : i32, i32
  }
}

module attributes {stable_mosaic.version = 14 : i64} {
  func.func @_fps_body(%arg0: memref<5120x6xf32, #tpu.memory_space<vmem>>, %arg1: memref<6x5120xf32, #tpu.memory_space<vmem>>, %arg2: memref<1x5120xi32, #tpu.memory_space<vmem>>, %arg3: memref<1251x8xi32, #tpu.memory_space<vmem>>, %arg4: memref<1x8xi32, #tpu.memory_space<vmem>>, %arg5: memref<8x5120xf32, #tpu.memory_space<vmem>>) attributes {dimension_semantics = [], scalar_prefetch = 0 : i64, scratch_operands = 1 : i64, tpu.core_type = #tpu.core_type<tc>} {
    %get3A = arith.constant 0 : index
    %get3A_0 = arith.constant 0 : index
    %get3A_1 = vector.load %arg0[%get3A, %get3A_0] : memref<5120x6xf32, #tpu.memory_space<vmem>>, vector<5120x6xf32>
    %get3A_2 = arith.constant 0 : index
    %get3A_3 = arith.constant 0 : index
    %get3A_4 = vector.load %arg2[%get3A_2, %get3A_3] : memref<1x5120xi32, #tpu.memory_space<vmem>>, vector<1x5120xi32>
    %iota3A = tpu.iota {dimensions = array<i32: 1>} : vector<8x5120xi32>
    %iota3A_5 = tpu.iota {dimensions = array<i32: 0>} : vector<8x1xi32>
    %eq3A = vector.broadcast %get3A_4 : vector<1x5120xi32> to vector<8x5120xi32>
    %eq3A_6 = vector.broadcast %iota3A_5 : vector<8x1xi32> to vector<8x5120xi32>
    %eq3A_7 = arith.cmpi eq, %eq3A, %eq3A_6 : vector<8x5120xi32>
    %convert_element_type3A = arith.extui %eq3A_7 : vector<8x5120xi1> to vector<8x5120xi32>
    %reduce_sum3A = arith.constant dense<0> : vector<8xi32>
    %reduce_sum3A_8 = vector.multi_reduction <add>, %convert_element_type3A, %reduce_sum3A [1] : vector<8x5120xi32> to vector<8xi32>
    %convert_element_type3A_9 = arith.sitofp %reduce_sum3A_8 : vector<8xi32> to vector<8xf32>
    %mul3A = arith.constant 2.500000e-01 : f32
    %mul3A_10 = vector.broadcast %mul3A : f32 to vector<8xf32>
    %mul3A_11 = arith.mulf %mul3A_10, %convert_element_type3A_9 : vector<8xf32>
    %ceil3A = math.ceil %mul3A_11 : vector<8xf32>
    %convert_element_type3A_12 = arith.fptosi %ceil3A : vector<8xf32> to vector<8xi32>
    %gt3A = arith.constant 0 : i32
    %gt3A_13 = vector.broadcast %gt3A : i32 to vector<8xi32>
    %gt3A_14 = arith.cmpi sgt, %reduce_sum3A_8, %gt3A_13 : vector<8xi32>
    %max3A = arith.constant 1 : i32
    %max3A_15 = vector.broadcast %max3A : i32 to vector<8xi32>
    %max3A_16 = arith.maxsi %convert_element_type3A_12, %max3A_15 : vector<8xi32>
    %jit3A = arith.constant 0 : i32
    %broadcast_in_dim3A = vector.broadcast %jit3A : i32 to vector<8xi32>
    %select_n3A = arith.select %gt3A_14, %max3A_16, %broadcast_in_dim3A : vector<8xi1>, vector<8xi32>
    %swap3A = arith.constant 0 : index
    %swap3A_17 = arith.constant 0 : index
    %swap3A_18 = vector.load %arg4[%swap3A, %swap3A_17] : memref<1x8xi32, #tpu.memory_space<vmem>>, vector<1x8xi32>
    %swap3A_19 = vector.shape_cast %swap3A_18 : vector<1x8xi32> to vector<8xi32>
    %swap3A_20 = vector.shape_cast %select_n3A : vector<8xi32> to vector<1x8xi32>
    tpu.vector_store %arg4[%swap3A, %swap3A_17], %swap3A_20 {strides = array<i32>} : memref<1x8xi32, #tpu.memory_space<vmem>>, vector<1x8xi32>,
    %jit3A_21 = arith.constant 5120 : i32
    %broadcast_in_dim3A_22 = vector.broadcast %jit3A_21 : i32 to vector<8x5120xi32>
    %select_n3A_23 = arith.select %eq3A_7, %iota3A, %broadcast_in_dim3A_22 : vector<8x5120xi1>, vector<8x5120xi32>
    %reduce_min3A = arith.constant dense<2147483647> : vector<8xi32>
    %reduce_min3A_24 = vector.multi_reduction <minsi>, %select_n3A_23, %reduce_min3A [1] : vector<8x5120xi32> to vector<8xi32>
    %min3A = arith.constant 5119 : i32
    %min3A_25 = vector.broadcast %min3A : i32 to vector<8xi32>
    %min3A_26 = arith.minsi %reduce_min3A_24, %min3A_25 : vector<8xi32>
    %swap3A_27 = arith.constant 0 : index
    %swap3A_28 = arith.constant 0 : index
    %swap3A_29 = vector.load %arg3[%swap3A_27, %swap3A_28] : memref<1251x8xi32, #tpu.memory_space<vmem>>, vector<1x8xi32>
    %swap3A_30 = vector.shape_cast %swap3A_29 : vector<1x8xi32> to vector<8xi32>
    %swap3A_31 = vector.shape_cast %min3A_26 : vector<8xi32> to vector<1x8xi32>
    tpu.vector_store %arg3[%swap3A_27, %swap3A_28], %swap3A_31 {strides = array<i32>} : memref<1251x8xi32, #tpu.memory_space<vmem>>, vector<1x8xi32>,
    %iota3A_32 = tpu.iota {dimensions = array<i32: 1>} : vector<8x5120xi32>
    %broadcast_in_dim3A_33 = vector.shape_cast %min3A_26 : vector<8xi32> to vector<8x1xi32>
    %eq3A_34 = vector.broadcast %broadcast_in_dim3A_33 : vector<8x1xi32> to vector<8x5120xi32>
    %eq3A_35 = arith.cmpi eq, %iota3A_32, %eq3A_34 : vector<8x5120xi32>
    %convert_element_type3A_36 = arith.extui %eq3A_35 : vector<8x5120xi1> to vector<8x5120xi32>
    %convert_element_type3A_37 = arith.sitofp %convert_element_type3A_36 : vector<8x5120xi32> to vector<8x5120xf32>
    %dot_general3A = arith.constant dense<0.000000e+00> : vector<8x6xf32>
    %dot_general3A_38 = tpu.matmul %convert_element_type3A_37, %get3A_1, %dot_general3A {dimension_numbers = #tpu.dot_dimension_numbers<[1], [0], [0], [1], [0, 0, 1, 1], [], []>, precision = #tpu.contract_precision<fp32>, transpose_lhs_hint = false} : vector<8x5120xf32>, vector<5120x6xf32>, vector<8x6xf32> -> vector<8x6xf32>
    %jit3A_39 = arith.constant 0x7F800000 : f32
    %jit3A_40 = arith.constant 0xFF800000 : f32
    %broadcast_in_dim3A_41 = vector.broadcast %jit3A_39 : f32 to vector<8x5120xf32>
    %broadcast_in_dim3A_42 = vector.broadcast %jit3A_40 : f32 to vector<8x5120xf32>
    %select_n3A_43 = arith.select %eq3A_7, %broadcast_in_dim3A_41, %broadcast_in_dim3A_42 : vector<8x5120xi1>, vector<8x5120xf32>
    %swap3A_44 = arith.constant 0 : index
    %swap3A_45 = arith.constant 0 : index
    %swap3A_46 = vector.load %arg5[%swap3A_44, %swap3A_45] : memref<8x5120xf32, #tpu.memory_space<vmem>>, vector<8x5120xf32>
    tpu.vector_store %arg5[%swap3A_44, %swap3A_45], %select_n3A_43 {strides = array<i32>} : memref<8x5120xf32, #tpu.memory_space<vmem>>, vector<8x5120xf32>,
    %reduce_max3A = vector.shape_cast %select_n3A : vector<8xi32> to vector<1x8xi32>
    %reduce_max3A_47 = arith.constant dense<-2147483648> : vector<1xi32>
    %reduce_max3A_48 = vector.multi_reduction <maxsi>, %reduce_max3A, %reduce_max3A_47 [1] : vector<1x8xi32> to vector<1xi32>
    %reduce_max3A_49 = vector.shape_cast %reduce_max3A_48 : vector<1xi32> to vector<1x1xi32>
    %reduce_max3A_50 = vector.extract %reduce_max3A_49[0, 0] : i32 from vector<1x1xi32>
    %while3A = arith.constant 1 : i32
    %while3A_51 = arith.subi %reduce_max3A_50, %while3A : i32
    %while3A_52 = arith.addi %while3A, %while3A_51 : i32
    %while3A_53 = arith.constant 1 : i32
    %while3A_54 = arith.divsi %while3A_51, %while3A_53 : i32
    %while3A_55 = arith.muli %while3A_54, %while3A_53 : i32
    %while3A_56 = arith.addi %while3A, %while3A_55 : i32
    %while3A_57 = arith.constant 1 : i32
    %while3A_58 = scf.for %while3A_61 = %while3A to %while3A_56 step %while3A_57 iter_args(%while3A_62 = %dot_general3A_38) -> (vector<8x6xf32>)  : i32 {
      %broadcast_in_dim3A_63 = arith.constant 0.000000e+00 : f32
      %broadcast_in_dim3A_64 = vector.broadcast %broadcast_in_dim3A_63 : f32 to vector<8x5120xf32>
      %get3A_65 = arith.constant 0 : index
      %get3A_66 = arith.constant 0 : index
      %get3A_67 = vector.load %arg1[%get3A_65, %get3A_66] : memref<6x5120xf32, #tpu.memory_space<vmem>>, vector<1x5120xf32>
      %slice3A = vector.extract_strided_slice %while3A_62 {offsets = [0, 0], sizes = [8, 1], strides = [1, 1]} : vector<8x6xf32> to vector<8x1xf32>
      %sub3A = vector.broadcast %get3A_67 : vector<1x5120xf32> to vector<8x5120xf32>
      %sub3A_68 = vector.broadcast %slice3A : vector<8x1xf32> to vector<8x5120xf32>
      %sub3A_69 = arith.subf %sub3A, %sub3A_68 : vector<8x5120xf32>
      %mul3A_70 = arith.mulf %sub3A_69, %sub3A_69 : vector<8x5120xf32>
      %add3A = arith.addf %broadcast_in_dim3A_64, %mul3A_70 : vector<8x5120xf32>
      %get3A_71 = arith.constant 1 : index
      %get3A_72 = arith.constant 0 : index
      %get3A_73 = vector.load %arg1[%get3A_71, %get3A_72] : memref<6x5120xf32, #tpu.memory_space<vmem>>, vector<1x5120xf32>
      %slice3A_74 = vector.extract_strided_slice %while3A_62 {offsets = [0, 1], sizes = [8, 1], strides = [1, 1]} : vector<8x6xf32> to vector<8x1xf32>
      %sub3A_75 = vector.broadcast %get3A_73 : vector<1x5120xf32> to vector<8x5120xf32>
      %sub3A_76 = vector.broadcast %slice3A_74 : vector<8x1xf32> to vector<8x5120xf32>
      %sub3A_77 = arith.subf %sub3A_75, %sub3A_76 : vector<8x5120xf32>
      %mul3A_78 = arith.mulf %sub3A_77, %sub3A_77 : vector<8x5120xf32>
      %add3A_79 = arith.addf %add3A, %mul3A_78 : vector<8x5120xf32>
      %get3A_80 = arith.constant 2 : index
      %get3A_81 = arith.constant 0 : index
      %get3A_82 = vector.load %arg1[%get3A_80, %get3A_81] : memref<6x5120xf32, #tpu.memory_space<vmem>>, vector<1x5120xf32>
      %slice3A_83 = vector.extract_strided_slice %while3A_62 {offsets = [0, 2], sizes = [8, 1], strides = [1, 1]} : vector<8x6xf32> to vector<8x1xf32>
      %sub3A_84 = vector.broadcast %get3A_82 : vector<1x5120xf32> to vector<8x5120xf32>
      %sub3A_85 = vector.broadcast %slice3A_83 : vector<8x1xf32> to vector<8x5120xf32>
      %sub3A_86 = arith.subf %sub3A_84, %sub3A_85 : vector<8x5120xf32>
      %mul3A_87 = arith.mulf %sub3A_86, %sub3A_86 : vector<8x5120xf32>
      %add3A_88 = arith.addf %add3A_79, %mul3A_87 : vector<8x5120xf32>
      %get3A_89 = arith.constant 3 : index
      %get3A_90 = arith.constant 0 : index
      %get3A_91 = vector.load %arg1[%get3A_89, %get3A_90] : memref<6x5120xf32, #tpu.memory_space<vmem>>, vector<1x5120xf32>
      %slice3A_92 = vector.extract_strided_slice %while3A_62 {offsets = [0, 3], sizes = [8, 1], strides = [1, 1]} : vector<8x6xf32> to vector<8x1xf32>
      %sub3A_93 = vector.broadcast %get3A_91 : vector<1x5120xf32> to vector<8x5120xf32>
      %sub3A_94 = vector.broadcast %slice3A_92 : vector<8x1xf32> to vector<8x5120xf32>
      %sub3A_95 = arith.subf %sub3A_93, %sub3A_94 : vector<8x5120xf32>
      %mul3A_96 = arith.mulf %sub3A_95, %sub3A_95 : vector<8x5120xf32>
      %add3A_97 = arith.addf %add3A_88, %mul3A_96 : vector<8x5120xf32>
      %get3A_98 = arith.constant 4 : index
      %get3A_99 = arith.constant 0 : index
      %get3A_100 = vector.load %arg1[%get3A_98, %get3A_99] : memref<6x5120xf32, #tpu.memory_space<vmem>>, vector<1x5120xf32>
      %slice3A_101 = vector.extract_strided_slice %while3A_62 {offsets = [0, 4], sizes = [8, 1], strides = [1, 1]} : vector<8x6xf32> to vector<8x1xf32>
      %sub3A_102 = vector.broadcast %get3A_100 : vector<1x5120xf32> to vector<8x5120xf32>
      %sub3A_103 = vector.broadcast %slice3A_101 : vector<8x1xf32> to vector<8x5120xf32>
      %sub3A_104 = arith.subf %sub3A_102, %sub3A_103 : vector<8x5120xf32>
      %mul3A_105 = arith.mulf %sub3A_104, %sub3A_104 : vector<8x5120xf32>
      %add3A_106 = arith.addf %add3A_97, %mul3A_105 : vector<8x5120xf32>
      %get3A_107 = arith.constant 5 : index
      %get3A_108 = arith.constant 0 : index
      %get3A_109 = vector.load %arg1[%get3A_107, %get3A_108] : memref<6x5120xf32, #tpu.memory_space<vmem>>, vector<1x5120xf32>
      %slice3A_110 = vector.extract_strided_slice %while3A_62 {offsets = [0, 5], sizes = [8, 1], strides = [1, 1]} : vector<8x6xf32> to vector<8x1xf32>
      %sub3A_111 = vector.broadcast %get3A_109 : vector<1x5120xf32> to vector<8x5120xf32>
      %sub3A_112 = vector.broadcast %slice3A_110 : vector<8x1xf32> to vector<8x5120xf32>
      %sub3A_113 = arith.subf %sub3A_111, %sub3A_112 : vector<8x5120xf32>
      %mul3A_114 = arith.mulf %sub3A_113, %sub3A_113 : vector<8x5120xf32>
      %add3A_115 = arith.addf %add3A_106, %mul3A_114 : vector<8x5120xf32>
      %get3A_116 = arith.constant 0 : index
      %get3A_117 = arith.constant 0 : index
      %get3A_118 = vector.load %arg5[%get3A_116, %get3A_117] : memref<8x5120xf32, #tpu.memory_space<vmem>>, vector<8x5120xf32>
      %min3A_119 = arith.minimumf %get3A_118, %add3A_115 : vector<8x5120xf32>
      %reduce_max3A_120 = arith.constant dense<0xFF800000> : vector<8xf32>
      %reduce_max3A_121 = vector.multi_reduction <maximumf>, %min3A_119, %reduce_max3A_120 [1] : vector<8x5120xf32> to vector<8xf32>
      %broadcast_in_dim3A_122 = vector.shape_cast %reduce_max3A_121 : vector<8xf32> to vector<8x1xf32>
      %eq3A_123 = vector.broadcast %broadcast_in_dim3A_122 : vector<8x1xf32> to vector<8x5120xf32>
      %eq3A_124 = arith.cmpf oeq, %min3A_119, %eq3A_123 : vector<8x5120xf32>
      %iota3A_125 = tpu.iota {dimensions = array<i32: 1>} : vector<8x5120xi32>
      %jit3A_126 = arith.constant 5120 : i32
      %broadcast_in_dim3A_127 = vector.broadcast %jit3A_126 : i32 to vector<8x5120xi32>
      %select_n3A_128 = arith.select %eq3A_124, %iota3A_125, %broadcast_in_dim3A_127 : vector<8x5120xi1>, vector<8x5120xi32>
      %reduce_min3A_129 = arith.constant dense<2147483647> : vector<8xi32>
      %reduce_min3A_130 = vector.multi_reduction <minsi>, %select_n3A_128, %reduce_min3A_129 [1] : vector<8x5120xi32> to vector<8xi32>
      %min3A_131 = arith.constant 5119 : i32
      %min3A_132 = vector.broadcast %min3A_131 : i32 to vector<8xi32>
      %min3A_133 = arith.minsi %reduce_min3A_130, %min3A_132 : vector<8xi32>
      %lt3A = vector.broadcast %while3A_61 : i32 to vector<8xi32>
      %lt3A_134 = arith.cmpi slt, %lt3A, %select_n3A : vector<8xi32>
      %jit3A_135 = arith.constant 0 : i32
      %broadcast_in_dim3A_136 = vector.broadcast %jit3A_135 : i32 to vector<8xi32>
      %select_n3A_137 = arith.select %lt3A_134, %min3A_133, %broadcast_in_dim3A_136 : vector<8xi1>, vector<8xi32>
      %broadcast_in_dim3A_138 = vector.shape_cast %select_n3A_137 : vector<8xi32> to vector<1x8xi32>
      %swap3A_139 = arith.index_cast %while3A_61 : i32 to index
      %swap3A_140 = arith.constant 0 : index
      %swap3A_141 = vector.load %arg3[%swap3A_139, %swap3A_140] : memref<1251x8xi32, #tpu.memory_space<vmem>>, vector<1x8xi32>
      tpu.vector_store %arg3[%swap3A_139, %swap3A_140], %broadcast_in_dim3A_138 {strides = array<i32>} : memref<1251x8xi32, #tpu.memory_space<vmem>>, vector<1x8xi32>,
      %broadcast_in_dim3A_142 = vector.shape_cast %lt3A_134 : vector<8xi1> to vector<8x1xi1>
      %get3A_143 = arith.constant 0 : index
      %get3A_144 = arith.constant 0 : index
      %get3A_145 = vector.load %arg5[%get3A_143, %get3A_144] : memref<8x5120xf32, #tpu.memory_space<vmem>>, vector<8x5120xf32>
      %broadcast_in_dim3A_146 = vector.shape_cast %broadcast_in_dim3A_142 : vector<8x1xi1> to vector<8x1xi1>
      %broadcast_in_dim3A_147 = vector.broadcast %broadcast_in_dim3A_146 : vector<8x1xi1> to vector<8x5120xi1>
      %select_n3A_148 = arith.select %broadcast_in_dim3A_147, %min3A_119, %get3A_145 : vector<8x5120xi1>, vector<8x5120xf32>
      %swap3A_149 = arith.constant 0 : index
      %swap3A_150 = arith.constant 0 : index
      %swap3A_151 = vector.load %arg5[%swap3A_149, %swap3A_150] : memref<8x5120xf32, #tpu.memory_space<vmem>>, vector<8x5120xf32>
      tpu.vector_store %arg5[%swap3A_149, %swap3A_150], %select_n3A_148 {strides = array<i32>} : memref<8x5120xf32, #tpu.memory_space<vmem>>, vector<8x5120xf32>,
      %broadcast_in_dim3A_152 = vector.shape_cast %lt3A_134 : vector<8xi1> to vector<8x1xi1>
      %iota3A_153 = tpu.iota {dimensions = array<i32: 1>} : vector<8x5120xi32>
      %broadcast_in_dim3A_154 = vector.shape_cast %min3A_133 : vector<8xi32> to vector<8x1xi32>
      %eq3A_155 = vector.broadcast %broadcast_in_dim3A_154 : vector<8x1xi32> to vector<8x5120xi32>
      %eq3A_156 = arith.cmpi eq, %iota3A_153, %eq3A_155 : vector<8x5120xi32>
      %convert_element_type3A_157 = arith.extui %eq3A_156 : vector<8x5120xi1> to vector<8x5120xi32>
      %convert_element_type3A_158 = arith.sitofp %convert_element_type3A_157 : vector<8x5120xi32> to vector<8x5120xf32>
      %dot_general3A_159 = arith.constant dense<0.000000e+00> : vector<8x6xf32>
      %dot_general3A_160 = tpu.matmul %convert_element_type3A_158, %get3A_1, %dot_general3A_159 {dimension_numbers = #tpu.dot_dimension_numbers<[1], [0], [0], [1], [0, 0, 1, 1], [], []>, precision = #tpu.contract_precision<fp32>, transpose_lhs_hint = false} : vector<8x5120xf32>, vector<5120x6xf32>, vector<8x6xf32> -> vector<8x6xf32>
      %broadcast_in_dim3A_161 = vector.shape_cast %broadcast_in_dim3A_152 : vector<8x1xi1> to vector<8x1xi1>
      %broadcast_in_dim3A_162 = vector.broadcast %broadcast_in_dim3A_161 : vector<8x1xi1> to vector<8x6xi1>
      %select_n3A_163 = arith.select %broadcast_in_dim3A_162, %dot_general3A_160, %while3A_62 : vector<8x6xi1>, vector<8x6xf32>
      scf.yield %select_n3A_163 : vector<8x6xf32>
    }
    %while3A_59 = arith.constant 1 : i32
    %while3A_60 = scf.for %while3A_61 = %while3A_56 to %while3A_52 step %while3A_59 iter_args(%while3A_62 = %while3A_58) -> (vector<8x6xf32>)  : i32 {
      %broadcast_in_dim3A_63 = arith.constant 0.000000e+00 : f32
      %broadcast_in_dim3A_64 = vector.broadcast %broadcast_in_dim3A_63 : f32 to vector<8x5120xf32>
      %get3A_65 = arith.constant 0 : index
      %get3A_66 = arith.constant 0 : index
      %get3A_67 = vector.load %arg1[%get3A_65, %get3A_66] : memref<6x5120xf32, #tpu.memory_space<vmem>>, vector<1x5120xf32>
      %slice3A = vector.extract_strided_slice %while3A_62 {offsets = [0, 0], sizes = [8, 1], strides = [1, 1]} : vector<8x6xf32> to vector<8x1xf32>
      %sub3A = vector.broadcast %get3A_67 : vector<1x5120xf32> to vector<8x5120xf32>
      %sub3A_68 = vector.broadcast %slice3A : vector<8x1xf32> to vector<8x5120xf32>
      %sub3A_69 = arith.subf %sub3A, %sub3A_68 : vector<8x5120xf32>
      %mul3A_70 = arith.mulf %sub3A_69, %sub3A_69 : vector<8x5120xf32>
      %add3A = arith.addf %broadcast_in_dim3A_64, %mul3A_70 : vector<8x5120xf32>
      %get3A_71 = arith.constant 1 : index
      %get3A_72 = arith.constant 0 : index
      %get3A_73 = vector.load %arg1[%get3A_71, %get3A_72] : memref<6x5120xf32, #tpu.memory_space<vmem>>, vector<1x5120xf32>
      %slice3A_74 = vector.extract_strided_slice %while3A_62 {offsets = [0, 1], sizes = [8, 1], strides = [1, 1]} : vector<8x6xf32> to vector<8x1xf32>
      %sub3A_75 = vector.broadcast %get3A_73 : vector<1x5120xf32> to vector<8x5120xf32>
      %sub3A_76 = vector.broadcast %slice3A_74 : vector<8x1xf32> to vector<8x5120xf32>
      %sub3A_77 = arith.subf %sub3A_75, %sub3A_76 : vector<8x5120xf32>
      %mul3A_78 = arith.mulf %sub3A_77, %sub3A_77 : vector<8x5120xf32>
      %add3A_79 = arith.addf %add3A, %mul3A_78 : vector<8x5120xf32>
      %get3A_80 = arith.constant 2 : index
      %get3A_81 = arith.constant 0 : index
      %get3A_82 = vector.load %arg1[%get3A_80, %get3A_81] : memref<6x5120xf32, #tpu.memory_space<vmem>>, vector<1x5120xf32>
      %slice3A_83 = vector.extract_strided_slice %while3A_62 {offsets = [0, 2], sizes = [8, 1], strides = [1, 1]} : vector<8x6xf32> to vector<8x1xf32>
      %sub3A_84 = vector.broadcast %get3A_82 : vector<1x5120xf32> to vector<8x5120xf32>
      %sub3A_85 = vector.broadcast %slice3A_83 : vector<8x1xf32> to vector<8x5120xf32>
      %sub3A_86 = arith.subf %sub3A_84, %sub3A_85 : vector<8x5120xf32>
      %mul3A_87 = arith.mulf %sub3A_86, %sub3A_86 : vector<8x5120xf32>
      %add3A_88 = arith.addf %add3A_79, %mul3A_87 : vector<8x5120xf32>
      %get3A_89 = arith.constant 3 : index
      %get3A_90 = arith.constant 0 : index
      %get3A_91 = vector.load %arg1[%get3A_89, %get3A_90] : memref<6x5120xf32, #tpu.memory_space<vmem>>, vector<1x5120xf32>
      %slice3A_92 = vector.extract_strided_slice %while3A_62 {offsets = [0, 3], sizes = [8, 1], strides = [1, 1]} : vector<8x6xf32> to vector<8x1xf32>
      %sub3A_93 = vector.broadcast %get3A_91 : vector<1x5120xf32> to vector<8x5120xf32>
      %sub3A_94 = vector.broadcast %slice3A_92 : vector<8x1xf32> to vector<8x5120xf32>
      %sub3A_95 = arith.subf %sub3A_93, %sub3A_94 : vector<8x5120xf32>
      %mul3A_96 = arith.mulf %sub3A_95, %sub3A_95 : vector<8x5120xf32>
      %add3A_97 = arith.addf %add3A_88, %mul3A_96 : vector<8x5120xf32>
      %get3A_98 = arith.constant 4 : index
      %get3A_99 = arith.constant 0 : index
      %get3A_100 = vector.load %arg1[%get3A_98, %get3A_99] : memref<6x5120xf32, #tpu.memory_space<vmem>>, vector<1x5120xf32>
      %slice3A_101 = vector.extract_strided_slice %while3A_62 {offsets = [0, 4], sizes = [8, 1], strides = [1, 1]} : vector<8x6xf32> to vector<8x1xf32>
      %sub3A_102 = vector.broadcast %get3A_100 : vector<1x5120xf32> to vector<8x5120xf32>
      %sub3A_103 = vector.broadcast %slice3A_101 : vector<8x1xf32> to vector<8x5120xf32>
      %sub3A_104 = arith.subf %sub3A_102, %sub3A_103 : vector<8x5120xf32>
      %mul3A_105 = arith.mulf %sub3A_104, %sub3A_104 : vector<8x5120xf32>
      %add3A_106 = arith.addf %add3A_97, %mul3A_105 : vector<8x5120xf32>
      %get3A_107 = arith.constant 5 : index
      %get3A_108 = arith.constant 0 : index
      %get3A_109 = vector.load %arg1[%get3A_107, %get3A_108] : memref<6x5120xf32, #tpu.memory_space<vmem>>, vector<1x5120xf32>
      %slice3A_110 = vector.extract_strided_slice %while3A_62 {offsets = [0, 5], sizes = [8, 1], strides = [1, 1]} : vector<8x6xf32> to vector<8x1xf32>
      %sub3A_111 = vector.broadcast %get3A_109 : vector<1x5120xf32> to vector<8x5120xf32>
      %sub3A_112 = vector.broadcast %slice3A_110 : vector<8x1xf32> to vector<8x5120xf32>
      %sub3A_113 = arith.subf %sub3A_111, %sub3A_112 : vector<8x5120xf32>
      %mul3A_114 = arith.mulf %sub3A_113, %sub3A_113 : vector<8x5120xf32>
      %add3A_115 = arith.addf %add3A_106, %mul3A_114 : vector<8x5120xf32>
      %get3A_116 = arith.constant 0 : index
      %get3A_117 = arith.constant 0 : index
      %get3A_118 = vector.load %arg5[%get3A_116, %get3A_117] : memref<8x5120xf32, #tpu.memory_space<vmem>>, vector<8x5120xf32>
      %min3A_119 = arith.minimumf %get3A_118, %add3A_115 : vector<8x5120xf32>
      %reduce_max3A_120 = arith.constant dense<0xFF800000> : vector<8xf32>
      %reduce_max3A_121 = vector.multi_reduction <maximumf>, %min3A_119, %reduce_max3A_120 [1] : vector<8x5120xf32> to vector<8xf32>
      %broadcast_in_dim3A_122 = vector.shape_cast %reduce_max3A_121 : vector<8xf32> to vector<8x1xf32>
      %eq3A_123 = vector.broadcast %broadcast_in_dim3A_122 : vector<8x1xf32> to vector<8x5120xf32>
      %eq3A_124 = arith.cmpf oeq, %min3A_119, %eq3A_123 : vector<8x5120xf32>
      %iota3A_125 = tpu.iota {dimensions = array<i32: 1>} : vector<8x5120xi32>
      %jit3A_126 = arith.constant 5120 : i32
      %broadcast_in_dim3A_127 = vector.broadcast %jit3A_126 : i32 to vector<8x5120xi32>
      %select_n3A_128 = arith.select %eq3A_124, %iota3A_125, %broadcast_in_dim3A_127 : vector<8x5120xi1>, vector<8x5120xi32>
      %reduce_min3A_129 = arith.constant dense<2147483647> : vector<8xi32>
      %reduce_min3A_130 = vector.multi_reduction <minsi>, %select_n3A_128, %reduce_min3A_129 [1] : vector<8x5120xi32> to vector<8xi32>
      %min3A_131 = arith.constant 5119 : i32
      %min3A_132 = vector.broadcast %min3A_131 : i32 to vector<8xi32>
      %min3A_133 = arith.minsi %reduce_min3A_130, %min3A_132 : vector<8xi32>
      %lt3A = vector.broadcast %while3A_61 : i32 to vector<8xi32>
      %lt3A_134 = arith.cmpi slt, %lt3A, %select_n3A : vector<8xi32>
      %jit3A_135 = arith.constant 0 : i32
      %broadcast_in_dim3A_136 = vector.broadcast %jit3A_135 : i32 to vector<8xi32>
      %select_n3A_137 = arith.select %lt3A_134, %min3A_133, %broadcast_in_dim3A_136 : vector<8xi1>, vector<8xi32>
      %broadcast_in_dim3A_138 = vector.shape_cast %select_n3A_137 : vector<8xi32> to vector<1x8xi32>
      %swap3A_139 = arith.index_cast %while3A_61 : i32 to index
      %swap3A_140 = arith.constant 0 : index
      %swap3A_141 = vector.load %arg3[%swap3A_139, %swap3A_140] : memref<1251x8xi32, #tpu.memory_space<vmem>>, vector<1x8xi32>
      tpu.vector_store %arg3[%swap3A_139, %swap3A_140], %broadcast_in_dim3A_138 {strides = array<i32>} : memref<1251x8xi32, #tpu.memory_space<vmem>>, vector<1x8xi32>,
      %broadcast_in_dim3A_142 = vector.shape_cast %lt3A_134 : vector<8xi1> to vector<8x1xi1>
      %get3A_143 = arith.constant 0 : index
      %get3A_144 = arith.constant 0 : index
      %get3A_145 = vector.load %arg5[%get3A_143, %get3A_144] : memref<8x5120xf32, #tpu.memory_space<vmem>>, vector<8x5120xf32>
      %broadcast_in_dim3A_146 = vector.shape_cast %broadcast_in_dim3A_142 : vector<8x1xi1> to vector<8x1xi1>
      %broadcast_in_dim3A_147 = vector.broadcast %broadcast_in_dim3A_146 : vector<8x1xi1> to vector<8x5120xi1>
      %select_n3A_148 = arith.select %broadcast_in_dim3A_147, %min3A_119, %get3A_145 : vector<8x5120xi1>, vector<8x5120xf32>
      %swap3A_149 = arith.constant 0 : index
      %swap3A_150 = arith.constant 0 : index
      %swap3A_151 = vector.load %arg5[%swap3A_149, %swap3A_150] : memref<8x5120xf32, #tpu.memory_space<vmem>>, vector<8x5120xf32>
      tpu.vector_store %arg5[%swap3A_149, %swap3A_150], %select_n3A_148 {strides = array<i32>} : memref<8x5120xf32, #tpu.memory_space<vmem>>, vector<8x5120xf32>,
      %broadcast_in_dim3A_152 = vector.shape_cast %lt3A_134 : vector<8xi1> to vector<8x1xi1>
      %iota3A_153 = tpu.iota {dimensions = array<i32: 1>} : vector<8x5120xi32>
      %broadcast_in_dim3A_154 = vector.shape_cast %min3A_133 : vector<8xi32> to vector<8x1xi32>
      %eq3A_155 = vector.broadcast %broadcast_in_dim3A_154 : vector<8x1xi32> to vector<8x5120xi32>
      %eq3A_156 = arith.cmpi eq, %iota3A_153, %eq3A_155 : vector<8x5120xi32>
      %convert_element_type3A_157 = arith.extui %eq3A_156 : vector<8x5120xi1> to vector<8x5120xi32>
      %convert_element_type3A_158 = arith.sitofp %convert_element_type3A_157 : vector<8x5120xi32> to vector<8x5120xf32>
      %dot_general3A_159 = arith.constant dense<0.000000e+00> : vector<8x6xf32>
      %dot_general3A_160 = tpu.matmul %convert_element_type3A_158, %get3A_1, %dot_general3A_159 {dimension_numbers = #tpu.dot_dimension_numbers<[1], [0], [0], [1], [0, 0, 1, 1], [], []>, precision = #tpu.contract_precision<fp32>, transpose_lhs_hint = false} : vector<8x5120xf32>, vector<5120x6xf32>, vector<8x6xf32> -> vector<8x6xf32>
      %broadcast_in_dim3A_161 = vector.shape_cast %broadcast_in_dim3A_152 : vector<8x1xi1> to vector<8x1xi1>
      %broadcast_in_dim3A_162 = vector.broadcast %broadcast_in_dim3A_161 : vector<8x1xi1> to vector<8x6xi1>
      %select_n3A_163 = arith.select %broadcast_in_dim3A_162, %dot_general3A_160, %while3A_62 : vector<8x6xi1>, vector<8x6xf32>
      scf.yield %select_n3A_163 : vector<8x6xf32>
    }
    return
  }
}

module attributes {stable_mosaic.version = 14 : i64} {
  func.func @_mlp_body(%arg0: i32, %arg1: memref<1280x16xf32, #tpu.memory_space<vmem>>, %arg2: memref<1280x16xf32, #tpu.memory_space<vmem>>, %arg3: memref<6x64xf32, #tpu.memory_space<vmem>>, %arg4: memref<64xf32, #tpu.memory_space<vmem>>, %arg5: memref<64xf32, #tpu.memory_space<vmem>>, %arg6: memref<64xf32, #tpu.memory_space<vmem>>, %arg7: memref<64x64xf32, #tpu.memory_space<vmem>>, %arg8: memref<64xf32, #tpu.memory_space<vmem>>, %arg9: memref<64xf32, #tpu.memory_space<vmem>>, %arg10: memref<64xf32, #tpu.memory_space<vmem>>, %arg11: memref<64x128xf32, #tpu.memory_space<vmem>>, %arg12: memref<128xf32, #tpu.memory_space<vmem>>, %arg13: memref<1280x128xf32, #tpu.memory_space<vmem>>) attributes {dimension_semantics = [#tpu.dimension_semantics<arbitrary>], iteration_bounds = array<i64: 256>, scalar_prefetch = 0 : i64, scratch_operands = 0 : i64, tpu.core_type = #tpu.core_type<tc>, window_params = [{transform_indices = @transform_0, window_bounds = array<i64: 1280, 16>}, {transform_indices = @transform_1, window_bounds = array<i64: 1280, 16>}, {pipeline_mode = #tpu.pipeline_mode<synchronous>, transform_indices = @transform_2, window_bounds = array<i64: 6, 64>}, {pipeline_mode = #tpu.pipeline_mode<synchronous>, transform_indices = @transform_3, window_bounds = array<i64: 64>}, {pipeline_mode = #tpu.pipeline_mode<synchronous>, transform_indices = @transform_4, window_bounds = array<i64: 64>}, {pipeline_mode = #tpu.pipeline_mode<synchronous>, transform_indices = @transform_5, window_bounds = array<i64: 64>}, {pipeline_mode = #tpu.pipeline_mode<synchronous>, transform_indices = @transform_6, window_bounds = array<i64: 64, 64>}, {pipeline_mode = #tpu.pipeline_mode<synchronous>, transform_indices = @transform_7, window_bounds = array<i64: 64>}, {pipeline_mode = #tpu.pipeline_mode<synchronous>, transform_indices = @transform_8, window_bounds = array<i64: 64>}, {pipeline_mode = #tpu.pipeline_mode<synchronous>, transform_indices = @transform_9, window_bounds = array<i64: 64>}, {pipeline_mode = #tpu.pipeline_mode<synchronous>, transform_indices = @transform_10, window_bounds = array<i64: 64, 128>}, {pipeline_mode = #tpu.pipeline_mode<synchronous>, transform_indices = @transform_11, window_bounds = array<i64: 128>}, {transform_indices = @transform_12, window_bounds = array<i64: 1280, 128>}]} {
    %get3A = arith.constant 0 : index
    %get3A_0 = arith.constant 0 : index
    %get3A_1 = vector.load %arg1[%get3A, %get3A_0] : memref<1280x16xf32, #tpu.memory_space<vmem>>, vector<1280x16xf32>
    %get3A_2 = arith.constant 0 : index
    %get3A_3 = arith.constant 0 : index
    %get3A_4 = vector.load %arg2[%get3A_2, %get3A_3] : memref<1280x16xf32, #tpu.memory_space<vmem>>, vector<1280x16xf32>
    %slice3A = vector.extract_strided_slice %get3A_4 {offsets = [0, 0], sizes = [1280, 6], strides = [1, 1]} : vector<1280x16xf32> to vector<1280x6xf32>
    %get3A_5 = arith.constant 0 : index
    %get3A_6 = arith.constant 0 : index
    %get3A_7 = vector.load %arg3[%get3A_5, %get3A_6] : memref<6x64xf32, #tpu.memory_space<vmem>>, vector<6x64xf32>
    %slice3A_8 = vector.extract_strided_slice %get3A_1 {offsets = [0, 0], sizes = [1280, 6], strides = [1, 1]} : vector<1280x16xf32> to vector<1280x6xf32>
    %sub3A = arith.subf %slice3A_8, %slice3A : vector<1280x6xf32>
    %dot_general3A = arith.constant dense<0.000000e+00> : vector<1280x64xf32>
    %dot_general3A_9 = tpu.matmul %sub3A, %get3A_7, %dot_general3A {dimension_numbers = #tpu.dot_dimension_numbers<[1], [0], [0], [1], [0, 0, 1, 1], [], []>, precision = #tpu.contract_precision<fp32>, transpose_lhs_hint = false} : vector<1280x6xf32>, vector<6x64xf32>, vector<1280x64xf32> -> vector<1280x64xf32>
    %get3A_10 = arith.constant 0 : index
    %get3A_11 = vector.load %arg4[%get3A_10] : memref<64xf32, #tpu.memory_space<vmem>>, vector<64xf32>
    %broadcast_in_dim3A = vector.shape_cast %get3A_11 : vector<64xf32> to vector<1x64xf32>
    %add3A = vector.broadcast %broadcast_in_dim3A : vector<1x64xf32> to vector<1280x64xf32>
    %add3A_12 = arith.addf %dot_general3A_9, %add3A : vector<1280x64xf32>
    %get3A_13 = arith.constant 0 : index
    %get3A_14 = vector.load %arg5[%get3A_13] : memref<64xf32, #tpu.memory_space<vmem>>, vector<64xf32>
    %get3A_15 = arith.constant 0 : index
    %get3A_16 = vector.load %arg6[%get3A_15] : memref<64xf32, #tpu.memory_space<vmem>>, vector<64xf32>
    %broadcast_in_dim3A_17 = vector.shape_cast %get3A_14 : vector<64xf32> to vector<1x64xf32>
    %mul3A = vector.broadcast %broadcast_in_dim3A_17 : vector<1x64xf32> to vector<1280x64xf32>
    %mul3A_18 = arith.mulf %mul3A, %add3A_12 : vector<1280x64xf32>
    %sqrt3A = arith.constant 1.000010e+00 : f32
    %sqrt3A_19 = math.sqrt %sqrt3A : f32
    %div3A = vector.broadcast %sqrt3A_19 : f32 to vector<1280x64xf32>
    %div3A_20 = arith.divf %mul3A_18, %div3A : vector<1280x64xf32>
    %broadcast_in_dim3A_21 = vector.shape_cast %get3A_16 : vector<64xf32> to vector<1x64xf32>
    %add3A_22 = vector.broadcast %broadcast_in_dim3A_21 : vector<1x64xf32> to vector<1280x64xf32>
    %add3A_23 = arith.addf %div3A_20, %add3A_22 : vector<1280x64xf32>
    %max3A = arith.constant 0.000000e+00 : f32
    %max3A_24 = vector.broadcast %max3A : f32 to vector<1280x64xf32>
    %max3A_25 = arith.maximumf %add3A_23, %max3A_24 : vector<1280x64xf32>
    %get3A_26 = arith.constant 0 : index
    %get3A_27 = arith.constant 0 : index
    %get3A_28 = vector.load %arg7[%get3A_26, %get3A_27] : memref<64x64xf32, #tpu.memory_space<vmem>>, vector<64x64xf32>
    %dot_general3A_29 = arith.constant dense<0.000000e+00> : vector<1280x64xf32>
    %dot_general3A_30 = tpu.matmul %max3A_25, %get3A_28, %dot_general3A_29 {dimension_numbers = #tpu.dot_dimension_numbers<[1], [0], [0], [1], [0, 0, 1, 1], [], []>, precision = #tpu.contract_precision<fp32>, transpose_lhs_hint = false} : vector<1280x64xf32>, vector<64x64xf32>, vector<1280x64xf32> -> vector<1280x64xf32>
    %get3A_31 = arith.constant 0 : index
    %get3A_32 = vector.load %arg8[%get3A_31] : memref<64xf32, #tpu.memory_space<vmem>>, vector<64xf32>
    %broadcast_in_dim3A_33 = vector.shape_cast %get3A_32 : vector<64xf32> to vector<1x64xf32>
    %add3A_34 = vector.broadcast %broadcast_in_dim3A_33 : vector<1x64xf32> to vector<1280x64xf32>
    %add3A_35 = arith.addf %dot_general3A_30, %add3A_34 : vector<1280x64xf32>
    %get3A_36 = arith.constant 0 : index
    %get3A_37 = vector.load %arg9[%get3A_36] : memref<64xf32, #tpu.memory_space<vmem>>, vector<64xf32>
    %get3A_38 = arith.constant 0 : index
    %get3A_39 = vector.load %arg10[%get3A_38] : memref<64xf32, #tpu.memory_space<vmem>>, vector<64xf32>
    %broadcast_in_dim3A_40 = vector.shape_cast %get3A_37 : vector<64xf32> to vector<1x64xf32>
    %mul3A_41 = vector.broadcast %broadcast_in_dim3A_40 : vector<1x64xf32> to vector<1280x64xf32>
    %mul3A_42 = arith.mulf %mul3A_41, %add3A_35 : vector<1280x64xf32>
    %sqrt3A_43 = arith.constant 1.000010e+00 : f32
    %sqrt3A_44 = math.sqrt %sqrt3A_43 : f32
    %div3A_45 = vector.broadcast %sqrt3A_44 : f32 to vector<1280x64xf32>
    %div3A_46 = arith.divf %mul3A_42, %div3A_45 : vector<1280x64xf32>
    %broadcast_in_dim3A_47 = vector.shape_cast %get3A_39 : vector<64xf32> to vector<1x64xf32>
    %add3A_48 = vector.broadcast %broadcast_in_dim3A_47 : vector<1x64xf32> to vector<1280x64xf32>
    %add3A_49 = arith.addf %div3A_46, %add3A_48 : vector<1280x64xf32>
    %max3A_50 = arith.constant 0.000000e+00 : f32
    %max3A_51 = vector.broadcast %max3A_50 : f32 to vector<1280x64xf32>
    %max3A_52 = arith.maximumf %add3A_49, %max3A_51 : vector<1280x64xf32>
    %get3A_53 = arith.constant 0 : index
    %get3A_54 = arith.constant 0 : index
    %get3A_55 = vector.load %arg11[%get3A_53, %get3A_54] : memref<64x128xf32, #tpu.memory_space<vmem>>, vector<64x128xf32>
    %dot_general3A_56 = arith.constant dense<0.000000e+00> : vector<1280x128xf32>
    %dot_general3A_57 = tpu.matmul %max3A_52, %get3A_55, %dot_general3A_56 {dimension_numbers = #tpu.dot_dimension_numbers<[1], [0], [0], [1], [0, 0, 1, 1], [], []>, precision = #tpu.contract_precision<fp32>, transpose_lhs_hint = false} : vector<1280x64xf32>, vector<64x128xf32>, vector<1280x128xf32> -> vector<1280x128xf32>
    %get3A_58 = arith.constant 0 : index
    %get3A_59 = vector.load %arg12[%get3A_58] : memref<128xf32, #tpu.memory_space<vmem>>, vector<128xf32>
    %broadcast_in_dim3A_60 = vector.shape_cast %get3A_59 : vector<128xf32> to vector<1x128xf32>
    %add3A_61 = vector.broadcast %broadcast_in_dim3A_60 : vector<1x128xf32> to vector<1280x128xf32>
    %add3A_62 = arith.addf %dot_general3A_57, %add3A_61 : vector<1280x128xf32>
    %swap3A = arith.constant 0 : index
    %swap3A_63 = arith.constant 0 : index
    %swap3A_64 = vector.load %arg13[%swap3A, %swap3A_63] : memref<1280x128xf32, #tpu.memory_space<vmem>>, vector<1280x128xf32>
    tpu.vector_store %arg13[%swap3A, %swap3A_63], %add3A_62 {strides = array<i32>} : memref<1280x128xf32, #tpu.memory_space<vmem>>, vector<1280x128xf32>,
    return
  }
  func.func @transform_0(%arg0: i32) -> (i32, i32) {
    %c0_i32 = arith.constant 0 : i32
    %c0_i32_0 = arith.constant 0 : i32
    return %arg0, %c0_i32 : i32, i32
  }
  func.func @transform_1(%arg0: i32) -> (i32, i32) {
    %jit3A = arith.constant 4 : i32
    %eq3A = arith.constant 0 : i32
    %eq3A_0 = arith.cmpi eq, %jit3A, %eq3A : i32
    %jit3A_1 = arith.constant 1 : i32
    %select_n3A = arith.select %eq3A_0, %jit3A_1, %jit3A : i32
    %rem3A = arith.remsi %arg0, %select_n3A : i32
    %ne3A = arith.constant 0 : i32
    %ne3A_2 = arith.cmpi ne, %rem3A, %ne3A : i32
    %lt3A = arith.constant 0 : i32
    %lt3A_3 = arith.cmpi slt, %rem3A, %lt3A : i32
    %lt3A_4 = arith.constant 0 : i32
    %lt3A_5 = arith.cmpi slt, %select_n3A, %lt3A_4 : i32
    %ne3A_6 = arith.xori %lt3A_3, %lt3A_5 : i1
    %and3A = arith.andi %ne3A_6, %ne3A_2 : i1
    %add3A = arith.addi %rem3A, %select_n3A : i32
    %select_n3A_7 = arith.select %and3A, %add3A, %rem3A : i32
    %c0_i32 = arith.constant 0 : i32
    %c0_i32_8 = arith.constant 0 : i32
    return %select_n3A_7, %c0_i32 : i32, i32
  }
  func.func @transform_2(%arg0: i32) -> (i32, i32) {
    %c0_i32 = arith.constant 0 : i32
    %c0_i32_0 = arith.constant 0 : i32
    %c0_i32_1 = arith.constant 0 : i32
    return %c0_i32, %c0_i32_0 : i32, i32
  }
  func.func @transform_3(%arg0: i32) -> i32 {
    %c0_i32 = arith.constant 0 : i32
    %c0_i32_0 = arith.constant 0 : i32
    return %c0_i32 : i32
  }
  func.func @transform_4(%arg0: i32) -> i32 {
    %c0_i32 = arith.constant 0 : i32
    %c0_i32_0 = arith.constant 0 : i32
    return %c0_i32 : i32
  }
  func.func @transform_5(%arg0: i32) -> i32 {
    %c0_i32 = arith.constant 0 : i32
    %c0_i32_0 = arith.constant 0 : i32
    return %c0_i32 : i32
  }
  func.func @transform_6(%arg0: i32) -> (i32, i32) {
    %c0_i32 = arith.constant 0 : i32
    %c0_i32_0 = arith.constant 0 : i32
    %c0_i32_1 = arith.constant 0 : i32
    return %c0_i32, %c0_i32_0 : i32, i32
  }
  func.func @transform_7(%arg0: i32) -> i32 {
    %c0_i32 = arith.constant 0 : i32
    %c0_i32_0 = arith.constant 0 : i32
    return %c0_i32 : i32
  }
  func.func @transform_8(%arg0: i32) -> i32 {
    %c0_i32 = arith.constant 0 : i32
    %c0_i32_0 = arith.constant 0 : i32
    return %c0_i32 : i32
  }
  func.func @transform_9(%arg0: i32) -> i32 {
    %c0_i32 = arith.constant 0 : i32
    %c0_i32_0 = arith.constant 0 : i32
    return %c0_i32 : i32
  }
  func.func @transform_10(%arg0: i32) -> (i32, i32) {
    %c0_i32 = arith.constant 0 : i32
    %c0_i32_0 = arith.constant 0 : i32
    %c0_i32_1 = arith.constant 0 : i32
    return %c0_i32, %c0_i32_0 : i32, i32
  }
  func.func @transform_11(%arg0: i32) -> i32 {
    %c0_i32 = arith.constant 0 : i32
    %c0_i32_0 = arith.constant 0 : i32
    return %c0_i32 : i32
  }
  func.func @transform_12(%arg0: i32) -> (i32, i32) {
    %c0_i32 = arith.constant 0 : i32
    %c0_i32_0 = arith.constant 0 : i32
    return %arg0, %c0_i32 : i32, i32
  }
}

module attributes {stable_mosaic.version = 14 : i64} {
  func.func @_groupmax_body(%arg0: i32, %arg1: memref<64x64x128xf32, #tpu.memory_space<vmem>>, %arg2: memref<64x1xi32, #tpu.memory_space<vmem>>, %arg3: memref<64x128xf32, #tpu.memory_space<vmem>>) attributes {dimension_semantics = [#tpu.dimension_semantics<arbitrary>], iteration_bounds = array<i64: 80>, scalar_prefetch = 0 : i64, scratch_operands = 0 : i64, tpu.core_type = #tpu.core_type<tc>, window_params = [{transform_indices = @transform_0, window_bounds = array<i64: 64, 64, 128>}, {transform_indices = @transform_1, window_bounds = array<i64: 64, 1>}, {transform_indices = @transform_2, window_bounds = array<i64: 64, 128>}]} {
    %get3A = arith.constant 0 : index
    %get3A_0 = arith.constant 0 : index
    %get3A_1 = vector.load %arg2[%get3A, %get3A_0] : memref<64x1xi32, #tpu.memory_space<vmem>>, vector<64x1xi32>
    %broadcast_in_dim3A = arith.constant 0xFF800000 : f32
    %broadcast_in_dim3A_2 = vector.broadcast %broadcast_in_dim3A : f32 to vector<64x128xf32>
    %gt3A = arith.constant 0 : i32
    %gt3A_3 = vector.broadcast %gt3A : i32 to vector<64x1xi32>
    %gt3A_4 = arith.cmpi sgt, %get3A_1, %gt3A_3 : vector<64x1xi32>
    %get3A_5 = arith.constant 0 : index
    %get3A_6 = arith.constant 0 : index
    %get3A_7 = arith.constant 0 : index
    %get3A_8 = vector.load %arg1[%get3A_5, %get3A_6, %get3A_7] : memref<64x64x128xf32, #tpu.memory_space<vmem>>, vector<1x64x128xf32>
    %get3A_9 = vector.shape_cast %get3A_8 : vector<1x64x128xf32> to vector<64x128xf32>
    %jit3A = arith.constant 0xFF800000 : f32
    %broadcast_in_dim3A_10 = vector.shape_cast %gt3A_4 : vector<64x1xi1> to vector<64x1xi1>
    %broadcast_in_dim3A_11 = vector.broadcast %broadcast_in_dim3A_10 : vector<64x1xi1> to vector<64x128xi1>
    %broadcast_in_dim3A_12 = vector.broadcast %jit3A : f32 to vector<64x128xf32>
    %select_n3A = arith.select %broadcast_in_dim3A_11, %get3A_9, %broadcast_in_dim3A_12 : vector<64x128xi1>, vector<64x128xf32>
    %max3A = arith.maximumf %broadcast_in_dim3A_2, %select_n3A : vector<64x128xf32>
    %gt3A_13 = arith.constant 1 : i32
    %gt3A_14 = vector.broadcast %gt3A_13 : i32 to vector<64x1xi32>
    %gt3A_15 = arith.cmpi sgt, %get3A_1, %gt3A_14 : vector<64x1xi32>
    %get3A_16 = arith.constant 1 : index
    %get3A_17 = arith.constant 0 : index
    %get3A_18 = arith.constant 0 : index
    %get3A_19 = vector.load %arg1[%get3A_16, %get3A_17, %get3A_18] : memref<64x64x128xf32, #tpu.memory_space<vmem>>, vector<1x64x128xf32>
    %get3A_20 = vector.shape_cast %get3A_19 : vector<1x64x128xf32> to vector<64x128xf32>
    %jit3A_21 = arith.constant 0xFF800000 : f32
    %broadcast_in_dim3A_22 = vector.shape_cast %gt3A_15 : vector<64x1xi1> to vector<64x1xi1>
    %broadcast_in_dim3A_23 = vector.broadcast %broadcast_in_dim3A_22 : vector<64x1xi1> to vector<64x128xi1>
    %broadcast_in_dim3A_24 = vector.broadcast %jit3A_21 : f32 to vector<64x128xf32>
    %select_n3A_25 = arith.select %broadcast_in_dim3A_23, %get3A_20, %broadcast_in_dim3A_24 : vector<64x128xi1>, vector<64x128xf32>
    %max3A_26 = arith.maximumf %max3A, %select_n3A_25 : vector<64x128xf32>
    %gt3A_27 = arith.constant 2 : i32
    %gt3A_28 = vector.broadcast %gt3A_27 : i32 to vector<64x1xi32>
    %gt3A_29 = arith.cmpi sgt, %get3A_1, %gt3A_28 : vector<64x1xi32>
    %get3A_30 = arith.constant 2 : index
    %get3A_31 = arith.constant 0 : index
    %get3A_32 = arith.constant 0 : index
    %get3A_33 = vector.load %arg1[%get3A_30, %get3A_31, %get3A_32] : memref<64x64x128xf32, #tpu.memory_space<vmem>>, vector<1x64x128xf32>
    %get3A_34 = vector.shape_cast %get3A_33 : vector<1x64x128xf32> to vector<64x128xf32>
    %jit3A_35 = arith.constant 0xFF800000 : f32
    %broadcast_in_dim3A_36 = vector.shape_cast %gt3A_29 : vector<64x1xi1> to vector<64x1xi1>
    %broadcast_in_dim3A_37 = vector.broadcast %broadcast_in_dim3A_36 : vector<64x1xi1> to vector<64x128xi1>
    %broadcast_in_dim3A_38 = vector.broadcast %jit3A_35 : f32 to vector<64x128xf32>
    %select_n3A_39 = arith.select %broadcast_in_dim3A_37, %get3A_34, %broadcast_in_dim3A_38 : vector<64x128xi1>, vector<64x128xf32>
    %max3A_40 = arith.maximumf %max3A_26, %select_n3A_39 : vector<64x128xf32>
    %gt3A_41 = arith.constant 3 : i32
    %gt3A_42 = vector.broadcast %gt3A_41 : i32 to vector<64x1xi32>
    %gt3A_43 = arith.cmpi sgt, %get3A_1, %gt3A_42 : vector<64x1xi32>
    %get3A_44 = arith.constant 3 : index
    %get3A_45 = arith.constant 0 : index
    %get3A_46 = arith.constant 0 : index
    %get3A_47 = vector.load %arg1[%get3A_44, %get3A_45, %get3A_46] : memref<64x64x128xf32, #tpu.memory_space<vmem>>, vector<1x64x128xf32>
    %get3A_48 = vector.shape_cast %get3A_47 : vector<1x64x128xf32> to vector<64x128xf32>
    %jit3A_49 = arith.constant 0xFF800000 : f32
    %broadcast_in_dim3A_50 = vector.shape_cast %gt3A_43 : vector<64x1xi1> to vector<64x1xi1>
    %broadcast_in_dim3A_51 = vector.broadcast %broadcast_in_dim3A_50 : vector<64x1xi1> to vector<64x128xi1>
    %broadcast_in_dim3A_52 = vector.broadcast %jit3A_49 : f32 to vector<64x128xf32>
    %select_n3A_53 = arith.select %broadcast_in_dim3A_51, %get3A_48, %broadcast_in_dim3A_52 : vector<64x128xi1>, vector<64x128xf32>
    %max3A_54 = arith.maximumf %max3A_40, %select_n3A_53 : vector<64x128xf32>
    %gt3A_55 = arith.constant 4 : i32
    %gt3A_56 = vector.broadcast %gt3A_55 : i32 to vector<64x1xi32>
    %gt3A_57 = arith.cmpi sgt, %get3A_1, %gt3A_56 : vector<64x1xi32>
    %get3A_58 = arith.constant 4 : index
    %get3A_59 = arith.constant 0 : index
    %get3A_60 = arith.constant 0 : index
    %get3A_61 = vector.load %arg1[%get3A_58, %get3A_59, %get3A_60] : memref<64x64x128xf32, #tpu.memory_space<vmem>>, vector<1x64x128xf32>
    %get3A_62 = vector.shape_cast %get3A_61 : vector<1x64x128xf32> to vector<64x128xf32>
    %jit3A_63 = arith.constant 0xFF800000 : f32
    %broadcast_in_dim3A_64 = vector.shape_cast %gt3A_57 : vector<64x1xi1> to vector<64x1xi1>
    %broadcast_in_dim3A_65 = vector.broadcast %broadcast_in_dim3A_64 : vector<64x1xi1> to vector<64x128xi1>
    %broadcast_in_dim3A_66 = vector.broadcast %jit3A_63 : f32 to vector<64x128xf32>
    %select_n3A_67 = arith.select %broadcast_in_dim3A_65, %get3A_62, %broadcast_in_dim3A_66 : vector<64x128xi1>, vector<64x128xf32>
    %max3A_68 = arith.maximumf %max3A_54, %select_n3A_67 : vector<64x128xf32>
    %gt3A_69 = arith.constant 5 : i32
    %gt3A_70 = vector.broadcast %gt3A_69 : i32 to vector<64x1xi32>
    %gt3A_71 = arith.cmpi sgt, %get3A_1, %gt3A_70 : vector<64x1xi32>
    %get3A_72 = arith.constant 5 : index
    %get3A_73 = arith.constant 0 : index
    %get3A_74 = arith.constant 0 : index
    %get3A_75 = vector.load %arg1[%get3A_72, %get3A_73, %get3A_74] : memref<64x64x128xf32, #tpu.memory_space<vmem>>, vector<1x64x128xf32>
    %get3A_76 = vector.shape_cast %get3A_75 : vector<1x64x128xf32> to vector<64x128xf32>
    %jit3A_77 = arith.constant 0xFF800000 : f32
    %broadcast_in_dim3A_78 = vector.shape_cast %gt3A_71 : vector<64x1xi1> to vector<64x1xi1>
    %broadcast_in_dim3A_79 = vector.broadcast %broadcast_in_dim3A_78 : vector<64x1xi1> to vector<64x128xi1>
    %broadcast_in_dim3A_80 = vector.broadcast %jit3A_77 : f32 to vector<64x128xf32>
    %select_n3A_81 = arith.select %broadcast_in_dim3A_79, %get3A_76, %broadcast_in_dim3A_80 : vector<64x128xi1>, vector<64x128xf32>
    %max3A_82 = arith.maximumf %max3A_68, %select_n3A_81 : vector<64x128xf32>
    %gt3A_83 = arith.constant 6 : i32
    %gt3A_84 = vector.broadcast %gt3A_83 : i32 to vector<64x1xi32>
    %gt3A_85 = arith.cmpi sgt, %get3A_1, %gt3A_84 : vector<64x1xi32>
    %get3A_86 = arith.constant 6 : index
    %get3A_87 = arith.constant 0 : index
    %get3A_88 = arith.constant 0 : index
    %get3A_89 = vector.load %arg1[%get3A_86, %get3A_87, %get3A_88] : memref<64x64x128xf32, #tpu.memory_space<vmem>>, vector<1x64x128xf32>
    %get3A_90 = vector.shape_cast %get3A_89 : vector<1x64x128xf32> to vector<64x128xf32>
    %jit3A_91 = arith.constant 0xFF800000 : f32
    %broadcast_in_dim3A_92 = vector.shape_cast %gt3A_85 : vector<64x1xi1> to vector<64x1xi1>
    %broadcast_in_dim3A_93 = vector.broadcast %broadcast_in_dim3A_92 : vector<64x1xi1> to vector<64x128xi1>
    %broadcast_in_dim3A_94 = vector.broadcast %jit3A_91 : f32 to vector<64x128xf32>
    %select_n3A_95 = arith.select %broadcast_in_dim3A_93, %get3A_90, %broadcast_in_dim3A_94 : vector<64x128xi1>, vector<64x128xf32>
    %max3A_96 = arith.maximumf %max3A_82, %select_n3A_95 : vector<64x128xf32>
    %gt3A_97 = arith.constant 7 : i32
    %gt3A_98 = vector.broadcast %gt3A_97 : i32 to vector<64x1xi32>
    %gt3A_99 = arith.cmpi sgt, %get3A_1, %gt3A_98 : vector<64x1xi32>
    %get3A_100 = arith.constant 7 : index
    %get3A_101 = arith.constant 0 : index
    %get3A_102 = arith.constant 0 : index
    %get3A_103 = vector.load %arg1[%get3A_100, %get3A_101, %get3A_102] : memref<64x64x128xf32, #tpu.memory_space<vmem>>, vector<1x64x128xf32>
    %get3A_104 = vector.shape_cast %get3A_103 : vector<1x64x128xf32> to vector<64x128xf32>
    %jit3A_105 = arith.constant 0xFF800000 : f32
    %broadcast_in_dim3A_106 = vector.shape_cast %gt3A_99 : vector<64x1xi1> to vector<64x1xi1>
    %broadcast_in_dim3A_107 = vector.broadcast %broadcast_in_dim3A_106 : vector<64x1xi1> to vector<64x128xi1>
    %broadcast_in_dim3A_108 = vector.broadcast %jit3A_105 : f32 to vector<64x128xf32>
    %select_n3A_109 = arith.select %broadcast_in_dim3A_107, %get3A_104, %broadcast_in_dim3A_108 : vector<64x128xi1>, vector<64x128xf32>
    %max3A_110 = arith.maximumf %max3A_96, %select_n3A_109 : vector<64x128xf32>
    %gt3A_111 = arith.constant 8 : i32
    %gt3A_112 = vector.broadcast %gt3A_111 : i32 to vector<64x1xi32>
    %gt3A_113 = arith.cmpi sgt, %get3A_1, %gt3A_112 : vector<64x1xi32>
    %get3A_114 = arith.constant 8 : index
    %get3A_115 = arith.constant 0 : index
    %get3A_116 = arith.constant 0 : index
    %get3A_117 = vector.load %arg1[%get3A_114, %get3A_115, %get3A_116] : memref<64x64x128xf32, #tpu.memory_space<vmem>>, vector<1x64x128xf32>
    %get3A_118 = vector.shape_cast %get3A_117 : vector<1x64x128xf32> to vector<64x128xf32>
    %jit3A_119 = arith.constant 0xFF800000 : f32
    %broadcast_in_dim3A_120 = vector.shape_cast %gt3A_113 : vector<64x1xi1> to vector<64x1xi1>
    %broadcast_in_dim3A_121 = vector.broadcast %broadcast_in_dim3A_120 : vector<64x1xi1> to vector<64x128xi1>
    %broadcast_in_dim3A_122 = vector.broadcast %jit3A_119 : f32 to vector<64x128xf32>
    %select_n3A_123 = arith.select %broadcast_in_dim3A_121, %get3A_118, %broadcast_in_dim3A_122 : vector<64x128xi1>, vector<64x128xf32>
    %max3A_124 = arith.maximumf %max3A_110, %select_n3A_123 : vector<64x128xf32>
    %gt3A_125 = arith.constant 9 : i32
    %gt3A_126 = vector.broadcast %gt3A_125 : i32 to vector<64x1xi32>
    %gt3A_127 = arith.cmpi sgt, %get3A_1, %gt3A_126 : vector<64x1xi32>
    %get3A_128 = arith.constant 9 : index
    %get3A_129 = arith.constant 0 : index
    %get3A_130 = arith.constant 0 : index
    %get3A_131 = vector.load %arg1[%get3A_128, %get3A_129, %get3A_130] : memref<64x64x128xf32, #tpu.memory_space<vmem>>, vector<1x64x128xf32>
    %get3A_132 = vector.shape_cast %get3A_131 : vector<1x64x128xf32> to vector<64x128xf32>
    %jit3A_133 = arith.constant 0xFF800000 : f32
    %broadcast_in_dim3A_134 = vector.shape_cast %gt3A_127 : vector<64x1xi1> to vector<64x1xi1>
    %broadcast_in_dim3A_135 = vector.broadcast %broadcast_in_dim3A_134 : vector<64x1xi1> to vector<64x128xi1>
    %broadcast_in_dim3A_136 = vector.broadcast %jit3A_133 : f32 to vector<64x128xf32>
    %select_n3A_137 = arith.select %broadcast_in_dim3A_135, %get3A_132, %broadcast_in_dim3A_136 : vector<64x128xi1>, vector<64x128xf32>
    %max3A_138 = arith.maximumf %max3A_124, %select_n3A_137 : vector<64x128xf32>
    %gt3A_139 = arith.constant 10 : i32
    %gt3A_140 = vector.broadcast %gt3A_139 : i32 to vector<64x1xi32>
    %gt3A_141 = arith.cmpi sgt, %get3A_1, %gt3A_140 : vector<64x1xi32>
    %get3A_142 = arith.constant 10 : index
    %get3A_143 = arith.constant 0 : index
    %get3A_144 = arith.constant 0 : index
    %get3A_145 = vector.load %arg1[%get3A_142, %get3A_143, %get3A_144] : memref<64x64x128xf32, #tpu.memory_space<vmem>>, vector<1x64x128xf32>
    %get3A_146 = vector.shape_cast %get3A_145 : vector<1x64x128xf32> to vector<64x128xf32>
    %jit3A_147 = arith.constant 0xFF800000 : f32
    %broadcast_in_dim3A_148 = vector.shape_cast %gt3A_141 : vector<64x1xi1> to vector<64x1xi1>
    %broadcast_in_dim3A_149 = vector.broadcast %broadcast_in_dim3A_148 : vector<64x1xi1> to vector<64x128xi1>
    %broadcast_in_dim3A_150 = vector.broadcast %jit3A_147 : f32 to vector<64x128xf32>
    %select_n3A_151 = arith.select %broadcast_in_dim3A_149, %get3A_146, %broadcast_in_dim3A_150 : vector<64x128xi1>, vector<64x128xf32>
    %max3A_152 = arith.maximumf %max3A_138, %select_n3A_151 : vector<64x128xf32>
    %gt3A_153 = arith.constant 11 : i32
    %gt3A_154 = vector.broadcast %gt3A_153 : i32 to vector<64x1xi32>
    %gt3A_155 = arith.cmpi sgt, %get3A_1, %gt3A_154 : vector<64x1xi32>
    %get3A_156 = arith.constant 11 : index
    %get3A_157 = arith.constant 0 : index
    %get3A_158 = arith.constant 0 : index
    %get3A_159 = vector.load %arg1[%get3A_156, %get3A_157, %get3A_158] : memref<64x64x128xf32, #tpu.memory_space<vmem>>, vector<1x64x128xf32>
    %get3A_160 = vector.shape_cast %get3A_159 : vector<1x64x128xf32> to vector<64x128xf32>
    %jit3A_161 = arith.constant 0xFF800000 : f32
    %broadcast_in_dim3A_162 = vector.shape_cast %gt3A_155 : vector<64x1xi1> to vector<64x1xi1>
    %broadcast_in_dim3A_163 = vector.broadcast %broadcast_in_dim3A_162 : vector<64x1xi1> to vector<64x128xi1>
    %broadcast_in_dim3A_164 = vector.broadcast %jit3A_161 : f32 to vector<64x128xf32>
    %select_n3A_165 = arith.select %broadcast_in_dim3A_163, %get3A_160, %broadcast_in_dim3A_164 : vector<64x128xi1>, vector<64x128xf32>
    %max3A_166 = arith.maximumf %max3A_152, %select_n3A_165 : vector<64x128xf32>
    %gt3A_167 = arith.constant 12 : i32
    %gt3A_168 = vector.broadcast %gt3A_167 : i32 to vector<64x1xi32>
    %gt3A_169 = arith.cmpi sgt, %get3A_1, %gt3A_168 : vector<64x1xi32>
    %get3A_170 = arith.constant 12 : index
    %get3A_171 = arith.constant 0 : index
    %get3A_172 = arith.constant 0 : index
    %get3A_173 = vector.load %arg1[%get3A_170, %get3A_171, %get3A_172] : memref<64x64x128xf32, #tpu.memory_space<vmem>>, vector<1x64x128xf32>
    %get3A_174 = vector.shape_cast %get3A_173 : vector<1x64x128xf32> to vector<64x128xf32>
    %jit3A_175 = arith.constant 0xFF800000 : f32
    %broadcast_in_dim3A_176 = vector.shape_cast %gt3A_169 : vector<64x1xi1> to vector<64x1xi1>
    %broadcast_in_dim3A_177 = vector.broadcast %broadcast_in_dim3A_176 : vector<64x1xi1> to vector<64x128xi1>
    %broadcast_in_dim3A_178 = vector.broadcast %jit3A_175 : f32 to vector<64x128xf32>
    %select_n3A_179 = arith.select %broadcast_in_dim3A_177, %get3A_174, %broadcast_in_dim3A_178 : vector<64x128xi1>, vector<64x128xf32>
    %max3A_180 = arith.maximumf %max3A_166, %select_n3A_179 : vector<64x128xf32>
    %gt3A_181 = arith.constant 13 : i32
    %gt3A_182 = vector.broadcast %gt3A_181 : i32 to vector<64x1xi32>
    %gt3A_183 = arith.cmpi sgt, %get3A_1, %gt3A_182 : vector<64x1xi32>
    %get3A_184 = arith.constant 13 : index
    %get3A_185 = arith.constant 0 : index
    %get3A_186 = arith.constant 0 : index
    %get3A_187 = vector.load %arg1[%get3A_184, %get3A_185, %get3A_186] : memref<64x64x128xf32, #tpu.memory_space<vmem>>, vector<1x64x128xf32>
    %get3A_188 = vector.shape_cast %get3A_187 : vector<1x64x128xf32> to vector<64x128xf32>
    %jit3A_189 = arith.constant 0xFF800000 : f32
    %broadcast_in_dim3A_190 = vector.shape_cast %gt3A_183 : vector<64x1xi1> to vector<64x1xi1>
    %broadcast_in_dim3A_191 = vector.broadcast %broadcast_in_dim3A_190 : vector<64x1xi1> to vector<64x128xi1>
    %broadcast_in_dim3A_192 = vector.broadcast %jit3A_189 : f32 to vector<64x128xf32>
    %select_n3A_193 = arith.select %broadcast_in_dim3A_191, %get3A_188, %broadcast_in_dim3A_192 : vector<64x128xi1>, vector<64x128xf32>
    %max3A_194 = arith.maximumf %max3A_180, %select_n3A_193 : vector<64x128xf32>
    %gt3A_195 = arith.constant 14 : i32
    %gt3A_196 = vector.broadcast %gt3A_195 : i32 to vector<64x1xi32>
    %gt3A_197 = arith.cmpi sgt, %get3A_1, %gt3A_196 : vector<64x1xi32>
    %get3A_198 = arith.constant 14 : index
    %get3A_199 = arith.constant 0 : index
    %get3A_200 = arith.constant 0 : index
    %get3A_201 = vector.load %arg1[%get3A_198, %get3A_199, %get3A_200] : memref<64x64x128xf32, #tpu.memory_space<vmem>>, vector<1x64x128xf32>
    %get3A_202 = vector.shape_cast %get3A_201 : vector<1x64x128xf32> to vector<64x128xf32>
    %jit3A_203 = arith.constant 0xFF800000 : f32
    %broadcast_in_dim3A_204 = vector.shape_cast %gt3A_197 : vector<64x1xi1> to vector<64x1xi1>
    %broadcast_in_dim3A_205 = vector.broadcast %broadcast_in_dim3A_204 : vector<64x1xi1> to vector<64x128xi1>
    %broadcast_in_dim3A_206 = vector.broadcast %jit3A_203 : f32 to vector<64x128xf32>
    %select_n3A_207 = arith.select %broadcast_in_dim3A_205, %get3A_202, %broadcast_in_dim3A_206 : vector<64x128xi1>, vector<64x128xf32>
    %max3A_208 = arith.maximumf %max3A_194, %select_n3A_207 : vector<64x128xf32>
    %gt3A_209 = arith.constant 15 : i32
    %gt3A_210 = vector.broadcast %gt3A_209 : i32 to vector<64x1xi32>
    %gt3A_211 = arith.cmpi sgt, %get3A_1, %gt3A_210 : vector<64x1xi32>
    %get3A_212 = arith.constant 15 : index
    %get3A_213 = arith.constant 0 : index
    %get3A_214 = arith.constant 0 : index
    %get3A_215 = vector.load %arg1[%get3A_212, %get3A_213, %get3A_214] : memref<64x64x128xf32, #tpu.memory_space<vmem>>, vector<1x64x128xf32>
    %get3A_216 = vector.shape_cast %get3A_215 : vector<1x64x128xf32> to vector<64x128xf32>
    %jit3A_217 = arith.constant 0xFF800000 : f32
    %broadcast_in_dim3A_218 = vector.shape_cast %gt3A_211 : vector<64x1xi1> to vector<64x1xi1>
    %broadcast_in_dim3A_219 = vector.broadcast %broadcast_in_dim3A_218 : vector<64x1xi1> to vector<64x128xi1>
    %broadcast_in_dim3A_220 = vector.broadcast %jit3A_217 : f32 to vector<64x128xf32>
    %select_n3A_221 = arith.select %broadcast_in_dim3A_219, %get3A_216, %broadcast_in_dim3A_220 : vector<64x128xi1>, vector<64x128xf32>
    %max3A_222 = arith.maximumf %max3A_208, %select_n3A_221 : vector<64x128xf32>
    %gt3A_223 = arith.constant 16 : i32
    %gt3A_224 = vector.broadcast %gt3A_223 : i32 to vector<64x1xi32>
    %gt3A_225 = arith.cmpi sgt, %get3A_1, %gt3A_224 : vector<64x1xi32>
    %get3A_226 = arith.constant 16 : index
    %get3A_227 = arith.constant 0 : index
    %get3A_228 = arith.constant 0 : index
    %get3A_229 = vector.load %arg1[%get3A_226, %get3A_227, %get3A_228] : memref<64x64x128xf32, #tpu.memory_space<vmem>>, vector<1x64x128xf32>
    %get3A_230 = vector.shape_cast %get3A_229 : vector<1x64x128xf32> to vector<64x128xf32>
    %jit3A_231 = arith.constant 0xFF800000 : f32
    %broadcast_in_dim3A_232 = vector.shape_cast %gt3A_225 : vector<64x1xi1> to vector<64x1xi1>
    %broadcast_in_dim3A_233 = vector.broadcast %broadcast_in_dim3A_232 : vector<64x1xi1> to vector<64x128xi1>
    %broadcast_in_dim3A_234 = vector.broadcast %jit3A_231 : f32 to vector<64x128xf32>
    %select_n3A_235 = arith.select %broadcast_in_dim3A_233, %get3A_230, %broadcast_in_dim3A_234 : vector<64x128xi1>, vector<64x128xf32>
    %max3A_236 = arith.maximumf %max3A_222, %select_n3A_235 : vector<64x128xf32>
    %gt3A_237 = arith.constant 17 : i32
    %gt3A_238 = vector.broadcast %gt3A_237 : i32 to vector<64x1xi32>
    %gt3A_239 = arith.cmpi sgt, %get3A_1, %gt3A_238 : vector<64x1xi32>
    %get3A_240 = arith.constant 17 : index
    %get3A_241 = arith.constant 0 : index
    %get3A_242 = arith.constant 0 : index
    %get3A_243 = vector.load %arg1[%get3A_240, %get3A_241, %get3A_242] : memref<64x64x128xf32, #tpu.memory_space<vmem>>, vector<1x64x128xf32>
    %get3A_244 = vector.shape_cast %get3A_243 : vector<1x64x128xf32> to vector<64x128xf32>
    %jit3A_245 = arith.constant 0xFF800000 : f32
    %broadcast_in_dim3A_246 = vector.shape_cast %gt3A_239 : vector<64x1xi1> to vector<64x1xi1>
    %broadcast_in_dim3A_247 = vector.broadcast %broadcast_in_dim3A_246 : vector<64x1xi1> to vector<64x128xi1>
    %broadcast_in_dim3A_248 = vector.broadcast %jit3A_245 : f32 to vector<64x128xf32>
    %select_n3A_249 = arith.select %broadcast_in_dim3A_247, %get3A_244, %broadcast_in_dim3A_248 : vector<64x128xi1>, vector<64x128xf32>
    %max3A_250 = arith.maximumf %max3A_236, %select_n3A_249 : vector<64x128xf32>
    %gt3A_251 = arith.constant 18 : i32
    %gt3A_252 = vector.broadcast %gt3A_251 : i32 to vector<64x1xi32>
    %gt3A_253 = arith.cmpi sgt, %get3A_1, %gt3A_252 : vector<64x1xi32>
    %get3A_254 = arith.constant 18 : index
    %get3A_255 = arith.constant 0 : index
    %get3A_256 = arith.constant 0 : index
    %get3A_257 = vector.load %arg1[%get3A_254, %get3A_255, %get3A_256] : memref<64x64x128xf32, #tpu.memory_space<vmem>>, vector<1x64x128xf32>
    %get3A_258 = vector.shape_cast %get3A_257 : vector<1x64x128xf32> to vector<64x128xf32>
    %jit3A_259 = arith.constant 0xFF800000 : f32
    %broadcast_in_dim3A_260 = vector.shape_cast %gt3A_253 : vector<64x1xi1> to vector<64x1xi1>
    %broadcast_in_dim3A_261 = vector.broadcast %broadcast_in_dim3A_260 : vector<64x1xi1> to vector<64x128xi1>
    %broadcast_in_dim3A_262 = vector.broadcast %jit3A_259 : f32 to vector<64x128xf32>
    %select_n3A_263 = arith.select %broadcast_in_dim3A_261, %get3A_258, %broadcast_in_dim3A_262 : vector<64x128xi1>, vector<64x128xf32>
    %max3A_264 = arith.maximumf %max3A_250, %select_n3A_263 : vector<64x128xf32>
    %gt3A_265 = arith.constant 19 : i32
    %gt3A_266 = vector.broadcast %gt3A_265 : i32 to vector<64x1xi32>
    %gt3A_267 = arith.cmpi sgt, %get3A_1, %gt3A_266 : vector<64x1xi32>
    %get3A_268 = arith.constant 19 : index
    %get3A_269 = arith.constant 0 : index
    %get3A_270 = arith.constant 0 : index
    %get3A_271 = vector.load %arg1[%get3A_268, %get3A_269, %get3A_270] : memref<64x64x128xf32, #tpu.memory_space<vmem>>, vector<1x64x128xf32>
    %get3A_272 = vector.shape_cast %get3A_271 : vector<1x64x128xf32> to vector<64x128xf32>
    %jit3A_273 = arith.constant 0xFF800000 : f32
    %broadcast_in_dim3A_274 = vector.shape_cast %gt3A_267 : vector<64x1xi1> to vector<64x1xi1>
    %broadcast_in_dim3A_275 = vector.broadcast %broadcast_in_dim3A_274 : vector<64x1xi1> to vector<64x128xi1>
    %broadcast_in_dim3A_276 = vector.broadcast %jit3A_273 : f32 to vector<64x128xf32>
    %select_n3A_277 = arith.select %broadcast_in_dim3A_275, %get3A_272, %broadcast_in_dim3A_276 : vector<64x128xi1>, vector<64x128xf32>
    %max3A_278 = arith.maximumf %max3A_264, %select_n3A_277 : vector<64x128xf32>
    %gt3A_279 = arith.constant 20 : i32
    %gt3A_280 = vector.broadcast %gt3A_279 : i32 to vector<64x1xi32>
    %gt3A_281 = arith.cmpi sgt, %get3A_1, %gt3A_280 : vector<64x1xi32>
    %get3A_282 = arith.constant 20 : index
    %get3A_283 = arith.constant 0 : index
    %get3A_284 = arith.constant 0 : index
    %get3A_285 = vector.load %arg1[%get3A_282, %get3A_283, %get3A_284] : memref<64x64x128xf32, #tpu.memory_space<vmem>>, vector<1x64x128xf32>
    %get3A_286 = vector.shape_cast %get3A_285 : vector<1x64x128xf32> to vector<64x128xf32>
    %jit3A_287 = arith.constant 0xFF800000 : f32
    %broadcast_in_dim3A_288 = vector.shape_cast %gt3A_281 : vector<64x1xi1> to vector<64x1xi1>
    %broadcast_in_dim3A_289 = vector.broadcast %broadcast_in_dim3A_288 : vector<64x1xi1> to vector<64x128xi1>
    %broadcast_in_dim3A_290 = vector.broadcast %jit3A_287 : f32 to vector<64x128xf32>
    %select_n3A_291 = arith.select %broadcast_in_dim3A_289, %get3A_286, %broadcast_in_dim3A_290 : vector<64x128xi1>, vector<64x128xf32>
    %max3A_292 = arith.maximumf %max3A_278, %select_n3A_291 : vector<64x128xf32>
    %gt3A_293 = arith.constant 21 : i32
    %gt3A_294 = vector.broadcast %gt3A_293 : i32 to vector<64x1xi32>
    %gt3A_295 = arith.cmpi sgt, %get3A_1, %gt3A_294 : vector<64x1xi32>
    %get3A_296 = arith.constant 21 : index
    %get3A_297 = arith.constant 0 : index
    %get3A_298 = arith.constant 0 : index
    %get3A_299 = vector.load %arg1[%get3A_296, %get3A_297, %get3A_298] : memref<64x64x128xf32, #tpu.memory_space<vmem>>, vector<1x64x128xf32>
    %get3A_300 = vector.shape_cast %get3A_299 : vector<1x64x128xf32> to vector<64x128xf32>
    %jit3A_301 = arith.constant 0xFF800000 : f32
    %broadcast_in_dim3A_302 = vector.shape_cast %gt3A_295 : vector<64x1xi1> to vector<64x1xi1>
    %broadcast_in_dim3A_303 = vector.broadcast %broadcast_in_dim3A_302 : vector<64x1xi1> to vector<64x128xi1>
    %broadcast_in_dim3A_304 = vector.broadcast %jit3A_301 : f32 to vector<64x128xf32>
    %select_n3A_305 = arith.select %broadcast_in_dim3A_303, %get3A_300, %broadcast_in_dim3A_304 : vector<64x128xi1>, vector<64x128xf32>
    %max3A_306 = arith.maximumf %max3A_292, %select_n3A_305 : vector<64x128xf32>
    %gt3A_307 = arith.constant 22 : i32
    %gt3A_308 = vector.broadcast %gt3A_307 : i32 to vector<64x1xi32>
    %gt3A_309 = arith.cmpi sgt, %get3A_1, %gt3A_308 : vector<64x1xi32>
    %get3A_310 = arith.constant 22 : index
    %get3A_311 = arith.constant 0 : index
    %get3A_312 = arith.constant 0 : index
    %get3A_313 = vector.load %arg1[%get3A_310, %get3A_311, %get3A_312] : memref<64x64x128xf32, #tpu.memory_space<vmem>>, vector<1x64x128xf32>
    %get3A_314 = vector.shape_cast %get3A_313 : vector<1x64x128xf32> to vector<64x128xf32>
    %jit3A_315 = arith.constant 0xFF800000 : f32
    %broadcast_in_dim3A_316 = vector.shape_cast %gt3A_309 : vector<64x1xi1> to vector<64x1xi1>
    %broadcast_in_dim3A_317 = vector.broadcast %broadcast_in_dim3A_316 : vector<64x1xi1> to vector<64x128xi1>
    %broadcast_in_dim3A_318 = vector.broadcast %jit3A_315 : f32 to vector<64x128xf32>
    %select_n3A_319 = arith.select %broadcast_in_dim3A_317, %get3A_314, %broadcast_in_dim3A_318 : vector<64x128xi1>, vector<64x128xf32>
    %max3A_320 = arith.maximumf %max3A_306, %select_n3A_319 : vector<64x128xf32>
    %gt3A_321 = arith.constant 23 : i32
    %gt3A_322 = vector.broadcast %gt3A_321 : i32 to vector<64x1xi32>
    %gt3A_323 = arith.cmpi sgt, %get3A_1, %gt3A_322 : vector<64x1xi32>
    %get3A_324 = arith.constant 23 : index
    %get3A_325 = arith.constant 0 : index
    %get3A_326 = arith.constant 0 : index
    %get3A_327 = vector.load %arg1[%get3A_324, %get3A_325, %get3A_326] : memref<64x64x128xf32, #tpu.memory_space<vmem>>, vector<1x64x128xf32>
    %get3A_328 = vector.shape_cast %get3A_327 : vector<1x64x128xf32> to vector<64x128xf32>
    %jit3A_329 = arith.constant 0xFF800000 : f32
    %broadcast_in_dim3A_330 = vector.shape_cast %gt3A_323 : vector<64x1xi1> to vector<64x1xi1>
    %broadcast_in_dim3A_331 = vector.broadcast %broadcast_in_dim3A_330 : vector<64x1xi1> to vector<64x128xi1>
    %broadcast_in_dim3A_332 = vector.broadcast %jit3A_329 : f32 to vector<64x128xf32>
    %select_n3A_333 = arith.select %broadcast_in_dim3A_331, %get3A_328, %broadcast_in_dim3A_332 : vector<64x128xi1>, vector<64x128xf32>
    %max3A_334 = arith.maximumf %max3A_320, %select_n3A_333 : vector<64x128xf32>
    %gt3A_335 = arith.constant 24 : i32
    %gt3A_336 = vector.broadcast %gt3A_335 : i32 to vector<64x1xi32>
    %gt3A_337 = arith.cmpi sgt, %get3A_1, %gt3A_336 : vector<64x1xi32>
    %get3A_338 = arith.constant 24 : index
    %get3A_339 = arith.constant 0 : index
    %get3A_340 = arith.constant 0 : index
    %get3A_341 = vector.load %arg1[%get3A_338, %get3A_339, %get3A_340] : memref<64x64x128xf32, #tpu.memory_space<vmem>>, vector<1x64x128xf32>
    %get3A_342 = vector.shape_cast %get3A_341 : vector<1x64x128xf32> to vector<64x128xf32>
    %jit3A_343 = arith.constant 0xFF800000 : f32
    %broadcast_in_dim3A_344 = vector.shape_cast %gt3A_337 : vector<64x1xi1> to vector<64x1xi1>
    %broadcast_in_dim3A_345 = vector.broadcast %broadcast_in_dim3A_344 : vector<64x1xi1> to vector<64x128xi1>
    %broadcast_in_dim3A_346 = vector.broadcast %jit3A_343 : f32 to vector<64x128xf32>
    %select_n3A_347 = arith.select %broadcast_in_dim3A_345, %get3A_342, %broadcast_in_dim3A_346 : vector<64x128xi1>, vector<64x128xf32>
    %max3A_348 = arith.maximumf %max3A_334, %select_n3A_347 : vector<64x128xf32>
    %gt3A_349 = arith.constant 25 : i32
    %gt3A_350 = vector.broadcast %gt3A_349 : i32 to vector<64x1xi32>
    %gt3A_351 = arith.cmpi sgt, %get3A_1, %gt3A_350 : vector<64x1xi32>
    %get3A_352 = arith.constant 25 : index
    %get3A_353 = arith.constant 0 : index
    %get3A_354 = arith.constant 0 : index
    %get3A_355 = vector.load %arg1[%get3A_352, %get3A_353, %get3A_354] : memref<64x64x128xf32, #tpu.memory_space<vmem>>, vector<1x64x128xf32>
    %get3A_356 = vector.shape_cast %get3A_355 : vector<1x64x128xf32> to vector<64x128xf32>
    %jit3A_357 = arith.constant 0xFF800000 : f32
    %broadcast_in_dim3A_358 = vector.shape_cast %gt3A_351 : vector<64x1xi1> to vector<64x1xi1>
    %broadcast_in_dim3A_359 = vector.broadcast %broadcast_in_dim3A_358 : vector<64x1xi1> to vector<64x128xi1>
    %broadcast_in_dim3A_360 = vector.broadcast %jit3A_357 : f32 to vector<64x128xf32>
    %select_n3A_361 = arith.select %broadcast_in_dim3A_359, %get3A_356, %broadcast_in_dim3A_360 : vector<64x128xi1>, vector<64x128xf32>
    %max3A_362 = arith.maximumf %max3A_348, %select_n3A_361 : vector<64x128xf32>
    %gt3A_363 = arith.constant 26 : i32
    %gt3A_364 = vector.broadcast %gt3A_363 : i32 to vector<64x1xi32>
    %gt3A_365 = arith.cmpi sgt, %get3A_1, %gt3A_364 : vector<64x1xi32>
    %get3A_366 = arith.constant 26 : index
    %get3A_367 = arith.constant 0 : index
    %get3A_368 = arith.constant 0 : index
    %get3A_369 = vector.load %arg1[%get3A_366, %get3A_367, %get3A_368] : memref<64x64x128xf32, #tpu.memory_space<vmem>>, vector<1x64x128xf32>
    %get3A_370 = vector.shape_cast %get3A_369 : vector<1x64x128xf32> to vector<64x128xf32>
    %jit3A_371 = arith.constant 0xFF800000 : f32
    %broadcast_in_dim3A_372 = vector.shape_cast %gt3A_365 : vector<64x1xi1> to vector<64x1xi1>
    %broadcast_in_dim3A_373 = vector.broadcast %broadcast_in_dim3A_372 : vector<64x1xi1> to vector<64x128xi1>
    %broadcast_in_dim3A_374 = vector.broadcast %jit3A_371 : f32 to vector<64x128xf32>
    %select_n3A_375 = arith.select %broadcast_in_dim3A_373, %get3A_370, %broadcast_in_dim3A_374 : vector<64x128xi1>, vector<64x128xf32>
    %max3A_376 = arith.maximumf %max3A_362, %select_n3A_375 : vector<64x128xf32>
    %gt3A_377 = arith.constant 27 : i32
    %gt3A_378 = vector.broadcast %gt3A_377 : i32 to vector<64x1xi32>
    %gt3A_379 = arith.cmpi sgt, %get3A_1, %gt3A_378 : vector<64x1xi32>
    %get3A_380 = arith.constant 27 : index
    %get3A_381 = arith.constant 0 : index
    %get3A_382 = arith.constant 0 : index
    %get3A_383 = vector.load %arg1[%get3A_380, %get3A_381, %get3A_382] : memref<64x64x128xf32, #tpu.memory_space<vmem>>, vector<1x64x128xf32>
    %get3A_384 = vector.shape_cast %get3A_383 : vector<1x64x128xf32> to vector<64x128xf32>
    %jit3A_385 = arith.constant 0xFF800000 : f32
    %broadcast_in_dim3A_386 = vector.shape_cast %gt3A_379 : vector<64x1xi1> to vector<64x1xi1>
    %broadcast_in_dim3A_387 = vector.broadcast %broadcast_in_dim3A_386 : vector<64x1xi1> to vector<64x128xi1>
    %broadcast_in_dim3A_388 = vector.broadcast %jit3A_385 : f32 to vector<64x128xf32>
    %select_n3A_389 = arith.select %broadcast_in_dim3A_387, %get3A_384, %broadcast_in_dim3A_388 : vector<64x128xi1>, vector<64x128xf32>
    %max3A_390 = arith.maximumf %max3A_376, %select_n3A_389 : vector<64x128xf32>
    %gt3A_391 = arith.constant 28 : i32
    %gt3A_392 = vector.broadcast %gt3A_391 : i32 to vector<64x1xi32>
    %gt3A_393 = arith.cmpi sgt, %get3A_1, %gt3A_392 : vector<64x1xi32>
    %get3A_394 = arith.constant 28 : index
    %get3A_395 = arith.constant 0 : index
    %get3A_396 = arith.constant 0 : index
    %get3A_397 = vector.load %arg1[%get3A_394, %get3A_395, %get3A_396] : memref<64x64x128xf32, #tpu.memory_space<vmem>>, vector<1x64x128xf32>
    %get3A_398 = vector.shape_cast %get3A_397 : vector<1x64x128xf32> to vector<64x128xf32>
    %jit3A_399 = arith.constant 0xFF800000 : f32
    %broadcast_in_dim3A_400 = vector.shape_cast %gt3A_393 : vector<64x1xi1> to vector<64x1xi1>
    %broadcast_in_dim3A_401 = vector.broadcast %broadcast_in_dim3A_400 : vector<64x1xi1> to vector<64x128xi1>
    %broadcast_in_dim3A_402 = vector.broadcast %jit3A_399 : f32 to vector<64x128xf32>
    %select_n3A_403 = arith.select %broadcast_in_dim3A_401, %get3A_398, %broadcast_in_dim3A_402 : vector<64x128xi1>, vector<64x128xf32>
    %max3A_404 = arith.maximumf %max3A_390, %select_n3A_403 : vector<64x128xf32>
    %gt3A_405 = arith.constant 29 : i32
    %gt3A_406 = vector.broadcast %gt3A_405 : i32 to vector<64x1xi32>
    %gt3A_407 = arith.cmpi sgt, %get3A_1, %gt3A_406 : vector<64x1xi32>
    %get3A_408 = arith.constant 29 : index
    %get3A_409 = arith.constant 0 : index
    %get3A_410 = arith.constant 0 : index
    %get3A_411 = vector.load %arg1[%get3A_408, %get3A_409, %get3A_410] : memref<64x64x128xf32, #tpu.memory_space<vmem>>, vector<1x64x128xf32>
    %get3A_412 = vector.shape_cast %get3A_411 : vector<1x64x128xf32> to vector<64x128xf32>
    %jit3A_413 = arith.constant 0xFF800000 : f32
    %broadcast_in_dim3A_414 = vector.shape_cast %gt3A_407 : vector<64x1xi1> to vector<64x1xi1>
    %broadcast_in_dim3A_415 = vector.broadcast %broadcast_in_dim3A_414 : vector<64x1xi1> to vector<64x128xi1>
    %broadcast_in_dim3A_416 = vector.broadcast %jit3A_413 : f32 to vector<64x128xf32>
    %select_n3A_417 = arith.select %broadcast_in_dim3A_415, %get3A_412, %broadcast_in_dim3A_416 : vector<64x128xi1>, vector<64x128xf32>
    %max3A_418 = arith.maximumf %max3A_404, %select_n3A_417 : vector<64x128xf32>
    %gt3A_419 = arith.constant 30 : i32
    %gt3A_420 = vector.broadcast %gt3A_419 : i32 to vector<64x1xi32>
    %gt3A_421 = arith.cmpi sgt, %get3A_1, %gt3A_420 : vector<64x1xi32>
    %get3A_422 = arith.constant 30 : index
    %get3A_423 = arith.constant 0 : index
    %get3A_424 = arith.constant 0 : index
    %get3A_425 = vector.load %arg1[%get3A_422, %get3A_423, %get3A_424] : memref<64x64x128xf32, #tpu.memory_space<vmem>>, vector<1x64x128xf32>
    %get3A_426 = vector.shape_cast %get3A_425 : vector<1x64x128xf32> to vector<64x128xf32>
    %jit3A_427 = arith.constant 0xFF800000 : f32
    %broadcast_in_dim3A_428 = vector.shape_cast %gt3A_421 : vector<64x1xi1> to vector<64x1xi1>
    %broadcast_in_dim3A_429 = vector.broadcast %broadcast_in_dim3A_428 : vector<64x1xi1> to vector<64x128xi1>
    %broadcast_in_dim3A_430 = vector.broadcast %jit3A_427 : f32 to vector<64x128xf32>
    %select_n3A_431 = arith.select %broadcast_in_dim3A_429, %get3A_426, %broadcast_in_dim3A_430 : vector<64x128xi1>, vector<64x128xf32>
    %max3A_432 = arith.maximumf %max3A_418, %select_n3A_431 : vector<64x128xf32>
    %gt3A_433 = arith.constant 31 : i32
    %gt3A_434 = vector.broadcast %gt3A_433 : i32 to vector<64x1xi32>
    %gt3A_435 = arith.cmpi sgt, %get3A_1, %gt3A_434 : vector<64x1xi32>
    %get3A_436 = arith.constant 31 : index
    %get3A_437 = arith.constant 0 : index
    %get3A_438 = arith.constant 0 : index
    %get3A_439 = vector.load %arg1[%get3A_436, %get3A_437, %get3A_438] : memref<64x64x128xf32, #tpu.memory_space<vmem>>, vector<1x64x128xf32>
    %get3A_440 = vector.shape_cast %get3A_439 : vector<1x64x128xf32> to vector<64x128xf32>
    %jit3A_441 = arith.constant 0xFF800000 : f32
    %broadcast_in_dim3A_442 = vector.shape_cast %gt3A_435 : vector<64x1xi1> to vector<64x1xi1>
    %broadcast_in_dim3A_443 = vector.broadcast %broadcast_in_dim3A_442 : vector<64x1xi1> to vector<64x128xi1>
    %broadcast_in_dim3A_444 = vector.broadcast %jit3A_441 : f32 to vector<64x128xf32>
    %select_n3A_445 = arith.select %broadcast_in_dim3A_443, %get3A_440, %broadcast_in_dim3A_444 : vector<64x128xi1>, vector<64x128xf32>
    %max3A_446 = arith.maximumf %max3A_432, %select_n3A_445 : vector<64x128xf32>
    %gt3A_447 = arith.constant 32 : i32
    %gt3A_448 = vector.broadcast %gt3A_447 : i32 to vector<64x1xi32>
    %gt3A_449 = arith.cmpi sgt, %get3A_1, %gt3A_448 : vector<64x1xi32>
    %get3A_450 = arith.constant 32 : index
    %get3A_451 = arith.constant 0 : index
    %get3A_452 = arith.constant 0 : index
    %get3A_453 = vector.load %arg1[%get3A_450, %get3A_451, %get3A_452] : memref<64x64x128xf32, #tpu.memory_space<vmem>>, vector<1x64x128xf32>
    %get3A_454 = vector.shape_cast %get3A_453 : vector<1x64x128xf32> to vector<64x128xf32>
    %jit3A_455 = arith.constant 0xFF800000 : f32
    %broadcast_in_dim3A_456 = vector.shape_cast %gt3A_449 : vector<64x1xi1> to vector<64x1xi1>
    %broadcast_in_dim3A_457 = vector.broadcast %broadcast_in_dim3A_456 : vector<64x1xi1> to vector<64x128xi1>
    %broadcast_in_dim3A_458 = vector.broadcast %jit3A_455 : f32 to vector<64x128xf32>
    %select_n3A_459 = arith.select %broadcast_in_dim3A_457, %get3A_454, %broadcast_in_dim3A_458 : vector<64x128xi1>, vector<64x128xf32>
    %max3A_460 = arith.maximumf %max3A_446, %select_n3A_459 : vector<64x128xf32>
    %gt3A_461 = arith.constant 33 : i32
    %gt3A_462 = vector.broadcast %gt3A_461 : i32 to vector<64x1xi32>
    %gt3A_463 = arith.cmpi sgt, %get3A_1, %gt3A_462 : vector<64x1xi32>
    %get3A_464 = arith.constant 33 : index
    %get3A_465 = arith.constant 0 : index
    %get3A_466 = arith.constant 0 : index
    %get3A_467 = vector.load %arg1[%get3A_464, %get3A_465, %get3A_466] : memref<64x64x128xf32, #tpu.memory_space<vmem>>, vector<1x64x128xf32>
    %get3A_468 = vector.shape_cast %get3A_467 : vector<1x64x128xf32> to vector<64x128xf32>
    %jit3A_469 = arith.constant 0xFF800000 : f32
    %broadcast_in_dim3A_470 = vector.shape_cast %gt3A_463 : vector<64x1xi1> to vector<64x1xi1>
    %broadcast_in_dim3A_471 = vector.broadcast %broadcast_in_dim3A_470 : vector<64x1xi1> to vector<64x128xi1>
    %broadcast_in_dim3A_472 = vector.broadcast %jit3A_469 : f32 to vector<64x128xf32>
    %select_n3A_473 = arith.select %broadcast_in_dim3A_471, %get3A_468, %broadcast_in_dim3A_472 : vector<64x128xi1>, vector<64x128xf32>
    %max3A_474 = arith.maximumf %max3A_460, %select_n3A_473 : vector<64x128xf32>
    %gt3A_475 = arith.constant 34 : i32
    %gt3A_476 = vector.broadcast %gt3A_475 : i32 to vector<64x1xi32>
    %gt3A_477 = arith.cmpi sgt, %get3A_1, %gt3A_476 : vector<64x1xi32>
    %get3A_478 = arith.constant 34 : index
    %get3A_479 = arith.constant 0 : index
    %get3A_480 = arith.constant 0 : index
    %get3A_481 = vector.load %arg1[%get3A_478, %get3A_479, %get3A_480] : memref<64x64x128xf32, #tpu.memory_space<vmem>>, vector<1x64x128xf32>
    %get3A_482 = vector.shape_cast %get3A_481 : vector<1x64x128xf32> to vector<64x128xf32>
    %jit3A_483 = arith.constant 0xFF800000 : f32
    %broadcast_in_dim3A_484 = vector.shape_cast %gt3A_477 : vector<64x1xi1> to vector<64x1xi1>
    %broadcast_in_dim3A_485 = vector.broadcast %broadcast_in_dim3A_484 : vector<64x1xi1> to vector<64x128xi1>
    %broadcast_in_dim3A_486 = vector.broadcast %jit3A_483 : f32 to vector<64x128xf32>
    %select_n3A_487 = arith.select %broadcast_in_dim3A_485, %get3A_482, %broadcast_in_dim3A_486 : vector<64x128xi1>, vector<64x128xf32>
    %max3A_488 = arith.maximumf %max3A_474, %select_n3A_487 : vector<64x128xf32>
    %gt3A_489 = arith.constant 35 : i32
    %gt3A_490 = vector.broadcast %gt3A_489 : i32 to vector<64x1xi32>
    %gt3A_491 = arith.cmpi sgt, %get3A_1, %gt3A_490 : vector<64x1xi32>
    %get3A_492 = arith.constant 35 : index
    %get3A_493 = arith.constant 0 : index
    %get3A_494 = arith.constant 0 : index
    %get3A_495 = vector.load %arg1[%get3A_492, %get3A_493, %get3A_494] : memref<64x64x128xf32, #tpu.memory_space<vmem>>, vector<1x64x128xf32>
    %get3A_496 = vector.shape_cast %get3A_495 : vector<1x64x128xf32> to vector<64x128xf32>
    %jit3A_497 = arith.constant 0xFF800000 : f32
    %broadcast_in_dim3A_498 = vector.shape_cast %gt3A_491 : vector<64x1xi1> to vector<64x1xi1>
    %broadcast_in_dim3A_499 = vector.broadcast %broadcast_in_dim3A_498 : vector<64x1xi1> to vector<64x128xi1>
    %broadcast_in_dim3A_500 = vector.broadcast %jit3A_497 : f32 to vector<64x128xf32>
    %select_n3A_501 = arith.select %broadcast_in_dim3A_499, %get3A_496, %broadcast_in_dim3A_500 : vector<64x128xi1>, vector<64x128xf32>
    %max3A_502 = arith.maximumf %max3A_488, %select_n3A_501 : vector<64x128xf32>
    %gt3A_503 = arith.constant 36 : i32
    %gt3A_504 = vector.broadcast %gt3A_503 : i32 to vector<64x1xi32>
    %gt3A_505 = arith.cmpi sgt, %get3A_1, %gt3A_504 : vector<64x1xi32>
    %get3A_506 = arith.constant 36 : index
    %get3A_507 = arith.constant 0 : index
    %get3A_508 = arith.constant 0 : index
    %get3A_509 = vector.load %arg1[%get3A_506, %get3A_507, %get3A_508] : memref<64x64x128xf32, #tpu.memory_space<vmem>>, vector<1x64x128xf32>
    %get3A_510 = vector.shape_cast %get3A_509 : vector<1x64x128xf32> to vector<64x128xf32>
    %jit3A_511 = arith.constant 0xFF800000 : f32
    %broadcast_in_dim3A_512 = vector.shape_cast %gt3A_505 : vector<64x1xi1> to vector<64x1xi1>
    %broadcast_in_dim3A_513 = vector.broadcast %broadcast_in_dim3A_512 : vector<64x1xi1> to vector<64x128xi1>
    %broadcast_in_dim3A_514 = vector.broadcast %jit3A_511 : f32 to vector<64x128xf32>
    %select_n3A_515 = arith.select %broadcast_in_dim3A_513, %get3A_510, %broadcast_in_dim3A_514 : vector<64x128xi1>, vector<64x128xf32>
    %max3A_516 = arith.maximumf %max3A_502, %select_n3A_515 : vector<64x128xf32>
    %gt3A_517 = arith.constant 37 : i32
    %gt3A_518 = vector.broadcast %gt3A_517 : i32 to vector<64x1xi32>
    %gt3A_519 = arith.cmpi sgt, %get3A_1, %gt3A_518 : vector<64x1xi32>
    %get3A_520 = arith.constant 37 : index
    %get3A_521 = arith.constant 0 : index
    %get3A_522 = arith.constant 0 : index
    %get3A_523 = vector.load %arg1[%get3A_520, %get3A_521, %get3A_522] : memref<64x64x128xf32, #tpu.memory_space<vmem>>, vector<1x64x128xf32>
    %get3A_524 = vector.shape_cast %get3A_523 : vector<1x64x128xf32> to vector<64x128xf32>
    %jit3A_525 = arith.constant 0xFF800000 : f32
    %broadcast_in_dim3A_526 = vector.shape_cast %gt3A_519 : vector<64x1xi1> to vector<64x1xi1>
    %broadcast_in_dim3A_527 = vector.broadcast %broadcast_in_dim3A_526 : vector<64x1xi1> to vector<64x128xi1>
    %broadcast_in_dim3A_528 = vector.broadcast %jit3A_525 : f32 to vector<64x128xf32>
    %select_n3A_529 = arith.select %broadcast_in_dim3A_527, %get3A_524, %broadcast_in_dim3A_528 : vector<64x128xi1>, vector<64x128xf32>
    %max3A_530 = arith.maximumf %max3A_516, %select_n3A_529 : vector<64x128xf32>
    %gt3A_531 = arith.constant 38 : i32
    %gt3A_532 = vector.broadcast %gt3A_531 : i32 to vector<64x1xi32>
    %gt3A_533 = arith.cmpi sgt, %get3A_1, %gt3A_532 : vector<64x1xi32>
    %get3A_534 = arith.constant 38 : index
    %get3A_535 = arith.constant 0 : index
    %get3A_536 = arith.constant 0 : index
    %get3A_537 = vector.load %arg1[%get3A_534, %get3A_535, %get3A_536] : memref<64x64x128xf32, #tpu.memory_space<vmem>>, vector<1x64x128xf32>
    %get3A_538 = vector.shape_cast %get3A_537 : vector<1x64x128xf32> to vector<64x128xf32>
    %jit3A_539 = arith.constant 0xFF800000 : f32
    %broadcast_in_dim3A_540 = vector.shape_cast %gt3A_533 : vector<64x1xi1> to vector<64x1xi1>
    %broadcast_in_dim3A_541 = vector.broadcast %broadcast_in_dim3A_540 : vector<64x1xi1> to vector<64x128xi1>
    %broadcast_in_dim3A_542 = vector.broadcast %jit3A_539 : f32 to vector<64x128xf32>
    %select_n3A_543 = arith.select %broadcast_in_dim3A_541, %get3A_538, %broadcast_in_dim3A_542 : vector<64x128xi1>, vector<64x128xf32>
    %max3A_544 = arith.maximumf %max3A_530, %select_n3A_543 : vector<64x128xf32>
    %gt3A_545 = arith.constant 39 : i32
    %gt3A_546 = vector.broadcast %gt3A_545 : i32 to vector<64x1xi32>
    %gt3A_547 = arith.cmpi sgt, %get3A_1, %gt3A_546 : vector<64x1xi32>
    %get3A_548 = arith.constant 39 : index
    %get3A_549 = arith.constant 0 : index
    %get3A_550 = arith.constant 0 : index
    %get3A_551 = vector.load %arg1[%get3A_548, %get3A_549, %get3A_550] : memref<64x64x128xf32, #tpu.memory_space<vmem>>, vector<1x64x128xf32>
    %get3A_552 = vector.shape_cast %get3A_551 : vector<1x64x128xf32> to vector<64x128xf32>
    %jit3A_553 = arith.constant 0xFF800000 : f32
    %broadcast_in_dim3A_554 = vector.shape_cast %gt3A_547 : vector<64x1xi1> to vector<64x1xi1>
    %broadcast_in_dim3A_555 = vector.broadcast %broadcast_in_dim3A_554 : vector<64x1xi1> to vector<64x128xi1>
    %broadcast_in_dim3A_556 = vector.broadcast %jit3A_553 : f32 to vector<64x128xf32>
    %select_n3A_557 = arith.select %broadcast_in_dim3A_555, %get3A_552, %broadcast_in_dim3A_556 : vector<64x128xi1>, vector<64x128xf32>
    %max3A_558 = arith.maximumf %max3A_544, %select_n3A_557 : vector<64x128xf32>
    %gt3A_559 = arith.constant 40 : i32
    %gt3A_560 = vector.broadcast %gt3A_559 : i32 to vector<64x1xi32>
    %gt3A_561 = arith.cmpi sgt, %get3A_1, %gt3A_560 : vector<64x1xi32>
    %get3A_562 = arith.constant 40 : index
    %get3A_563 = arith.constant 0 : index
    %get3A_564 = arith.constant 0 : index
    %get3A_565 = vector.load %arg1[%get3A_562, %get3A_563, %get3A_564] : memref<64x64x128xf32, #tpu.memory_space<vmem>>, vector<1x64x128xf32>
    %get3A_566 = vector.shape_cast %get3A_565 : vector<1x64x128xf32> to vector<64x128xf32>
    %jit3A_567 = arith.constant 0xFF800000 : f32
    %broadcast_in_dim3A_568 = vector.shape_cast %gt3A_561 : vector<64x1xi1> to vector<64x1xi1>
    %broadcast_in_dim3A_569 = vector.broadcast %broadcast_in_dim3A_568 : vector<64x1xi1> to vector<64x128xi1>
    %broadcast_in_dim3A_570 = vector.broadcast %jit3A_567 : f32 to vector<64x128xf32>
    %select_n3A_571 = arith.select %broadcast_in_dim3A_569, %get3A_566, %broadcast_in_dim3A_570 : vector<64x128xi1>, vector<64x128xf32>
    %max3A_572 = arith.maximumf %max3A_558, %select_n3A_571 : vector<64x128xf32>
    %gt3A_573 = arith.constant 41 : i32
    %gt3A_574 = vector.broadcast %gt3A_573 : i32 to vector<64x1xi32>
    %gt3A_575 = arith.cmpi sgt, %get3A_1, %gt3A_574 : vector<64x1xi32>
    %get3A_576 = arith.constant 41 : index
    %get3A_577 = arith.constant 0 : index
    %get3A_578 = arith.constant 0 : index
    %get3A_579 = vector.load %arg1[%get3A_576, %get3A_577, %get3A_578] : memref<64x64x128xf32, #tpu.memory_space<vmem>>, vector<1x64x128xf32>
    %get3A_580 = vector.shape_cast %get3A_579 : vector<1x64x128xf32> to vector<64x128xf32>
    %jit3A_581 = arith.constant 0xFF800000 : f32
    %broadcast_in_dim3A_582 = vector.shape_cast %gt3A_575 : vector<64x1xi1> to vector<64x1xi1>
    %broadcast_in_dim3A_583 = vector.broadcast %broadcast_in_dim3A_582 : vector<64x1xi1> to vector<64x128xi1>
    %broadcast_in_dim3A_584 = vector.broadcast %jit3A_581 : f32 to vector<64x128xf32>
    %select_n3A_585 = arith.select %broadcast_in_dim3A_583, %get3A_580, %broadcast_in_dim3A_584 : vector<64x128xi1>, vector<64x128xf32>
    %max3A_586 = arith.maximumf %max3A_572, %select_n3A_585 : vector<64x128xf32>
    %gt3A_587 = arith.constant 42 : i32
    %gt3A_588 = vector.broadcast %gt3A_587 : i32 to vector<64x1xi32>
    %gt3A_589 = arith.cmpi sgt, %get3A_1, %gt3A_588 : vector<64x1xi32>
    %get3A_590 = arith.constant 42 : index
    %get3A_591 = arith.constant 0 : index
    %get3A_592 = arith.constant 0 : index
    %get3A_593 = vector.load %arg1[%get3A_590, %get3A_591, %get3A_592] : memref<64x64x128xf32, #tpu.memory_space<vmem>>, vector<1x64x128xf32>
    %get3A_594 = vector.shape_cast %get3A_593 : vector<1x64x128xf32> to vector<64x128xf32>
    %jit3A_595 = arith.constant 0xFF800000 : f32
    %broadcast_in_dim3A_596 = vector.shape_cast %gt3A_589 : vector<64x1xi1> to vector<64x1xi1>
    %broadcast_in_dim3A_597 = vector.broadcast %broadcast_in_dim3A_596 : vector<64x1xi1> to vector<64x128xi1>
    %broadcast_in_dim3A_598 = vector.broadcast %jit3A_595 : f32 to vector<64x128xf32>
    %select_n3A_599 = arith.select %broadcast_in_dim3A_597, %get3A_594, %broadcast_in_dim3A_598 : vector<64x128xi1>, vector<64x128xf32>
    %max3A_600 = arith.maximumf %max3A_586, %select_n3A_599 : vector<64x128xf32>
    %gt3A_601 = arith.constant 43 : i32
    %gt3A_602 = vector.broadcast %gt3A_601 : i32 to vector<64x1xi32>
    %gt3A_603 = arith.cmpi sgt, %get3A_1, %gt3A_602 : vector<64x1xi32>
    %get3A_604 = arith.constant 43 : index
    %get3A_605 = arith.constant 0 : index
    %get3A_606 = arith.constant 0 : index
    %get3A_607 = vector.load %arg1[%get3A_604, %get3A_605, %get3A_606] : memref<64x64x128xf32, #tpu.memory_space<vmem>>, vector<1x64x128xf32>
    %get3A_608 = vector.shape_cast %get3A_607 : vector<1x64x128xf32> to vector<64x128xf32>
    %jit3A_609 = arith.constant 0xFF800000 : f32
    %broadcast_in_dim3A_610 = vector.shape_cast %gt3A_603 : vector<64x1xi1> to vector<64x1xi1>
    %broadcast_in_dim3A_611 = vector.broadcast %broadcast_in_dim3A_610 : vector<64x1xi1> to vector<64x128xi1>
    %broadcast_in_dim3A_612 = vector.broadcast %jit3A_609 : f32 to vector<64x128xf32>
    %select_n3A_613 = arith.select %broadcast_in_dim3A_611, %get3A_608, %broadcast_in_dim3A_612 : vector<64x128xi1>, vector<64x128xf32>
    %max3A_614 = arith.maximumf %max3A_600, %select_n3A_613 : vector<64x128xf32>
    %gt3A_615 = arith.constant 44 : i32
    %gt3A_616 = vector.broadcast %gt3A_615 : i32 to vector<64x1xi32>
    %gt3A_617 = arith.cmpi sgt, %get3A_1, %gt3A_616 : vector<64x1xi32>
    %get3A_618 = arith.constant 44 : index
    %get3A_619 = arith.constant 0 : index
    %get3A_620 = arith.constant 0 : index
    %get3A_621 = vector.load %arg1[%get3A_618, %get3A_619, %get3A_620] : memref<64x64x128xf32, #tpu.memory_space<vmem>>, vector<1x64x128xf32>
    %get3A_622 = vector.shape_cast %get3A_621 : vector<1x64x128xf32> to vector<64x128xf32>
    %jit3A_623 = arith.constant 0xFF800000 : f32
    %broadcast_in_dim3A_624 = vector.shape_cast %gt3A_617 : vector<64x1xi1> to vector<64x1xi1>
    %broadcast_in_dim3A_625 = vector.broadcast %broadcast_in_dim3A_624 : vector<64x1xi1> to vector<64x128xi1>
    %broadcast_in_dim3A_626 = vector.broadcast %jit3A_623 : f32 to vector<64x128xf32>
    %select_n3A_627 = arith.select %broadcast_in_dim3A_625, %get3A_622, %broadcast_in_dim3A_626 : vector<64x128xi1>, vector<64x128xf32>
    %max3A_628 = arith.maximumf %max3A_614, %select_n3A_627 : vector<64x128xf32>
    %gt3A_629 = arith.constant 45 : i32
    %gt3A_630 = vector.broadcast %gt3A_629 : i32 to vector<64x1xi32>
    %gt3A_631 = arith.cmpi sgt, %get3A_1, %gt3A_630 : vector<64x1xi32>
    %get3A_632 = arith.constant 45 : index
    %get3A_633 = arith.constant 0 : index
    %get3A_634 = arith.constant 0 : index
    %get3A_635 = vector.load %arg1[%get3A_632, %get3A_633, %get3A_634] : memref<64x64x128xf32, #tpu.memory_space<vmem>>, vector<1x64x128xf32>
    %get3A_636 = vector.shape_cast %get3A_635 : vector<1x64x128xf32> to vector<64x128xf32>
    %jit3A_637 = arith.constant 0xFF800000 : f32
    %broadcast_in_dim3A_638 = vector.shape_cast %gt3A_631 : vector<64x1xi1> to vector<64x1xi1>
    %broadcast_in_dim3A_639 = vector.broadcast %broadcast_in_dim3A_638 : vector<64x1xi1> to vector<64x128xi1>
    %broadcast_in_dim3A_640 = vector.broadcast %jit3A_637 : f32 to vector<64x128xf32>
    %select_n3A_641 = arith.select %broadcast_in_dim3A_639, %get3A_636, %broadcast_in_dim3A_640 : vector<64x128xi1>, vector<64x128xf32>
    %max3A_642 = arith.maximumf %max3A_628, %select_n3A_641 : vector<64x128xf32>
    %gt3A_643 = arith.constant 46 : i32
    %gt3A_644 = vector.broadcast %gt3A_643 : i32 to vector<64x1xi32>
    %gt3A_645 = arith.cmpi sgt, %get3A_1, %gt3A_644 : vector<64x1xi32>
    %get3A_646 = arith.constant 46 : index
    %get3A_647 = arith.constant 0 : index
    %get3A_648 = arith.constant 0 : index
    %get3A_649 = vector.load %arg1[%get3A_646, %get3A_647, %get3A_648] : memref<64x64x128xf32, #tpu.memory_space<vmem>>, vector<1x64x128xf32>
    %get3A_650 = vector.shape_cast %get3A_649 : vector<1x64x128xf32> to vector<64x128xf32>
    %jit3A_651 = arith.constant 0xFF800000 : f32
    %broadcast_in_dim3A_652 = vector.shape_cast %gt3A_645 : vector<64x1xi1> to vector<64x1xi1>
    %broadcast_in_dim3A_653 = vector.broadcast %broadcast_in_dim3A_652 : vector<64x1xi1> to vector<64x128xi1>
    %broadcast_in_dim3A_654 = vector.broadcast %jit3A_651 : f32 to vector<64x128xf32>
    %select_n3A_655 = arith.select %broadcast_in_dim3A_653, %get3A_650, %broadcast_in_dim3A_654 : vector<64x128xi1>, vector<64x128xf32>
    %max3A_656 = arith.maximumf %max3A_642, %select_n3A_655 : vector<64x128xf32>
    %gt3A_657 = arith.constant 47 : i32
    %gt3A_658 = vector.broadcast %gt3A_657 : i32 to vector<64x1xi32>
    %gt3A_659 = arith.cmpi sgt, %get3A_1, %gt3A_658 : vector<64x1xi32>
    %get3A_660 = arith.constant 47 : index
    %get3A_661 = arith.constant 0 : index
    %get3A_662 = arith.constant 0 : index
    %get3A_663 = vector.load %arg1[%get3A_660, %get3A_661, %get3A_662] : memref<64x64x128xf32, #tpu.memory_space<vmem>>, vector<1x64x128xf32>
    %get3A_664 = vector.shape_cast %get3A_663 : vector<1x64x128xf32> to vector<64x128xf32>
    %jit3A_665 = arith.constant 0xFF800000 : f32
    %broadcast_in_dim3A_666 = vector.shape_cast %gt3A_659 : vector<64x1xi1> to vector<64x1xi1>
    %broadcast_in_dim3A_667 = vector.broadcast %broadcast_in_dim3A_666 : vector<64x1xi1> to vector<64x128xi1>
    %broadcast_in_dim3A_668 = vector.broadcast %jit3A_665 : f32 to vector<64x128xf32>
    %select_n3A_669 = arith.select %broadcast_in_dim3A_667, %get3A_664, %broadcast_in_dim3A_668 : vector<64x128xi1>, vector<64x128xf32>
    %max3A_670 = arith.maximumf %max3A_656, %select_n3A_669 : vector<64x128xf32>
    %gt3A_671 = arith.constant 48 : i32
    %gt3A_672 = vector.broadcast %gt3A_671 : i32 to vector<64x1xi32>
    %gt3A_673 = arith.cmpi sgt, %get3A_1, %gt3A_672 : vector<64x1xi32>
    %get3A_674 = arith.constant 48 : index
    %get3A_675 = arith.constant 0 : index
    %get3A_676 = arith.constant 0 : index
    %get3A_677 = vector.load %arg1[%get3A_674, %get3A_675, %get3A_676] : memref<64x64x128xf32, #tpu.memory_space<vmem>>, vector<1x64x128xf32>
    %get3A_678 = vector.shape_cast %get3A_677 : vector<1x64x128xf32> to vector<64x128xf32>
    %jit3A_679 = arith.constant 0xFF800000 : f32
    %broadcast_in_dim3A_680 = vector.shape_cast %gt3A_673 : vector<64x1xi1> to vector<64x1xi1>
    %broadcast_in_dim3A_681 = vector.broadcast %broadcast_in_dim3A_680 : vector<64x1xi1> to vector<64x128xi1>
    %broadcast_in_dim3A_682 = vector.broadcast %jit3A_679 : f32 to vector<64x128xf32>
    %select_n3A_683 = arith.select %broadcast_in_dim3A_681, %get3A_678, %broadcast_in_dim3A_682 : vector<64x128xi1>, vector<64x128xf32>
    %max3A_684 = arith.maximumf %max3A_670, %select_n3A_683 : vector<64x128xf32>
    %gt3A_685 = arith.constant 49 : i32
    %gt3A_686 = vector.broadcast %gt3A_685 : i32 to vector<64x1xi32>
    %gt3A_687 = arith.cmpi sgt, %get3A_1, %gt3A_686 : vector<64x1xi32>
    %get3A_688 = arith.constant 49 : index
    %get3A_689 = arith.constant 0 : index
    %get3A_690 = arith.constant 0 : index
    %get3A_691 = vector.load %arg1[%get3A_688, %get3A_689, %get3A_690] : memref<64x64x128xf32, #tpu.memory_space<vmem>>, vector<1x64x128xf32>
    %get3A_692 = vector.shape_cast %get3A_691 : vector<1x64x128xf32> to vector<64x128xf32>
    %jit3A_693 = arith.constant 0xFF800000 : f32
    %broadcast_in_dim3A_694 = vector.shape_cast %gt3A_687 : vector<64x1xi1> to vector<64x1xi1>
    %broadcast_in_dim3A_695 = vector.broadcast %broadcast_in_dim3A_694 : vector<64x1xi1> to vector<64x128xi1>
    %broadcast_in_dim3A_696 = vector.broadcast %jit3A_693 : f32 to vector<64x128xf32>
    %select_n3A_697 = arith.select %broadcast_in_dim3A_695, %get3A_692, %broadcast_in_dim3A_696 : vector<64x128xi1>, vector<64x128xf32>
    %max3A_698 = arith.maximumf %max3A_684, %select_n3A_697 : vector<64x128xf32>
    %gt3A_699 = arith.constant 50 : i32
    %gt3A_700 = vector.broadcast %gt3A_699 : i32 to vector<64x1xi32>
    %gt3A_701 = arith.cmpi sgt, %get3A_1, %gt3A_700 : vector<64x1xi32>
    %get3A_702 = arith.constant 50 : index
    %get3A_703 = arith.constant 0 : index
    %get3A_704 = arith.constant 0 : index
    %get3A_705 = vector.load %arg1[%get3A_702, %get3A_703, %get3A_704] : memref<64x64x128xf32, #tpu.memory_space<vmem>>, vector<1x64x128xf32>
    %get3A_706 = vector.shape_cast %get3A_705 : vector<1x64x128xf32> to vector<64x128xf32>
    %jit3A_707 = arith.constant 0xFF800000 : f32
    %broadcast_in_dim3A_708 = vector.shape_cast %gt3A_701 : vector<64x1xi1> to vector<64x1xi1>
    %broadcast_in_dim3A_709 = vector.broadcast %broadcast_in_dim3A_708 : vector<64x1xi1> to vector<64x128xi1>
    %broadcast_in_dim3A_710 = vector.broadcast %jit3A_707 : f32 to vector<64x128xf32>
    %select_n3A_711 = arith.select %broadcast_in_dim3A_709, %get3A_706, %broadcast_in_dim3A_710 : vector<64x128xi1>, vector<64x128xf32>
    %max3A_712 = arith.maximumf %max3A_698, %select_n3A_711 : vector<64x128xf32>
    %gt3A_713 = arith.constant 51 : i32
    %gt3A_714 = vector.broadcast %gt3A_713 : i32 to vector<64x1xi32>
    %gt3A_715 = arith.cmpi sgt, %get3A_1, %gt3A_714 : vector<64x1xi32>
    %get3A_716 = arith.constant 51 : index
    %get3A_717 = arith.constant 0 : index
    %get3A_718 = arith.constant 0 : index
    %get3A_719 = vector.load %arg1[%get3A_716, %get3A_717, %get3A_718] : memref<64x64x128xf32, #tpu.memory_space<vmem>>, vector<1x64x128xf32>
    %get3A_720 = vector.shape_cast %get3A_719 : vector<1x64x128xf32> to vector<64x128xf32>
    %jit3A_721 = arith.constant 0xFF800000 : f32
    %broadcast_in_dim3A_722 = vector.shape_cast %gt3A_715 : vector<64x1xi1> to vector<64x1xi1>
    %broadcast_in_dim3A_723 = vector.broadcast %broadcast_in_dim3A_722 : vector<64x1xi1> to vector<64x128xi1>
    %broadcast_in_dim3A_724 = vector.broadcast %jit3A_721 : f32 to vector<64x128xf32>
    %select_n3A_725 = arith.select %broadcast_in_dim3A_723, %get3A_720, %broadcast_in_dim3A_724 : vector<64x128xi1>, vector<64x128xf32>
    %max3A_726 = arith.maximumf %max3A_712, %select_n3A_725 : vector<64x128xf32>
    %gt3A_727 = arith.constant 52 : i32
    %gt3A_728 = vector.broadcast %gt3A_727 : i32 to vector<64x1xi32>
    %gt3A_729 = arith.cmpi sgt, %get3A_1, %gt3A_728 : vector<64x1xi32>
    %get3A_730 = arith.constant 52 : index
    %get3A_731 = arith.constant 0 : index
    %get3A_732 = arith.constant 0 : index
    %get3A_733 = vector.load %arg1[%get3A_730, %get3A_731, %get3A_732] : memref<64x64x128xf32, #tpu.memory_space<vmem>>, vector<1x64x128xf32>
    %get3A_734 = vector.shape_cast %get3A_733 : vector<1x64x128xf32> to vector<64x128xf32>
    %jit3A_735 = arith.constant 0xFF800000 : f32
    %broadcast_in_dim3A_736 = vector.shape_cast %gt3A_729 : vector<64x1xi1> to vector<64x1xi1>
    %broadcast_in_dim3A_737 = vector.broadcast %broadcast_in_dim3A_736 : vector<64x1xi1> to vector<64x128xi1>
    %broadcast_in_dim3A_738 = vector.broadcast %jit3A_735 : f32 to vector<64x128xf32>
    %select_n3A_739 = arith.select %broadcast_in_dim3A_737, %get3A_734, %broadcast_in_dim3A_738 : vector<64x128xi1>, vector<64x128xf32>
    %max3A_740 = arith.maximumf %max3A_726, %select_n3A_739 : vector<64x128xf32>
    %gt3A_741 = arith.constant 53 : i32
    %gt3A_742 = vector.broadcast %gt3A_741 : i32 to vector<64x1xi32>
    %gt3A_743 = arith.cmpi sgt, %get3A_1, %gt3A_742 : vector<64x1xi32>
    %get3A_744 = arith.constant 53 : index
    %get3A_745 = arith.constant 0 : index
    %get3A_746 = arith.constant 0 : index
    %get3A_747 = vector.load %arg1[%get3A_744, %get3A_745, %get3A_746] : memref<64x64x128xf32, #tpu.memory_space<vmem>>, vector<1x64x128xf32>
    %get3A_748 = vector.shape_cast %get3A_747 : vector<1x64x128xf32> to vector<64x128xf32>
    %jit3A_749 = arith.constant 0xFF800000 : f32
    %broadcast_in_dim3A_750 = vector.shape_cast %gt3A_743 : vector<64x1xi1> to vector<64x1xi1>
    %broadcast_in_dim3A_751 = vector.broadcast %broadcast_in_dim3A_750 : vector<64x1xi1> to vector<64x128xi1>
    %broadcast_in_dim3A_752 = vector.broadcast %jit3A_749 : f32 to vector<64x128xf32>
    %select_n3A_753 = arith.select %broadcast_in_dim3A_751, %get3A_748, %broadcast_in_dim3A_752 : vector<64x128xi1>, vector<64x128xf32>
    %max3A_754 = arith.maximumf %max3A_740, %select_n3A_753 : vector<64x128xf32>
    %gt3A_755 = arith.constant 54 : i32
    %gt3A_756 = vector.broadcast %gt3A_755 : i32 to vector<64x1xi32>
    %gt3A_757 = arith.cmpi sgt, %get3A_1, %gt3A_756 : vector<64x1xi32>
    %get3A_758 = arith.constant 54 : index
    %get3A_759 = arith.constant 0 : index
    %get3A_760 = arith.constant 0 : index
    %get3A_761 = vector.load %arg1[%get3A_758, %get3A_759, %get3A_760] : memref<64x64x128xf32, #tpu.memory_space<vmem>>, vector<1x64x128xf32>
    %get3A_762 = vector.shape_cast %get3A_761 : vector<1x64x128xf32> to vector<64x128xf32>
    %jit3A_763 = arith.constant 0xFF800000 : f32
    %broadcast_in_dim3A_764 = vector.shape_cast %gt3A_757 : vector<64x1xi1> to vector<64x1xi1>
    %broadcast_in_dim3A_765 = vector.broadcast %broadcast_in_dim3A_764 : vector<64x1xi1> to vector<64x128xi1>
    %broadcast_in_dim3A_766 = vector.broadcast %jit3A_763 : f32 to vector<64x128xf32>
    %select_n3A_767 = arith.select %broadcast_in_dim3A_765, %get3A_762, %broadcast_in_dim3A_766 : vector<64x128xi1>, vector<64x128xf32>
    %max3A_768 = arith.maximumf %max3A_754, %select_n3A_767 : vector<64x128xf32>
    %gt3A_769 = arith.constant 55 : i32
    %gt3A_770 = vector.broadcast %gt3A_769 : i32 to vector<64x1xi32>
    %gt3A_771 = arith.cmpi sgt, %get3A_1, %gt3A_770 : vector<64x1xi32>
    %get3A_772 = arith.constant 55 : index
    %get3A_773 = arith.constant 0 : index
    %get3A_774 = arith.constant 0 : index
    %get3A_775 = vector.load %arg1[%get3A_772, %get3A_773, %get3A_774] : memref<64x64x128xf32, #tpu.memory_space<vmem>>, vector<1x64x128xf32>
    %get3A_776 = vector.shape_cast %get3A_775 : vector<1x64x128xf32> to vector<64x128xf32>
    %jit3A_777 = arith.constant 0xFF800000 : f32
    %broadcast_in_dim3A_778 = vector.shape_cast %gt3A_771 : vector<64x1xi1> to vector<64x1xi1>
    %broadcast_in_dim3A_779 = vector.broadcast %broadcast_in_dim3A_778 : vector<64x1xi1> to vector<64x128xi1>
    %broadcast_in_dim3A_780 = vector.broadcast %jit3A_777 : f32 to vector<64x128xf32>
    %select_n3A_781 = arith.select %broadcast_in_dim3A_779, %get3A_776, %broadcast_in_dim3A_780 : vector<64x128xi1>, vector<64x128xf32>
    %max3A_782 = arith.maximumf %max3A_768, %select_n3A_781 : vector<64x128xf32>
    %gt3A_783 = arith.constant 56 : i32
    %gt3A_784 = vector.broadcast %gt3A_783 : i32 to vector<64x1xi32>
    %gt3A_785 = arith.cmpi sgt, %get3A_1, %gt3A_784 : vector<64x1xi32>
    %get3A_786 = arith.constant 56 : index
    %get3A_787 = arith.constant 0 : index
    %get3A_788 = arith.constant 0 : index
    %get3A_789 = vector.load %arg1[%get3A_786, %get3A_787, %get3A_788] : memref<64x64x128xf32, #tpu.memory_space<vmem>>, vector<1x64x128xf32>
    %get3A_790 = vector.shape_cast %get3A_789 : vector<1x64x128xf32> to vector<64x128xf32>
    %jit3A_791 = arith.constant 0xFF800000 : f32
    %broadcast_in_dim3A_792 = vector.shape_cast %gt3A_785 : vector<64x1xi1> to vector<64x1xi1>
    %broadcast_in_dim3A_793 = vector.broadcast %broadcast_in_dim3A_792 : vector<64x1xi1> to vector<64x128xi1>
    %broadcast_in_dim3A_794 = vector.broadcast %jit3A_791 : f32 to vector<64x128xf32>
    %select_n3A_795 = arith.select %broadcast_in_dim3A_793, %get3A_790, %broadcast_in_dim3A_794 : vector<64x128xi1>, vector<64x128xf32>
    %max3A_796 = arith.maximumf %max3A_782, %select_n3A_795 : vector<64x128xf32>
    %gt3A_797 = arith.constant 57 : i32
    %gt3A_798 = vector.broadcast %gt3A_797 : i32 to vector<64x1xi32>
    %gt3A_799 = arith.cmpi sgt, %get3A_1, %gt3A_798 : vector<64x1xi32>
    %get3A_800 = arith.constant 57 : index
    %get3A_801 = arith.constant 0 : index
    %get3A_802 = arith.constant 0 : index
    %get3A_803 = vector.load %arg1[%get3A_800, %get3A_801, %get3A_802] : memref<64x64x128xf32, #tpu.memory_space<vmem>>, vector<1x64x128xf32>
    %get3A_804 = vector.shape_cast %get3A_803 : vector<1x64x128xf32> to vector<64x128xf32>
    %jit3A_805 = arith.constant 0xFF800000 : f32
    %broadcast_in_dim3A_806 = vector.shape_cast %gt3A_799 : vector<64x1xi1> to vector<64x1xi1>
    %broadcast_in_dim3A_807 = vector.broadcast %broadcast_in_dim3A_806 : vector<64x1xi1> to vector<64x128xi1>
    %broadcast_in_dim3A_808 = vector.broadcast %jit3A_805 : f32 to vector<64x128xf32>
    %select_n3A_809 = arith.select %broadcast_in_dim3A_807, %get3A_804, %broadcast_in_dim3A_808 : vector<64x128xi1>, vector<64x128xf32>
    %max3A_810 = arith.maximumf %max3A_796, %select_n3A_809 : vector<64x128xf32>
    %gt3A_811 = arith.constant 58 : i32
    %gt3A_812 = vector.broadcast %gt3A_811 : i32 to vector<64x1xi32>
    %gt3A_813 = arith.cmpi sgt, %get3A_1, %gt3A_812 : vector<64x1xi32>
    %get3A_814 = arith.constant 58 : index
    %get3A_815 = arith.constant 0 : index
    %get3A_816 = arith.constant 0 : index
    %get3A_817 = vector.load %arg1[%get3A_814, %get3A_815, %get3A_816] : memref<64x64x128xf32, #tpu.memory_space<vmem>>, vector<1x64x128xf32>
    %get3A_818 = vector.shape_cast %get3A_817 : vector<1x64x128xf32> to vector<64x128xf32>
    %jit3A_819 = arith.constant 0xFF800000 : f32
    %broadcast_in_dim3A_820 = vector.shape_cast %gt3A_813 : vector<64x1xi1> to vector<64x1xi1>
    %broadcast_in_dim3A_821 = vector.broadcast %broadcast_in_dim3A_820 : vector<64x1xi1> to vector<64x128xi1>
    %broadcast_in_dim3A_822 = vector.broadcast %jit3A_819 : f32 to vector<64x128xf32>
    %select_n3A_823 = arith.select %broadcast_in_dim3A_821, %get3A_818, %broadcast_in_dim3A_822 : vector<64x128xi1>, vector<64x128xf32>
    %max3A_824 = arith.maximumf %max3A_810, %select_n3A_823 : vector<64x128xf32>
    %gt3A_825 = arith.constant 59 : i32
    %gt3A_826 = vector.broadcast %gt3A_825 : i32 to vector<64x1xi32>
    %gt3A_827 = arith.cmpi sgt, %get3A_1, %gt3A_826 : vector<64x1xi32>
    %get3A_828 = arith.constant 59 : index
    %get3A_829 = arith.constant 0 : index
    %get3A_830 = arith.constant 0 : index
    %get3A_831 = vector.load %arg1[%get3A_828, %get3A_829, %get3A_830] : memref<64x64x128xf32, #tpu.memory_space<vmem>>, vector<1x64x128xf32>
    %get3A_832 = vector.shape_cast %get3A_831 : vector<1x64x128xf32> to vector<64x128xf32>
    %jit3A_833 = arith.constant 0xFF800000 : f32
    %broadcast_in_dim3A_834 = vector.shape_cast %gt3A_827 : vector<64x1xi1> to vector<64x1xi1>
    %broadcast_in_dim3A_835 = vector.broadcast %broadcast_in_dim3A_834 : vector<64x1xi1> to vector<64x128xi1>
    %broadcast_in_dim3A_836 = vector.broadcast %jit3A_833 : f32 to vector<64x128xf32>
    %select_n3A_837 = arith.select %broadcast_in_dim3A_835, %get3A_832, %broadcast_in_dim3A_836 : vector<64x128xi1>, vector<64x128xf32>
    %max3A_838 = arith.maximumf %max3A_824, %select_n3A_837 : vector<64x128xf32>
    %gt3A_839 = arith.constant 60 : i32
    %gt3A_840 = vector.broadcast %gt3A_839 : i32 to vector<64x1xi32>
    %gt3A_841 = arith.cmpi sgt, %get3A_1, %gt3A_840 : vector<64x1xi32>
    %get3A_842 = arith.constant 60 : index
    %get3A_843 = arith.constant 0 : index
    %get3A_844 = arith.constant 0 : index
    %get3A_845 = vector.load %arg1[%get3A_842, %get3A_843, %get3A_844] : memref<64x64x128xf32, #tpu.memory_space<vmem>>, vector<1x64x128xf32>
    %get3A_846 = vector.shape_cast %get3A_845 : vector<1x64x128xf32> to vector<64x128xf32>
    %jit3A_847 = arith.constant 0xFF800000 : f32
    %broadcast_in_dim3A_848 = vector.shape_cast %gt3A_841 : vector<64x1xi1> to vector<64x1xi1>
    %broadcast_in_dim3A_849 = vector.broadcast %broadcast_in_dim3A_848 : vector<64x1xi1> to vector<64x128xi1>
    %broadcast_in_dim3A_850 = vector.broadcast %jit3A_847 : f32 to vector<64x128xf32>
    %select_n3A_851 = arith.select %broadcast_in_dim3A_849, %get3A_846, %broadcast_in_dim3A_850 : vector<64x128xi1>, vector<64x128xf32>
    %max3A_852 = arith.maximumf %max3A_838, %select_n3A_851 : vector<64x128xf32>
    %gt3A_853 = arith.constant 61 : i32
    %gt3A_854 = vector.broadcast %gt3A_853 : i32 to vector<64x1xi32>
    %gt3A_855 = arith.cmpi sgt, %get3A_1, %gt3A_854 : vector<64x1xi32>
    %get3A_856 = arith.constant 61 : index
    %get3A_857 = arith.constant 0 : index
    %get3A_858 = arith.constant 0 : index
    %get3A_859 = vector.load %arg1[%get3A_856, %get3A_857, %get3A_858] : memref<64x64x128xf32, #tpu.memory_space<vmem>>, vector<1x64x128xf32>
    %get3A_860 = vector.shape_cast %get3A_859 : vector<1x64x128xf32> to vector<64x128xf32>
    %jit3A_861 = arith.constant 0xFF800000 : f32
    %broadcast_in_dim3A_862 = vector.shape_cast %gt3A_855 : vector<64x1xi1> to vector<64x1xi1>
    %broadcast_in_dim3A_863 = vector.broadcast %broadcast_in_dim3A_862 : vector<64x1xi1> to vector<64x128xi1>
    %broadcast_in_dim3A_864 = vector.broadcast %jit3A_861 : f32 to vector<64x128xf32>
    %select_n3A_865 = arith.select %broadcast_in_dim3A_863, %get3A_860, %broadcast_in_dim3A_864 : vector<64x128xi1>, vector<64x128xf32>
    %max3A_866 = arith.maximumf %max3A_852, %select_n3A_865 : vector<64x128xf32>
    %gt3A_867 = arith.constant 62 : i32
    %gt3A_868 = vector.broadcast %gt3A_867 : i32 to vector<64x1xi32>
    %gt3A_869 = arith.cmpi sgt, %get3A_1, %gt3A_868 : vector<64x1xi32>
    %get3A_870 = arith.constant 62 : index
    %get3A_871 = arith.constant 0 : index
    %get3A_872 = arith.constant 0 : index
    %get3A_873 = vector.load %arg1[%get3A_870, %get3A_871, %get3A_872] : memref<64x64x128xf32, #tpu.memory_space<vmem>>, vector<1x64x128xf32>
    %get3A_874 = vector.shape_cast %get3A_873 : vector<1x64x128xf32> to vector<64x128xf32>
    %jit3A_875 = arith.constant 0xFF800000 : f32
    %broadcast_in_dim3A_876 = vector.shape_cast %gt3A_869 : vector<64x1xi1> to vector<64x1xi1>
    %broadcast_in_dim3A_877 = vector.broadcast %broadcast_in_dim3A_876 : vector<64x1xi1> to vector<64x128xi1>
    %broadcast_in_dim3A_878 = vector.broadcast %jit3A_875 : f32 to vector<64x128xf32>
    %select_n3A_879 = arith.select %broadcast_in_dim3A_877, %get3A_874, %broadcast_in_dim3A_878 : vector<64x128xi1>, vector<64x128xf32>
    %max3A_880 = arith.maximumf %max3A_866, %select_n3A_879 : vector<64x128xf32>
    %gt3A_881 = arith.constant 63 : i32
    %gt3A_882 = vector.broadcast %gt3A_881 : i32 to vector<64x1xi32>
    %gt3A_883 = arith.cmpi sgt, %get3A_1, %gt3A_882 : vector<64x1xi32>
    %get3A_884 = arith.constant 63 : index
    %get3A_885 = arith.constant 0 : index
    %get3A_886 = arith.constant 0 : index
    %get3A_887 = vector.load %arg1[%get3A_884, %get3A_885, %get3A_886] : memref<64x64x128xf32, #tpu.memory_space<vmem>>, vector<1x64x128xf32>
    %get3A_888 = vector.shape_cast %get3A_887 : vector<1x64x128xf32> to vector<64x128xf32>
    %jit3A_889 = arith.constant 0xFF800000 : f32
    %broadcast_in_dim3A_890 = vector.shape_cast %gt3A_883 : vector<64x1xi1> to vector<64x1xi1>
    %broadcast_in_dim3A_891 = vector.broadcast %broadcast_in_dim3A_890 : vector<64x1xi1> to vector<64x128xi1>
    %broadcast_in_dim3A_892 = vector.broadcast %jit3A_889 : f32 to vector<64x128xf32>
    %select_n3A_893 = arith.select %broadcast_in_dim3A_891, %get3A_888, %broadcast_in_dim3A_892 : vector<64x128xi1>, vector<64x128xf32>
    %max3A_894 = arith.maximumf %max3A_880, %select_n3A_893 : vector<64x128xf32>
    %gt3A_895 = arith.constant 0xFF800000 : f32
    %gt3A_896 = vector.broadcast %gt3A_895 : f32 to vector<64x128xf32>
    %gt3A_897 = arith.cmpf ogt, %max3A_894, %gt3A_896 : vector<64x128xf32>
    %jit3A_898 = arith.constant 0.000000e+00 : f32
    %broadcast_in_dim3A_899 = vector.broadcast %jit3A_898 : f32 to vector<64x128xf32>
    %select_n3A_900 = arith.select %gt3A_897, %max3A_894, %broadcast_in_dim3A_899 : vector<64x128xi1>, vector<64x128xf32>
    %swap3A = arith.constant 0 : index
    %swap3A_901 = arith.constant 0 : index
    %swap3A_902 = vector.load %arg3[%swap3A, %swap3A_901] : memref<64x128xf32, #tpu.memory_space<vmem>>, vector<64x128xf32>
    tpu.vector_store %arg3[%swap3A, %swap3A_901], %select_n3A_900 {strides = array<i32>} : memref<64x128xf32, #tpu.memory_space<vmem>>, vector<64x128xf32>,
    return
  }
  func.func @transform_0(%arg0: i32) -> (i32, i32, i32) {
    %c0_i32 = arith.constant 0 : i32
    %c0_i32_0 = arith.constant 0 : i32
    %c0_i32_1 = arith.constant 0 : i32
    return %c0_i32, %arg0, %c0_i32_0 : i32, i32, i32
  }
  func.func @transform_1(%arg0: i32) -> (i32, i32) {
    %c0_i32 = arith.constant 0 : i32
    %c0_i32_0 = arith.constant 0 : i32
    return %arg0, %c0_i32 : i32, i32
  }
  func.func @transform_2(%arg0: i32) -> (i32, i32) {
    %c0_i32 = arith.constant 0 : i32
    %c0_i32_0 = arith.constant 0 : i32
    return %arg0, %c0_i32 : i32, i32
  }
}

module attributes {stable_mosaic.version = 14 : i64} {
  func.func @_radius_body(%arg0: i32, %arg1: memref<6x5120xf32, #tpu.memory_space<vmem>>, %arg2: memref<1x5120xi32, #tpu.memory_space<vmem>>, %arg3: memref<8x6xf32, #tpu.memory_space<vmem>>, %arg4: memref<8x1xi32, #tpu.memory_space<vmem>>, %arg5: memref<8x64xi32, #tpu.memory_space<vmem>>, %arg6: memref<8x1xi32, #tpu.memory_space<vmem>>) attributes {dimension_semantics = [#tpu.dimension_semantics<arbitrary>], iteration_bounds = array<i64: 160>, scalar_prefetch = 0 : i64, scratch_operands = 0 : i64, tpu.core_type = #tpu.core_type<tc>, window_params = [{pipeline_mode = #tpu.pipeline_mode<synchronous>, transform_indices = @transform_0, window_bounds = array<i64: 6, 5120>}, {pipeline_mode = #tpu.pipeline_mode<synchronous>, transform_indices = @transform_1, window_bounds = array<i64: 1, 5120>}, {transform_indices = @transform_2, window_bounds = array<i64: 8, 6>}, {transform_indices = @transform_3, window_bounds = array<i64: 8, 1>}, {transform_indices = @transform_4, window_bounds = array<i64: 8, 64>}, {transform_indices = @transform_5, window_bounds = array<i64: 8, 1>}]} {
    %get3A = arith.constant 0 : index
    %get3A_0 = arith.constant 0 : index
    %get3A_1 = vector.load %arg2[%get3A, %get3A_0] : memref<1x5120xi32, #tpu.memory_space<vmem>>, vector<1x5120xi32>
    %get3A_2 = arith.constant 0 : index
    %get3A_3 = arith.constant 0 : index
    %get3A_4 = vector.load %arg3[%get3A_2, %get3A_3] : memref<8x6xf32, #tpu.memory_space<vmem>>, vector<8x6xf32>
    %get3A_5 = arith.constant 0 : index
    %get3A_6 = arith.constant 0 : index
    %get3A_7 = vector.load %arg4[%get3A_5, %get3A_6] : memref<8x1xi32, #tpu.memory_space<vmem>>, vector<8x1xi32>
    %iota3A = tpu.iota {dimensions = array<i32: 2>} : vector<1x1x64xi32>
    %convert_element_type3A = arith.sitofp %iota3A : vector<1x1x64xi32> to vector<1x1x64xf32>
    %iota3A_8 = tpu.iota {dimensions = array<i32: 0>} : vector<512x512xi32>
    %iota3A_9 = tpu.iota {dimensions = array<i32: 1>} : vector<512x512xi32>
    %le3A = arith.cmpi sle, %iota3A_8, %iota3A_9 : vector<512x512xi32>
    %convert_element_type3A_10 = arith.extui %le3A : vector<512x512xi1> to vector<512x512xi32>
    %convert_element_type3A_11 = arith.sitofp %convert_element_type3A_10 : vector<512x512xi32> to vector<512x512xf32>
    %iota3A_12 = tpu.iota {dimensions = array<i32: 1>} : vector<1x5120xi32>
    %reduce_min3A = vector.shape_cast %get3A_7 : vector<8x1xi32> to vector<1x8x1xi32>
    %reduce_min3A_13 = arith.constant dense<2147483647> : vector<1xi32>
    %reduce_min3A_14 = vector.multi_reduction <minsi>, %reduce_min3A, %reduce_min3A_13 [1, 2] : vector<1x8x1xi32> to vector<1xi32>
    %reduce_min3A_15 = vector.shape_cast %reduce_min3A_14 : vector<1xi32> to vector<1x1x1xi32>
    %reduce_min3A_16 = vector.extract %reduce_min3A_15[0, 0, 0] : i32 from vector<1x1x1xi32>
    %reduce_max3A = vector.shape_cast %get3A_7 : vector<8x1xi32> to vector<1x8x1xi32>
    %reduce_max3A_17 = arith.constant dense<-2147483648> : vector<1xi32>
    %reduce_max3A_18 = vector.multi_reduction <maxsi>, %reduce_max3A, %reduce_max3A_17 [1, 2] : vector<1x8x1xi32> to vector<1xi32>
    %reduce_max3A_19 = vector.shape_cast %reduce_max3A_18 : vector<1xi32> to vector<1x1x1xi32>
    %reduce_max3A_20 = vector.extract %reduce_max3A_19[0, 0, 0] : i32 from vector<1x1x1xi32>
    %ge3A = vector.broadcast %reduce_min3A_16 : i32 to vector<1x5120xi32>
    %ge3A_21 = arith.cmpi sge, %get3A_1, %ge3A : vector<1x5120xi32>
    %jit3A = arith.constant 5120 : i32
    %broadcast_in_dim3A = vector.broadcast %jit3A : i32 to vector<1x5120xi32>
    %select_n3A = arith.select %ge3A_21, %iota3A_12, %broadcast_in_dim3A : vector<1x5120xi1>, vector<1x5120xi32>
    %reduce_min3A_22 = vector.shape_cast %select_n3A : vector<1x5120xi32> to vector<1x1x5120xi32>
    %reduce_min3A_23 = arith.constant dense<2147483647> : vector<1xi32>
    %reduce_min3A_24 = vector.multi_reduction <minsi>, %reduce_min3A_22, %reduce_min3A_23 [1, 2] : vector<1x1x5120xi32> to vector<1xi32>
    %reduce_min3A_25 = vector.shape_cast %reduce_min3A_24 : vector<1xi32> to vector<1x1x1xi32>
    %reduce_min3A_26 = vector.extract %reduce_min3A_25[0, 0, 0] : i32 from vector<1x1x1xi32>
    %le3A_27 = vector.broadcast %reduce_max3A_20 : i32 to vector<1x5120xi32>
    %le3A_28 = arith.cmpi sle, %get3A_1, %le3A_27 : vector<1x5120xi32>
    %add3A = arith.constant 1 : i32
    %add3A_29 = vector.broadcast %add3A : i32 to vector<1x5120xi32>
    %add3A_30 = arith.addi %iota3A_12, %add3A_29 : vector<1x5120xi32>
    %jit3A_31 = arith.constant 0 : i32
    %broadcast_in_dim3A_32 = vector.broadcast %jit3A_31 : i32 to vector<1x5120xi32>
    %select_n3A_33 = arith.select %le3A_28, %add3A_30, %broadcast_in_dim3A_32 : vector<1x5120xi1>, vector<1x5120xi32>
    %reduce_max3A_34 = vector.shape_cast %select_n3A_33 : vector<1x5120xi32> to vector<1x1x5120xi32>
    %reduce_max3A_35 = arith.constant dense<-2147483648> : vector<1xi32>
    %reduce_max3A_36 = vector.multi_reduction <maxsi>, %reduce_max3A_34, %reduce_max3A_35 [1, 2] : vector<1x1x5120xi32> to vector<1xi32>
    %reduce_max3A_37 = vector.shape_cast %reduce_max3A_36 : vector<1xi32> to vector<1x1x1xi32>
    %reduce_max3A_38 = vector.extract %reduce_max3A_37[0, 0, 0] : i32 from vector<1x1x1xi32>
    %jit3A_39 = arith.constant 512 : i32
    %div3A = arith.divsi %reduce_min3A_26, %jit3A_39 : i32
    %sign3A = arith.constant 0 : i32
    %sign3A_40 = arith.cmpi sgt, %reduce_min3A_26, %sign3A : i32
    %sign3A_41 = arith.extui %sign3A_40 : i1 to i32
    %sign3A_42 = arith.constant 0 : i32
    %sign3A_43 = arith.cmpi slt, %reduce_min3A_26, %sign3A_42 : i32
    %sign3A_44 = arith.extui %sign3A_43 : i1 to i32
    %sign3A_45 = arith.subi %sign3A_41, %sign3A_44 : i32
    %sign3A_46 = arith.constant 0 : i32
    %sign3A_47 = arith.cmpi sgt, %jit3A_39, %sign3A_46 : i32
    %sign3A_48 = arith.extui %sign3A_47 : i1 to i32
    %sign3A_49 = arith.constant 0 : i32
    %sign3A_50 = arith.cmpi slt, %jit3A_39, %sign3A_49 : i32
    %sign3A_51 = arith.extui %sign3A_50 : i1 to i32
    %sign3A_52 = arith.subi %sign3A_48, %sign3A_51 : i32
    %ne3A = arith.cmpi ne, %sign3A_45, %sign3A_52 : i32
    %rem3A = arith.remsi %reduce_min3A_26, %jit3A_39 : i32
    %ne3A_53 = arith.constant 0 : i32
    %ne3A_54 = arith.cmpi ne, %rem3A, %ne3A_53 : i32
    %and3A = arith.andi %ne3A, %ne3A_54 : i1
    %sub3A = arith.constant 1 : i32
    %sub3A_55 = arith.subi %div3A, %sub3A : i32
    %select_n3A_56 = arith.select %and3A, %sub3A_55, %div3A : i32
    %add3A_57 = arith.constant 512 : i32
    %add3A_58 = arith.addi %reduce_max3A_38, %add3A_57 : i32
    %sub3A_59 = arith.constant 1 : i32
    %sub3A_60 = arith.subi %add3A_58, %sub3A_59 : i32
    %jit3A_61 = arith.constant 512 : i32
    %div3A_62 = arith.divsi %sub3A_60, %jit3A_61 : i32
    %sign3A_63 = arith.constant 0 : i32
    %sign3A_64 = arith.cmpi sgt, %sub3A_60, %sign3A_63 : i32
    %sign3A_65 = arith.extui %sign3A_64 : i1 to i32
    %sign3A_66 = arith.constant 0 : i32
    %sign3A_67 = arith.cmpi slt, %sub3A_60, %sign3A_66 : i32
    %sign3A_68 = arith.extui %sign3A_67 : i1 to i32
    %sign3A_69 = arith.subi %sign3A_65, %sign3A_68 : i32
    %sign3A_70 = arith.constant 0 : i32
    %sign3A_71 = arith.cmpi sgt, %jit3A_61, %sign3A_70 : i32
    %sign3A_72 = arith.extui %sign3A_71 : i1 to i32
    %sign3A_73 = arith.constant 0 : i32
    %sign3A_74 = arith.cmpi slt, %jit3A_61, %sign3A_73 : i32
    %sign3A_75 = arith.extui %sign3A_74 : i1 to i32
    %sign3A_76 = arith.subi %sign3A_72, %sign3A_75 : i32
    %ne3A_77 = arith.cmpi ne, %sign3A_69, %sign3A_76 : i32
    %rem3A_78 = arith.remsi %sub3A_60, %jit3A_61 : i32
    %ne3A_79 = arith.constant 0 : i32
    %ne3A_80 = arith.cmpi ne, %rem3A_78, %ne3A_79 : i32
    %and3A_81 = arith.andi %ne3A_77, %ne3A_80 : i1
    %sub3A_82 = arith.constant 1 : i32
    %sub3A_83 = arith.subi %div3A_62, %sub3A_82 : i32
    %select_n3A_84 = arith.select %and3A_81, %sub3A_83, %div3A_62 : i32
    %max3A = arith.maxsi %select_n3A_84, %select_n3A_56 : i32
    %broadcast_in_dim3A_85 = arith.constant 0.000000e+00 : f32
    %broadcast_in_dim3A_86 = vector.broadcast %broadcast_in_dim3A_85 : f32 to vector<8x1xf32>
    %broadcast_in_dim3A_87 = arith.constant 0.000000e+00 : f32
    %broadcast_in_dim3A_88 = vector.broadcast %broadcast_in_dim3A_87 : f32 to vector<8x64xf32>
    %while3A = arith.subi %max3A, %select_n3A_56 : i32
    %while3A_89 = arith.addi %select_n3A_56, %while3A : i32
    %while3A_90 = arith.constant 1 : i32
    %while3A_91 = arith.divsi %while3A, %while3A_90 : i32
    %while3A_92 = arith.muli %while3A_91, %while3A_90 : i32
    %while3A_93 = arith.addi %select_n3A_56, %while3A_92 : i32
    %while3A_94 = arith.constant 1 : i32
    %while3A_95:2 = scf.for %while3A_124 = %select_n3A_56 to %while3A_93 step %while3A_94 iter_args(%while3A_125 = %broadcast_in_dim3A_86, %while3A_126 = %broadcast_in_dim3A_88) -> (vector<8x1xf32>, vector<8x64xf32>)  : i32 {
      %mul3A_127 = arith.constant 512 : i32
      %mul3A_128 = arith.muli %while3A_124, %mul3A_127 : i32
      %multiple_of3A = tpu.assume_multiple %mul3A_128, 512 : i32
      %broadcast_in_dim3A_129 = arith.constant 0.000000e+00 : f32
      %broadcast_in_dim3A_130 = vector.broadcast %broadcast_in_dim3A_129 : f32 to vector<8x512xf32>
      %slice3A = vector.extract_strided_slice %get3A_4 {offsets = [0, 0], sizes = [8, 1], strides = [1, 1]} : vector<8x6xf32> to vector<8x1xf32>
      %get3A_131 = arith.constant 0 : index
      %get3A_132 = arith.index_cast %multiple_of3A : i32 to index
      %get3A_133 = vector.load %arg1[%get3A_131, %get3A_132] : memref<6x5120xf32, #tpu.memory_space<vmem>>, vector<1x512xf32>
      %sub3A_134 = vector.broadcast %slice3A : vector<8x1xf32> to vector<8x512xf32>
      %sub3A_135 = vector.broadcast %get3A_133 : vector<1x512xf32> to vector<8x512xf32>
      %sub3A_136 = arith.subf %sub3A_134, %sub3A_135 : vector<8x512xf32>
      %mul3A_137 = arith.mulf %sub3A_136, %sub3A_136 : vector<8x512xf32>
      %add3A_138 = arith.addf %broadcast_in_dim3A_130, %mul3A_137 : vector<8x512xf32>
      %slice3A_139 = vector.extract_strided_slice %get3A_4 {offsets = [0, 1], sizes = [8, 1], strides = [1, 1]} : vector<8x6xf32> to vector<8x1xf32>
      %get3A_140 = arith.constant 1 : index
      %get3A_141 = arith.index_cast %multiple_of3A : i32 to index
      %get3A_142 = vector.load %arg1[%get3A_140, %get3A_141] : memref<6x5120xf32, #tpu.memory_space<vmem>>, vector<1x512xf32>
      %sub3A_143 = vector.broadcast %slice3A_139 : vector<8x1xf32> to vector<8x512xf32>
      %sub3A_144 = vector.broadcast %get3A_142 : vector<1x512xf32> to vector<8x512xf32>
      %sub3A_145 = arith.subf %sub3A_143, %sub3A_144 : vector<8x512xf32>
      %mul3A_146 = arith.mulf %sub3A_145, %sub3A_145 : vector<8x512xf32>
      %add3A_147 = arith.addf %add3A_138, %mul3A_146 : vector<8x512xf32>
      %slice3A_148 = vector.extract_strided_slice %get3A_4 {offsets = [0, 2], sizes = [8, 1], strides = [1, 1]} : vector<8x6xf32> to vector<8x1xf32>
      %get3A_149 = arith.constant 2 : index
      %get3A_150 = arith.index_cast %multiple_of3A : i32 to index
      %get3A_151 = vector.load %arg1[%get3A_149, %get3A_150] : memref<6x5120xf32, #tpu.memory_space<vmem>>, vector<1x512xf32>
      %sub3A_152 = vector.broadcast %slice3A_148 : vector<8x1xf32> to vector<8x512xf32>
      %sub3A_153 = vector.broadcast %get3A_151 : vector<1x512xf32> to vector<8x512xf32>
      %sub3A_154 = arith.subf %sub3A_152, %sub3A_153 : vector<8x512xf32>
      %mul3A_155 = arith.mulf %sub3A_154, %sub3A_154 : vector<8x512xf32>
      %add3A_156 = arith.addf %add3A_147, %mul3A_155 : vector<8x512xf32>
      %slice3A_157 = vector.extract_strided_slice %get3A_4 {offsets = [0, 3], sizes = [8, 1], strides = [1, 1]} : vector<8x6xf32> to vector<8x1xf32>
      %get3A_158 = arith.constant 3 : index
      %get3A_159 = arith.index_cast %multiple_of3A : i32 to index
      %get3A_160 = vector.load %arg1[%get3A_158, %get3A_159] : memref<6x5120xf32, #tpu.memory_space<vmem>>, vector<1x512xf32>
      %sub3A_161 = vector.broadcast %slice3A_157 : vector<8x1xf32> to vector<8x512xf32>
      %sub3A_162 = vector.broadcast %get3A_160 : vector<1x512xf32> to vector<8x512xf32>
      %sub3A_163 = arith.subf %sub3A_161, %sub3A_162 : vector<8x512xf32>
      %mul3A_164 = arith.mulf %sub3A_163, %sub3A_163 : vector<8x512xf32>
      %add3A_165 = arith.addf %add3A_156, %mul3A_164 : vector<8x512xf32>
      %slice3A_166 = vector.extract_strided_slice %get3A_4 {offsets = [0, 4], sizes = [8, 1], strides = [1, 1]} : vector<8x6xf32> to vector<8x1xf32>
      %get3A_167 = arith.constant 4 : index
      %get3A_168 = arith.index_cast %multiple_of3A : i32 to index
      %get3A_169 = vector.load %arg1[%get3A_167, %get3A_168] : memref<6x5120xf32, #tpu.memory_space<vmem>>, vector<1x512xf32>
      %sub3A_170 = vector.broadcast %slice3A_166 : vector<8x1xf32> to vector<8x512xf32>
      %sub3A_171 = vector.broadcast %get3A_169 : vector<1x512xf32> to vector<8x512xf32>
      %sub3A_172 = arith.subf %sub3A_170, %sub3A_171 : vector<8x512xf32>
      %mul3A_173 = arith.mulf %sub3A_172, %sub3A_172 : vector<8x512xf32>
      %add3A_174 = arith.addf %add3A_165, %mul3A_173 : vector<8x512xf32>
      %slice3A_175 = vector.extract_strided_slice %get3A_4 {offsets = [0, 5], sizes = [8, 1], strides = [1, 1]} : vector<8x6xf32> to vector<8x1xf32>
      %get3A_176 = arith.constant 5 : index
      %get3A_177 = arith.index_cast %multiple_of3A : i32 to index
      %get3A_178 = vector.load %arg1[%get3A_176, %get3A_177] : memref<6x5120xf32, #tpu.memory_space<vmem>>, vector<1x512xf32>
      %sub3A_179 = vector.broadcast %slice3A_175 : vector<8x1xf32> to vector<8x512xf32>
      %sub3A_180 = vector.broadcast %get3A_178 : vector<1x512xf32> to vector<8x512xf32>
      %sub3A_181 = arith.subf %sub3A_179, %sub3A_180 : vector<8x512xf32>
      %mul3A_182 = arith.mulf %sub3A_181, %sub3A_181 : vector<8x512xf32>
      %add3A_183 = arith.addf %add3A_174, %mul3A_182 : vector<8x512xf32>
      %le3A_184 = arith.constant 1.600000e-01 : f32
      %le3A_185 = vector.broadcast %le3A_184 : f32 to vector<8x512xf32>
      %le3A_186 = arith.cmpf ole, %add3A_183, %le3A_185 : vector<8x512xf32>
      %get3A_187 = arith.constant 0 : index
      %get3A_188 = arith.index_cast %multiple_of3A : i32 to index
      %get3A_189 = vector.load %arg2[%get3A_187, %get3A_188] : memref<1x5120xi32, #tpu.memory_space<vmem>>, vector<1x512xi32>
      %eq3A = vector.broadcast %get3A_189 : vector<1x512xi32> to vector<8x512xi32>
      %eq3A_190 = vector.broadcast %get3A_7 : vector<8x1xi32> to vector<8x512xi32>
      %eq3A_191 = arith.cmpi eq, %eq3A, %eq3A_190 : vector<8x512xi32>
      %and3A_192 = arith.andi %le3A_186, %eq3A_191 : vector<8x512xi1>
      %convert_element_type3A_193 = arith.extui %and3A_192 : vector<8x512xi1> to vector<8x512xi32>
      %convert_element_type3A_194 = arith.sitofp %convert_element_type3A_193 : vector<8x512xi32> to vector<8x512xf32>
      %dot_general3A = arith.constant dense<0.000000e+00> : vector<8x512xf32>
      %dot_general3A_195 = tpu.matmul %convert_element_type3A_194, %convert_element_type3A_11, %dot_general3A {dimension_numbers = #tpu.dot_dimension_numbers<[1], [0], [0], [1], [0, 0, 1, 1], [], []>, transpose_lhs_hint = false} : vector<8x512xf32>, vector<512x512xf32>, vector<8x512xf32> -> vector<8x512xf32>
      %add3A_196 = vector.broadcast %while3A_125 : vector<8x1xf32> to vector<8x512xf32>
      %add3A_197 = arith.addf %dot_general3A_195, %add3A_196 : vector<8x512xf32>
      %broadcast_in_dim3A_198 = vector.shape_cast %add3A_197 : vector<8x512xf32> to vector<8x512x1xf32>
      %le3A_199 = vector.broadcast %broadcast_in_dim3A_198 : vector<8x512x1xf32> to vector<8x512x64xf32>
      %le3A_200 = vector.broadcast %convert_element_type3A : vector<1x1x64xf32> to vector<8x512x64xf32>
      %le3A_201 = arith.cmpf ole, %le3A_199, %le3A_200 : vector<8x512x64xf32>
      %convert_element_type3A_202 = arith.extui %le3A_201 : vector<8x512x64xi1> to vector<8x512x64xi32>
      %convert_element_type3A_203 = arith.sitofp %convert_element_type3A_202 : vector<8x512x64xi32> to vector<8x512x64xf32>
      %reduce_sum3A = arith.constant dense<0.000000e+00> : vector<8x64xf32>
      %reduce_sum3A_204 = vector.multi_reduction <add>, %convert_element_type3A_203, %reduce_sum3A [1] : vector<8x512x64xf32> to vector<8x64xf32>
      %add3A_205 = arith.addf %while3A_126, %reduce_sum3A_204 : vector<8x64xf32>
      %slice3A_206 = vector.extract_strided_slice %add3A_197 {offsets = [0, 511], sizes = [8, 1], strides = [1, 1]} : vector<8x512xf32> to vector<8x1xf32>
      scf.yield %slice3A_206, %add3A_205 : vector<8x1xf32>, vector<8x64xf32>
    }
    %while3A_96 = arith.constant 1 : i32
    %while3A_97:2 = scf.for %while3A_124 = %while3A_93 to %while3A_89 step %while3A_96 iter_args(%while3A_125 = %while3A_95#0, %while3A_126 = %while3A_95#1) -> (vector<8x1xf32>, vector<8x64xf32>)  : i32 {
      %mul3A_127 = arith.constant 512 : i32
      %mul3A_128 = arith.muli %while3A_124, %mul3A_127 : i32
      %multiple_of3A = tpu.assume_multiple %mul3A_128, 512 : i32
      %broadcast_in_dim3A_129 = arith.constant 0.000000e+00 : f32
      %broadcast_in_dim3A_130 = vector.broadcast %broadcast_in_dim3A_129 : f32 to vector<8x512xf32>
      %slice3A = vector.extract_strided_slice %get3A_4 {offsets = [0, 0], sizes = [8, 1], strides = [1, 1]} : vector<8x6xf32> to vector<8x1xf32>
      %get3A_131 = arith.constant 0 : index
      %get3A_132 = arith.index_cast %multiple_of3A : i32 to index
      %get3A_133 = vector.load %arg1[%get3A_131, %get3A_132] : memref<6x5120xf32, #tpu.memory_space<vmem>>, vector<1x512xf32>
      %sub3A_134 = vector.broadcast %slice3A : vector<8x1xf32> to vector<8x512xf32>
      %sub3A_135 = vector.broadcast %get3A_133 : vector<1x512xf32> to vector<8x512xf32>
      %sub3A_136 = arith.subf %sub3A_134, %sub3A_135 : vector<8x512xf32>
      %mul3A_137 = arith.mulf %sub3A_136, %sub3A_136 : vector<8x512xf32>
      %add3A_138 = arith.addf %broadcast_in_dim3A_130, %mul3A_137 : vector<8x512xf32>
      %slice3A_139 = vector.extract_strided_slice %get3A_4 {offsets = [0, 1], sizes = [8, 1], strides = [1, 1]} : vector<8x6xf32> to vector<8x1xf32>
      %get3A_140 = arith.constant 1 : index
      %get3A_141 = arith.index_cast %multiple_of3A : i32 to index
      %get3A_142 = vector.load %arg1[%get3A_140, %get3A_141] : memref<6x5120xf32, #tpu.memory_space<vmem>>, vector<1x512xf32>
      %sub3A_143 = vector.broadcast %slice3A_139 : vector<8x1xf32> to vector<8x512xf32>
      %sub3A_144 = vector.broadcast %get3A_142 : vector<1x512xf32> to vector<8x512xf32>
      %sub3A_145 = arith.subf %sub3A_143, %sub3A_144 : vector<8x512xf32>
      %mul3A_146 = arith.mulf %sub3A_145, %sub3A_145 : vector<8x512xf32>
      %add3A_147 = arith.addf %add3A_138, %mul3A_146 : vector<8x512xf32>
      %slice3A_148 = vector.extract_strided_slice %get3A_4 {offsets = [0, 2], sizes = [8, 1], strides = [1, 1]} : vector<8x6xf32> to vector<8x1xf32>
      %get3A_149 = arith.constant 2 : index
      %get3A_150 = arith.index_cast %multiple_of3A : i32 to index
      %get3A_151 = vector.load %arg1[%get3A_149, %get3A_150] : memref<6x5120xf32, #tpu.memory_space<vmem>>, vector<1x512xf32>
      %sub3A_152 = vector.broadcast %slice3A_148 : vector<8x1xf32> to vector<8x512xf32>
      %sub3A_153 = vector.broadcast %get3A_151 : vector<1x512xf32> to vector<8x512xf32>
      %sub3A_154 = arith.subf %sub3A_152, %sub3A_153 : vector<8x512xf32>
      %mul3A_155 = arith.mulf %sub3A_154, %sub3A_154 : vector<8x512xf32>
      %add3A_156 = arith.addf %add3A_147, %mul3A_155 : vector<8x512xf32>
      %slice3A_157 = vector.extract_strided_slice %get3A_4 {offsets = [0, 3], sizes = [8, 1], strides = [1, 1]} : vector<8x6xf32> to vector<8x1xf32>
      %get3A_158 = arith.constant 3 : index
      %get3A_159 = arith.index_cast %multiple_of3A : i32 to index
      %get3A_160 = vector.load %arg1[%get3A_158, %get3A_159] : memref<6x5120xf32, #tpu.memory_space<vmem>>, vector<1x512xf32>
      %sub3A_161 = vector.broadcast %slice3A_157 : vector<8x1xf32> to vector<8x512xf32>
      %sub3A_162 = vector.broadcast %get3A_160 : vector<1x512xf32> to vector<8x512xf32>
      %sub3A_163 = arith.subf %sub3A_161, %sub3A_162 : vector<8x512xf32>
      %mul3A_164 = arith.mulf %sub3A_163, %sub3A_163 : vector<8x512xf32>
      %add3A_165 = arith.addf %add3A_156, %mul3A_164 : vector<8x512xf32>
      %slice3A_166 = vector.extract_strided_slice %get3A_4 {offsets = [0, 4], sizes = [8, 1], strides = [1, 1]} : vector<8x6xf32> to vector<8x1xf32>
      %get3A_167 = arith.constant 4 : index
      %get3A_168 = arith.index_cast %multiple_of3A : i32 to index
      %get3A_169 = vector.load %arg1[%get3A_167, %get3A_168] : memref<6x5120xf32, #tpu.memory_space<vmem>>, vector<1x512xf32>
      %sub3A_170 = vector.broadcast %slice3A_166 : vector<8x1xf32> to vector<8x512xf32>
      %sub3A_171 = vector.broadcast %get3A_169 : vector<1x512xf32> to vector<8x512xf32>
      %sub3A_172 = arith.subf %sub3A_170, %sub3A_171 : vector<8x512xf32>
      %mul3A_173 = arith.mulf %sub3A_172, %sub3A_172 : vector<8x512xf32>
      %add3A_174 = arith.addf %add3A_165, %mul3A_173 : vector<8x512xf32>
      %slice3A_175 = vector.extract_strided_slice %get3A_4 {offsets = [0, 5], sizes = [8, 1], strides = [1, 1]} : vector<8x6xf32> to vector<8x1xf32>
      %get3A_176 = arith.constant 5 : index
      %get3A_177 = arith.index_cast %multiple_of3A : i32 to index
      %get3A_178 = vector.load %arg1[%get3A_176, %get3A_177] : memref<6x5120xf32, #tpu.memory_space<vmem>>, vector<1x512xf32>
      %sub3A_179 = vector.broadcast %slice3A_175 : vector<8x1xf32> to vector<8x512xf32>
      %sub3A_180 = vector.broadcast %get3A_178 : vector<1x512xf32> to vector<8x512xf32>
      %sub3A_181 = arith.subf %sub3A_179, %sub3A_180 : vector<8x512xf32>
      %mul3A_182 = arith.mulf %sub3A_181, %sub3A_181 : vector<8x512xf32>
      %add3A_183 = arith.addf %add3A_174, %mul3A_182 : vector<8x512xf32>
      %le3A_184 = arith.constant 1.600000e-01 : f32
      %le3A_185 = vector.broadcast %le3A_184 : f32 to vector<8x512xf32>
      %le3A_186 = arith.cmpf ole, %add3A_183, %le3A_185 : vector<8x512xf32>
      %get3A_187 = arith.constant 0 : index
      %get3A_188 = arith.index_cast %multiple_of3A : i32 to index
      %get3A_189 = vector.load %arg2[%get3A_187, %get3A_188] : memref<1x5120xi32, #tpu.memory_space<vmem>>, vector<1x512xi32>
      %eq3A = vector.broadcast %get3A_189 : vector<1x512xi32> to vector<8x512xi32>
      %eq3A_190 = vector.broadcast %get3A_7 : vector<8x1xi32> to vector<8x512xi32>
      %eq3A_191 = arith.cmpi eq, %eq3A, %eq3A_190 : vector<8x512xi32>
      %and3A_192 = arith.andi %le3A_186, %eq3A_191 : vector<8x512xi1>
      %convert_element_type3A_193 = arith.extui %and3A_192 : vector<8x512xi1> to vector<8x512xi32>
      %convert_element_type3A_194 = arith.sitofp %convert_element_type3A_193 : vector<8x512xi32> to vector<8x512xf32>
      %dot_general3A = arith.constant dense<0.000000e+00> : vector<8x512xf32>
      %dot_general3A_195 = tpu.matmul %convert_element_type3A_194, %convert_element_type3A_11, %dot_general3A {dimension_numbers = #tpu.dot_dimension_numbers<[1], [0], [0], [1], [0, 0, 1, 1], [], []>, transpose_lhs_hint = false} : vector<8x512xf32>, vector<512x512xf32>, vector<8x512xf32> -> vector<8x512xf32>
      %add3A_196 = vector.broadcast %while3A_125 : vector<8x1xf32> to vector<8x512xf32>
      %add3A_197 = arith.addf %dot_general3A_195, %add3A_196 : vector<8x512xf32>
      %broadcast_in_dim3A_198 = vector.shape_cast %add3A_197 : vector<8x512xf32> to vector<8x512x1xf32>
      %le3A_199 = vector.broadcast %broadcast_in_dim3A_198 : vector<8x512x1xf32> to vector<8x512x64xf32>
      %le3A_200 = vector.broadcast %convert_element_type3A : vector<1x1x64xf32> to vector<8x512x64xf32>
      %le3A_201 = arith.cmpf ole, %le3A_199, %le3A_200 : vector<8x512x64xf32>
      %convert_element_type3A_202 = arith.extui %le3A_201 : vector<8x512x64xi1> to vector<8x512x64xi32>
      %convert_element_type3A_203 = arith.sitofp %convert_element_type3A_202 : vector<8x512x64xi32> to vector<8x512x64xf32>
      %reduce_sum3A = arith.constant dense<0.000000e+00> : vector<8x64xf32>
      %reduce_sum3A_204 = vector.multi_reduction <add>, %convert_element_type3A_203, %reduce_sum3A [1] : vector<8x512x64xf32> to vector<8x64xf32>
      %add3A_205 = arith.addf %while3A_126, %reduce_sum3A_204 : vector<8x64xf32>
      %slice3A_206 = vector.extract_strided_slice %add3A_197 {offsets = [0, 511], sizes = [8, 1], strides = [1, 1]} : vector<8x512xf32> to vector<8x1xf32>
      scf.yield %slice3A_206, %add3A_205 : vector<8x1xf32>, vector<8x64xf32>
    }
    %mul3A = arith.constant 512 : i32
    %mul3A_98 = arith.muli %select_n3A_56, %mul3A : i32
    %convert_element_type3A_99 = arith.sitofp %mul3A_98 : i32 to f32
    %add3A_100 = vector.broadcast %convert_element_type3A_99 : f32 to vector<8x64xf32>
    %add3A_101 = arith.addf %while3A_97#1, %add3A_100 : vector<8x64xf32>
    %squeeze3A = vector.shape_cast %while3A_97#0 : vector<8x1xf32> to vector<8xf32>
    %convert_element_type3A_102 = arith.fptosi %squeeze3A : vector<8xf32> to vector<8xi32>
    %min3A = arith.constant 64 : i32
    %min3A_103 = vector.broadcast %min3A : i32 to vector<8xi32>
    %min3A_104 = arith.minsi %convert_element_type3A_102, %min3A_103 : vector<8xi32>
    %broadcast_in_dim3A_105 = vector.shape_cast %min3A_104 : vector<8xi32> to vector<8x1xi32>
    %swap3A = arith.constant 0 : index
    %swap3A_106 = arith.constant 0 : index
    %swap3A_107 = vector.load %arg6[%swap3A, %swap3A_106] : memref<8x1xi32, #tpu.memory_space<vmem>>, vector<8x1xi32>
    tpu.vector_store %arg6[%swap3A, %swap3A_106], %broadcast_in_dim3A_105 {strides = array<i32>} : memref<8x1xi32, #tpu.memory_space<vmem>>, vector<8x1xi32>,
    %convert_element_type3A_108 = arith.fptosi %add3A_101 : vector<8x64xf32> to vector<8x64xi32>
    %iota3A_109 = tpu.iota {dimensions = array<i32: 1>} : vector<8x64xi32>
    %broadcast_in_dim3A_110 = vector.shape_cast %min3A_104 : vector<8xi32> to vector<8x1xi32>
    %lt3A = vector.broadcast %broadcast_in_dim3A_110 : vector<8x1xi32> to vector<8x64xi32>
    %lt3A_111 = arith.cmpi slt, %iota3A_109, %lt3A : vector<8x64xi32>
    %jit3A_112 = arith.constant 0 : i32
    %jit3A_113 = arith.constant 5119 : i32
    %max3A_114 = vector.broadcast %jit3A_112 : i32 to vector<8x64xi32>
    %max3A_115 = arith.maxsi %max3A_114, %convert_element_type3A_108 : vector<8x64xi32>
    %min3A_116 = vector.broadcast %jit3A_113 : i32 to vector<8x64xi32>
    %min3A_117 = arith.minsi %min3A_116, %max3A_115 : vector<8x64xi32>
    %jit3A_118 = arith.constant 0 : i32
    %broadcast_in_dim3A_119 = vector.broadcast %jit3A_118 : i32 to vector<8x64xi32>
    %select_n3A_120 = arith.select %lt3A_111, %min3A_117, %broadcast_in_dim3A_119 : vector<8x64xi1>, vector<8x64xi32>
    %swap3A_121 = arith.constant 0 : index
    %swap3A_122 = arith.constant 0 : index
    %swap3A_123 = vector.load %arg5[%swap3A_121, %swap3A_122] : memref<8x64xi32, #tpu.memory_space<vmem>>, vector<8x64xi32>
    tpu.vector_store %arg5[%swap3A_121, %swap3A_122], %select_n3A_120 {strides = array<i32>} : memref<8x64xi32, #tpu.memory_space<vmem>>, vector<8x64xi32>,
    return
  }
  func.func @transform_0(%arg0: i32) -> (i32, i32) {
    %c0_i32 = arith.constant 0 : i32
    %c0_i32_0 = arith.constant 0 : i32
    %c0_i32_1 = arith.constant 0 : i32
    return %c0_i32, %c0_i32_0 : i32, i32
  }
  func.func @transform_1(%arg0: i32) -> (i32, i32) {
    %c0_i32 = arith.constant 0 : i32
    %c0_i32_0 = arith.constant 0 : i32
    %c0_i32_1 = arith.constant 0 : i32
    return %c0_i32, %c0_i32_0 : i32, i32
  }
  func.func @transform_2(%arg0: i32) -> (i32, i32) {
    %c0_i32 = arith.constant 0 : i32
    %c0_i32_0 = arith.constant 0 : i32
    return %arg0, %c0_i32 : i32, i32
  }
  func.func @transform_3(%arg0: i32) -> (i32, i32) {
    %c0_i32 = arith.constant 0 : i32
    %c0_i32_0 = arith.constant 0 : i32
    return %arg0, %c0_i32 : i32, i32
  }
  func.func @transform_4(%arg0: i32) -> (i32, i32) {
    %c0_i32 = arith.constant 0 : i32
    %c0_i32_0 = arith.constant 0 : i32
    return %arg0, %c0_i32 : i32, i32
  }
  func.func @transform_5(%arg0: i32) -> (i32, i32) {
    %c0_i32 = arith.constant 0 : i32
    %c0_i32_0 = arith.constant 0 : i32
    return %arg0, %c0_i32 : i32, i32
  }
}

module attributes {stable_mosaic.version = 14 : i64} {
  func.func @_mlp_body(%arg0: i32, %arg1: memref<1280x144xf32, #tpu.memory_space<vmem>>, %arg2: memref<1280x16xf32, #tpu.memory_space<vmem>>, %arg3: memref<134x128xf32, #tpu.memory_space<vmem>>, %arg4: memref<128xf32, #tpu.memory_space<vmem>>, %arg5: memref<128xf32, #tpu.memory_space<vmem>>, %arg6: memref<128xf32, #tpu.memory_space<vmem>>, %arg7: memref<128x128xf32, #tpu.memory_space<vmem>>, %arg8: memref<128xf32, #tpu.memory_space<vmem>>, %arg9: memref<128xf32, #tpu.memory_space<vmem>>, %arg10: memref<128xf32, #tpu.memory_space<vmem>>, %arg11: memref<128x256xf32, #tpu.memory_space<vmem>>, %arg12: memref<256xf32, #tpu.memory_space<vmem>>, %arg13: memref<1280x256xf32, #tpu.memory_space<vmem>>) attributes {dimension_semantics = [#tpu.dimension_semantics<arbitrary>], iteration_bounds = array<i64: 64>, scalar_prefetch = 0 : i64, scratch_operands = 0 : i64, tpu.core_type = #tpu.core_type<tc>, window_params = [{transform_indices = @transform_0, window_bounds = array<i64: 1280, 144>}, {transform_indices = @transform_1, window_bounds = array<i64: 1280, 16>}, {pipeline_mode = #tpu.pipeline_mode<synchronous>, transform_indices = @transform_2, window_bounds = array<i64: 134, 128>}, {pipeline_mode = #tpu.pipeline_mode<synchronous>, transform_indices = @transform_3, window_bounds = array<i64: 128>}, {pipeline_mode = #tpu.pipeline_mode<synchronous>, transform_indices = @transform_4, window_bounds = array<i64: 128>}, {pipeline_mode = #tpu.pipeline_mode<synchronous>, transform_indices = @transform_5, window_bounds = array<i64: 128>}, {pipeline_mode = #tpu.pipeline_mode<synchronous>, transform_indices = @transform_6, window_bounds = array<i64: 128, 128>}, {pipeline_mode = #tpu.pipeline_mode<synchronous>, transform_indices = @transform_7, window_bounds = array<i64: 128>}, {pipeline_mode = #tpu.pipeline_mode<synchronous>, transform_indices = @transform_8, window_bounds = array<i64: 128>}, {pipeline_mode = #tpu.pipeline_mode<synchronous>, transform_indices = @transform_9, window_bounds = array<i64: 128>}, {pipeline_mode = #tpu.pipeline_mode<synchronous>, transform_indices = @transform_10, window_bounds = array<i64: 128, 256>}, {pipeline_mode = #tpu.pipeline_mode<synchronous>, transform_indices = @transform_11, window_bounds = array<i64: 256>}, {transform_indices = @transform_12, window_bounds = array<i64: 1280, 256>}]} {
    %get3A = arith.constant 0 : index
    %get3A_0 = arith.constant 0 : index
    %get3A_1 = vector.load %arg1[%get3A, %get3A_0] : memref<1280x144xf32, #tpu.memory_space<vmem>>, vector<1280x144xf32>
    %get3A_2 = arith.constant 0 : index
    %get3A_3 = arith.constant 0 : index
    %get3A_4 = vector.load %arg2[%get3A_2, %get3A_3] : memref<1280x16xf32, #tpu.memory_space<vmem>>, vector<1280x16xf32>
    %slice3A = vector.extract_strided_slice %get3A_4 {offsets = [0, 0], sizes = [1280, 6], strides = [1, 1]} : vector<1280x16xf32> to vector<1280x6xf32>
    %get3A_5 = arith.constant 0 : index
    %get3A_6 = arith.constant 0 : index
    %get3A_7 = vector.load %arg3[%get3A_5, %get3A_6] : memref<134x128xf32, #tpu.memory_space<vmem>>, vector<134x128xf32>
    %slice3A_8 = vector.extract_strided_slice %get3A_1 {offsets = [0, 128], sizes = [1280, 6], strides = [1, 1]} : vector<1280x144xf32> to vector<1280x6xf32>
    %sub3A = arith.subf %slice3A_8, %slice3A : vector<1280x6xf32>
    %slice3A_9 = vector.extract_strided_slice %get3A_1 {offsets = [0, 0], sizes = [1280, 128], strides = [1, 1]} : vector<1280x144xf32> to vector<1280x128xf32>
    %slice3A_10 = vector.extract_strided_slice %get3A_7 {offsets = [0, 0], sizes = [128, 128], strides = [1, 1]} : vector<134x128xf32> to vector<128x128xf32>
    %dot_general3A = arith.constant dense<0.000000e+00> : vector<1280x128xf32>
    %dot_general3A_11 = tpu.matmul %slice3A_9, %slice3A_10, %dot_general3A {dimension_numbers = #tpu.dot_dimension_numbers<[1], [0], [0], [1], [0, 0, 1, 1], [], []>, precision = #tpu.contract_precision<fp32>, transpose_lhs_hint = false} : vector<1280x128xf32>, vector<128x128xf32>, vector<1280x128xf32> -> vector<1280x128xf32>
    %slice3A_12 = vector.extract_strided_slice %get3A_7 {offsets = [128, 0], sizes = [6, 128], strides = [1, 1]} : vector<134x128xf32> to vector<6x128xf32>
    %dot_general3A_13 = arith.constant dense<0.000000e+00> : vector<1280x128xf32>
    %dot_general3A_14 = tpu.matmul %sub3A, %slice3A_12, %dot_general3A_13 {dimension_numbers = #tpu.dot_dimension_numbers<[1], [0], [0], [1], [0, 0, 1, 1], [], []>, precision = #tpu.contract_precision<fp32>, transpose_lhs_hint = false} : vector<1280x6xf32>, vector<6x128xf32>, vector<1280x128xf32> -> vector<1280x128xf32>
    %add3A = arith.addf %dot_general3A_11, %dot_general3A_14 : vector<1280x128xf32>
    %get3A_15 = arith.constant 0 : index
    %get3A_16 = vector.load %arg4[%get3A_15] : memref<128xf32, #tpu.memory_space<vmem>>, vector<128xf32>
    %broadcast_in_dim3A = vector.shape_cast %get3A_16 : vector<128xf32> to vector<1x128xf32>
    %add3A_17 = vector.broadcast %broadcast_in_dim3A : vector<1x128xf32> to vector<1280x128xf32>
    %add3A_18 = arith.addf %add3A, %add3A_17 : vector<1280x128xf32>
    %get3A_19 = arith.constant 0 : index
    %get3A_20 = vector.load %arg5[%get3A_19] : memref<128xf32, #tpu.memory_space<vmem>>, vector<128xf32>
    %get3A_21 = arith.constant 0 : index
    %get3A_22 = vector.load %arg6[%get3A_21] : memref<128xf32, #tpu.memory_space<vmem>>, vector<128xf32>
    %broadcast_in_dim3A_23 = vector.shape_cast %get3A_20 : vector<128xf32> to vector<1x128xf32>
    %mul3A = vector.broadcast %broadcast_in_dim3A_23 : vector<1x128xf32> to vector<1280x128xf32>
    %mul3A_24 = arith.mulf %mul3A, %add3A_18 : vector<1280x128xf32>
    %sqrt3A = arith.constant 1.000010e+00 : f32
    %sqrt3A_25 = math.sqrt %sqrt3A : f32
    %div3A = vector.broadcast %sqrt3A_25 : f32 to vector<1280x128xf32>
    %div3A_26 = arith.divf %mul3A_24, %div3A : vector<1280x128xf32>
    %broadcast_in_dim3A_27 = vector.shape_cast %get3A_22 : vector<128xf32> to vector<1x128xf32>
    %add3A_28 = vector.broadcast %broadcast_in_dim3A_27 : vector<1x128xf32> to vector<1280x128xf32>
    %add3A_29 = arith.addf %div3A_26, %add3A_28 : vector<1280x128xf32>
    %max3A = arith.constant 0.000000e+00 : f32
    %max3A_30 = vector.broadcast %max3A : f32 to vector<1280x128xf32>
    %max3A_31 = arith.maximumf %add3A_29, %max3A_30 : vector<1280x128xf32>
    %get3A_32 = arith.constant 0 : index
    %get3A_33 = arith.constant 0 : index
    %get3A_34 = vector.load %arg7[%get3A_32, %get3A_33] : memref<128x128xf32, #tpu.memory_space<vmem>>, vector<128x128xf32>
    %dot_general3A_35 = arith.constant dense<0.000000e+00> : vector<1280x128xf32>
    %dot_general3A_36 = tpu.matmul %max3A_31, %get3A_34, %dot_general3A_35 {dimension_numbers = #tpu.dot_dimension_numbers<[1], [0], [0], [1], [0, 0, 1, 1], [], []>, precision = #tpu.contract_precision<fp32>, transpose_lhs_hint = false} : vector<1280x128xf32>, vector<128x128xf32>, vector<1280x128xf32> -> vector<1280x128xf32>
    %get3A_37 = arith.constant 0 : index
    %get3A_38 = vector.load %arg8[%get3A_37] : memref<128xf32, #tpu.memory_space<vmem>>, vector<128xf32>
    %broadcast_in_dim3A_39 = vector.shape_cast %get3A_38 : vector<128xf32> to vector<1x128xf32>
    %add3A_40 = vector.broadcast %broadcast_in_dim3A_39 : vector<1x128xf32> to vector<1280x128xf32>
    %add3A_41 = arith.addf %dot_general3A_36, %add3A_40 : vector<1280x128xf32>
    %get3A_42 = arith.constant 0 : index
    %get3A_43 = vector.load %arg9[%get3A_42] : memref<128xf32, #tpu.memory_space<vmem>>, vector<128xf32>
    %get3A_44 = arith.constant 0 : index
    %get3A_45 = vector.load %arg10[%get3A_44] : memref<128xf32, #tpu.memory_space<vmem>>, vector<128xf32>
    %broadcast_in_dim3A_46 = vector.shape_cast %get3A_43 : vector<128xf32> to vector<1x128xf32>
    %mul3A_47 = vector.broadcast %broadcast_in_dim3A_46 : vector<1x128xf32> to vector<1280x128xf32>
    %mul3A_48 = arith.mulf %mul3A_47, %add3A_41 : vector<1280x128xf32>
    %sqrt3A_49 = arith.constant 1.000010e+00 : f32
    %sqrt3A_50 = math.sqrt %sqrt3A_49 : f32
    %div3A_51 = vector.broadcast %sqrt3A_50 : f32 to vector<1280x128xf32>
    %div3A_52 = arith.divf %mul3A_48, %div3A_51 : vector<1280x128xf32>
    %broadcast_in_dim3A_53 = vector.shape_cast %get3A_45 : vector<128xf32> to vector<1x128xf32>
    %add3A_54 = vector.broadcast %broadcast_in_dim3A_53 : vector<1x128xf32> to vector<1280x128xf32>
    %add3A_55 = arith.addf %div3A_52, %add3A_54 : vector<1280x128xf32>
    %max3A_56 = arith.constant 0.000000e+00 : f32
    %max3A_57 = vector.broadcast %max3A_56 : f32 to vector<1280x128xf32>
    %max3A_58 = arith.maximumf %add3A_55, %max3A_57 : vector<1280x128xf32>
    %get3A_59 = arith.constant 0 : index
    %get3A_60 = arith.constant 0 : index
    %get3A_61 = vector.load %arg11[%get3A_59, %get3A_60] : memref<128x256xf32, #tpu.memory_space<vmem>>, vector<128x256xf32>
    %dot_general3A_62 = arith.constant dense<0.000000e+00> : vector<1280x256xf32>
    %dot_general3A_63 = tpu.matmul %max3A_58, %get3A_61, %dot_general3A_62 {dimension_numbers = #tpu.dot_dimension_numbers<[1], [0], [0], [1], [0, 0, 1, 1], [], []>, precision = #tpu.contract_precision<fp32>, transpose_lhs_hint = false} : vector<1280x128xf32>, vector<128x256xf32>, vector<1280x256xf32> -> vector<1280x256xf32>
    %get3A_64 = arith.constant 0 : index
    %get3A_65 = vector.load %arg12[%get3A_64] : memref<256xf32, #tpu.memory_space<vmem>>, vector<256xf32>
    %broadcast_in_dim3A_66 = vector.shape_cast %get3A_65 : vector<256xf32> to vector<1x256xf32>
    %add3A_67 = vector.broadcast %broadcast_in_dim3A_66 : vector<1x256xf32> to vector<1280x256xf32>
    %add3A_68 = arith.addf %dot_general3A_63, %add3A_67 : vector<1280x256xf32>
    %swap3A = arith.constant 0 : index
    %swap3A_69 = arith.constant 0 : index
    %swap3A_70 = vector.load %arg13[%swap3A, %swap3A_69] : memref<1280x256xf32, #tpu.memory_space<vmem>>, vector<1280x256xf32>
    tpu.vector_store %arg13[%swap3A, %swap3A_69], %add3A_68 {strides = array<i32>} : memref<1280x256xf32, #tpu.memory_space<vmem>>, vector<1280x256xf32>,
    return
  }
  func.func @transform_0(%arg0: i32) -> (i32, i32) {
    %c0_i32 = arith.constant 0 : i32
    %c0_i32_0 = arith.constant 0 : i32
    return %arg0, %c0_i32 : i32, i32
  }
  func.func @transform_1(%arg0: i32) -> (i32, i32) {
    %jit3A = arith.constant 1 : i32
    %eq3A = arith.constant 0 : i32
    %eq3A_0 = arith.cmpi eq, %jit3A, %eq3A : i32
    %jit3A_1 = arith.constant 1 : i32
    %select_n3A = arith.select %eq3A_0, %jit3A_1, %jit3A : i32
    %rem3A = arith.remsi %arg0, %select_n3A : i32
    %ne3A = arith.constant 0 : i32
    %ne3A_2 = arith.cmpi ne, %rem3A, %ne3A : i32
    %lt3A = arith.constant 0 : i32
    %lt3A_3 = arith.cmpi slt, %rem3A, %lt3A : i32
    %lt3A_4 = arith.constant 0 : i32
    %lt3A_5 = arith.cmpi slt, %select_n3A, %lt3A_4 : i32
    %ne3A_6 = arith.xori %lt3A_3, %lt3A_5 : i1
    %and3A = arith.andi %ne3A_6, %ne3A_2 : i1
    %add3A = arith.addi %rem3A, %select_n3A : i32
    %select_n3A_7 = arith.select %and3A, %add3A, %rem3A : i32
    %c0_i32 = arith.constant 0 : i32
    %c0_i32_8 = arith.constant 0 : i32
    return %select_n3A_7, %c0_i32 : i32, i32
  }
  func.func @transform_2(%arg0: i32) -> (i32, i32) {
    %c0_i32 = arith.constant 0 : i32
    %c0_i32_0 = arith.constant 0 : i32
    %c0_i32_1 = arith.constant 0 : i32
    return %c0_i32, %c0_i32_0 : i32, i32
  }
  func.func @transform_3(%arg0: i32) -> i32 {
    %c0_i32 = arith.constant 0 : i32
    %c0_i32_0 = arith.constant 0 : i32
    return %c0_i32 : i32
  }
  func.func @transform_4(%arg0: i32) -> i32 {
    %c0_i32 = arith.constant 0 : i32
    %c0_i32_0 = arith.constant 0 : i32
    return %c0_i32 : i32
  }
  func.func @transform_5(%arg0: i32) -> i32 {
    %c0_i32 = arith.constant 0 : i32
    %c0_i32_0 = arith.constant 0 : i32
    return %c0_i32 : i32
  }
  func.func @transform_6(%arg0: i32) -> (i32, i32) {
    %c0_i32 = arith.constant 0 : i32
    %c0_i32_0 = arith.constant 0 : i32
    %c0_i32_1 = arith.constant 0 : i32
    return %c0_i32, %c0_i32_0 : i32, i32
  }
  func.func @transform_7(%arg0: i32) -> i32 {
    %c0_i32 = arith.constant 0 : i32
    %c0_i32_0 = arith.constant 0 : i32
    return %c0_i32 : i32
  }
  func.func @transform_8(%arg0: i32) -> i32 {
    %c0_i32 = arith.constant 0 : i32
    %c0_i32_0 = arith.constant 0 : i32
    return %c0_i32 : i32
  }
  func.func @transform_9(%arg0: i32) -> i32 {
    %c0_i32 = arith.constant 0 : i32
    %c0_i32_0 = arith.constant 0 : i32
    return %c0_i32 : i32
  }
  func.func @transform_10(%arg0: i32) -> (i32, i32) {
    %c0_i32 = arith.constant 0 : i32
    %c0_i32_0 = arith.constant 0 : i32
    %c0_i32_1 = arith.constant 0 : i32
    return %c0_i32, %c0_i32_0 : i32, i32
  }
  func.func @transform_11(%arg0: i32) -> i32 {
    %c0_i32 = arith.constant 0 : i32
    %c0_i32_0 = arith.constant 0 : i32
    return %c0_i32 : i32
  }
  func.func @transform_12(%arg0: i32) -> (i32, i32) {
    %c0_i32 = arith.constant 0 : i32
    %c0_i32_0 = arith.constant 0 : i32
    return %arg0, %c0_i32 : i32, i32
  }
}

module attributes {stable_mosaic.version = 14 : i64} {
  func.func @_groupmax_body(%arg0: i32, %arg1: memref<64x64x256xf32, #tpu.memory_space<vmem>>, %arg2: memref<64x1xi32, #tpu.memory_space<vmem>>, %arg3: memref<64x256xf32, #tpu.memory_space<vmem>>) attributes {dimension_semantics = [#tpu.dimension_semantics<arbitrary>], iteration_bounds = array<i64: 20>, scalar_prefetch = 0 : i64, scratch_operands = 0 : i64, tpu.core_type = #tpu.core_type<tc>, window_params = [{transform_indices = @transform_0, window_bounds = array<i64: 64, 64, 256>}, {transform_indices = @transform_1, window_bounds = array<i64: 64, 1>}, {transform_indices = @transform_2, window_bounds = array<i64: 64, 256>}]} {
    %get3A = arith.constant 0 : index
    %get3A_0 = arith.constant 0 : index
    %get3A_1 = vector.load %arg2[%get3A, %get3A_0] : memref<64x1xi32, #tpu.memory_space<vmem>>, vector<64x1xi32>
    %broadcast_in_dim3A = arith.constant 0xFF800000 : f32
    %broadcast_in_dim3A_2 = vector.broadcast %broadcast_in_dim3A : f32 to vector<64x256xf32>
    %gt3A = arith.constant 0 : i32
    %gt3A_3 = vector.broadcast %gt3A : i32 to vector<64x1xi32>
    %gt3A_4 = arith.cmpi sgt, %get3A_1, %gt3A_3 : vector<64x1xi32>
    %get3A_5 = arith.constant 0 : index
    %get3A_6 = arith.constant 0 : index
    %get3A_7 = arith.constant 0 : index
    %get3A_8 = vector.load %arg1[%get3A_5, %get3A_6, %get3A_7] : memref<64x64x256xf32, #tpu.memory_space<vmem>>, vector<1x64x256xf32>
    %get3A_9 = vector.shape_cast %get3A_8 : vector<1x64x256xf32> to vector<64x256xf32>
    %jit3A = arith.constant 0xFF800000 : f32
    %broadcast_in_dim3A_10 = vector.shape_cast %gt3A_4 : vector<64x1xi1> to vector<64x1xi1>
    %broadcast_in_dim3A_11 = vector.broadcast %broadcast_in_dim3A_10 : vector<64x1xi1> to vector<64x256xi1>
    %broadcast_in_dim3A_12 = vector.broadcast %jit3A : f32 to vector<64x256xf32>
    %select_n3A = arith.select %broadcast_in_dim3A_11, %get3A_9, %broadcast_in_dim3A_12 : vector<64x256xi1>, vector<64x256xf32>
    %max3A = arith.maximumf %broadcast_in_dim3A_2, %select_n3A : vector<64x256xf32>
    %gt3A_13 = arith.constant 1 : i32
    %gt3A_14 = vector.broadcast %gt3A_13 : i32 to vector<64x1xi32>
    %gt3A_15 = arith.cmpi sgt, %get3A_1, %gt3A_14 : vector<64x1xi32>
    %get3A_16 = arith.constant 1 : index
    %get3A_17 = arith.constant 0 : index
    %get3A_18 = arith.constant 0 : index
    %get3A_19 = vector.load %arg1[%get3A_16, %get3A_17, %get3A_18] : memref<64x64x256xf32, #tpu.memory_space<vmem>>, vector<1x64x256xf32>
    %get3A_20 = vector.shape_cast %get3A_19 : vector<1x64x256xf32> to vector<64x256xf32>
    %jit3A_21 = arith.constant 0xFF800000 : f32
    %broadcast_in_dim3A_22 = vector.shape_cast %gt3A_15 : vector<64x1xi1> to vector<64x1xi1>
    %broadcast_in_dim3A_23 = vector.broadcast %broadcast_in_dim3A_22 : vector<64x1xi1> to vector<64x256xi1>
    %broadcast_in_dim3A_24 = vector.broadcast %jit3A_21 : f32 to vector<64x256xf32>
    %select_n3A_25 = arith.select %broadcast_in_dim3A_23, %get3A_20, %broadcast_in_dim3A_24 : vector<64x256xi1>, vector<64x256xf32>
    %max3A_26 = arith.maximumf %max3A, %select_n3A_25 : vector<64x256xf32>
    %gt3A_27 = arith.constant 2 : i32
    %gt3A_28 = vector.broadcast %gt3A_27 : i32 to vector<64x1xi32>
    %gt3A_29 = arith.cmpi sgt, %get3A_1, %gt3A_28 : vector<64x1xi32>
    %get3A_30 = arith.constant 2 : index
    %get3A_31 = arith.constant 0 : index
    %get3A_32 = arith.constant 0 : index
    %get3A_33 = vector.load %arg1[%get3A_30, %get3A_31, %get3A_32] : memref<64x64x256xf32, #tpu.memory_space<vmem>>, vector<1x64x256xf32>
    %get3A_34 = vector.shape_cast %get3A_33 : vector<1x64x256xf32> to vector<64x256xf32>
    %jit3A_35 = arith.constant 0xFF800000 : f32
    %broadcast_in_dim3A_36 = vector.shape_cast %gt3A_29 : vector<64x1xi1> to vector<64x1xi1>
    %broadcast_in_dim3A_37 = vector.broadcast %broadcast_in_dim3A_36 : vector<64x1xi1> to vector<64x256xi1>
    %broadcast_in_dim3A_38 = vector.broadcast %jit3A_35 : f32 to vector<64x256xf32>
    %select_n3A_39 = arith.select %broadcast_in_dim3A_37, %get3A_34, %broadcast_in_dim3A_38 : vector<64x256xi1>, vector<64x256xf32>
    %max3A_40 = arith.maximumf %max3A_26, %select_n3A_39 : vector<64x256xf32>
    %gt3A_41 = arith.constant 3 : i32
    %gt3A_42 = vector.broadcast %gt3A_41 : i32 to vector<64x1xi32>
    %gt3A_43 = arith.cmpi sgt, %get3A_1, %gt3A_42 : vector<64x1xi32>
    %get3A_44 = arith.constant 3 : index
    %get3A_45 = arith.constant 0 : index
    %get3A_46 = arith.constant 0 : index
    %get3A_47 = vector.load %arg1[%get3A_44, %get3A_45, %get3A_46] : memref<64x64x256xf32, #tpu.memory_space<vmem>>, vector<1x64x256xf32>
    %get3A_48 = vector.shape_cast %get3A_47 : vector<1x64x256xf32> to vector<64x256xf32>
    %jit3A_49 = arith.constant 0xFF800000 : f32
    %broadcast_in_dim3A_50 = vector.shape_cast %gt3A_43 : vector<64x1xi1> to vector<64x1xi1>
    %broadcast_in_dim3A_51 = vector.broadcast %broadcast_in_dim3A_50 : vector<64x1xi1> to vector<64x256xi1>
    %broadcast_in_dim3A_52 = vector.broadcast %jit3A_49 : f32 to vector<64x256xf32>
    %select_n3A_53 = arith.select %broadcast_in_dim3A_51, %get3A_48, %broadcast_in_dim3A_52 : vector<64x256xi1>, vector<64x256xf32>
    %max3A_54 = arith.maximumf %max3A_40, %select_n3A_53 : vector<64x256xf32>
    %gt3A_55 = arith.constant 4 : i32
    %gt3A_56 = vector.broadcast %gt3A_55 : i32 to vector<64x1xi32>
    %gt3A_57 = arith.cmpi sgt, %get3A_1, %gt3A_56 : vector<64x1xi32>
    %get3A_58 = arith.constant 4 : index
    %get3A_59 = arith.constant 0 : index
    %get3A_60 = arith.constant 0 : index
    %get3A_61 = vector.load %arg1[%get3A_58, %get3A_59, %get3A_60] : memref<64x64x256xf32, #tpu.memory_space<vmem>>, vector<1x64x256xf32>
    %get3A_62 = vector.shape_cast %get3A_61 : vector<1x64x256xf32> to vector<64x256xf32>
    %jit3A_63 = arith.constant 0xFF800000 : f32
    %broadcast_in_dim3A_64 = vector.shape_cast %gt3A_57 : vector<64x1xi1> to vector<64x1xi1>
    %broadcast_in_dim3A_65 = vector.broadcast %broadcast_in_dim3A_64 : vector<64x1xi1> to vector<64x256xi1>
    %broadcast_in_dim3A_66 = vector.broadcast %jit3A_63 : f32 to vector<64x256xf32>
    %select_n3A_67 = arith.select %broadcast_in_dim3A_65, %get3A_62, %broadcast_in_dim3A_66 : vector<64x256xi1>, vector<64x256xf32>
    %max3A_68 = arith.maximumf %max3A_54, %select_n3A_67 : vector<64x256xf32>
    %gt3A_69 = arith.constant 5 : i32
    %gt3A_70 = vector.broadcast %gt3A_69 : i32 to vector<64x1xi32>
    %gt3A_71 = arith.cmpi sgt, %get3A_1, %gt3A_70 : vector<64x1xi32>
    %get3A_72 = arith.constant 5 : index
    %get3A_73 = arith.constant 0 : index
    %get3A_74 = arith.constant 0 : index
    %get3A_75 = vector.load %arg1[%get3A_72, %get3A_73, %get3A_74] : memref<64x64x256xf32, #tpu.memory_space<vmem>>, vector<1x64x256xf32>
    %get3A_76 = vector.shape_cast %get3A_75 : vector<1x64x256xf32> to vector<64x256xf32>
    %jit3A_77 = arith.constant 0xFF800000 : f32
    %broadcast_in_dim3A_78 = vector.shape_cast %gt3A_71 : vector<64x1xi1> to vector<64x1xi1>
    %broadcast_in_dim3A_79 = vector.broadcast %broadcast_in_dim3A_78 : vector<64x1xi1> to vector<64x256xi1>
    %broadcast_in_dim3A_80 = vector.broadcast %jit3A_77 : f32 to vector<64x256xf32>
    %select_n3A_81 = arith.select %broadcast_in_dim3A_79, %get3A_76, %broadcast_in_dim3A_80 : vector<64x256xi1>, vector<64x256xf32>
    %max3A_82 = arith.maximumf %max3A_68, %select_n3A_81 : vector<64x256xf32>
    %gt3A_83 = arith.constant 6 : i32
    %gt3A_84 = vector.broadcast %gt3A_83 : i32 to vector<64x1xi32>
    %gt3A_85 = arith.cmpi sgt, %get3A_1, %gt3A_84 : vector<64x1xi32>
    %get3A_86 = arith.constant 6 : index
    %get3A_87 = arith.constant 0 : index
    %get3A_88 = arith.constant 0 : index
    %get3A_89 = vector.load %arg1[%get3A_86, %get3A_87, %get3A_88] : memref<64x64x256xf32, #tpu.memory_space<vmem>>, vector<1x64x256xf32>
    %get3A_90 = vector.shape_cast %get3A_89 : vector<1x64x256xf32> to vector<64x256xf32>
    %jit3A_91 = arith.constant 0xFF800000 : f32
    %broadcast_in_dim3A_92 = vector.shape_cast %gt3A_85 : vector<64x1xi1> to vector<64x1xi1>
    %broadcast_in_dim3A_93 = vector.broadcast %broadcast_in_dim3A_92 : vector<64x1xi1> to vector<64x256xi1>
    %broadcast_in_dim3A_94 = vector.broadcast %jit3A_91 : f32 to vector<64x256xf32>
    %select_n3A_95 = arith.select %broadcast_in_dim3A_93, %get3A_90, %broadcast_in_dim3A_94 : vector<64x256xi1>, vector<64x256xf32>
    %max3A_96 = arith.maximumf %max3A_82, %select_n3A_95 : vector<64x256xf32>
    %gt3A_97 = arith.constant 7 : i32
    %gt3A_98 = vector.broadcast %gt3A_97 : i32 to vector<64x1xi32>
    %gt3A_99 = arith.cmpi sgt, %get3A_1, %gt3A_98 : vector<64x1xi32>
    %get3A_100 = arith.constant 7 : index
    %get3A_101 = arith.constant 0 : index
    %get3A_102 = arith.constant 0 : index
    %get3A_103 = vector.load %arg1[%get3A_100, %get3A_101, %get3A_102] : memref<64x64x256xf32, #tpu.memory_space<vmem>>, vector<1x64x256xf32>
    %get3A_104 = vector.shape_cast %get3A_103 : vector<1x64x256xf32> to vector<64x256xf32>
    %jit3A_105 = arith.constant 0xFF800000 : f32
    %broadcast_in_dim3A_106 = vector.shape_cast %gt3A_99 : vector<64x1xi1> to vector<64x1xi1>
    %broadcast_in_dim3A_107 = vector.broadcast %broadcast_in_dim3A_106 : vector<64x1xi1> to vector<64x256xi1>
    %broadcast_in_dim3A_108 = vector.broadcast %jit3A_105 : f32 to vector<64x256xf32>
    %select_n3A_109 = arith.select %broadcast_in_dim3A_107, %get3A_104, %broadcast_in_dim3A_108 : vector<64x256xi1>, vector<64x256xf32>
    %max3A_110 = arith.maximumf %max3A_96, %select_n3A_109 : vector<64x256xf32>
    %gt3A_111 = arith.constant 8 : i32
    %gt3A_112 = vector.broadcast %gt3A_111 : i32 to vector<64x1xi32>
    %gt3A_113 = arith.cmpi sgt, %get3A_1, %gt3A_112 : vector<64x1xi32>
    %get3A_114 = arith.constant 8 : index
    %get3A_115 = arith.constant 0 : index
    %get3A_116 = arith.constant 0 : index
    %get3A_117 = vector.load %arg1[%get3A_114, %get3A_115, %get3A_116] : memref<64x64x256xf32, #tpu.memory_space<vmem>>, vector<1x64x256xf32>
    %get3A_118 = vector.shape_cast %get3A_117 : vector<1x64x256xf32> to vector<64x256xf32>
    %jit3A_119 = arith.constant 0xFF800000 : f32
    %broadcast_in_dim3A_120 = vector.shape_cast %gt3A_113 : vector<64x1xi1> to vector<64x1xi1>
    %broadcast_in_dim3A_121 = vector.broadcast %broadcast_in_dim3A_120 : vector<64x1xi1> to vector<64x256xi1>
    %broadcast_in_dim3A_122 = vector.broadcast %jit3A_119 : f32 to vector<64x256xf32>
    %select_n3A_123 = arith.select %broadcast_in_dim3A_121, %get3A_118, %broadcast_in_dim3A_122 : vector<64x256xi1>, vector<64x256xf32>
    %max3A_124 = arith.maximumf %max3A_110, %select_n3A_123 : vector<64x256xf32>
    %gt3A_125 = arith.constant 9 : i32
    %gt3A_126 = vector.broadcast %gt3A_125 : i32 to vector<64x1xi32>
    %gt3A_127 = arith.cmpi sgt, %get3A_1, %gt3A_126 : vector<64x1xi32>
    %get3A_128 = arith.constant 9 : index
    %get3A_129 = arith.constant 0 : index
    %get3A_130 = arith.constant 0 : index
    %get3A_131 = vector.load %arg1[%get3A_128, %get3A_129, %get3A_130] : memref<64x64x256xf32, #tpu.memory_space<vmem>>, vector<1x64x256xf32>
    %get3A_132 = vector.shape_cast %get3A_131 : vector<1x64x256xf32> to vector<64x256xf32>
    %jit3A_133 = arith.constant 0xFF800000 : f32
    %broadcast_in_dim3A_134 = vector.shape_cast %gt3A_127 : vector<64x1xi1> to vector<64x1xi1>
    %broadcast_in_dim3A_135 = vector.broadcast %broadcast_in_dim3A_134 : vector<64x1xi1> to vector<64x256xi1>
    %broadcast_in_dim3A_136 = vector.broadcast %jit3A_133 : f32 to vector<64x256xf32>
    %select_n3A_137 = arith.select %broadcast_in_dim3A_135, %get3A_132, %broadcast_in_dim3A_136 : vector<64x256xi1>, vector<64x256xf32>
    %max3A_138 = arith.maximumf %max3A_124, %select_n3A_137 : vector<64x256xf32>
    %gt3A_139 = arith.constant 10 : i32
    %gt3A_140 = vector.broadcast %gt3A_139 : i32 to vector<64x1xi32>
    %gt3A_141 = arith.cmpi sgt, %get3A_1, %gt3A_140 : vector<64x1xi32>
    %get3A_142 = arith.constant 10 : index
    %get3A_143 = arith.constant 0 : index
    %get3A_144 = arith.constant 0 : index
    %get3A_145 = vector.load %arg1[%get3A_142, %get3A_143, %get3A_144] : memref<64x64x256xf32, #tpu.memory_space<vmem>>, vector<1x64x256xf32>
    %get3A_146 = vector.shape_cast %get3A_145 : vector<1x64x256xf32> to vector<64x256xf32>
    %jit3A_147 = arith.constant 0xFF800000 : f32
    %broadcast_in_dim3A_148 = vector.shape_cast %gt3A_141 : vector<64x1xi1> to vector<64x1xi1>
    %broadcast_in_dim3A_149 = vector.broadcast %broadcast_in_dim3A_148 : vector<64x1xi1> to vector<64x256xi1>
    %broadcast_in_dim3A_150 = vector.broadcast %jit3A_147 : f32 to vector<64x256xf32>
    %select_n3A_151 = arith.select %broadcast_in_dim3A_149, %get3A_146, %broadcast_in_dim3A_150 : vector<64x256xi1>, vector<64x256xf32>
    %max3A_152 = arith.maximumf %max3A_138, %select_n3A_151 : vector<64x256xf32>
    %gt3A_153 = arith.constant 11 : i32
    %gt3A_154 = vector.broadcast %gt3A_153 : i32 to vector<64x1xi32>
    %gt3A_155 = arith.cmpi sgt, %get3A_1, %gt3A_154 : vector<64x1xi32>
    %get3A_156 = arith.constant 11 : index
    %get3A_157 = arith.constant 0 : index
    %get3A_158 = arith.constant 0 : index
    %get3A_159 = vector.load %arg1[%get3A_156, %get3A_157, %get3A_158] : memref<64x64x256xf32, #tpu.memory_space<vmem>>, vector<1x64x256xf32>
    %get3A_160 = vector.shape_cast %get3A_159 : vector<1x64x256xf32> to vector<64x256xf32>
    %jit3A_161 = arith.constant 0xFF800000 : f32
    %broadcast_in_dim3A_162 = vector.shape_cast %gt3A_155 : vector<64x1xi1> to vector<64x1xi1>
    %broadcast_in_dim3A_163 = vector.broadcast %broadcast_in_dim3A_162 : vector<64x1xi1> to vector<64x256xi1>
    %broadcast_in_dim3A_164 = vector.broadcast %jit3A_161 : f32 to vector<64x256xf32>
    %select_n3A_165 = arith.select %broadcast_in_dim3A_163, %get3A_160, %broadcast_in_dim3A_164 : vector<64x256xi1>, vector<64x256xf32>
    %max3A_166 = arith.maximumf %max3A_152, %select_n3A_165 : vector<64x256xf32>
    %gt3A_167 = arith.constant 12 : i32
    %gt3A_168 = vector.broadcast %gt3A_167 : i32 to vector<64x1xi32>
    %gt3A_169 = arith.cmpi sgt, %get3A_1, %gt3A_168 : vector<64x1xi32>
    %get3A_170 = arith.constant 12 : index
    %get3A_171 = arith.constant 0 : index
    %get3A_172 = arith.constant 0 : index
    %get3A_173 = vector.load %arg1[%get3A_170, %get3A_171, %get3A_172] : memref<64x64x256xf32, #tpu.memory_space<vmem>>, vector<1x64x256xf32>
    %get3A_174 = vector.shape_cast %get3A_173 : vector<1x64x256xf32> to vector<64x256xf32>
    %jit3A_175 = arith.constant 0xFF800000 : f32
    %broadcast_in_dim3A_176 = vector.shape_cast %gt3A_169 : vector<64x1xi1> to vector<64x1xi1>
    %broadcast_in_dim3A_177 = vector.broadcast %broadcast_in_dim3A_176 : vector<64x1xi1> to vector<64x256xi1>
    %broadcast_in_dim3A_178 = vector.broadcast %jit3A_175 : f32 to vector<64x256xf32>
    %select_n3A_179 = arith.select %broadcast_in_dim3A_177, %get3A_174, %broadcast_in_dim3A_178 : vector<64x256xi1>, vector<64x256xf32>
    %max3A_180 = arith.maximumf %max3A_166, %select_n3A_179 : vector<64x256xf32>
    %gt3A_181 = arith.constant 13 : i32
    %gt3A_182 = vector.broadcast %gt3A_181 : i32 to vector<64x1xi32>
    %gt3A_183 = arith.cmpi sgt, %get3A_1, %gt3A_182 : vector<64x1xi32>
    %get3A_184 = arith.constant 13 : index
    %get3A_185 = arith.constant 0 : index
    %get3A_186 = arith.constant 0 : index
    %get3A_187 = vector.load %arg1[%get3A_184, %get3A_185, %get3A_186] : memref<64x64x256xf32, #tpu.memory_space<vmem>>, vector<1x64x256xf32>
    %get3A_188 = vector.shape_cast %get3A_187 : vector<1x64x256xf32> to vector<64x256xf32>
    %jit3A_189 = arith.constant 0xFF800000 : f32
    %broadcast_in_dim3A_190 = vector.shape_cast %gt3A_183 : vector<64x1xi1> to vector<64x1xi1>
    %broadcast_in_dim3A_191 = vector.broadcast %broadcast_in_dim3A_190 : vector<64x1xi1> to vector<64x256xi1>
    %broadcast_in_dim3A_192 = vector.broadcast %jit3A_189 : f32 to vector<64x256xf32>
    %select_n3A_193 = arith.select %broadcast_in_dim3A_191, %get3A_188, %broadcast_in_dim3A_192 : vector<64x256xi1>, vector<64x256xf32>
    %max3A_194 = arith.maximumf %max3A_180, %select_n3A_193 : vector<64x256xf32>
    %gt3A_195 = arith.constant 14 : i32
    %gt3A_196 = vector.broadcast %gt3A_195 : i32 to vector<64x1xi32>
    %gt3A_197 = arith.cmpi sgt, %get3A_1, %gt3A_196 : vector<64x1xi32>
    %get3A_198 = arith.constant 14 : index
    %get3A_199 = arith.constant 0 : index
    %get3A_200 = arith.constant 0 : index
    %get3A_201 = vector.load %arg1[%get3A_198, %get3A_199, %get3A_200] : memref<64x64x256xf32, #tpu.memory_space<vmem>>, vector<1x64x256xf32>
    %get3A_202 = vector.shape_cast %get3A_201 : vector<1x64x256xf32> to vector<64x256xf32>
    %jit3A_203 = arith.constant 0xFF800000 : f32
    %broadcast_in_dim3A_204 = vector.shape_cast %gt3A_197 : vector<64x1xi1> to vector<64x1xi1>
    %broadcast_in_dim3A_205 = vector.broadcast %broadcast_in_dim3A_204 : vector<64x1xi1> to vector<64x256xi1>
    %broadcast_in_dim3A_206 = vector.broadcast %jit3A_203 : f32 to vector<64x256xf32>
    %select_n3A_207 = arith.select %broadcast_in_dim3A_205, %get3A_202, %broadcast_in_dim3A_206 : vector<64x256xi1>, vector<64x256xf32>
    %max3A_208 = arith.maximumf %max3A_194, %select_n3A_207 : vector<64x256xf32>
    %gt3A_209 = arith.constant 15 : i32
    %gt3A_210 = vector.broadcast %gt3A_209 : i32 to vector<64x1xi32>
    %gt3A_211 = arith.cmpi sgt, %get3A_1, %gt3A_210 : vector<64x1xi32>
    %get3A_212 = arith.constant 15 : index
    %get3A_213 = arith.constant 0 : index
    %get3A_214 = arith.constant 0 : index
    %get3A_215 = vector.load %arg1[%get3A_212, %get3A_213, %get3A_214] : memref<64x64x256xf32, #tpu.memory_space<vmem>>, vector<1x64x256xf32>
    %get3A_216 = vector.shape_cast %get3A_215 : vector<1x64x256xf32> to vector<64x256xf32>
    %jit3A_217 = arith.constant 0xFF800000 : f32
    %broadcast_in_dim3A_218 = vector.shape_cast %gt3A_211 : vector<64x1xi1> to vector<64x1xi1>
    %broadcast_in_dim3A_219 = vector.broadcast %broadcast_in_dim3A_218 : vector<64x1xi1> to vector<64x256xi1>
    %broadcast_in_dim3A_220 = vector.broadcast %jit3A_217 : f32 to vector<64x256xf32>
    %select_n3A_221 = arith.select %broadcast_in_dim3A_219, %get3A_216, %broadcast_in_dim3A_220 : vector<64x256xi1>, vector<64x256xf32>
    %max3A_222 = arith.maximumf %max3A_208, %select_n3A_221 : vector<64x256xf32>
    %gt3A_223 = arith.constant 16 : i32
    %gt3A_224 = vector.broadcast %gt3A_223 : i32 to vector<64x1xi32>
    %gt3A_225 = arith.cmpi sgt, %get3A_1, %gt3A_224 : vector<64x1xi32>
    %get3A_226 = arith.constant 16 : index
    %get3A_227 = arith.constant 0 : index
    %get3A_228 = arith.constant 0 : index
    %get3A_229 = vector.load %arg1[%get3A_226, %get3A_227, %get3A_228] : memref<64x64x256xf32, #tpu.memory_space<vmem>>, vector<1x64x256xf32>
    %get3A_230 = vector.shape_cast %get3A_229 : vector<1x64x256xf32> to vector<64x256xf32>
    %jit3A_231 = arith.constant 0xFF800000 : f32
    %broadcast_in_dim3A_232 = vector.shape_cast %gt3A_225 : vector<64x1xi1> to vector<64x1xi1>
    %broadcast_in_dim3A_233 = vector.broadcast %broadcast_in_dim3A_232 : vector<64x1xi1> to vector<64x256xi1>
    %broadcast_in_dim3A_234 = vector.broadcast %jit3A_231 : f32 to vector<64x256xf32>
    %select_n3A_235 = arith.select %broadcast_in_dim3A_233, %get3A_230, %broadcast_in_dim3A_234 : vector<64x256xi1>, vector<64x256xf32>
    %max3A_236 = arith.maximumf %max3A_222, %select_n3A_235 : vector<64x256xf32>
    %gt3A_237 = arith.constant 17 : i32
    %gt3A_238 = vector.broadcast %gt3A_237 : i32 to vector<64x1xi32>
    %gt3A_239 = arith.cmpi sgt, %get3A_1, %gt3A_238 : vector<64x1xi32>
    %get3A_240 = arith.constant 17 : index
    %get3A_241 = arith.constant 0 : index
    %get3A_242 = arith.constant 0 : index
    %get3A_243 = vector.load %arg1[%get3A_240, %get3A_241, %get3A_242] : memref<64x64x256xf32, #tpu.memory_space<vmem>>, vector<1x64x256xf32>
    %get3A_244 = vector.shape_cast %get3A_243 : vector<1x64x256xf32> to vector<64x256xf32>
    %jit3A_245 = arith.constant 0xFF800000 : f32
    %broadcast_in_dim3A_246 = vector.shape_cast %gt3A_239 : vector<64x1xi1> to vector<64x1xi1>
    %broadcast_in_dim3A_247 = vector.broadcast %broadcast_in_dim3A_246 : vector<64x1xi1> to vector<64x256xi1>
    %broadcast_in_dim3A_248 = vector.broadcast %jit3A_245 : f32 to vector<64x256xf32>
    %select_n3A_249 = arith.select %broadcast_in_dim3A_247, %get3A_244, %broadcast_in_dim3A_248 : vector<64x256xi1>, vector<64x256xf32>
    %max3A_250 = arith.maximumf %max3A_236, %select_n3A_249 : vector<64x256xf32>
    %gt3A_251 = arith.constant 18 : i32
    %gt3A_252 = vector.broadcast %gt3A_251 : i32 to vector<64x1xi32>
    %gt3A_253 = arith.cmpi sgt, %get3A_1, %gt3A_252 : vector<64x1xi32>
    %get3A_254 = arith.constant 18 : index
    %get3A_255 = arith.constant 0 : index
    %get3A_256 = arith.constant 0 : index
    %get3A_257 = vector.load %arg1[%get3A_254, %get3A_255, %get3A_256] : memref<64x64x256xf32, #tpu.memory_space<vmem>>, vector<1x64x256xf32>
    %get3A_258 = vector.shape_cast %get3A_257 : vector<1x64x256xf32> to vector<64x256xf32>
    %jit3A_259 = arith.constant 0xFF800000 : f32
    %broadcast_in_dim3A_260 = vector.shape_cast %gt3A_253 : vector<64x1xi1> to vector<64x1xi1>
    %broadcast_in_dim3A_261 = vector.broadcast %broadcast_in_dim3A_260 : vector<64x1xi1> to vector<64x256xi1>
    %broadcast_in_dim3A_262 = vector.broadcast %jit3A_259 : f32 to vector<64x256xf32>
    %select_n3A_263 = arith.select %broadcast_in_dim3A_261, %get3A_258, %broadcast_in_dim3A_262 : vector<64x256xi1>, vector<64x256xf32>
    %max3A_264 = arith.maximumf %max3A_250, %select_n3A_263 : vector<64x256xf32>
    %gt3A_265 = arith.constant 19 : i32
    %gt3A_266 = vector.broadcast %gt3A_265 : i32 to vector<64x1xi32>
    %gt3A_267 = arith.cmpi sgt, %get3A_1, %gt3A_266 : vector<64x1xi32>
    %get3A_268 = arith.constant 19 : index
    %get3A_269 = arith.constant 0 : index
    %get3A_270 = arith.constant 0 : index
    %get3A_271 = vector.load %arg1[%get3A_268, %get3A_269, %get3A_270] : memref<64x64x256xf32, #tpu.memory_space<vmem>>, vector<1x64x256xf32>
    %get3A_272 = vector.shape_cast %get3A_271 : vector<1x64x256xf32> to vector<64x256xf32>
    %jit3A_273 = arith.constant 0xFF800000 : f32
    %broadcast_in_dim3A_274 = vector.shape_cast %gt3A_267 : vector<64x1xi1> to vector<64x1xi1>
    %broadcast_in_dim3A_275 = vector.broadcast %broadcast_in_dim3A_274 : vector<64x1xi1> to vector<64x256xi1>
    %broadcast_in_dim3A_276 = vector.broadcast %jit3A_273 : f32 to vector<64x256xf32>
    %select_n3A_277 = arith.select %broadcast_in_dim3A_275, %get3A_272, %broadcast_in_dim3A_276 : vector<64x256xi1>, vector<64x256xf32>
    %max3A_278 = arith.maximumf %max3A_264, %select_n3A_277 : vector<64x256xf32>
    %gt3A_279 = arith.constant 20 : i32
    %gt3A_280 = vector.broadcast %gt3A_279 : i32 to vector<64x1xi32>
    %gt3A_281 = arith.cmpi sgt, %get3A_1, %gt3A_280 : vector<64x1xi32>
    %get3A_282 = arith.constant 20 : index
    %get3A_283 = arith.constant 0 : index
    %get3A_284 = arith.constant 0 : index
    %get3A_285 = vector.load %arg1[%get3A_282, %get3A_283, %get3A_284] : memref<64x64x256xf32, #tpu.memory_space<vmem>>, vector<1x64x256xf32>
    %get3A_286 = vector.shape_cast %get3A_285 : vector<1x64x256xf32> to vector<64x256xf32>
    %jit3A_287 = arith.constant 0xFF800000 : f32
    %broadcast_in_dim3A_288 = vector.shape_cast %gt3A_281 : vector<64x1xi1> to vector<64x1xi1>
    %broadcast_in_dim3A_289 = vector.broadcast %broadcast_in_dim3A_288 : vector<64x1xi1> to vector<64x256xi1>
    %broadcast_in_dim3A_290 = vector.broadcast %jit3A_287 : f32 to vector<64x256xf32>
    %select_n3A_291 = arith.select %broadcast_in_dim3A_289, %get3A_286, %broadcast_in_dim3A_290 : vector<64x256xi1>, vector<64x256xf32>
    %max3A_292 = arith.maximumf %max3A_278, %select_n3A_291 : vector<64x256xf32>
    %gt3A_293 = arith.constant 21 : i32
    %gt3A_294 = vector.broadcast %gt3A_293 : i32 to vector<64x1xi32>
    %gt3A_295 = arith.cmpi sgt, %get3A_1, %gt3A_294 : vector<64x1xi32>
    %get3A_296 = arith.constant 21 : index
    %get3A_297 = arith.constant 0 : index
    %get3A_298 = arith.constant 0 : index
    %get3A_299 = vector.load %arg1[%get3A_296, %get3A_297, %get3A_298] : memref<64x64x256xf32, #tpu.memory_space<vmem>>, vector<1x64x256xf32>
    %get3A_300 = vector.shape_cast %get3A_299 : vector<1x64x256xf32> to vector<64x256xf32>
    %jit3A_301 = arith.constant 0xFF800000 : f32
    %broadcast_in_dim3A_302 = vector.shape_cast %gt3A_295 : vector<64x1xi1> to vector<64x1xi1>
    %broadcast_in_dim3A_303 = vector.broadcast %broadcast_in_dim3A_302 : vector<64x1xi1> to vector<64x256xi1>
    %broadcast_in_dim3A_304 = vector.broadcast %jit3A_301 : f32 to vector<64x256xf32>
    %select_n3A_305 = arith.select %broadcast_in_dim3A_303, %get3A_300, %broadcast_in_dim3A_304 : vector<64x256xi1>, vector<64x256xf32>
    %max3A_306 = arith.maximumf %max3A_292, %select_n3A_305 : vector<64x256xf32>
    %gt3A_307 = arith.constant 22 : i32
    %gt3A_308 = vector.broadcast %gt3A_307 : i32 to vector<64x1xi32>
    %gt3A_309 = arith.cmpi sgt, %get3A_1, %gt3A_308 : vector<64x1xi32>
    %get3A_310 = arith.constant 22 : index
    %get3A_311 = arith.constant 0 : index
    %get3A_312 = arith.constant 0 : index
    %get3A_313 = vector.load %arg1[%get3A_310, %get3A_311, %get3A_312] : memref<64x64x256xf32, #tpu.memory_space<vmem>>, vector<1x64x256xf32>
    %get3A_314 = vector.shape_cast %get3A_313 : vector<1x64x256xf32> to vector<64x256xf32>
    %jit3A_315 = arith.constant 0xFF800000 : f32
    %broadcast_in_dim3A_316 = vector.shape_cast %gt3A_309 : vector<64x1xi1> to vector<64x1xi1>
    %broadcast_in_dim3A_317 = vector.broadcast %broadcast_in_dim3A_316 : vector<64x1xi1> to vector<64x256xi1>
    %broadcast_in_dim3A_318 = vector.broadcast %jit3A_315 : f32 to vector<64x256xf32>
    %select_n3A_319 = arith.select %broadcast_in_dim3A_317, %get3A_314, %broadcast_in_dim3A_318 : vector<64x256xi1>, vector<64x256xf32>
    %max3A_320 = arith.maximumf %max3A_306, %select_n3A_319 : vector<64x256xf32>
    %gt3A_321 = arith.constant 23 : i32
    %gt3A_322 = vector.broadcast %gt3A_321 : i32 to vector<64x1xi32>
    %gt3A_323 = arith.cmpi sgt, %get3A_1, %gt3A_322 : vector<64x1xi32>
    %get3A_324 = arith.constant 23 : index
    %get3A_325 = arith.constant 0 : index
    %get3A_326 = arith.constant 0 : index
    %get3A_327 = vector.load %arg1[%get3A_324, %get3A_325, %get3A_326] : memref<64x64x256xf32, #tpu.memory_space<vmem>>, vector<1x64x256xf32>
    %get3A_328 = vector.shape_cast %get3A_327 : vector<1x64x256xf32> to vector<64x256xf32>
    %jit3A_329 = arith.constant 0xFF800000 : f32
    %broadcast_in_dim3A_330 = vector.shape_cast %gt3A_323 : vector<64x1xi1> to vector<64x1xi1>
    %broadcast_in_dim3A_331 = vector.broadcast %broadcast_in_dim3A_330 : vector<64x1xi1> to vector<64x256xi1>
    %broadcast_in_dim3A_332 = vector.broadcast %jit3A_329 : f32 to vector<64x256xf32>
    %select_n3A_333 = arith.select %broadcast_in_dim3A_331, %get3A_328, %broadcast_in_dim3A_332 : vector<64x256xi1>, vector<64x256xf32>
    %max3A_334 = arith.maximumf %max3A_320, %select_n3A_333 : vector<64x256xf32>
    %gt3A_335 = arith.constant 24 : i32
    %gt3A_336 = vector.broadcast %gt3A_335 : i32 to vector<64x1xi32>
    %gt3A_337 = arith.cmpi sgt, %get3A_1, %gt3A_336 : vector<64x1xi32>
    %get3A_338 = arith.constant 24 : index
    %get3A_339 = arith.constant 0 : index
    %get3A_340 = arith.constant 0 : index
    %get3A_341 = vector.load %arg1[%get3A_338, %get3A_339, %get3A_340] : memref<64x64x256xf32, #tpu.memory_space<vmem>>, vector<1x64x256xf32>
    %get3A_342 = vector.shape_cast %get3A_341 : vector<1x64x256xf32> to vector<64x256xf32>
    %jit3A_343 = arith.constant 0xFF800000 : f32
    %broadcast_in_dim3A_344 = vector.shape_cast %gt3A_337 : vector<64x1xi1> to vector<64x1xi1>
    %broadcast_in_dim3A_345 = vector.broadcast %broadcast_in_dim3A_344 : vector<64x1xi1> to vector<64x256xi1>
    %broadcast_in_dim3A_346 = vector.broadcast %jit3A_343 : f32 to vector<64x256xf32>
    %select_n3A_347 = arith.select %broadcast_in_dim3A_345, %get3A_342, %broadcast_in_dim3A_346 : vector<64x256xi1>, vector<64x256xf32>
    %max3A_348 = arith.maximumf %max3A_334, %select_n3A_347 : vector<64x256xf32>
    %gt3A_349 = arith.constant 25 : i32
    %gt3A_350 = vector.broadcast %gt3A_349 : i32 to vector<64x1xi32>
    %gt3A_351 = arith.cmpi sgt, %get3A_1, %gt3A_350 : vector<64x1xi32>
    %get3A_352 = arith.constant 25 : index
    %get3A_353 = arith.constant 0 : index
    %get3A_354 = arith.constant 0 : index
    %get3A_355 = vector.load %arg1[%get3A_352, %get3A_353, %get3A_354] : memref<64x64x256xf32, #tpu.memory_space<vmem>>, vector<1x64x256xf32>
    %get3A_356 = vector.shape_cast %get3A_355 : vector<1x64x256xf32> to vector<64x256xf32>
    %jit3A_357 = arith.constant 0xFF800000 : f32
    %broadcast_in_dim3A_358 = vector.shape_cast %gt3A_351 : vector<64x1xi1> to vector<64x1xi1>
    %broadcast_in_dim3A_359 = vector.broadcast %broadcast_in_dim3A_358 : vector<64x1xi1> to vector<64x256xi1>
    %broadcast_in_dim3A_360 = vector.broadcast %jit3A_357 : f32 to vector<64x256xf32>
    %select_n3A_361 = arith.select %broadcast_in_dim3A_359, %get3A_356, %broadcast_in_dim3A_360 : vector<64x256xi1>, vector<64x256xf32>
    %max3A_362 = arith.maximumf %max3A_348, %select_n3A_361 : vector<64x256xf32>
    %gt3A_363 = arith.constant 26 : i32
    %gt3A_364 = vector.broadcast %gt3A_363 : i32 to vector<64x1xi32>
    %gt3A_365 = arith.cmpi sgt, %get3A_1, %gt3A_364 : vector<64x1xi32>
    %get3A_366 = arith.constant 26 : index
    %get3A_367 = arith.constant 0 : index
    %get3A_368 = arith.constant 0 : index
    %get3A_369 = vector.load %arg1[%get3A_366, %get3A_367, %get3A_368] : memref<64x64x256xf32, #tpu.memory_space<vmem>>, vector<1x64x256xf32>
    %get3A_370 = vector.shape_cast %get3A_369 : vector<1x64x256xf32> to vector<64x256xf32>
    %jit3A_371 = arith.constant 0xFF800000 : f32
    %broadcast_in_dim3A_372 = vector.shape_cast %gt3A_365 : vector<64x1xi1> to vector<64x1xi1>
    %broadcast_in_dim3A_373 = vector.broadcast %broadcast_in_dim3A_372 : vector<64x1xi1> to vector<64x256xi1>
    %broadcast_in_dim3A_374 = vector.broadcast %jit3A_371 : f32 to vector<64x256xf32>
    %select_n3A_375 = arith.select %broadcast_in_dim3A_373, %get3A_370, %broadcast_in_dim3A_374 : vector<64x256xi1>, vector<64x256xf32>
    %max3A_376 = arith.maximumf %max3A_362, %select_n3A_375 : vector<64x256xf32>
    %gt3A_377 = arith.constant 27 : i32
    %gt3A_378 = vector.broadcast %gt3A_377 : i32 to vector<64x1xi32>
    %gt3A_379 = arith.cmpi sgt, %get3A_1, %gt3A_378 : vector<64x1xi32>
    %get3A_380 = arith.constant 27 : index
    %get3A_381 = arith.constant 0 : index
    %get3A_382 = arith.constant 0 : index
    %get3A_383 = vector.load %arg1[%get3A_380, %get3A_381, %get3A_382] : memref<64x64x256xf32, #tpu.memory_space<vmem>>, vector<1x64x256xf32>
    %get3A_384 = vector.shape_cast %get3A_383 : vector<1x64x256xf32> to vector<64x256xf32>
    %jit3A_385 = arith.constant 0xFF800000 : f32
    %broadcast_in_dim3A_386 = vector.shape_cast %gt3A_379 : vector<64x1xi1> to vector<64x1xi1>
    %broadcast_in_dim3A_387 = vector.broadcast %broadcast_in_dim3A_386 : vector<64x1xi1> to vector<64x256xi1>
    %broadcast_in_dim3A_388 = vector.broadcast %jit3A_385 : f32 to vector<64x256xf32>
    %select_n3A_389 = arith.select %broadcast_in_dim3A_387, %get3A_384, %broadcast_in_dim3A_388 : vector<64x256xi1>, vector<64x256xf32>
    %max3A_390 = arith.maximumf %max3A_376, %select_n3A_389 : vector<64x256xf32>
    %gt3A_391 = arith.constant 28 : i32
    %gt3A_392 = vector.broadcast %gt3A_391 : i32 to vector<64x1xi32>
    %gt3A_393 = arith.cmpi sgt, %get3A_1, %gt3A_392 : vector<64x1xi32>
    %get3A_394 = arith.constant 28 : index
    %get3A_395 = arith.constant 0 : index
    %get3A_396 = arith.constant 0 : index
    %get3A_397 = vector.load %arg1[%get3A_394, %get3A_395, %get3A_396] : memref<64x64x256xf32, #tpu.memory_space<vmem>>, vector<1x64x256xf32>
    %get3A_398 = vector.shape_cast %get3A_397 : vector<1x64x256xf32> to vector<64x256xf32>
    %jit3A_399 = arith.constant 0xFF800000 : f32
    %broadcast_in_dim3A_400 = vector.shape_cast %gt3A_393 : vector<64x1xi1> to vector<64x1xi1>
    %broadcast_in_dim3A_401 = vector.broadcast %broadcast_in_dim3A_400 : vector<64x1xi1> to vector<64x256xi1>
    %broadcast_in_dim3A_402 = vector.broadcast %jit3A_399 : f32 to vector<64x256xf32>
    %select_n3A_403 = arith.select %broadcast_in_dim3A_401, %get3A_398, %broadcast_in_dim3A_402 : vector<64x256xi1>, vector<64x256xf32>
    %max3A_404 = arith.maximumf %max3A_390, %select_n3A_403 : vector<64x256xf32>
    %gt3A_405 = arith.constant 29 : i32
    %gt3A_406 = vector.broadcast %gt3A_405 : i32 to vector<64x1xi32>
    %gt3A_407 = arith.cmpi sgt, %get3A_1, %gt3A_406 : vector<64x1xi32>
    %get3A_408 = arith.constant 29 : index
    %get3A_409 = arith.constant 0 : index
    %get3A_410 = arith.constant 0 : index
    %get3A_411 = vector.load %arg1[%get3A_408, %get3A_409, %get3A_410] : memref<64x64x256xf32, #tpu.memory_space<vmem>>, vector<1x64x256xf32>
    %get3A_412 = vector.shape_cast %get3A_411 : vector<1x64x256xf32> to vector<64x256xf32>
    %jit3A_413 = arith.constant 0xFF800000 : f32
    %broadcast_in_dim3A_414 = vector.shape_cast %gt3A_407 : vector<64x1xi1> to vector<64x1xi1>
    %broadcast_in_dim3A_415 = vector.broadcast %broadcast_in_dim3A_414 : vector<64x1xi1> to vector<64x256xi1>
    %broadcast_in_dim3A_416 = vector.broadcast %jit3A_413 : f32 to vector<64x256xf32>
    %select_n3A_417 = arith.select %broadcast_in_dim3A_415, %get3A_412, %broadcast_in_dim3A_416 : vector<64x256xi1>, vector<64x256xf32>
    %max3A_418 = arith.maximumf %max3A_404, %select_n3A_417 : vector<64x256xf32>
    %gt3A_419 = arith.constant 30 : i32
    %gt3A_420 = vector.broadcast %gt3A_419 : i32 to vector<64x1xi32>
    %gt3A_421 = arith.cmpi sgt, %get3A_1, %gt3A_420 : vector<64x1xi32>
    %get3A_422 = arith.constant 30 : index
    %get3A_423 = arith.constant 0 : index
    %get3A_424 = arith.constant 0 : index
    %get3A_425 = vector.load %arg1[%get3A_422, %get3A_423, %get3A_424] : memref<64x64x256xf32, #tpu.memory_space<vmem>>, vector<1x64x256xf32>
    %get3A_426 = vector.shape_cast %get3A_425 : vector<1x64x256xf32> to vector<64x256xf32>
    %jit3A_427 = arith.constant 0xFF800000 : f32
    %broadcast_in_dim3A_428 = vector.shape_cast %gt3A_421 : vector<64x1xi1> to vector<64x1xi1>
    %broadcast_in_dim3A_429 = vector.broadcast %broadcast_in_dim3A_428 : vector<64x1xi1> to vector<64x256xi1>
    %broadcast_in_dim3A_430 = vector.broadcast %jit3A_427 : f32 to vector<64x256xf32>
    %select_n3A_431 = arith.select %broadcast_in_dim3A_429, %get3A_426, %broadcast_in_dim3A_430 : vector<64x256xi1>, vector<64x256xf32>
    %max3A_432 = arith.maximumf %max3A_418, %select_n3A_431 : vector<64x256xf32>
    %gt3A_433 = arith.constant 31 : i32
    %gt3A_434 = vector.broadcast %gt3A_433 : i32 to vector<64x1xi32>
    %gt3A_435 = arith.cmpi sgt, %get3A_1, %gt3A_434 : vector<64x1xi32>
    %get3A_436 = arith.constant 31 : index
    %get3A_437 = arith.constant 0 : index
    %get3A_438 = arith.constant 0 : index
    %get3A_439 = vector.load %arg1[%get3A_436, %get3A_437, %get3A_438] : memref<64x64x256xf32, #tpu.memory_space<vmem>>, vector<1x64x256xf32>
    %get3A_440 = vector.shape_cast %get3A_439 : vector<1x64x256xf32> to vector<64x256xf32>
    %jit3A_441 = arith.constant 0xFF800000 : f32
    %broadcast_in_dim3A_442 = vector.shape_cast %gt3A_435 : vector<64x1xi1> to vector<64x1xi1>
    %broadcast_in_dim3A_443 = vector.broadcast %broadcast_in_dim3A_442 : vector<64x1xi1> to vector<64x256xi1>
    %broadcast_in_dim3A_444 = vector.broadcast %jit3A_441 : f32 to vector<64x256xf32>
    %select_n3A_445 = arith.select %broadcast_in_dim3A_443, %get3A_440, %broadcast_in_dim3A_444 : vector<64x256xi1>, vector<64x256xf32>
    %max3A_446 = arith.maximumf %max3A_432, %select_n3A_445 : vector<64x256xf32>
    %gt3A_447 = arith.constant 32 : i32
    %gt3A_448 = vector.broadcast %gt3A_447 : i32 to vector<64x1xi32>
    %gt3A_449 = arith.cmpi sgt, %get3A_1, %gt3A_448 : vector<64x1xi32>
    %get3A_450 = arith.constant 32 : index
    %get3A_451 = arith.constant 0 : index
    %get3A_452 = arith.constant 0 : index
    %get3A_453 = vector.load %arg1[%get3A_450, %get3A_451, %get3A_452] : memref<64x64x256xf32, #tpu.memory_space<vmem>>, vector<1x64x256xf32>
    %get3A_454 = vector.shape_cast %get3A_453 : vector<1x64x256xf32> to vector<64x256xf32>
    %jit3A_455 = arith.constant 0xFF800000 : f32
    %broadcast_in_dim3A_456 = vector.shape_cast %gt3A_449 : vector<64x1xi1> to vector<64x1xi1>
    %broadcast_in_dim3A_457 = vector.broadcast %broadcast_in_dim3A_456 : vector<64x1xi1> to vector<64x256xi1>
    %broadcast_in_dim3A_458 = vector.broadcast %jit3A_455 : f32 to vector<64x256xf32>
    %select_n3A_459 = arith.select %broadcast_in_dim3A_457, %get3A_454, %broadcast_in_dim3A_458 : vector<64x256xi1>, vector<64x256xf32>
    %max3A_460 = arith.maximumf %max3A_446, %select_n3A_459 : vector<64x256xf32>
    %gt3A_461 = arith.constant 33 : i32
    %gt3A_462 = vector.broadcast %gt3A_461 : i32 to vector<64x1xi32>
    %gt3A_463 = arith.cmpi sgt, %get3A_1, %gt3A_462 : vector<64x1xi32>
    %get3A_464 = arith.constant 33 : index
    %get3A_465 = arith.constant 0 : index
    %get3A_466 = arith.constant 0 : index
    %get3A_467 = vector.load %arg1[%get3A_464, %get3A_465, %get3A_466] : memref<64x64x256xf32, #tpu.memory_space<vmem>>, vector<1x64x256xf32>
    %get3A_468 = vector.shape_cast %get3A_467 : vector<1x64x256xf32> to vector<64x256xf32>
    %jit3A_469 = arith.constant 0xFF800000 : f32
    %broadcast_in_dim3A_470 = vector.shape_cast %gt3A_463 : vector<64x1xi1> to vector<64x1xi1>
    %broadcast_in_dim3A_471 = vector.broadcast %broadcast_in_dim3A_470 : vector<64x1xi1> to vector<64x256xi1>
    %broadcast_in_dim3A_472 = vector.broadcast %jit3A_469 : f32 to vector<64x256xf32>
    %select_n3A_473 = arith.select %broadcast_in_dim3A_471, %get3A_468, %broadcast_in_dim3A_472 : vector<64x256xi1>, vector<64x256xf32>
    %max3A_474 = arith.maximumf %max3A_460, %select_n3A_473 : vector<64x256xf32>
    %gt3A_475 = arith.constant 34 : i32
    %gt3A_476 = vector.broadcast %gt3A_475 : i32 to vector<64x1xi32>
    %gt3A_477 = arith.cmpi sgt, %get3A_1, %gt3A_476 : vector<64x1xi32>
    %get3A_478 = arith.constant 34 : index
    %get3A_479 = arith.constant 0 : index
    %get3A_480 = arith.constant 0 : index
    %get3A_481 = vector.load %arg1[%get3A_478, %get3A_479, %get3A_480] : memref<64x64x256xf32, #tpu.memory_space<vmem>>, vector<1x64x256xf32>
    %get3A_482 = vector.shape_cast %get3A_481 : vector<1x64x256xf32> to vector<64x256xf32>
    %jit3A_483 = arith.constant 0xFF800000 : f32
    %broadcast_in_dim3A_484 = vector.shape_cast %gt3A_477 : vector<64x1xi1> to vector<64x1xi1>
    %broadcast_in_dim3A_485 = vector.broadcast %broadcast_in_dim3A_484 : vector<64x1xi1> to vector<64x256xi1>
    %broadcast_in_dim3A_486 = vector.broadcast %jit3A_483 : f32 to vector<64x256xf32>
    %select_n3A_487 = arith.select %broadcast_in_dim3A_485, %get3A_482, %broadcast_in_dim3A_486 : vector<64x256xi1>, vector<64x256xf32>
    %max3A_488 = arith.maximumf %max3A_474, %select_n3A_487 : vector<64x256xf32>
    %gt3A_489 = arith.constant 35 : i32
    %gt3A_490 = vector.broadcast %gt3A_489 : i32 to vector<64x1xi32>
    %gt3A_491 = arith.cmpi sgt, %get3A_1, %gt3A_490 : vector<64x1xi32>
    %get3A_492 = arith.constant 35 : index
    %get3A_493 = arith.constant 0 : index
    %get3A_494 = arith.constant 0 : index
    %get3A_495 = vector.load %arg1[%get3A_492, %get3A_493, %get3A_494] : memref<64x64x256xf32, #tpu.memory_space<vmem>>, vector<1x64x256xf32>
    %get3A_496 = vector.shape_cast %get3A_495 : vector<1x64x256xf32> to vector<64x256xf32>
    %jit3A_497 = arith.constant 0xFF800000 : f32
    %broadcast_in_dim3A_498 = vector.shape_cast %gt3A_491 : vector<64x1xi1> to vector<64x1xi1>
    %broadcast_in_dim3A_499 = vector.broadcast %broadcast_in_dim3A_498 : vector<64x1xi1> to vector<64x256xi1>
    %broadcast_in_dim3A_500 = vector.broadcast %jit3A_497 : f32 to vector<64x256xf32>
    %select_n3A_501 = arith.select %broadcast_in_dim3A_499, %get3A_496, %broadcast_in_dim3A_500 : vector<64x256xi1>, vector<64x256xf32>
    %max3A_502 = arith.maximumf %max3A_488, %select_n3A_501 : vector<64x256xf32>
    %gt3A_503 = arith.constant 36 : i32
    %gt3A_504 = vector.broadcast %gt3A_503 : i32 to vector<64x1xi32>
    %gt3A_505 = arith.cmpi sgt, %get3A_1, %gt3A_504 : vector<64x1xi32>
    %get3A_506 = arith.constant 36 : index
    %get3A_507 = arith.constant 0 : index
    %get3A_508 = arith.constant 0 : index
    %get3A_509 = vector.load %arg1[%get3A_506, %get3A_507, %get3A_508] : memref<64x64x256xf32, #tpu.memory_space<vmem>>, vector<1x64x256xf32>
    %get3A_510 = vector.shape_cast %get3A_509 : vector<1x64x256xf32> to vector<64x256xf32>
    %jit3A_511 = arith.constant 0xFF800000 : f32
    %broadcast_in_dim3A_512 = vector.shape_cast %gt3A_505 : vector<64x1xi1> to vector<64x1xi1>
    %broadcast_in_dim3A_513 = vector.broadcast %broadcast_in_dim3A_512 : vector<64x1xi1> to vector<64x256xi1>
    %broadcast_in_dim3A_514 = vector.broadcast %jit3A_511 : f32 to vector<64x256xf32>
    %select_n3A_515 = arith.select %broadcast_in_dim3A_513, %get3A_510, %broadcast_in_dim3A_514 : vector<64x256xi1>, vector<64x256xf32>
    %max3A_516 = arith.maximumf %max3A_502, %select_n3A_515 : vector<64x256xf32>
    %gt3A_517 = arith.constant 37 : i32
    %gt3A_518 = vector.broadcast %gt3A_517 : i32 to vector<64x1xi32>
    %gt3A_519 = arith.cmpi sgt, %get3A_1, %gt3A_518 : vector<64x1xi32>
    %get3A_520 = arith.constant 37 : index
    %get3A_521 = arith.constant 0 : index
    %get3A_522 = arith.constant 0 : index
    %get3A_523 = vector.load %arg1[%get3A_520, %get3A_521, %get3A_522] : memref<64x64x256xf32, #tpu.memory_space<vmem>>, vector<1x64x256xf32>
    %get3A_524 = vector.shape_cast %get3A_523 : vector<1x64x256xf32> to vector<64x256xf32>
    %jit3A_525 = arith.constant 0xFF800000 : f32
    %broadcast_in_dim3A_526 = vector.shape_cast %gt3A_519 : vector<64x1xi1> to vector<64x1xi1>
    %broadcast_in_dim3A_527 = vector.broadcast %broadcast_in_dim3A_526 : vector<64x1xi1> to vector<64x256xi1>
    %broadcast_in_dim3A_528 = vector.broadcast %jit3A_525 : f32 to vector<64x256xf32>
    %select_n3A_529 = arith.select %broadcast_in_dim3A_527, %get3A_524, %broadcast_in_dim3A_528 : vector<64x256xi1>, vector<64x256xf32>
    %max3A_530 = arith.maximumf %max3A_516, %select_n3A_529 : vector<64x256xf32>
    %gt3A_531 = arith.constant 38 : i32
    %gt3A_532 = vector.broadcast %gt3A_531 : i32 to vector<64x1xi32>
    %gt3A_533 = arith.cmpi sgt, %get3A_1, %gt3A_532 : vector<64x1xi32>
    %get3A_534 = arith.constant 38 : index
    %get3A_535 = arith.constant 0 : index
    %get3A_536 = arith.constant 0 : index
    %get3A_537 = vector.load %arg1[%get3A_534, %get3A_535, %get3A_536] : memref<64x64x256xf32, #tpu.memory_space<vmem>>, vector<1x64x256xf32>
    %get3A_538 = vector.shape_cast %get3A_537 : vector<1x64x256xf32> to vector<64x256xf32>
    %jit3A_539 = arith.constant 0xFF800000 : f32
    %broadcast_in_dim3A_540 = vector.shape_cast %gt3A_533 : vector<64x1xi1> to vector<64x1xi1>
    %broadcast_in_dim3A_541 = vector.broadcast %broadcast_in_dim3A_540 : vector<64x1xi1> to vector<64x256xi1>
    %broadcast_in_dim3A_542 = vector.broadcast %jit3A_539 : f32 to vector<64x256xf32>
    %select_n3A_543 = arith.select %broadcast_in_dim3A_541, %get3A_538, %broadcast_in_dim3A_542 : vector<64x256xi1>, vector<64x256xf32>
    %max3A_544 = arith.maximumf %max3A_530, %select_n3A_543 : vector<64x256xf32>
    %gt3A_545 = arith.constant 39 : i32
    %gt3A_546 = vector.broadcast %gt3A_545 : i32 to vector<64x1xi32>
    %gt3A_547 = arith.cmpi sgt, %get3A_1, %gt3A_546 : vector<64x1xi32>
    %get3A_548 = arith.constant 39 : index
    %get3A_549 = arith.constant 0 : index
    %get3A_550 = arith.constant 0 : index
    %get3A_551 = vector.load %arg1[%get3A_548, %get3A_549, %get3A_550] : memref<64x64x256xf32, #tpu.memory_space<vmem>>, vector<1x64x256xf32>
    %get3A_552 = vector.shape_cast %get3A_551 : vector<1x64x256xf32> to vector<64x256xf32>
    %jit3A_553 = arith.constant 0xFF800000 : f32
    %broadcast_in_dim3A_554 = vector.shape_cast %gt3A_547 : vector<64x1xi1> to vector<64x1xi1>
    %broadcast_in_dim3A_555 = vector.broadcast %broadcast_in_dim3A_554 : vector<64x1xi1> to vector<64x256xi1>
    %broadcast_in_dim3A_556 = vector.broadcast %jit3A_553 : f32 to vector<64x256xf32>
    %select_n3A_557 = arith.select %broadcast_in_dim3A_555, %get3A_552, %broadcast_in_dim3A_556 : vector<64x256xi1>, vector<64x256xf32>
    %max3A_558 = arith.maximumf %max3A_544, %select_n3A_557 : vector<64x256xf32>
    %gt3A_559 = arith.constant 40 : i32
    %gt3A_560 = vector.broadcast %gt3A_559 : i32 to vector<64x1xi32>
    %gt3A_561 = arith.cmpi sgt, %get3A_1, %gt3A_560 : vector<64x1xi32>
    %get3A_562 = arith.constant 40 : index
    %get3A_563 = arith.constant 0 : index
    %get3A_564 = arith.constant 0 : index
    %get3A_565 = vector.load %arg1[%get3A_562, %get3A_563, %get3A_564] : memref<64x64x256xf32, #tpu.memory_space<vmem>>, vector<1x64x256xf32>
    %get3A_566 = vector.shape_cast %get3A_565 : vector<1x64x256xf32> to vector<64x256xf32>
    %jit3A_567 = arith.constant 0xFF800000 : f32
    %broadcast_in_dim3A_568 = vector.shape_cast %gt3A_561 : vector<64x1xi1> to vector<64x1xi1>
    %broadcast_in_dim3A_569 = vector.broadcast %broadcast_in_dim3A_568 : vector<64x1xi1> to vector<64x256xi1>
    %broadcast_in_dim3A_570 = vector.broadcast %jit3A_567 : f32 to vector<64x256xf32>
    %select_n3A_571 = arith.select %broadcast_in_dim3A_569, %get3A_566, %broadcast_in_dim3A_570 : vector<64x256xi1>, vector<64x256xf32>
    %max3A_572 = arith.maximumf %max3A_558, %select_n3A_571 : vector<64x256xf32>
    %gt3A_573 = arith.constant 41 : i32
    %gt3A_574 = vector.broadcast %gt3A_573 : i32 to vector<64x1xi32>
    %gt3A_575 = arith.cmpi sgt, %get3A_1, %gt3A_574 : vector<64x1xi32>
    %get3A_576 = arith.constant 41 : index
    %get3A_577 = arith.constant 0 : index
    %get3A_578 = arith.constant 0 : index
    %get3A_579 = vector.load %arg1[%get3A_576, %get3A_577, %get3A_578] : memref<64x64x256xf32, #tpu.memory_space<vmem>>, vector<1x64x256xf32>
    %get3A_580 = vector.shape_cast %get3A_579 : vector<1x64x256xf32> to vector<64x256xf32>
    %jit3A_581 = arith.constant 0xFF800000 : f32
    %broadcast_in_dim3A_582 = vector.shape_cast %gt3A_575 : vector<64x1xi1> to vector<64x1xi1>
    %broadcast_in_dim3A_583 = vector.broadcast %broadcast_in_dim3A_582 : vector<64x1xi1> to vector<64x256xi1>
    %broadcast_in_dim3A_584 = vector.broadcast %jit3A_581 : f32 to vector<64x256xf32>
    %select_n3A_585 = arith.select %broadcast_in_dim3A_583, %get3A_580, %broadcast_in_dim3A_584 : vector<64x256xi1>, vector<64x256xf32>
    %max3A_586 = arith.maximumf %max3A_572, %select_n3A_585 : vector<64x256xf32>
    %gt3A_587 = arith.constant 42 : i32
    %gt3A_588 = vector.broadcast %gt3A_587 : i32 to vector<64x1xi32>
    %gt3A_589 = arith.cmpi sgt, %get3A_1, %gt3A_588 : vector<64x1xi32>
    %get3A_590 = arith.constant 42 : index
    %get3A_591 = arith.constant 0 : index
    %get3A_592 = arith.constant 0 : index
    %get3A_593 = vector.load %arg1[%get3A_590, %get3A_591, %get3A_592] : memref<64x64x256xf32, #tpu.memory_space<vmem>>, vector<1x64x256xf32>
    %get3A_594 = vector.shape_cast %get3A_593 : vector<1x64x256xf32> to vector<64x256xf32>
    %jit3A_595 = arith.constant 0xFF800000 : f32
    %broadcast_in_dim3A_596 = vector.shape_cast %gt3A_589 : vector<64x1xi1> to vector<64x1xi1>
    %broadcast_in_dim3A_597 = vector.broadcast %broadcast_in_dim3A_596 : vector<64x1xi1> to vector<64x256xi1>
    %broadcast_in_dim3A_598 = vector.broadcast %jit3A_595 : f32 to vector<64x256xf32>
    %select_n3A_599 = arith.select %broadcast_in_dim3A_597, %get3A_594, %broadcast_in_dim3A_598 : vector<64x256xi1>, vector<64x256xf32>
    %max3A_600 = arith.maximumf %max3A_586, %select_n3A_599 : vector<64x256xf32>
    %gt3A_601 = arith.constant 43 : i32
    %gt3A_602 = vector.broadcast %gt3A_601 : i32 to vector<64x1xi32>
    %gt3A_603 = arith.cmpi sgt, %get3A_1, %gt3A_602 : vector<64x1xi32>
    %get3A_604 = arith.constant 43 : index
    %get3A_605 = arith.constant 0 : index
    %get3A_606 = arith.constant 0 : index
    %get3A_607 = vector.load %arg1[%get3A_604, %get3A_605, %get3A_606] : memref<64x64x256xf32, #tpu.memory_space<vmem>>, vector<1x64x256xf32>
    %get3A_608 = vector.shape_cast %get3A_607 : vector<1x64x256xf32> to vector<64x256xf32>
    %jit3A_609 = arith.constant 0xFF800000 : f32
    %broadcast_in_dim3A_610 = vector.shape_cast %gt3A_603 : vector<64x1xi1> to vector<64x1xi1>
    %broadcast_in_dim3A_611 = vector.broadcast %broadcast_in_dim3A_610 : vector<64x1xi1> to vector<64x256xi1>
    %broadcast_in_dim3A_612 = vector.broadcast %jit3A_609 : f32 to vector<64x256xf32>
    %select_n3A_613 = arith.select %broadcast_in_dim3A_611, %get3A_608, %broadcast_in_dim3A_612 : vector<64x256xi1>, vector<64x256xf32>
    %max3A_614 = arith.maximumf %max3A_600, %select_n3A_613 : vector<64x256xf32>
    %gt3A_615 = arith.constant 44 : i32
    %gt3A_616 = vector.broadcast %gt3A_615 : i32 to vector<64x1xi32>
    %gt3A_617 = arith.cmpi sgt, %get3A_1, %gt3A_616 : vector<64x1xi32>
    %get3A_618 = arith.constant 44 : index
    %get3A_619 = arith.constant 0 : index
    %get3A_620 = arith.constant 0 : index
    %get3A_621 = vector.load %arg1[%get3A_618, %get3A_619, %get3A_620] : memref<64x64x256xf32, #tpu.memory_space<vmem>>, vector<1x64x256xf32>
    %get3A_622 = vector.shape_cast %get3A_621 : vector<1x64x256xf32> to vector<64x256xf32>
    %jit3A_623 = arith.constant 0xFF800000 : f32
    %broadcast_in_dim3A_624 = vector.shape_cast %gt3A_617 : vector<64x1xi1> to vector<64x1xi1>
    %broadcast_in_dim3A_625 = vector.broadcast %broadcast_in_dim3A_624 : vector<64x1xi1> to vector<64x256xi1>
    %broadcast_in_dim3A_626 = vector.broadcast %jit3A_623 : f32 to vector<64x256xf32>
    %select_n3A_627 = arith.select %broadcast_in_dim3A_625, %get3A_622, %broadcast_in_dim3A_626 : vector<64x256xi1>, vector<64x256xf32>
    %max3A_628 = arith.maximumf %max3A_614, %select_n3A_627 : vector<64x256xf32>
    %gt3A_629 = arith.constant 45 : i32
    %gt3A_630 = vector.broadcast %gt3A_629 : i32 to vector<64x1xi32>
    %gt3A_631 = arith.cmpi sgt, %get3A_1, %gt3A_630 : vector<64x1xi32>
    %get3A_632 = arith.constant 45 : index
    %get3A_633 = arith.constant 0 : index
    %get3A_634 = arith.constant 0 : index
    %get3A_635 = vector.load %arg1[%get3A_632, %get3A_633, %get3A_634] : memref<64x64x256xf32, #tpu.memory_space<vmem>>, vector<1x64x256xf32>
    %get3A_636 = vector.shape_cast %get3A_635 : vector<1x64x256xf32> to vector<64x256xf32>
    %jit3A_637 = arith.constant 0xFF800000 : f32
    %broadcast_in_dim3A_638 = vector.shape_cast %gt3A_631 : vector<64x1xi1> to vector<64x1xi1>
    %broadcast_in_dim3A_639 = vector.broadcast %broadcast_in_dim3A_638 : vector<64x1xi1> to vector<64x256xi1>
    %broadcast_in_dim3A_640 = vector.broadcast %jit3A_637 : f32 to vector<64x256xf32>
    %select_n3A_641 = arith.select %broadcast_in_dim3A_639, %get3A_636, %broadcast_in_dim3A_640 : vector<64x256xi1>, vector<64x256xf32>
    %max3A_642 = arith.maximumf %max3A_628, %select_n3A_641 : vector<64x256xf32>
    %gt3A_643 = arith.constant 46 : i32
    %gt3A_644 = vector.broadcast %gt3A_643 : i32 to vector<64x1xi32>
    %gt3A_645 = arith.cmpi sgt, %get3A_1, %gt3A_644 : vector<64x1xi32>
    %get3A_646 = arith.constant 46 : index
    %get3A_647 = arith.constant 0 : index
    %get3A_648 = arith.constant 0 : index
    %get3A_649 = vector.load %arg1[%get3A_646, %get3A_647, %get3A_648] : memref<64x64x256xf32, #tpu.memory_space<vmem>>, vector<1x64x256xf32>
    %get3A_650 = vector.shape_cast %get3A_649 : vector<1x64x256xf32> to vector<64x256xf32>
    %jit3A_651 = arith.constant 0xFF800000 : f32
    %broadcast_in_dim3A_652 = vector.shape_cast %gt3A_645 : vector<64x1xi1> to vector<64x1xi1>
    %broadcast_in_dim3A_653 = vector.broadcast %broadcast_in_dim3A_652 : vector<64x1xi1> to vector<64x256xi1>
    %broadcast_in_dim3A_654 = vector.broadcast %jit3A_651 : f32 to vector<64x256xf32>
    %select_n3A_655 = arith.select %broadcast_in_dim3A_653, %get3A_650, %broadcast_in_dim3A_654 : vector<64x256xi1>, vector<64x256xf32>
    %max3A_656 = arith.maximumf %max3A_642, %select_n3A_655 : vector<64x256xf32>
    %gt3A_657 = arith.constant 47 : i32
    %gt3A_658 = vector.broadcast %gt3A_657 : i32 to vector<64x1xi32>
    %gt3A_659 = arith.cmpi sgt, %get3A_1, %gt3A_658 : vector<64x1xi32>
    %get3A_660 = arith.constant 47 : index
    %get3A_661 = arith.constant 0 : index
    %get3A_662 = arith.constant 0 : index
    %get3A_663 = vector.load %arg1[%get3A_660, %get3A_661, %get3A_662] : memref<64x64x256xf32, #tpu.memory_space<vmem>>, vector<1x64x256xf32>
    %get3A_664 = vector.shape_cast %get3A_663 : vector<1x64x256xf32> to vector<64x256xf32>
    %jit3A_665 = arith.constant 0xFF800000 : f32
    %broadcast_in_dim3A_666 = vector.shape_cast %gt3A_659 : vector<64x1xi1> to vector<64x1xi1>
    %broadcast_in_dim3A_667 = vector.broadcast %broadcast_in_dim3A_666 : vector<64x1xi1> to vector<64x256xi1>
    %broadcast_in_dim3A_668 = vector.broadcast %jit3A_665 : f32 to vector<64x256xf32>
    %select_n3A_669 = arith.select %broadcast_in_dim3A_667, %get3A_664, %broadcast_in_dim3A_668 : vector<64x256xi1>, vector<64x256xf32>
    %max3A_670 = arith.maximumf %max3A_656, %select_n3A_669 : vector<64x256xf32>
    %gt3A_671 = arith.constant 48 : i32
    %gt3A_672 = vector.broadcast %gt3A_671 : i32 to vector<64x1xi32>
    %gt3A_673 = arith.cmpi sgt, %get3A_1, %gt3A_672 : vector<64x1xi32>
    %get3A_674 = arith.constant 48 : index
    %get3A_675 = arith.constant 0 : index
    %get3A_676 = arith.constant 0 : index
    %get3A_677 = vector.load %arg1[%get3A_674, %get3A_675, %get3A_676] : memref<64x64x256xf32, #tpu.memory_space<vmem>>, vector<1x64x256xf32>
    %get3A_678 = vector.shape_cast %get3A_677 : vector<1x64x256xf32> to vector<64x256xf32>
    %jit3A_679 = arith.constant 0xFF800000 : f32
    %broadcast_in_dim3A_680 = vector.shape_cast %gt3A_673 : vector<64x1xi1> to vector<64x1xi1>
    %broadcast_in_dim3A_681 = vector.broadcast %broadcast_in_dim3A_680 : vector<64x1xi1> to vector<64x256xi1>
    %broadcast_in_dim3A_682 = vector.broadcast %jit3A_679 : f32 to vector<64x256xf32>
    %select_n3A_683 = arith.select %broadcast_in_dim3A_681, %get3A_678, %broadcast_in_dim3A_682 : vector<64x256xi1>, vector<64x256xf32>
    %max3A_684 = arith.maximumf %max3A_670, %select_n3A_683 : vector<64x256xf32>
    %gt3A_685 = arith.constant 49 : i32
    %gt3A_686 = vector.broadcast %gt3A_685 : i32 to vector<64x1xi32>
    %gt3A_687 = arith.cmpi sgt, %get3A_1, %gt3A_686 : vector<64x1xi32>
    %get3A_688 = arith.constant 49 : index
    %get3A_689 = arith.constant 0 : index
    %get3A_690 = arith.constant 0 : index
    %get3A_691 = vector.load %arg1[%get3A_688, %get3A_689, %get3A_690] : memref<64x64x256xf32, #tpu.memory_space<vmem>>, vector<1x64x256xf32>
    %get3A_692 = vector.shape_cast %get3A_691 : vector<1x64x256xf32> to vector<64x256xf32>
    %jit3A_693 = arith.constant 0xFF800000 : f32
    %broadcast_in_dim3A_694 = vector.shape_cast %gt3A_687 : vector<64x1xi1> to vector<64x1xi1>
    %broadcast_in_dim3A_695 = vector.broadcast %broadcast_in_dim3A_694 : vector<64x1xi1> to vector<64x256xi1>
    %broadcast_in_dim3A_696 = vector.broadcast %jit3A_693 : f32 to vector<64x256xf32>
    %select_n3A_697 = arith.select %broadcast_in_dim3A_695, %get3A_692, %broadcast_in_dim3A_696 : vector<64x256xi1>, vector<64x256xf32>
    %max3A_698 = arith.maximumf %max3A_684, %select_n3A_697 : vector<64x256xf32>
    %gt3A_699 = arith.constant 50 : i32
    %gt3A_700 = vector.broadcast %gt3A_699 : i32 to vector<64x1xi32>
    %gt3A_701 = arith.cmpi sgt, %get3A_1, %gt3A_700 : vector<64x1xi32>
    %get3A_702 = arith.constant 50 : index
    %get3A_703 = arith.constant 0 : index
    %get3A_704 = arith.constant 0 : index
    %get3A_705 = vector.load %arg1[%get3A_702, %get3A_703, %get3A_704] : memref<64x64x256xf32, #tpu.memory_space<vmem>>, vector<1x64x256xf32>
    %get3A_706 = vector.shape_cast %get3A_705 : vector<1x64x256xf32> to vector<64x256xf32>
    %jit3A_707 = arith.constant 0xFF800000 : f32
    %broadcast_in_dim3A_708 = vector.shape_cast %gt3A_701 : vector<64x1xi1> to vector<64x1xi1>
    %broadcast_in_dim3A_709 = vector.broadcast %broadcast_in_dim3A_708 : vector<64x1xi1> to vector<64x256xi1>
    %broadcast_in_dim3A_710 = vector.broadcast %jit3A_707 : f32 to vector<64x256xf32>
    %select_n3A_711 = arith.select %broadcast_in_dim3A_709, %get3A_706, %broadcast_in_dim3A_710 : vector<64x256xi1>, vector<64x256xf32>
    %max3A_712 = arith.maximumf %max3A_698, %select_n3A_711 : vector<64x256xf32>
    %gt3A_713 = arith.constant 51 : i32
    %gt3A_714 = vector.broadcast %gt3A_713 : i32 to vector<64x1xi32>
    %gt3A_715 = arith.cmpi sgt, %get3A_1, %gt3A_714 : vector<64x1xi32>
    %get3A_716 = arith.constant 51 : index
    %get3A_717 = arith.constant 0 : index
    %get3A_718 = arith.constant 0 : index
    %get3A_719 = vector.load %arg1[%get3A_716, %get3A_717, %get3A_718] : memref<64x64x256xf32, #tpu.memory_space<vmem>>, vector<1x64x256xf32>
    %get3A_720 = vector.shape_cast %get3A_719 : vector<1x64x256xf32> to vector<64x256xf32>
    %jit3A_721 = arith.constant 0xFF800000 : f32
    %broadcast_in_dim3A_722 = vector.shape_cast %gt3A_715 : vector<64x1xi1> to vector<64x1xi1>
    %broadcast_in_dim3A_723 = vector.broadcast %broadcast_in_dim3A_722 : vector<64x1xi1> to vector<64x256xi1>
    %broadcast_in_dim3A_724 = vector.broadcast %jit3A_721 : f32 to vector<64x256xf32>
    %select_n3A_725 = arith.select %broadcast_in_dim3A_723, %get3A_720, %broadcast_in_dim3A_724 : vector<64x256xi1>, vector<64x256xf32>
    %max3A_726 = arith.maximumf %max3A_712, %select_n3A_725 : vector<64x256xf32>
    %gt3A_727 = arith.constant 52 : i32
    %gt3A_728 = vector.broadcast %gt3A_727 : i32 to vector<64x1xi32>
    %gt3A_729 = arith.cmpi sgt, %get3A_1, %gt3A_728 : vector<64x1xi32>
    %get3A_730 = arith.constant 52 : index
    %get3A_731 = arith.constant 0 : index
    %get3A_732 = arith.constant 0 : index
    %get3A_733 = vector.load %arg1[%get3A_730, %get3A_731, %get3A_732] : memref<64x64x256xf32, #tpu.memory_space<vmem>>, vector<1x64x256xf32>
    %get3A_734 = vector.shape_cast %get3A_733 : vector<1x64x256xf32> to vector<64x256xf32>
    %jit3A_735 = arith.constant 0xFF800000 : f32
    %broadcast_in_dim3A_736 = vector.shape_cast %gt3A_729 : vector<64x1xi1> to vector<64x1xi1>
    %broadcast_in_dim3A_737 = vector.broadcast %broadcast_in_dim3A_736 : vector<64x1xi1> to vector<64x256xi1>
    %broadcast_in_dim3A_738 = vector.broadcast %jit3A_735 : f32 to vector<64x256xf32>
    %select_n3A_739 = arith.select %broadcast_in_dim3A_737, %get3A_734, %broadcast_in_dim3A_738 : vector<64x256xi1>, vector<64x256xf32>
    %max3A_740 = arith.maximumf %max3A_726, %select_n3A_739 : vector<64x256xf32>
    %gt3A_741 = arith.constant 53 : i32
    %gt3A_742 = vector.broadcast %gt3A_741 : i32 to vector<64x1xi32>
    %gt3A_743 = arith.cmpi sgt, %get3A_1, %gt3A_742 : vector<64x1xi32>
    %get3A_744 = arith.constant 53 : index
    %get3A_745 = arith.constant 0 : index
    %get3A_746 = arith.constant 0 : index
    %get3A_747 = vector.load %arg1[%get3A_744, %get3A_745, %get3A_746] : memref<64x64x256xf32, #tpu.memory_space<vmem>>, vector<1x64x256xf32>
    %get3A_748 = vector.shape_cast %get3A_747 : vector<1x64x256xf32> to vector<64x256xf32>
    %jit3A_749 = arith.constant 0xFF800000 : f32
    %broadcast_in_dim3A_750 = vector.shape_cast %gt3A_743 : vector<64x1xi1> to vector<64x1xi1>
    %broadcast_in_dim3A_751 = vector.broadcast %broadcast_in_dim3A_750 : vector<64x1xi1> to vector<64x256xi1>
    %broadcast_in_dim3A_752 = vector.broadcast %jit3A_749 : f32 to vector<64x256xf32>
    %select_n3A_753 = arith.select %broadcast_in_dim3A_751, %get3A_748, %broadcast_in_dim3A_752 : vector<64x256xi1>, vector<64x256xf32>
    %max3A_754 = arith.maximumf %max3A_740, %select_n3A_753 : vector<64x256xf32>
    %gt3A_755 = arith.constant 54 : i32
    %gt3A_756 = vector.broadcast %gt3A_755 : i32 to vector<64x1xi32>
    %gt3A_757 = arith.cmpi sgt, %get3A_1, %gt3A_756 : vector<64x1xi32>
    %get3A_758 = arith.constant 54 : index
    %get3A_759 = arith.constant 0 : index
    %get3A_760 = arith.constant 0 : index
    %get3A_761 = vector.load %arg1[%get3A_758, %get3A_759, %get3A_760] : memref<64x64x256xf32, #tpu.memory_space<vmem>>, vector<1x64x256xf32>
    %get3A_762 = vector.shape_cast %get3A_761 : vector<1x64x256xf32> to vector<64x256xf32>
    %jit3A_763 = arith.constant 0xFF800000 : f32
    %broadcast_in_dim3A_764 = vector.shape_cast %gt3A_757 : vector<64x1xi1> to vector<64x1xi1>
    %broadcast_in_dim3A_765 = vector.broadcast %broadcast_in_dim3A_764 : vector<64x1xi1> to vector<64x256xi1>
    %broadcast_in_dim3A_766 = vector.broadcast %jit3A_763 : f32 to vector<64x256xf32>
    %select_n3A_767 = arith.select %broadcast_in_dim3A_765, %get3A_762, %broadcast_in_dim3A_766 : vector<64x256xi1>, vector<64x256xf32>
    %max3A_768 = arith.maximumf %max3A_754, %select_n3A_767 : vector<64x256xf32>
    %gt3A_769 = arith.constant 55 : i32
    %gt3A_770 = vector.broadcast %gt3A_769 : i32 to vector<64x1xi32>
    %gt3A_771 = arith.cmpi sgt, %get3A_1, %gt3A_770 : vector<64x1xi32>
    %get3A_772 = arith.constant 55 : index
    %get3A_773 = arith.constant 0 : index
    %get3A_774 = arith.constant 0 : index
    %get3A_775 = vector.load %arg1[%get3A_772, %get3A_773, %get3A_774] : memref<64x64x256xf32, #tpu.memory_space<vmem>>, vector<1x64x256xf32>
    %get3A_776 = vector.shape_cast %get3A_775 : vector<1x64x256xf32> to vector<64x256xf32>
    %jit3A_777 = arith.constant 0xFF800000 : f32
    %broadcast_in_dim3A_778 = vector.shape_cast %gt3A_771 : vector<64x1xi1> to vector<64x1xi1>
    %broadcast_in_dim3A_779 = vector.broadcast %broadcast_in_dim3A_778 : vector<64x1xi1> to vector<64x256xi1>
    %broadcast_in_dim3A_780 = vector.broadcast %jit3A_777 : f32 to vector<64x256xf32>
    %select_n3A_781 = arith.select %broadcast_in_dim3A_779, %get3A_776, %broadcast_in_dim3A_780 : vector<64x256xi1>, vector<64x256xf32>
    %max3A_782 = arith.maximumf %max3A_768, %select_n3A_781 : vector<64x256xf32>
    %gt3A_783 = arith.constant 56 : i32
    %gt3A_784 = vector.broadcast %gt3A_783 : i32 to vector<64x1xi32>
    %gt3A_785 = arith.cmpi sgt, %get3A_1, %gt3A_784 : vector<64x1xi32>
    %get3A_786 = arith.constant 56 : index
    %get3A_787 = arith.constant 0 : index
    %get3A_788 = arith.constant 0 : index
    %get3A_789 = vector.load %arg1[%get3A_786, %get3A_787, %get3A_788] : memref<64x64x256xf32, #tpu.memory_space<vmem>>, vector<1x64x256xf32>
    %get3A_790 = vector.shape_cast %get3A_789 : vector<1x64x256xf32> to vector<64x256xf32>
    %jit3A_791 = arith.constant 0xFF800000 : f32
    %broadcast_in_dim3A_792 = vector.shape_cast %gt3A_785 : vector<64x1xi1> to vector<64x1xi1>
    %broadcast_in_dim3A_793 = vector.broadcast %broadcast_in_dim3A_792 : vector<64x1xi1> to vector<64x256xi1>
    %broadcast_in_dim3A_794 = vector.broadcast %jit3A_791 : f32 to vector<64x256xf32>
    %select_n3A_795 = arith.select %broadcast_in_dim3A_793, %get3A_790, %broadcast_in_dim3A_794 : vector<64x256xi1>, vector<64x256xf32>
    %max3A_796 = arith.maximumf %max3A_782, %select_n3A_795 : vector<64x256xf32>
    %gt3A_797 = arith.constant 57 : i32
    %gt3A_798 = vector.broadcast %gt3A_797 : i32 to vector<64x1xi32>
    %gt3A_799 = arith.cmpi sgt, %get3A_1, %gt3A_798 : vector<64x1xi32>
    %get3A_800 = arith.constant 57 : index
    %get3A_801 = arith.constant 0 : index
    %get3A_802 = arith.constant 0 : index
    %get3A_803 = vector.load %arg1[%get3A_800, %get3A_801, %get3A_802] : memref<64x64x256xf32, #tpu.memory_space<vmem>>, vector<1x64x256xf32>
    %get3A_804 = vector.shape_cast %get3A_803 : vector<1x64x256xf32> to vector<64x256xf32>
    %jit3A_805 = arith.constant 0xFF800000 : f32
    %broadcast_in_dim3A_806 = vector.shape_cast %gt3A_799 : vector<64x1xi1> to vector<64x1xi1>
    %broadcast_in_dim3A_807 = vector.broadcast %broadcast_in_dim3A_806 : vector<64x1xi1> to vector<64x256xi1>
    %broadcast_in_dim3A_808 = vector.broadcast %jit3A_805 : f32 to vector<64x256xf32>
    %select_n3A_809 = arith.select %broadcast_in_dim3A_807, %get3A_804, %broadcast_in_dim3A_808 : vector<64x256xi1>, vector<64x256xf32>
    %max3A_810 = arith.maximumf %max3A_796, %select_n3A_809 : vector<64x256xf32>
    %gt3A_811 = arith.constant 58 : i32
    %gt3A_812 = vector.broadcast %gt3A_811 : i32 to vector<64x1xi32>
    %gt3A_813 = arith.cmpi sgt, %get3A_1, %gt3A_812 : vector<64x1xi32>
    %get3A_814 = arith.constant 58 : index
    %get3A_815 = arith.constant 0 : index
    %get3A_816 = arith.constant 0 : index
    %get3A_817 = vector.load %arg1[%get3A_814, %get3A_815, %get3A_816] : memref<64x64x256xf32, #tpu.memory_space<vmem>>, vector<1x64x256xf32>
    %get3A_818 = vector.shape_cast %get3A_817 : vector<1x64x256xf32> to vector<64x256xf32>
    %jit3A_819 = arith.constant 0xFF800000 : f32
    %broadcast_in_dim3A_820 = vector.shape_cast %gt3A_813 : vector<64x1xi1> to vector<64x1xi1>
    %broadcast_in_dim3A_821 = vector.broadcast %broadcast_in_dim3A_820 : vector<64x1xi1> to vector<64x256xi1>
    %broadcast_in_dim3A_822 = vector.broadcast %jit3A_819 : f32 to vector<64x256xf32>
    %select_n3A_823 = arith.select %broadcast_in_dim3A_821, %get3A_818, %broadcast_in_dim3A_822 : vector<64x256xi1>, vector<64x256xf32>
    %max3A_824 = arith.maximumf %max3A_810, %select_n3A_823 : vector<64x256xf32>
    %gt3A_825 = arith.constant 59 : i32
    %gt3A_826 = vector.broadcast %gt3A_825 : i32 to vector<64x1xi32>
    %gt3A_827 = arith.cmpi sgt, %get3A_1, %gt3A_826 : vector<64x1xi32>
    %get3A_828 = arith.constant 59 : index
    %get3A_829 = arith.constant 0 : index
    %get3A_830 = arith.constant 0 : index
    %get3A_831 = vector.load %arg1[%get3A_828, %get3A_829, %get3A_830] : memref<64x64x256xf32, #tpu.memory_space<vmem>>, vector<1x64x256xf32>
    %get3A_832 = vector.shape_cast %get3A_831 : vector<1x64x256xf32> to vector<64x256xf32>
    %jit3A_833 = arith.constant 0xFF800000 : f32
    %broadcast_in_dim3A_834 = vector.shape_cast %gt3A_827 : vector<64x1xi1> to vector<64x1xi1>
    %broadcast_in_dim3A_835 = vector.broadcast %broadcast_in_dim3A_834 : vector<64x1xi1> to vector<64x256xi1>
    %broadcast_in_dim3A_836 = vector.broadcast %jit3A_833 : f32 to vector<64x256xf32>
    %select_n3A_837 = arith.select %broadcast_in_dim3A_835, %get3A_832, %broadcast_in_dim3A_836 : vector<64x256xi1>, vector<64x256xf32>
    %max3A_838 = arith.maximumf %max3A_824, %select_n3A_837 : vector<64x256xf32>
    %gt3A_839 = arith.constant 60 : i32
    %gt3A_840 = vector.broadcast %gt3A_839 : i32 to vector<64x1xi32>
    %gt3A_841 = arith.cmpi sgt, %get3A_1, %gt3A_840 : vector<64x1xi32>
    %get3A_842 = arith.constant 60 : index
    %get3A_843 = arith.constant 0 : index
    %get3A_844 = arith.constant 0 : index
    %get3A_845 = vector.load %arg1[%get3A_842, %get3A_843, %get3A_844] : memref<64x64x256xf32, #tpu.memory_space<vmem>>, vector<1x64x256xf32>
    %get3A_846 = vector.shape_cast %get3A_845 : vector<1x64x256xf32> to vector<64x256xf32>
    %jit3A_847 = arith.constant 0xFF800000 : f32
    %broadcast_in_dim3A_848 = vector.shape_cast %gt3A_841 : vector<64x1xi1> to vector<64x1xi1>
    %broadcast_in_dim3A_849 = vector.broadcast %broadcast_in_dim3A_848 : vector<64x1xi1> to vector<64x256xi1>
    %broadcast_in_dim3A_850 = vector.broadcast %jit3A_847 : f32 to vector<64x256xf32>
    %select_n3A_851 = arith.select %broadcast_in_dim3A_849, %get3A_846, %broadcast_in_dim3A_850 : vector<64x256xi1>, vector<64x256xf32>
    %max3A_852 = arith.maximumf %max3A_838, %select_n3A_851 : vector<64x256xf32>
    %gt3A_853 = arith.constant 61 : i32
    %gt3A_854 = vector.broadcast %gt3A_853 : i32 to vector<64x1xi32>
    %gt3A_855 = arith.cmpi sgt, %get3A_1, %gt3A_854 : vector<64x1xi32>
    %get3A_856 = arith.constant 61 : index
    %get3A_857 = arith.constant 0 : index
    %get3A_858 = arith.constant 0 : index
    %get3A_859 = vector.load %arg1[%get3A_856, %get3A_857, %get3A_858] : memref<64x64x256xf32, #tpu.memory_space<vmem>>, vector<1x64x256xf32>
    %get3A_860 = vector.shape_cast %get3A_859 : vector<1x64x256xf32> to vector<64x256xf32>
    %jit3A_861 = arith.constant 0xFF800000 : f32
    %broadcast_in_dim3A_862 = vector.shape_cast %gt3A_855 : vector<64x1xi1> to vector<64x1xi1>
    %broadcast_in_dim3A_863 = vector.broadcast %broadcast_in_dim3A_862 : vector<64x1xi1> to vector<64x256xi1>
    %broadcast_in_dim3A_864 = vector.broadcast %jit3A_861 : f32 to vector<64x256xf32>
    %select_n3A_865 = arith.select %broadcast_in_dim3A_863, %get3A_860, %broadcast_in_dim3A_864 : vector<64x256xi1>, vector<64x256xf32>
    %max3A_866 = arith.maximumf %max3A_852, %select_n3A_865 : vector<64x256xf32>
    %gt3A_867 = arith.constant 62 : i32
    %gt3A_868 = vector.broadcast %gt3A_867 : i32 to vector<64x1xi32>
    %gt3A_869 = arith.cmpi sgt, %get3A_1, %gt3A_868 : vector<64x1xi32>
    %get3A_870 = arith.constant 62 : index
    %get3A_871 = arith.constant 0 : index
    %get3A_872 = arith.constant 0 : index
    %get3A_873 = vector.load %arg1[%get3A_870, %get3A_871, %get3A_872] : memref<64x64x256xf32, #tpu.memory_space<vmem>>, vector<1x64x256xf32>
    %get3A_874 = vector.shape_cast %get3A_873 : vector<1x64x256xf32> to vector<64x256xf32>
    %jit3A_875 = arith.constant 0xFF800000 : f32
    %broadcast_in_dim3A_876 = vector.shape_cast %gt3A_869 : vector<64x1xi1> to vector<64x1xi1>
    %broadcast_in_dim3A_877 = vector.broadcast %broadcast_in_dim3A_876 : vector<64x1xi1> to vector<64x256xi1>
    %broadcast_in_dim3A_878 = vector.broadcast %jit3A_875 : f32 to vector<64x256xf32>
    %select_n3A_879 = arith.select %broadcast_in_dim3A_877, %get3A_874, %broadcast_in_dim3A_878 : vector<64x256xi1>, vector<64x256xf32>
    %max3A_880 = arith.maximumf %max3A_866, %select_n3A_879 : vector<64x256xf32>
    %gt3A_881 = arith.constant 63 : i32
    %gt3A_882 = vector.broadcast %gt3A_881 : i32 to vector<64x1xi32>
    %gt3A_883 = arith.cmpi sgt, %get3A_1, %gt3A_882 : vector<64x1xi32>
    %get3A_884 = arith.constant 63 : index
    %get3A_885 = arith.constant 0 : index
    %get3A_886 = arith.constant 0 : index
    %get3A_887 = vector.load %arg1[%get3A_884, %get3A_885, %get3A_886] : memref<64x64x256xf32, #tpu.memory_space<vmem>>, vector<1x64x256xf32>
    %get3A_888 = vector.shape_cast %get3A_887 : vector<1x64x256xf32> to vector<64x256xf32>
    %jit3A_889 = arith.constant 0xFF800000 : f32
    %broadcast_in_dim3A_890 = vector.shape_cast %gt3A_883 : vector<64x1xi1> to vector<64x1xi1>
    %broadcast_in_dim3A_891 = vector.broadcast %broadcast_in_dim3A_890 : vector<64x1xi1> to vector<64x256xi1>
    %broadcast_in_dim3A_892 = vector.broadcast %jit3A_889 : f32 to vector<64x256xf32>
    %select_n3A_893 = arith.select %broadcast_in_dim3A_891, %get3A_888, %broadcast_in_dim3A_892 : vector<64x256xi1>, vector<64x256xf32>
    %max3A_894 = arith.maximumf %max3A_880, %select_n3A_893 : vector<64x256xf32>
    %gt3A_895 = arith.constant 0xFF800000 : f32
    %gt3A_896 = vector.broadcast %gt3A_895 : f32 to vector<64x256xf32>
    %gt3A_897 = arith.cmpf ogt, %max3A_894, %gt3A_896 : vector<64x256xf32>
    %jit3A_898 = arith.constant 0.000000e+00 : f32
    %broadcast_in_dim3A_899 = vector.broadcast %jit3A_898 : f32 to vector<64x256xf32>
    %select_n3A_900 = arith.select %gt3A_897, %max3A_894, %broadcast_in_dim3A_899 : vector<64x256xi1>, vector<64x256xf32>
    %swap3A = arith.constant 0 : index
    %swap3A_901 = arith.constant 0 : index
    %swap3A_902 = vector.load %arg3[%swap3A, %swap3A_901] : memref<64x256xf32, #tpu.memory_space<vmem>>, vector<64x256xf32>
    tpu.vector_store %arg3[%swap3A, %swap3A_901], %select_n3A_900 {strides = array<i32>} : memref<64x256xf32, #tpu.memory_space<vmem>>, vector<64x256xf32>,
    return
  }
  func.func @transform_0(%arg0: i32) -> (i32, i32, i32) {
    %c0_i32 = arith.constant 0 : i32
    %c0_i32_0 = arith.constant 0 : i32
    %c0_i32_1 = arith.constant 0 : i32
    return %c0_i32, %arg0, %c0_i32_0 : i32, i32, i32
  }
  func.func @transform_1(%arg0: i32) -> (i32, i32) {
    %c0_i32 = arith.constant 0 : i32
    %c0_i32_0 = arith.constant 0 : i32
    return %arg0, %c0_i32 : i32, i32
  }
  func.func @transform_2(%arg0: i32) -> (i32, i32) {
    %c0_i32 = arith.constant 0 : i32
    %c0_i32_0 = arith.constant 0 : i32
    return %arg0, %c0_i32 : i32, i32
  }
}

module attributes {stable_mosaic.version = 14 : i64} {
  func.func @_final_body(%arg0: memref<1280x256xf32, #tpu.memory_space<vmem>>, %arg1: memref<1280x16xf32, #tpu.memory_space<vmem>>, %arg2: memref<1280x1xi32, #tpu.memory_space<vmem>>, %arg3: memref<262x256xf32, #tpu.memory_space<vmem>>, %arg4: memref<256xf32, #tpu.memory_space<vmem>>, %arg5: memref<256xf32, #tpu.memory_space<vmem>>, %arg6: memref<256xf32, #tpu.memory_space<vmem>>, %arg7: memref<256x512xf32, #tpu.memory_space<vmem>>, %arg8: memref<512xf32, #tpu.memory_space<vmem>>, %arg9: memref<512xf32, #tpu.memory_space<vmem>>, %arg10: memref<512xf32, #tpu.memory_space<vmem>>, %arg11: memref<512x1024xf32, #tpu.memory_space<vmem>>, %arg12: memref<1024xf32, #tpu.memory_space<vmem>>, %arg13: memref<1024x512xf32, #tpu.memory_space<vmem>>, %arg14: memref<512xf32, #tpu.memory_space<vmem>>, %arg15: memref<512x512xf32, #tpu.memory_space<vmem>>, %arg16: memref<512xf32, #tpu.memory_space<vmem>>, %arg17: memref<8x512xf32, #tpu.memory_space<vmem>>) attributes {dimension_semantics = [], scalar_prefetch = 0 : i64, scratch_operands = 0 : i64, tpu.core_type = #tpu.core_type<tc>} {
    %get3A = arith.constant 0 : index
    %get3A_0 = arith.constant 0 : index
    %get3A_1 = vector.load %arg0[%get3A, %get3A_0] : memref<1280x256xf32, #tpu.memory_space<vmem>>, vector<1280x256xf32>
    %get3A_2 = arith.constant 0 : index
    %get3A_3 = arith.constant 0 : index
    %get3A_4 = vector.load %arg1[%get3A_2, %get3A_3] : memref<1280x16xf32, #tpu.memory_space<vmem>>, vector<1280x16xf32>
    %slice3A = vector.extract_strided_slice %get3A_4 {offsets = [0, 0], sizes = [1280, 6], strides = [1, 1]} : vector<1280x16xf32> to vector<1280x6xf32>
    %get3A_5 = arith.constant 0 : index
    %get3A_6 = arith.constant 0 : index
    %get3A_7 = vector.load %arg3[%get3A_5, %get3A_6] : memref<262x256xf32, #tpu.memory_space<vmem>>, vector<262x256xf32>
    %slice3A_8 = vector.extract_strided_slice %get3A_7 {offsets = [0, 0], sizes = [256, 256], strides = [1, 1]} : vector<262x256xf32> to vector<256x256xf32>
    %dot_general3A = arith.constant dense<0.000000e+00> : vector<1280x256xf32>
    %dot_general3A_9 = tpu.matmul %get3A_1, %slice3A_8, %dot_general3A {dimension_numbers = #tpu.dot_dimension_numbers<[1], [0], [0], [1], [0, 0, 1, 1], [], []>, precision = #tpu.contract_precision<fp32>, transpose_lhs_hint = false} : vector<1280x256xf32>, vector<256x256xf32>, vector<1280x256xf32> -> vector<1280x256xf32>
    %slice3A_10 = vector.extract_strided_slice %get3A_7 {offsets = [256, 0], sizes = [6, 256], strides = [1, 1]} : vector<262x256xf32> to vector<6x256xf32>
    %dot_general3A_11 = arith.constant dense<0.000000e+00> : vector<1280x256xf32>
    %dot_general3A_12 = tpu.matmul %slice3A, %slice3A_10, %dot_general3A_11 {dimension_numbers = #tpu.dot_dimension_numbers<[1], [0], [0], [1], [0, 0, 1, 1], [], []>, precision = #tpu.contract_precision<fp32>, transpose_lhs_hint = false} : vector<1280x6xf32>, vector<6x256xf32>, vector<1280x256xf32> -> vector<1280x256xf32>
    %add3A = arith.addf %dot_general3A_9, %dot_general3A_12 : vector<1280x256xf32>
    %get3A_13 = arith.constant 0 : index
    %get3A_14 = vector.load %arg4[%get3A_13] : memref<256xf32, #tpu.memory_space<vmem>>, vector<256xf32>
    %broadcast_in_dim3A = vector.shape_cast %get3A_14 : vector<256xf32> to vector<1x256xf32>
    %add3A_15 = vector.broadcast %broadcast_in_dim3A : vector<1x256xf32> to vector<1280x256xf32>
    %add3A_16 = arith.addf %add3A, %add3A_15 : vector<1280x256xf32>
    %get3A_17 = arith.constant 0 : index
    %get3A_18 = vector.load %arg5[%get3A_17] : memref<256xf32, #tpu.memory_space<vmem>>, vector<256xf32>
    %get3A_19 = arith.constant 0 : index
    %get3A_20 = vector.load %arg6[%get3A_19] : memref<256xf32, #tpu.memory_space<vmem>>, vector<256xf32>
    %broadcast_in_dim3A_21 = vector.shape_cast %get3A_18 : vector<256xf32> to vector<1x256xf32>
    %mul3A = vector.broadcast %broadcast_in_dim3A_21 : vector<1x256xf32> to vector<1280x256xf32>
    %mul3A_22 = arith.mulf %mul3A, %add3A_16 : vector<1280x256xf32>
    %sqrt3A = arith.constant 1.000010e+00 : f32
    %sqrt3A_23 = math.sqrt %sqrt3A : f32
    %div3A = vector.broadcast %sqrt3A_23 : f32 to vector<1280x256xf32>
    %div3A_24 = arith.divf %mul3A_22, %div3A : vector<1280x256xf32>
    %broadcast_in_dim3A_25 = vector.shape_cast %get3A_20 : vector<256xf32> to vector<1x256xf32>
    %add3A_26 = vector.broadcast %broadcast_in_dim3A_25 : vector<1x256xf32> to vector<1280x256xf32>
    %add3A_27 = arith.addf %div3A_24, %add3A_26 : vector<1280x256xf32>
    %max3A = arith.constant 0.000000e+00 : f32
    %max3A_28 = vector.broadcast %max3A : f32 to vector<1280x256xf32>
    %max3A_29 = arith.maximumf %add3A_27, %max3A_28 : vector<1280x256xf32>
    %get3A_30 = arith.constant 0 : index
    %get3A_31 = arith.constant 0 : index
    %get3A_32 = vector.load %arg7[%get3A_30, %get3A_31] : memref<256x512xf32, #tpu.memory_space<vmem>>, vector<256x512xf32>
    %dot_general3A_33 = arith.constant dense<0.000000e+00> : vector<1280x512xf32>
    %dot_general3A_34 = tpu.matmul %max3A_29, %get3A_32, %dot_general3A_33 {dimension_numbers = #tpu.dot_dimension_numbers<[1], [0], [0], [1], [0, 0, 1, 1], [], []>, precision = #tpu.contract_precision<fp32>, transpose_lhs_hint = false} : vector<1280x256xf32>, vector<256x512xf32>, vector<1280x512xf32> -> vector<1280x512xf32>
    %get3A_35 = arith.constant 0 : index
    %get3A_36 = vector.load %arg8[%get3A_35] : memref<512xf32, #tpu.memory_space<vmem>>, vector<512xf32>
    %broadcast_in_dim3A_37 = vector.shape_cast %get3A_36 : vector<512xf32> to vector<1x512xf32>
    %add3A_38 = vector.broadcast %broadcast_in_dim3A_37 : vector<1x512xf32> to vector<1280x512xf32>
    %add3A_39 = arith.addf %dot_general3A_34, %add3A_38 : vector<1280x512xf32>
    %get3A_40 = arith.constant 0 : index
    %get3A_41 = vector.load %arg9[%get3A_40] : memref<512xf32, #tpu.memory_space<vmem>>, vector<512xf32>
    %get3A_42 = arith.constant 0 : index
    %get3A_43 = vector.load %arg10[%get3A_42] : memref<512xf32, #tpu.memory_space<vmem>>, vector<512xf32>
    %broadcast_in_dim3A_44 = vector.shape_cast %get3A_41 : vector<512xf32> to vector<1x512xf32>
    %mul3A_45 = vector.broadcast %broadcast_in_dim3A_44 : vector<1x512xf32> to vector<1280x512xf32>
    %mul3A_46 = arith.mulf %mul3A_45, %add3A_39 : vector<1280x512xf32>
    %sqrt3A_47 = arith.constant 1.000010e+00 : f32
    %sqrt3A_48 = math.sqrt %sqrt3A_47 : f32
    %div3A_49 = vector.broadcast %sqrt3A_48 : f32 to vector<1280x512xf32>
    %div3A_50 = arith.divf %mul3A_46, %div3A_49 : vector<1280x512xf32>
    %broadcast_in_dim3A_51 = vector.shape_cast %get3A_43 : vector<512xf32> to vector<1x512xf32>
    %add3A_52 = vector.broadcast %broadcast_in_dim3A_51 : vector<1x512xf32> to vector<1280x512xf32>
    %add3A_53 = arith.addf %div3A_50, %add3A_52 : vector<1280x512xf32>
    %max3A_54 = arith.constant 0.000000e+00 : f32
    %max3A_55 = vector.broadcast %max3A_54 : f32 to vector<1280x512xf32>
    %max3A_56 = arith.maximumf %add3A_53, %max3A_55 : vector<1280x512xf32>
    %get3A_57 = arith.constant 0 : index
    %get3A_58 = arith.constant 0 : index
    %get3A_59 = vector.load %arg11[%get3A_57, %get3A_58] : memref<512x1024xf32, #tpu.memory_space<vmem>>, vector<512x1024xf32>
    %dot_general3A_60 = arith.constant dense<0.000000e+00> : vector<1280x1024xf32>
    %dot_general3A_61 = tpu.matmul %max3A_56, %get3A_59, %dot_general3A_60 {dimension_numbers = #tpu.dot_dimension_numbers<[1], [0], [0], [1], [0, 0, 1, 1], [], []>, precision = #tpu.contract_precision<fp32>, transpose_lhs_hint = false} : vector<1280x512xf32>, vector<512x1024xf32>, vector<1280x1024xf32> -> vector<1280x1024xf32>
    %get3A_62 = arith.constant 0 : index
    %get3A_63 = vector.load %arg12[%get3A_62] : memref<1024xf32, #tpu.memory_space<vmem>>, vector<1024xf32>
    %broadcast_in_dim3A_64 = vector.shape_cast %get3A_63 : vector<1024xf32> to vector<1x1024xf32>
    %add3A_65 = vector.broadcast %broadcast_in_dim3A_64 : vector<1x1024xf32> to vector<1280x1024xf32>
    %add3A_66 = arith.addf %dot_general3A_61, %add3A_65 : vector<1280x1024xf32>
    %get3A_67 = arith.constant 0 : index
    %get3A_68 = arith.constant 0 : index
    %get3A_69 = vector.load %arg2[%get3A_67, %get3A_68] : memref<1280x1xi32, #tpu.memory_space<vmem>>, vector<1280x1xi32>
    %eq3A = arith.constant 0 : i32
    %eq3A_70 = vector.broadcast %eq3A : i32 to vector<1280x1xi32>
    %eq3A_71 = arith.cmpi eq, %get3A_69, %eq3A_70 : vector<1280x1xi32>
    %jit3A = arith.constant 0xFF800000 : f32
    %broadcast_in_dim3A_72 = vector.shape_cast %eq3A_71 : vector<1280x1xi1> to vector<1280x1xi1>
    %broadcast_in_dim3A_73 = vector.broadcast %broadcast_in_dim3A_72 : vector<1280x1xi1> to vector<1280x1024xi1>
    %broadcast_in_dim3A_74 = vector.broadcast %jit3A : f32 to vector<1280x1024xf32>
    %select_n3A = arith.select %broadcast_in_dim3A_73, %add3A_66, %broadcast_in_dim3A_74 : vector<1280x1024xi1>, vector<1280x1024xf32>
    %reduce_max3A = arith.constant dense<0xFF800000> : vector<1024xf32>
    %reduce_max3A_75 = vector.multi_reduction <maximumf>, %select_n3A, %reduce_max3A [0] : vector<1280x1024xf32> to vector<1024xf32>
    %broadcast_in_dim3A_76 = vector.shape_cast %reduce_max3A_75 : vector<1024xf32> to vector<1x1024xf32>
    %eq3A_77 = arith.constant 1 : i32
    %eq3A_78 = vector.broadcast %eq3A_77 : i32 to vector<1280x1xi32>
    %eq3A_79 = arith.cmpi eq, %get3A_69, %eq3A_78 : vector<1280x1xi32>
    %jit3A_80 = arith.constant 0xFF800000 : f32
    %broadcast_in_dim3A_81 = vector.shape_cast %eq3A_79 : vector<1280x1xi1> to vector<1280x1xi1>
    %broadcast_in_dim3A_82 = vector.broadcast %broadcast_in_dim3A_81 : vector<1280x1xi1> to vector<1280x1024xi1>
    %broadcast_in_dim3A_83 = vector.broadcast %jit3A_80 : f32 to vector<1280x1024xf32>
    %select_n3A_84 = arith.select %broadcast_in_dim3A_82, %add3A_66, %broadcast_in_dim3A_83 : vector<1280x1024xi1>, vector<1280x1024xf32>
    %reduce_max3A_85 = arith.constant dense<0xFF800000> : vector<1024xf32>
    %reduce_max3A_86 = vector.multi_reduction <maximumf>, %select_n3A_84, %reduce_max3A_85 [0] : vector<1280x1024xf32> to vector<1024xf32>
    %broadcast_in_dim3A_87 = vector.shape_cast %reduce_max3A_86 : vector<1024xf32> to vector<1x1024xf32>
    %eq3A_88 = arith.constant 2 : i32
    %eq3A_89 = vector.broadcast %eq3A_88 : i32 to vector<1280x1xi32>
    %eq3A_90 = arith.cmpi eq, %get3A_69, %eq3A_89 : vector<1280x1xi32>
    %jit3A_91 = arith.constant 0xFF800000 : f32
    %broadcast_in_dim3A_92 = vector.shape_cast %eq3A_90 : vector<1280x1xi1> to vector<1280x1xi1>
    %broadcast_in_dim3A_93 = vector.broadcast %broadcast_in_dim3A_92 : vector<1280x1xi1> to vector<1280x1024xi1>
    %broadcast_in_dim3A_94 = vector.broadcast %jit3A_91 : f32 to vector<1280x1024xf32>
    %select_n3A_95 = arith.select %broadcast_in_dim3A_93, %add3A_66, %broadcast_in_dim3A_94 : vector<1280x1024xi1>, vector<1280x1024xf32>
    %reduce_max3A_96 = arith.constant dense<0xFF800000> : vector<1024xf32>
    %reduce_max3A_97 = vector.multi_reduction <maximumf>, %select_n3A_95, %reduce_max3A_96 [0] : vector<1280x1024xf32> to vector<1024xf32>
    %broadcast_in_dim3A_98 = vector.shape_cast %reduce_max3A_97 : vector<1024xf32> to vector<1x1024xf32>
    %eq3A_99 = arith.constant 3 : i32
    %eq3A_100 = vector.broadcast %eq3A_99 : i32 to vector<1280x1xi32>
    %eq3A_101 = arith.cmpi eq, %get3A_69, %eq3A_100 : vector<1280x1xi32>
    %jit3A_102 = arith.constant 0xFF800000 : f32
    %broadcast_in_dim3A_103 = vector.shape_cast %eq3A_101 : vector<1280x1xi1> to vector<1280x1xi1>
    %broadcast_in_dim3A_104 = vector.broadcast %broadcast_in_dim3A_103 : vector<1280x1xi1> to vector<1280x1024xi1>
    %broadcast_in_dim3A_105 = vector.broadcast %jit3A_102 : f32 to vector<1280x1024xf32>
    %select_n3A_106 = arith.select %broadcast_in_dim3A_104, %add3A_66, %broadcast_in_dim3A_105 : vector<1280x1024xi1>, vector<1280x1024xf32>
    %reduce_max3A_107 = arith.constant dense<0xFF800000> : vector<1024xf32>
    %reduce_max3A_108 = vector.multi_reduction <maximumf>, %select_n3A_106, %reduce_max3A_107 [0] : vector<1280x1024xf32> to vector<1024xf32>
    %broadcast_in_dim3A_109 = vector.shape_cast %reduce_max3A_108 : vector<1024xf32> to vector<1x1024xf32>
    %eq3A_110 = arith.constant 4 : i32
    %eq3A_111 = vector.broadcast %eq3A_110 : i32 to vector<1280x1xi32>
    %eq3A_112 = arith.cmpi eq, %get3A_69, %eq3A_111 : vector<1280x1xi32>
    %jit3A_113 = arith.constant 0xFF800000 : f32
    %broadcast_in_dim3A_114 = vector.shape_cast %eq3A_112 : vector<1280x1xi1> to vector<1280x1xi1>
    %broadcast_in_dim3A_115 = vector.broadcast %broadcast_in_dim3A_114 : vector<1280x1xi1> to vector<1280x1024xi1>
    %broadcast_in_dim3A_116 = vector.broadcast %jit3A_113 : f32 to vector<1280x1024xf32>
    %select_n3A_117 = arith.select %broadcast_in_dim3A_115, %add3A_66, %broadcast_in_dim3A_116 : vector<1280x1024xi1>, vector<1280x1024xf32>
    %reduce_max3A_118 = arith.constant dense<0xFF800000> : vector<1024xf32>
    %reduce_max3A_119 = vector.multi_reduction <maximumf>, %select_n3A_117, %reduce_max3A_118 [0] : vector<1280x1024xf32> to vector<1024xf32>
    %broadcast_in_dim3A_120 = vector.shape_cast %reduce_max3A_119 : vector<1024xf32> to vector<1x1024xf32>
    %eq3A_121 = arith.constant 5 : i32
    %eq3A_122 = vector.broadcast %eq3A_121 : i32 to vector<1280x1xi32>
    %eq3A_123 = arith.cmpi eq, %get3A_69, %eq3A_122 : vector<1280x1xi32>
    %jit3A_124 = arith.constant 0xFF800000 : f32
    %broadcast_in_dim3A_125 = vector.shape_cast %eq3A_123 : vector<1280x1xi1> to vector<1280x1xi1>
    %broadcast_in_dim3A_126 = vector.broadcast %broadcast_in_dim3A_125 : vector<1280x1xi1> to vector<1280x1024xi1>
    %broadcast_in_dim3A_127 = vector.broadcast %jit3A_124 : f32 to vector<1280x1024xf32>
    %select_n3A_128 = arith.select %broadcast_in_dim3A_126, %add3A_66, %broadcast_in_dim3A_127 : vector<1280x1024xi1>, vector<1280x1024xf32>
    %reduce_max3A_129 = arith.constant dense<0xFF800000> : vector<1024xf32>
    %reduce_max3A_130 = vector.multi_reduction <maximumf>, %select_n3A_128, %reduce_max3A_129 [0] : vector<1280x1024xf32> to vector<1024xf32>
    %broadcast_in_dim3A_131 = vector.shape_cast %reduce_max3A_130 : vector<1024xf32> to vector<1x1024xf32>
    %eq3A_132 = arith.constant 6 : i32
    %eq3A_133 = vector.broadcast %eq3A_132 : i32 to vector<1280x1xi32>
    %eq3A_134 = arith.cmpi eq, %get3A_69, %eq3A_133 : vector<1280x1xi32>
    %jit3A_135 = arith.constant 0xFF800000 : f32
    %broadcast_in_dim3A_136 = vector.shape_cast %eq3A_134 : vector<1280x1xi1> to vector<1280x1xi1>
    %broadcast_in_dim3A_137 = vector.broadcast %broadcast_in_dim3A_136 : vector<1280x1xi1> to vector<1280x1024xi1>
    %broadcast_in_dim3A_138 = vector.broadcast %jit3A_135 : f32 to vector<1280x1024xf32>
    %select_n3A_139 = arith.select %broadcast_in_dim3A_137, %add3A_66, %broadcast_in_dim3A_138 : vector<1280x1024xi1>, vector<1280x1024xf32>
    %reduce_max3A_140 = arith.constant dense<0xFF800000> : vector<1024xf32>
    %reduce_max3A_141 = vector.multi_reduction <maximumf>, %select_n3A_139, %reduce_max3A_140 [0] : vector<1280x1024xf32> to vector<1024xf32>
    %broadcast_in_dim3A_142 = vector.shape_cast %reduce_max3A_141 : vector<1024xf32> to vector<1x1024xf32>
    %eq3A_143 = arith.constant 7 : i32
    %eq3A_144 = vector.broadcast %eq3A_143 : i32 to vector<1280x1xi32>
    %eq3A_145 = arith.cmpi eq, %get3A_69, %eq3A_144 : vector<1280x1xi32>
    %jit3A_146 = arith.constant 0xFF800000 : f32
    %broadcast_in_dim3A_147 = vector.shape_cast %eq3A_145 : vector<1280x1xi1> to vector<1280x1xi1>
    %broadcast_in_dim3A_148 = vector.broadcast %broadcast_in_dim3A_147 : vector<1280x1xi1> to vector<1280x1024xi1>
    %broadcast_in_dim3A_149 = vector.broadcast %jit3A_146 : f32 to vector<1280x1024xf32>
    %select_n3A_150 = arith.select %broadcast_in_dim3A_148, %add3A_66, %broadcast_in_dim3A_149 : vector<1280x1024xi1>, vector<1280x1024xf32>
    %reduce_max3A_151 = arith.constant dense<0xFF800000> : vector<1024xf32>
    %reduce_max3A_152 = vector.multi_reduction <maximumf>, %select_n3A_150, %reduce_max3A_151 [0] : vector<1280x1024xf32> to vector<1024xf32>
    %broadcast_in_dim3A_153 = vector.shape_cast %reduce_max3A_152 : vector<1024xf32> to vector<1x1024xf32>
    %concatenate3A = tpu.concatenate %broadcast_in_dim3A_76, %broadcast_in_dim3A_87, %broadcast_in_dim3A_98, %broadcast_in_dim3A_109, %broadcast_in_dim3A_120, %broadcast_in_dim3A_131, %broadcast_in_dim3A_142, %broadcast_in_dim3A_153 in 0 : vector<1x1024xf32>, vector<1x1024xf32>, vector<1x1024xf32>, vector<1x1024xf32>, vector<1x1024xf32>, vector<1x1024xf32>, vector<1x1024xf32>, vector<1x1024xf32> -> vector<8x1024xf32>
    %gt3A = arith.constant 0xFF800000 : f32
    %gt3A_154 = vector.broadcast %gt3A : f32 to vector<8x1024xf32>
    %gt3A_155 = arith.cmpf ogt, %concatenate3A, %gt3A_154 : vector<8x1024xf32>
    %jit3A_156 = arith.constant 0.000000e+00 : f32
    %broadcast_in_dim3A_157 = vector.broadcast %jit3A_156 : f32 to vector<8x1024xf32>
    %select_n3A_158 = arith.select %gt3A_155, %concatenate3A, %broadcast_in_dim3A_157 : vector<8x1024xi1>, vector<8x1024xf32>
    %get3A_159 = arith.constant 0 : index
    %get3A_160 = arith.constant 0 : index
    %get3A_161 = vector.load %arg13[%get3A_159, %get3A_160] : memref<1024x512xf32, #tpu.memory_space<vmem>>, vector<1024x512xf32>
    %dot_general3A_162 = arith.constant dense<0.000000e+00> : vector<8x512xf32>
    %dot_general3A_163 = tpu.matmul %select_n3A_158, %get3A_161, %dot_general3A_162 {dimension_numbers = #tpu.dot_dimension_numbers<[1], [0], [0], [1], [0, 0, 1, 1], [], []>, precision = #tpu.contract_precision<fp32>, transpose_lhs_hint = false} : vector<8x1024xf32>, vector<1024x512xf32>, vector<8x512xf32> -> vector<8x512xf32>
    %get3A_164 = arith.constant 0 : index
    %get3A_165 = vector.load %arg14[%get3A_164] : memref<512xf32, #tpu.memory_space<vmem>>, vector<512xf32>
    %broadcast_in_dim3A_166 = vector.shape_cast %get3A_165 : vector<512xf32> to vector<1x512xf32>
    %add3A_167 = vector.broadcast %broadcast_in_dim3A_166 : vector<1x512xf32> to vector<8x512xf32>
    %add3A_168 = arith.addf %dot_general3A_163, %add3A_167 : vector<8x512xf32>
    %max3A_169 = arith.constant 0.000000e+00 : f32
    %max3A_170 = vector.broadcast %max3A_169 : f32 to vector<8x512xf32>
    %max3A_171 = arith.maximumf %add3A_168, %max3A_170 : vector<8x512xf32>
    %get3A_172 = arith.constant 0 : index
    %get3A_173 = arith.constant 0 : index
    %get3A_174 = vector.load %arg15[%get3A_172, %get3A_173] : memref<512x512xf32, #tpu.memory_space<vmem>>, vector<512x512xf32>
    %dot_general3A_175 = arith.constant dense<0.000000e+00> : vector<8x512xf32>
    %dot_general3A_176 = tpu.matmul %max3A_171, %get3A_174, %dot_general3A_175 {dimension_numbers = #tpu.dot_dimension_numbers<[1], [0], [0], [1], [0, 0, 1, 1], [], []>, precision = #tpu.contract_precision<fp32>, transpose_lhs_hint = false} : vector<8x512xf32>, vector<512x512xf32>, vector<8x512xf32> -> vector<8x512xf32>
    %get3A_177 = arith.constant 0 : index
    %get3A_178 = vector.load %arg16[%get3A_177] : memref<512xf32, #tpu.memory_space<vmem>>, vector<512xf32>
    %broadcast_in_dim3A_179 = vector.shape_cast %get3A_178 : vector<512xf32> to vector<1x512xf32>
    %add3A_180 = vector.broadcast %broadcast_in_dim3A_179 : vector<1x512xf32> to vector<8x512xf32>
    %add3A_181 = arith.addf %dot_general3A_176, %add3A_180 : vector<8x512xf32>
    %swap3A = arith.constant 0 : index
    %swap3A_182 = arith.constant 0 : index
    %swap3A_183 = vector.load %arg17[%swap3A, %swap3A_182] : memref<8x512xf32, #tpu.memory_space<vmem>>, vector<8x512xf32>
    tpu.vector_store %arg17[%swap3A, %swap3A_182], %add3A_181 {strides = array<i32>} : memref<8x512xf32, #tpu.memory_space<vmem>>, vector<8x512xf32>,
    return
  }
}

</mosaic_0001>

<sc_bundles>
// kernel: kernel.15.cloned.1.call-start
scs
__scs_entry_jumppad:
0x0: {  	(pc) =	sbr.rel $0x88, $3  }
0x1: {  	(tag) =	ssettag $0x0;
	lr =	simm.s32 $0x1  }
0x2: {  	[smem:$0x3F7D] =	sst lr;
	_ =	strace $0xD0000000  }
0x3: {  	_ = 	snop  }
0x4: {  	_ = 	snop  }
0x5: {  	_ = 	snop  }
0x6: {  	_ = 	snop  }
0x7: {  	_ = 	snop  }
__scs_overlays_trampoline_lowered:
0x8: {  	[smem:$0x3F8C] =	sst s0  }
0x9: {  	[smem:$0x3F8D] =	sst s1  }
0xa: {  	[smem:$0x3F8E] =	sst s2  }
0xb: {  	[smem:$0x3F8F] =	sst s3  }
0xc: {  	[smem:$0x3F90] =	sst s4  }
0xd: {  	[smem:$0x3F91] =	sst s5  }
0xe: {  	[smem:$0x3F92] =	sst s6  }
0xf: {  	[smem:$0x3F93] =	sst s7  }
0x10: {  	[smem:$0x3F94] =	sst s8  }
0x11: {  	[smem:$0x3F95] =	sst s9;
	s0 =	simm.s32 @!p0 $0x0  }
0x12: {  	s1 =	sld [smem:$0x3F7B];
	s0 =	simm.s32 @p0 $0x1  }
0x13: {  	[smem:$0x3F96] =	sst s0;
	s0 =	simm.s32 @!p1 $0x0  }
0x14: {  	s2 =	sld [smem:$0x3F7A];
	s0 =	simm.s32 @p1 $0x1  }
0x15: {  	[smem:$0x3F97] =	sst s0;
	s0 =	simm.s32 @!p2 $0x0  }
0x16: {  	s3 =	sld [smem:$0x3FDB];
	s0 =	simm.s32 @p2 $0x1  }
0x17: {  	s4 =	simm.s32 $0x1BF5;
	[smem:$0x3F99] =	sst s0  }
0x18: {  	s0 =	sld [smem:$0x3F7C];
	_ =	swait.ge [sflag:s4], $0x0  }
0x19: {  	s7 =	sld [smem:$0x3F7D]  }
0x1a: {  	s8 =	sadd.s32 $0xFFFFE003, lr  }
0x1b: {  	s9 =	sadd.s32 $0xFFFFFEF7, lr;
	s5 =	simm.s32 $0xFFFFFFFF;
	p2 =	slt.u32 s8, $0xFFFFF086  }
0x1c: {  	p1 =	slt.u32 s9, $0xF7A;
	s5 =	simm.s32 @!p2 $0x0  }
0x1d: {  	s5 =	simm.s32 @p1 $0x1;
	p0 =	seq.s32 s7, s2  }
0x1e: {  	s7 =	smul.u32 @!p0 $0xF7A, s2;
	p2 =	seq.s32 @!p0 s5, $0x0  }
0x1f: {  	s9 =	smul.u32 $0xF7A, s1;
	s8 =	simm.s32 @!p0 $0x1BF5;
	p2 =	por !p2, p0  }
0x20: {  	[sflag:s8] =	ssyncset.s32 @!p0 $0xFFFFF086;
	s6 =	sadd.s32 @!p0 s3, s7;
	s7 =	simm.s32 @!p0 $0x108  }
0x21: {  	s3 =	sadd.s32 s3, s9;
	s6 =	sadd.s32 @!p0 $0x88, s6;
	s7 =	simm.s32 @p2 $0x1082  }
0x22: {  	[simem:s7], [sflag:s8] =	dma.local @!p0 [hbm:s6], $0xF7A  }
0x23: {  	s9 =	sor.u32 $0xD0000000, s2;
	s6 =	simm.s32 $0x108;
	_ =	swait.ge @!p0 [sflag:s8], $0x0  }
0x24: {  	s3 =	sadd.s32 $0x88, s3;
	s6 =	simm.s32 @!p1 $0x1082;
	[sflag:s4] =	ssyncset.s32 $0xFFFFF086  }
0x25: {  	[simem:s6], [sflag:s4] =	dma.local [hbm:s3], $0xF7A  }
0x26: {  	[smem:$0x3F7D] =	sst s1;
	(tag) =	ssettag s2;
	_ =	strace s9  }
0x27: {  	s1 =	sld [smem:$0x3F8D]  }
0x28: {  	s2 =	sld [smem:$0x3F8E]  }
0x29: {  	s4 =	sld [smem:$0x3F90]  }
0x2a: {  	p0 =	seq.s32 s5, $0x0;
	s5 =	sld [smem:$0x3F91]  }
0x2b: {  	s6 =	sld [smem:$0x3F92]  }
0x2c: {  	s7 =	sld [smem:$0x3F93]  }
0x2d: {  	s3 =	simm.s32 $0x108;
	s8 =	sld [smem:$0x3F94]  }
0x2e: {  	s3 =	simm.s32 @!p0 $0x1082;
	s9 =	sld [smem:$0x3F95]  }
0x2f: {  	lr =	sadd.s32 s0, s3;
	s0 =	sld [smem:$0x3F8C]  }
0x30: {  	s3 =	sld [smem:$0x3F8F]  }
0x31: {  	[smem:$0x3F98] =	sst s10  }
0x32: {  	s10 =	sld [smem:$0x3F96];
	_ =	sdelay $0x3  }
0x33: {  	p0 =	seq.s32 s10, $0x1;
	s10 =	sld [smem:$0x3F98];
	_ =	sdelay $0x3  }
0x34: {  	[smem:$0x3F98] =	sst s10  }
0x35: {  	s10 =	sld [smem:$0x3F97];
	_ =	sdelay $0x3  }
0x36: {  	p1 =	seq.s32 s10, $0x1;
	s10 =	sld [smem:$0x3F98];
	_ =	sdelay $0x3  }
0x37: {  	[smem:$0x3F98] =	sst s10  }
0x38: {  	s10 =	sld [smem:$0x3F99]  }
0x39: {  	_ = 	snop;
	(pc) =	sbr.ind lr, $3  }
0x3a: {  	_ = 	snop  }
0x3b: {  	_ = 	snop  }
0x3c: {  	p2 =	seq.s32 s10, $0x1;
	s10 =	sld [smem:$0x3F98]  }
0x3d: {  	_ =	shalt  }
0x3e: {  	_ =	shalt  }
0x3f: {  	_ =	shalt  }
0x40: {  	_ =	shalt  }
0x41: {  	_ =	shalt  }
0x42: {  	_ =	shalt  }
0x43: {  	_ =	shalt  }
0x44: {  	_ =	shalt  }
0x45: {  	_ =	shalt  }
0x46: {  	_ =	shalt  }
0x47: {  	_ =	shalt  }
0x48: {  	_ =	shalt  }
0x49: {  	_ =	shalt  }
0x4a: {  	_ =	shalt  }
0x4b: {  	_ =	shalt  }
0x4c: {  	_ =	shalt  }
0x4d: {  	_ =	shalt  }
0x4e: {  	_ =	shalt  }
0x4f: {  	_ =	shalt  }
0x50: {  	_ =	shalt  }
0x51: {  	_ =	shalt  }
0x52: {  	_ =	shalt  }
0x53: {  	_ =	shalt  }
0x54: {  	_ =	shalt  }
0x55: {  	_ =	shalt  }
0x56: {  	_ =	shalt  }
0x57: {  	_ =	shalt  }
0x58: {  	_ =	shalt  }
0x59: {  	_ =	shalt  }
0x5a: {  	_ =	shalt  }
0x5b: {  	_ =	shalt  }
0x5c: {  	_ =	shalt  }
0x5d: {  	_ =	shalt  }
0x5e: {  	_ =	shalt  }
0x5f: {  	_ =	shalt  }
0x60: {  	_ =	shalt  }
0x61: {  	_ =	shalt  }
0x62: {  	_ =	shalt  }
0x63: {  	_ =	shalt  }
0x64: {  	_ =	shalt  }
0x65: {  	_ =	shalt  }
0x66: {  	_ =	shalt  }
0x67: {  	_ =	shalt  }
0x68: {  	_ =	shalt  }
0x69: {  	_ =	shalt  }
0x6a: {  	_ =	shalt  }
0x6b: {  	_ =	shalt  }
0x6c: {  	_ =	shalt  }
0x6d: {  	_ =	shalt  }
0x6e: {  	_ =	shalt  }
0x6f: {  	_ =	shalt  }
0x70: {  	_ =	shalt  }
0x71: {  	_ =	shalt  }
0x72: {  	_ =	shalt  }
0x73: {  	_ =	shalt  }
0x74: {  	_ =	shalt  }
0x75: {  	_ =	shalt  }
0x76: {  	_ =	shalt  }
0x77: {  	_ =	shalt  }
0x78: {  	_ =	shalt  }
0x79: {  	_ =	shalt  }
0x7a: {  	_ =	shalt  }
0x7b: {  	_ =	shalt  }
0x7c: {  	_ =	shalt  }
0x7d: {  	_ =	shalt  }
0x7e: {  	_ =	shalt  }
0x7f: {  	_ =	shalt  }
0x80: {  	_ =	shalt  }
0x81: {  	_ =	shalt  }
0x82: {  	_ =	shalt  }
0x83: {  	_ =	shalt  }
0x84: {  	_ =	shalt  }
0x85: {  	_ =	shalt  }
0x86: {  	_ =	shalt  }
0x87: {  	_ =	shalt  }
.Lfunc_end0:
.L_simem_size_0:
called_computation_lowered:
.L_overlay_start_0:
0x88: {  	s2 =	sld [smem:$0x3FD9]  }
0x89: {  	s3 =	sld [smem:$0x3FFE];
	_ =	sdelay $0x1  }
0x8a: {  	s1 =	srdreg.scid  }
0x8b: {  	s0 =	sand.u32 $0x1, s1  }
0x8c: {  	s16 =	sshll.u32 s0, $0xA;
	s2 =	sadd.s32 s3, s2  }
0x8d: {  	s2 =	sadd.s32 s2, s16  }
0x8e: {  	[smem:$0x3FA4] =	sst s2  }
0x8f: {  	_ = 	snop  }
0x90: {  	(tm) =	ssettm $0x1  }
0x91: {  	s17 =	sld [smem:$0x3FFB];
	_ =	sdelay $0x3  }
0x92: {  	_ =	strace s17  }
0x93: {  	s2 =	sld [smem:$0x3FFC];
	_ =	sdelay $0x3  }
0x94: {  	_ =	strace s2  }
0x95: {  	s2 =	sld [smem:$0x3FFD];
	_ =	sdelay $0x3  }
0x96: {  	_ =	strace s2  }
0x97: {  	_ =	strace $0x8FFFFFFF  }
0x98: {  	s18 =	sld [smem:$0x3FDB];
	_ =	sdelay $0x1  }
0x99: {  	s19 =	simm.s32 $_scs_section_size  }
0x9a: {  	s4 =	simm.s32 $_size__tile_overlayer_lowered;
	s5 =	simm.s32 $_tile_overlayer_lowered  }
0x9b: {  	s22 =	simm.s32 $0x1BFF;
	s21 =	sshll.u32 s5, $0x1;
	s2 =	sadd.s32 s19, s18  }
0x9c: {  	s6 =	simm.s32 $0x0;
	s20 =	sshll.u32 s4, $0x1;
	s4 =	sadd.s32 s21, s2  }
0x9d: {  	[timem:s6], [sflag:s22] =	dma.local [hbm:s4], s20  }
0x9e: {  	_ =	swait.ge [sflag:s22], s20  }
0x9f: {  	s3 =	ssub.s32 $0x0, s20;
	[sflag:s22] =	ssyncset.done $0x0  }
0xa0: {  	[sflag:s22] =	ssyncadd.s32 s3;
	_ =	sdelay $0x1  }
0xa1: {  	s23 =	simm.s32 $0x1B8B  }
0xa2: {  	_ =	swait.ge [sflag:s23], $0x1  }
0xa3: {  	[sflag:s23] =	ssyncset.done $0x0  }
0xa4: {  	s25 =	simm.s32 $0x1B8E;
	s24 =	sld [smem:$0x3FFE];
	[sflag:s23] =	ssyncadd.s32 $0xFFFFFFFF  }
0xa5: {  	s26 =	simm.s32 $execute0_lowered;
	[smem:$0x3FD2] =	sst s25  }
0xa6: {  	s4 =	sshll.u32 s26, $0x1;
	_ =	strace $0x80000046;
	[dreg:$0x1] =	wrdreg $0xFFFFFFFF  }
0xa7: {  	s28 =	simm.s32 $_size_execute0_lowered;
	s2 =	sadd.s32 s2, s4;
	[dreg:$0x0] =	wrdreg $0x0  }
0xa8: {  	s4 =	sshll.u32 s28, $0x1;
	[dreg:$0x2] =	wrdreg s2  }
0xa9: {  	[dreg:$0x3] =	wrdreg s4  }
0xaa: {  	[dreg:$0x4] =	wrdreg $0xC0  }
0xab: {  	_ =	task [dreg:s6], $0x5FFFF  }
0xac: {  	[dreg:$0x1] =	wrdreg $0xFFFFFFFF  }
0xad: {  	[dreg:$0x0] =	wrdreg $0x60  }
0xae: {  	[dreg:$0x2] =	wrdreg s24  }
0xaf: {  	[dreg:$0x3] =	wrdreg $0x9  }
0xb0: {  	_ =	task.clear_ibuf [dreg:s6], $0x4FFFF;
	_ =	strace $0x90000046  }
0xb1: {  	s29 =	simm.s32 $0x9;
	_ =	strace $0x80000048  }
0xb2: {  	_ =	swait.ge [sflag:s29], $0x1  }
0xb3: {  	[sflag:s29] =	ssyncadd.s32 $0xFFFFFFFF  }
0xb4: {  	_ =	strace $0x90000048  }
0xb5: {  	_ =	sfence  }
0xb6: {  	s30 =	sld [smem:$0x0];
	_ =	sdelay $0x2  }
0xb7: {  	s31 =	sshll.u32 s1, $0xD;
	s1 =	sshrl.u32 s1, $0x2  }
0xb8: {  	s3 =	sand.u32 $0x4000, s31;
	s1 =	sadd.s32 s1, s30  }
0xb9: {  	s0 =	sor.u32 s3, s0;
	s1 =	sshll.u32 s1, $0x11  }
0xba: {  	s0 =	sor.u32 s1, s0  }
0xbb: {  	s0 =	sadd.s32 $0x8F2B, s0  }
0xbc: {  	[sflag:s0] =	ssyncadd.remote.s32 $0x1  }
0xbd: {  	_ =	sfence.sel $0xFFFF  }
0xbe: {  	[dreg:$0x0] =	wrdreg $0xFFFFFFFF;
	(pc) =	sbr.abs _section_cstart, $3  }
0xbf: {  	[dreg:$0x1] =	wrdreg $0xFFFFFFFF  }
0xc0: {  	_ =	task.clear_ibuf [dreg:s6], $0x2FFFF;
	_ =	strace $0x9FFFFFFF  }
0xc1: {  	(tm) =	ssettm $0x7FFFFFFF  }
tec
execute0_lowered:
.L_overlay_start_1:
0x0: {  	(tag) =	ssettag $0x1  }
0x1: {  	s1 =	srdreg.scid  }
0x2: {  	s0 =	stileid.u32;
	s10 =	sand.u32 $0x1, s1  }
0x3: {  	s9 =	rddreg [dreg:$0x0];
	s3 =	sshll.u32 s0, $0x9;
	s4 =	sshll.u32 s10, $0x8  }
0x4: {  	s2 =	simm.s32 $0x0;
	s1 =	rddreg [dreg:$0x1];
	s11 =	sor.u32 s4, s3  }
0x5: {  	[smem:$0x7FF] =	sst s2;
	s3 =	sshrl.u32 s11, $0x3  }
0x6: {  	_ =	strace $0x80000047;
	s4 =	sadd.s32 s9, s3;
	s3 =	simm.s32 $0x2  }
0x7: {  	[tilespmem:s2], [sflag:$0x2] =	stream.linear.gather [hbm4b:s4+s2], $0x80, $0x38;
	[tilespmem:$0x880] =	vst v63  }
0x8: {  	_ =	swait.ge [sflag:s3], $0x80  }
0x9: {  	s6 =	simm.s32 $0x80;
	[sflag:s3] =	ssyncset.done $0x0  }
0xa: {  	s7 =	simm.s32 $0x1;
	s5 =	sadd.s32 $0x400, s9;
	[sflag:s3] =	ssyncadd.s32 $0xFFFFFF80  }
0xb: {  	[tilespmem:s6], [sflag:$0x1] =	stream.indirect.gather [hbm4b:s5+s6], $0x10, s2, s6, $0xb8;
	[tilespmem:$0x880] =	vst v63  }
0xc: {  	_ =	swait.ge [sflag:s7], $0x800  }
0xd: {  	s12 =	sadd.s32 $0x5400, s9;
	s8 =	sshll.u32 s11, $0x1;
	[sflag:s7] =	ssyncset.done $0x0  }
0xe: {  	s8 =	sadd.s32 s12, s8;
	[sflag:s7] =	ssyncadd.s32 $0xFFFFF800  }
0xf: {  	[hbm4b:s8+s2] =	stream.linear.scatter [tilespmem:s6], [sflag:$0x2], $0x800, $0x38;
	[tilespmem:$0x880] =	vst v63  }
0x10: {  	s11 =	sor.u32 $0x80, s11;
	_ =	swait.ge [sflag:s3], $0x800  }
0x11: {  	s13 =	sshrl.u32 s11, $0x3;
	[sflag:s3] =	ssyncset.done $0x0  }
0x12: {  	s10 =	ssub.s32 $0x2, s10;
	s9 =	sadd.s32 s9, s13;
	[sflag:s3] =	ssyncadd.s32 $0xFFFFF800  }
0x13: {  	[tilespmem:s2], [sflag:$0x2] =	stream.linear.gather [hbm4b:s9+s2], $0x80, $0x38;
	[tilespmem:$0x880] =	vst v63  }
0x14: {  	s29 =	sshrl.u32 s10, $0x1;
	_ =	swait.ge [sflag:s3], $0x80  }
0x15: {  	s13 =	ssub.s32 s10, s29;
	[sflag:s3] =	ssyncset.done $0x0  }
0x16: {  	s31 =	smax.u32 s13, $0x1;
	[sflag:s3] =	ssyncadd.s32 $0xFFFFFF80  }
0x17: {  	[tilespmem:s6], [sflag:$0x1] =	stream.indirect.gather [hbm4b:s5+s6], $0x10, s2, s6, $0xb8;
	[tilespmem:$0x880] =	vst v63  }
0x18: {  	p0 =	sne.s32 s31, $0x1;
	_ =	swait.ge [sflag:s7], $0x800  }
.Ltmp0:
0x19: {  	s30 =	sshll.u32 s11, $0x1;
	[sflag:s7] =	ssyncset.done $0x0;
	(pc) =	sbr.rel @!p0 .LBB2_2-.Ltmp0, $4  }
0x1a: {  	s10 =	sadd.s32 s12, s30;
	[sflag:s7] =	ssyncadd.s32 $0xFFFFF800  }
0x1b: {  	[hbm4b:s10+s2] =	stream.linear.scatter [tilespmem:s6], [sflag:$0x2], $0x800, $0x38;
	[tilespmem:$0x880] =	vst v63  }
0x1c: {  	_ =	swait.ge [sflag:s3], $0x800  }
0x1d: {  	s11 =	sadd.s32 $0xFFFFFFFF, s31;
	[sflag:s3] =	ssyncset.done $0x0  }
.LBB2_1:
0x1e: {  	p0 =	sne.s32 s11, $0x1;
	s11 =	sadd.s32 $0xFFFFFFFF, s11;
	[sflag:s3] =	ssyncadd.s32 $0xFFFFF800  }
0x1f: {  	[tilespmem:s2], [sflag:$0x2] =	stream.linear.gather [hbm4b:s4+s2], $0x80, $0x38;
	[tilespmem:$0x880] =	vst v63  }
0x20: {  	_ =	swait.ge [sflag:s3], $0x80  }
0x21: {  	[sflag:s3] =	ssyncset.done $0x0  }
0x22: {  	[sflag:s3] =	ssyncadd.s32 $0xFFFFFF80  }
0x23: {  	[tilespmem:s6], [sflag:$0x1] =	stream.indirect.gather [hbm4b:s5+s6], $0x10, s2, s6, $0xb8;
	[tilespmem:$0x880] =	vst v63  }
0x24: {  	_ =	swait.ge [sflag:s7], $0x800  }
0x25: {  	[sflag:s7] =	ssyncset.done $0x0  }
0x26: {  	[sflag:s7] =	ssyncadd.s32 $0xFFFFF800  }
0x27: {  	[hbm4b:s8+s2] =	stream.linear.scatter [tilespmem:s6], [sflag:$0x2], $0x800, $0x38;
	[tilespmem:$0x880] =	vst v63  }
0x28: {  	_ =	swait.ge [sflag:s3], $0x800  }
0x29: {  	[sflag:s3] =	ssyncset.done $0x0  }
0x2a: {  	[sflag:s3] =	ssyncadd.s32 $0xFFFFF800  }
0x2b: {  	[tilespmem:s2], [sflag:$0x2] =	stream.linear.gather [hbm4b:s9+s2], $0x80, $0x38;
	[tilespmem:$0x880] =	vst v63  }
0x2c: {  	_ =	swait.ge [sflag:s3], $0x80  }
0x2d: {  	[sflag:s3] =	ssyncset.done $0x0  }
0x2e: {  	[sflag:s3] =	ssyncadd.s32 $0xFFFFFF80  }
0x2f: {  	[tilespmem:s6], [sflag:$0x1] =	stream.indirect.gather [hbm4b:s5+s6], $0x10, s2, s6, $0xb8;
	[tilespmem:$0x880] =	vst v63  }
0x30: {  	_ =	swait.ge [sflag:s7], $0x800  }
.Ltmp1:
0x31: {  	[sflag:s7] =	ssyncset.done $0x0;
	(pc) =	sbr.rel @p0 .LBB2_1-.Ltmp1, $4  }
0x32: {  	[sflag:s7] =	ssyncadd.s32 $0xFFFFF800  }
0x33: {  	[hbm4b:s10+s2] =	stream.linear.scatter [tilespmem:s6], [sflag:$0x2], $0x800, $0x38;
	[tilespmem:$0x880] =	vst v63  }
0x34: {  	_ =	swait.ge [sflag:s3], $0x800  }
0x35: {  	[sflag:s3] =	ssyncset.done $0x0  }
.LBB2_2:
0x36: {  	[sflag:s3] =	ssyncadd.s32 $0xFFFFF800  }
0x37: {  	_ =	sfence.sel $0x180000  }
0x38: {  	[bflag:$0x0] =	sbarrier.arrive $0xFFFF  }
0x39: {  	p0 =	sne.s32 s0, $0x0;
	_ =	strace $0x90000047  }
0x3a: {  	s0 =	sadd.s32 @!p0 $0x100000, s1;
	[bflag:$0x2] =	sbarrier.arrive $0xFFFF  }
0x3b: {  	[sflag:s0] =	ssyncadd.tile.s32 @!p0 $0x1;
	_ =	shalt  }
.Lfunc_end2:
_tile_overlayer_lowered:
.L_overlay_start_2:
0x3c: {  	(tag) =	ssettag $0x2  }
0x3d: {  	s0 =	rddreg [dreg:$0x0];
	s2 =	stileid.u32  }
0x3e: {  	s1 =	rddreg [dreg:$0x1];
	p0 =	sne.s32 s2, $0x0  }
0x3f: {  	s3 =	rddreg [dreg:$0x2];
	[bflag:$0x3] =	sbarrier.arrive $0xFFFF;
	s2 =	simm.s32 @!p0 $0x1C02  }
0x40: {  	[timem:s3], [sflag:s2] =	dma.local @!p0 [hbm:s0], s1  }
0x41: {  	s0 =	simm.s32 @!p0 $0x2  }
0x42: {  	_ =	swait.ge @!p0 [sflag:s0], s1  }
0x43: {  	s1 =	ssub.s32 @!p0 $0x0, s1;
	[sflag:s0] =	ssyncset.done @!p0 $0x0  }
0x44: {  	[sflag:s0] =	ssyncadd.s32 @!p0 s1  }
0x45: {  	[bflag:$0x3] =	sbarrier.arrive $0xFFFF  }
0x46: {  	_ =	shalt  }

// kernel: kernel.18.cloned.1.call-start
scs
__scs_entry_jumppad:
0x0: {  	(pc) =	sbr.rel $0x88, $3  }
0x1: {  	(tag) =	ssettag $0x0;
	lr =	simm.s32 $0x1  }
0x2: {  	[smem:$0x3F7D] =	sst lr;
	_ =	strace $0xD0000000  }
0x3: {  	_ = 	snop  }
0x4: {  	_ = 	snop  }
0x5: {  	_ = 	snop  }
0x6: {  	_ = 	snop  }
0x7: {  	_ = 	snop  }
__scs_overlays_trampoline_lowered:
0x8: {  	[smem:$0x3F8C] =	sst s0  }
0x9: {  	[smem:$0x3F8D] =	sst s1  }
0xa: {  	[smem:$0x3F8E] =	sst s2  }
0xb: {  	[smem:$0x3F8F] =	sst s3  }
0xc: {  	[smem:$0x3F90] =	sst s4  }
0xd: {  	[smem:$0x3F91] =	sst s5  }
0xe: {  	[smem:$0x3F92] =	sst s6  }
0xf: {  	[smem:$0x3F93] =	sst s7  }
0x10: {  	[smem:$0x3F94] =	sst s8  }
0x11: {  	[smem:$0x3F95] =	sst s9;
	s0 =	simm.s32 @!p0 $0x0  }
0x12: {  	s1 =	sld [smem:$0x3F7B];
	s0 =	simm.s32 @p0 $0x1  }
0x13: {  	[smem:$0x3F96] =	sst s0;
	s0 =	simm.s32 @!p1 $0x0  }
0x14: {  	s2 =	sld [smem:$0x3F7A];
	s0 =	simm.s32 @p1 $0x1  }
0x15: {  	[smem:$0x3F97] =	sst s0;
	s0 =	simm.s32 @!p2 $0x0  }
0x16: {  	s3 =	sld [smem:$0x3FDB];
	s0 =	simm.s32 @p2 $0x1  }
0x17: {  	s4 =	simm.s32 $0x1BF5;
	[smem:$0x3F99] =	sst s0  }
0x18: {  	s0 =	sld [smem:$0x3F7C];
	_ =	swait.ge [sflag:s4], $0x0  }
0x19: {  	s7 =	sld [smem:$0x3F7D]  }
0x1a: {  	s8 =	sadd.s32 $0xFFFFE003, lr  }
0x1b: {  	s9 =	sadd.s32 $0xFFFFFEF7, lr;
	s5 =	simm.s32 $0xFFFFFFFF;
	p2 =	slt.u32 s8, $0xFFFFF086  }
0x1c: {  	p1 =	slt.u32 s9, $0xF7A;
	s5 =	simm.s32 @!p2 $0x0  }
0x1d: {  	s5 =	simm.s32 @p1 $0x1;
	p0 =	seq.s32 s7, s2  }
0x1e: {  	s7 =	smul.u32 @!p0 $0xF7A, s2;
	p2 =	seq.s32 @!p0 s5, $0x0  }
0x1f: {  	s9 =	smul.u32 $0xF7A, s1;
	s8 =	simm.s32 @!p0 $0x1BF5;
	p2 =	por !p2, p0  }
0x20: {  	[sflag:s8] =	ssyncset.s32 @!p0 $0xFFFFF086;
	s6 =	sadd.s32 @!p0 s3, s7;
	s7 =	simm.s32 @!p0 $0x108  }
0x21: {  	s3 =	sadd.s32 s3, s9;
	s6 =	sadd.s32 @!p0 $0x88, s6;
	s7 =	simm.s32 @p2 $0x1082  }
0x22: {  	[simem:s7], [sflag:s8] =	dma.local @!p0 [hbm:s6], $0xF7A  }
0x23: {  	s9 =	sor.u32 $0xD0000000, s2;
	s6 =	simm.s32 $0x108;
	_ =	swait.ge @!p0 [sflag:s8], $0x0  }
0x24: {  	s3 =	sadd.s32 $0x88, s3;
	s6 =	simm.s32 @!p1 $0x1082;
	[sflag:s4] =	ssyncset.s32 $0xFFFFF086  }
0x25: {  	[simem:s6], [sflag:s4] =	dma.local [hbm:s3], $0xF7A  }
0x26: {  	[smem:$0x3F7D] =	sst s1;
	(tag) =	ssettag s2;
	_ =	strace s9  }
0x27: {  	s1 =	sld [smem:$0x3F8D]  }
0x28: {  	s2 =	sld [smem:$0x3F8E]  }
0x29: {  	s4 =	sld [smem:$0x3F90]  }
0x2a: {  	p0 =	seq.s32 s5, $0x0;
	s5 =	sld [smem:$0x3F91]  }
0x2b: {  	s6 =	sld [smem:$0x3F92]  }
0x2c: {  	s7 =	sld [smem:$0x3F93]  }
0x2d: {  	s3 =	simm.s32 $0x108;
	s8 =	sld [smem:$0x3F94]  }
0x2e: {  	s3 =	simm.s32 @!p0 $0x1082;
	s9 =	sld [smem:$0x3F95]  }
0x2f: {  	lr =	sadd.s32 s0, s3;
	s0 =	sld [smem:$0x3F8C]  }
0x30: {  	s3 =	sld [smem:$0x3F8F]  }
0x31: {  	[smem:$0x3F98] =	sst s10  }
0x32: {  	s10 =	sld [smem:$0x3F96];
	_ =	sdelay $0x3  }
0x33: {  	p0 =	seq.s32 s10, $0x1;
	s10 =	sld [smem:$0x3F98];
	_ =	sdelay $0x3  }
0x34: {  	[smem:$0x3F98] =	sst s10  }
0x35: {  	s10 =	sld [smem:$0x3F97];
	_ =	sdelay $0x3  }
0x36: {  	p1 =	seq.s32 s10, $0x1;
	s10 =	sld [smem:$0x3F98];
	_ =	sdelay $0x3  }
0x37: {  	[smem:$0x3F98] =	sst s10  }
0x38: {  	s10 =	sld [smem:$0x3F99]  }
0x39: {  	_ = 	snop;
	(pc) =	sbr.ind lr, $3  }
0x3a: {  	_ = 	snop  }
0x3b: {  	_ = 	snop  }
0x3c: {  	p2 =	seq.s32 s10, $0x1;
	s10 =	sld [smem:$0x3F98]  }
0x3d: {  	_ =	shalt  }
0x3e: {  	_ =	shalt  }
0x3f: {  	_ =	shalt  }
0x40: {  	_ =	shalt  }
0x41: {  	_ =	shalt  }
0x42: {  	_ =	shalt  }
0x43: {  	_ =	shalt  }
0x44: {  	_ =	shalt  }
0x45: {  	_ =	shalt  }
0x46: {  	_ =	shalt  }
0x47: {  	_ =	shalt  }
0x48: {  	_ =	shalt  }
0x49: {  	_ =	shalt  }
0x4a: {  	_ =	shalt  }
0x4b: {  	_ =	shalt  }
0x4c: {  	_ =	shalt  }
0x4d: {  	_ =	shalt  }
0x4e: {  	_ =	shalt  }
0x4f: {  	_ =	shalt  }
0x50: {  	_ =	shalt  }
0x51: {  	_ =	shalt  }
0x52: {  	_ =	shalt  }
0x53: {  	_ =	shalt  }
0x54: {  	_ =	shalt  }
0x55: {  	_ =	shalt  }
0x56: {  	_ =	shalt  }
0x57: {  	_ =	shalt  }
0x58: {  	_ =	shalt  }
0x59: {  	_ =	shalt  }
0x5a: {  	_ =	shalt  }
0x5b: {  	_ =	shalt  }
0x5c: {  	_ =	shalt  }
0x5d: {  	_ =	shalt  }
0x5e: {  	_ =	shalt  }
0x5f: {  	_ =	shalt  }
0x60: {  	_ =	shalt  }
0x61: {  	_ =	shalt  }
0x62: {  	_ =	shalt  }
0x63: {  	_ =	shalt  }
0x64: {  	_ =	shalt  }
0x65: {  	_ =	shalt  }
0x66: {  	_ =	shalt  }
0x67: {  	_ =	shalt  }
0x68: {  	_ =	shalt  }
0x69: {  	_ =	shalt  }
0x6a: {  	_ =	shalt  }
0x6b: {  	_ =	shalt  }
0x6c: {  	_ =	shalt  }
0x6d: {  	_ =	shalt  }
0x6e: {  	_ =	shalt  }
0x6f: {  	_ =	shalt  }
0x70: {  	_ =	shalt  }
0x71: {  	_ =	shalt  }
0x72: {  	_ =	shalt  }
0x73: {  	_ =	shalt  }
0x74: {  	_ =	shalt  }
0x75: {  	_ =	shalt  }
0x76: {  	_ =	shalt  }
0x77: {  	_ =	shalt  }
0x78: {  	_ =	shalt  }
0x79: {  	_ =	shalt  }
0x7a: {  	_ =	shalt  }
0x7b: {  	_ =	shalt  }
0x7c: {  	_ =	shalt  }
0x7d: {  	_ =	shalt  }
0x7e: {  	_ =	shalt  }
0x7f: {  	_ =	shalt  }
0x80: {  	_ =	shalt  }
0x81: {  	_ =	shalt  }
0x82: {  	_ =	shalt  }
0x83: {  	_ =	shalt  }
0x84: {  	_ =	shalt  }
0x85: {  	_ =	shalt  }
0x86: {  	_ =	shalt  }
0x87: {  	_ =	shalt  }
.Lfunc_end0:
.L_simem_size_0:
called_computation.1_lowered:
.L_overlay_start_0:
0x88: {  	s2 =	sld [smem:$0x3FD9]  }
0x89: {  	s3 =	sld [smem:$0x3FFE];
	_ =	sdelay $0x1  }
0x8a: {  	s1 =	srdreg.scid  }
0x8b: {  	s0 =	sand.u32 $0x1, s1  }
0x8c: {  	s16 =	sshll.u32 s0, $0xA;
	s2 =	sadd.s32 s3, s2  }
0x8d: {  	s2 =	sadd.s32 s2, s16  }
0x8e: {  	[smem:$0x3FA4] =	sst s2  }
0x8f: {  	_ = 	snop  }
0x90: {  	(tm) =	ssettm $0x1  }
0x91: {  	s17 =	sld [smem:$0x3FFB];
	_ =	sdelay $0x3  }
0x92: {  	_ =	strace s17  }
0x93: {  	s2 =	sld [smem:$0x3FFC];
	_ =	sdelay $0x3  }
0x94: {  	_ =	strace s2  }
0x95: {  	s2 =	sld [smem:$0x3FFD];
	_ =	sdelay $0x3  }
0x96: {  	_ =	strace s2  }
0x97: {  	_ =	strace $0x8FFFFFFF  }
0x98: {  	s18 =	sld [smem:$0x3FDB];
	_ =	sdelay $0x1  }
0x99: {  	s19 =	simm.s32 $_scs_section_size  }
0x9a: {  	s4 =	simm.s32 $_size__tile_overlayer_lowered;
	s5 =	simm.s32 $_tile_overlayer_lowered  }
0x9b: {  	s22 =	simm.s32 $0x1BFF;
	s21 =	sshll.u32 s5, $0x1;
	s2 =	sadd.s32 s19, s18  }
0x9c: {  	s6 =	simm.s32 $0x0;
	s20 =	sshll.u32 s4, $0x1;
	s4 =	sadd.s32 s21, s2  }
0x9d: {  	[timem:s6], [sflag:s22] =	dma.local [hbm:s4], s20  }
0x9e: {  	_ =	swait.ge [sflag:s22], s20  }
0x9f: {  	s3 =	ssub.s32 $0x0, s20;
	[sflag:s22] =	ssyncset.done $0x0  }
0xa0: {  	[sflag:s22] =	ssyncadd.s32 s3;
	_ =	sdelay $0x1  }
0xa1: {  	s23 =	simm.s32 $0x1B8B  }
0xa2: {  	_ =	swait.ge [sflag:s23], $0x1  }
0xa3: {  	[sflag:s23] =	ssyncset.done $0x0  }
0xa4: {  	s25 =	simm.s32 $0x1B8E;
	s24 =	sld [smem:$0x3FFE];
	[sflag:s23] =	ssyncadd.s32 $0xFFFFFFFF  }
0xa5: {  	s26 =	simm.s32 $execute0_lowered;
	[smem:$0x3FD2] =	sst s25  }
0xa6: {  	s4 =	sshll.u32 s26, $0x1;
	_ =	strace $0x80000049;
	[dreg:$0x1] =	wrdreg $0xFFFFFFFF  }
0xa7: {  	s28 =	simm.s32 $_size_execute0_lowered;
	s2 =	sadd.s32 s2, s4;
	[dreg:$0x0] =	wrdreg $0x0  }
0xa8: {  	s4 =	sshll.u32 s28, $0x1;
	[dreg:$0x2] =	wrdreg s2  }
0xa9: {  	[dreg:$0x3] =	wrdreg s4  }
0xaa: {  	[dreg:$0x4] =	wrdreg $0xC0  }
0xab: {  	_ =	task [dreg:s6], $0x5FFFF  }
0xac: {  	[dreg:$0x1] =	wrdreg $0xFFFFFFFF  }
0xad: {  	[dreg:$0x0] =	wrdreg $0x60  }
0xae: {  	[dreg:$0x2] =	wrdreg s24  }
0xaf: {  	[dreg:$0x3] =	wrdreg $0x9  }
0xb0: {  	_ =	task.clear_ibuf [dreg:s6], $0x4FFFF;
	_ =	strace $0x90000049  }
0xb1: {  	s29 =	simm.s32 $0x9;
	_ =	strace $0x8000004B  }
0xb2: {  	_ =	swait.ge [sflag:s29], $0x1  }
0xb3: {  	[sflag:s29] =	ssyncadd.s32 $0xFFFFFFFF  }
0xb4: {  	_ =	strace $0x9000004B  }
0xb5: {  	_ =	sfence  }
0xb6: {  	s30 =	sld [smem:$0x0];
	_ =	sdelay $0x2  }
0xb7: {  	s31 =	sshll.u32 s1, $0xD;
	s1 =	sshrl.u32 s1, $0x2  }
0xb8: {  	s3 =	sand.u32 $0x4000, s31;
	s1 =	sadd.s32 s1, s30  }
0xb9: {  	s0 =	sor.u32 s3, s0;
	s1 =	sshll.u32 s1, $0x11  }
0xba: {  	s0 =	sor.u32 s1, s0  }
0xbb: {  	s0 =	sadd.s32 $0x8F2B, s0  }
0xbc: {  	[sflag:s0] =	ssyncadd.remote.s32 $0x1  }
0xbd: {  	_ =	sfence.sel $0xFFFF  }
0xbe: {  	[dreg:$0x0] =	wrdreg $0xFFFFFFFF;
	(pc) =	sbr.abs _section_cstart, $3  }
0xbf: {  	[dreg:$0x1] =	wrdreg $0xFFFFFFFF  }
0xc0: {  	_ =	task.clear_ibuf [dreg:s6], $0x2FFFF;
	_ =	strace $0x9FFFFFFF  }
0xc1: {  	(tm) =	ssettm $0x7FFFFFFF  }
tec
execute0_lowered:
.L_overlay_start_1:
0x0: {  	(tag) =	ssettag $0x1  }
0x1: {  	s4 =	rddreg [dreg:$0x0]  }
0x2: {  	s0 =	rddreg [dreg:$0x1];
	s2 =	simm.s32 $0x0;
	s1 =	stileid.u32  }
0x3: {  	s3 =	srdreg.scid;
	s10 =	simm.s32 $0x0;
	s6 =	smul.u32 $0x5000, s1  }
0x4: {  	[smem:$0x7FF] =	sst s2;
	s5 =	sand.u32 $0x1, s3;
	s8 =	smul.u32 $0xA000, s1  }
0x5: {  	s3 =	sadd.s32 $0x400, s4;
	s7 =	smul.u32 $0x2800, s5;
	s9 =	ssub.s32 $0x2, s5  }
0x6: {  	_ =	strace $0x8000004A;
	s5 =	smul.u32 $0x5000, s5;
	s31 =	sshrl.u32 s9, $0x1  }
0x7: {  	s8 =	sadd.s32 s8, s4;
	s6 =	sadd.s32 s7, s6;
	s7 =	ssub.s32 s9, s31  }
0x8: {  	s5 =	sadd.s32 s5, s8;
	s8 =	simm.s32 $0x80;
	s6 =	sshrl.u32 s6, $0x3  }
0x9: {  	s9 =	simm.s32 $0x1;
	s5 =	sadd.s32 $0x4F600, s5;
	s6 =	sadd.s32 s6, s4  }
0xa: {  	s4 =	smax.u32 s7, $0x1;
	s7 =	simm.s32 $0x2;
	s6 =	sadd.s32 $0x45600, s6  }
.LBB2_1:
0xb: {  	s11 =	sadd.s32 $0x0, s6  }
0xc: {  	[tilespmem:s2], [sflag:$0x2] =	stream.linear.gather [hbm4b:s11+s2], $0x80, $0x38;
	[tilespmem:$0x880] =	vst v63  }
0xd: {  	_ =	swait.ge [sflag:s7], $0x80  }
0xe: {  	[sflag:s7] =	ssyncset.done $0x0  }
0xf: {  	[sflag:s7] =	ssyncadd.s32 $0xFFFFFF80  }
0x10: {  	[tilespmem:s8], [sflag:$0x1] =	stream.indirect.gather [hbm4b:s3+s8], $0x10, s2, s8, $0xb8;
	[tilespmem:$0x880] =	vst v63  }
0x11: {  	_ =	swait.ge [sflag:s9], $0x800  }
0x12: {  	[sflag:s9] =	ssyncset.done $0x0  }
0x13: {  	[sflag:s9] =	ssyncadd.s32 $0xFFFFF800  }
0x14: {  	[hbm4b:s5+s2] =	stream.linear.scatter [tilespmem:s8], [sflag:$0x2], $0x800, $0x38;
	[tilespmem:$0x880] =	vst v63  }
0x15: {  	s12 =	simm.s32 $0x10;
	_ =	swait.ge [sflag:s7], $0x800  }
0x16: {  	s13 =	simm.s32 $0x20;
	s11 =	sadd.s32 $0x100, s5;
	[sflag:s7] =	ssyncset.done $0x0  }
.LBB2_2:
0x17: {  	s14 =	sadd.s32 s12, s6  }
0x18: {  	[sflag:s7] =	ssyncadd.s32 $0xFFFFF800;
	s12 =	smov.u32 s13;
	s15 =	sadd.s32 $0x10, s13  }
0x19: {  	[tilespmem:s2], [sflag:$0x2] =	stream.linear.gather [hbm4b:s14+s2], $0x80, $0x38;
	[tilespmem:$0x880] =	vst v63  }
0x1a: {  	p0 =	sne.s32 s13, $0x4F0;
	_ =	swait.ge [sflag:s7], $0x80  }
0x1b: {  	[sflag:s7] =	ssyncset.done $0x0  }
0x1c: {  	[sflag:s7] =	ssyncadd.s32 $0xFFFFFF80  }
0x1d: {  	[tilespmem:s8], [sflag:$0x1] =	stream.indirect.gather [hbm4b:s3+s8], $0x10, s2, s8, $0xb8;
	[tilespmem:$0x880] =	vst v63  }
0x1e: {  	_ =	swait.ge [sflag:s9], $0x800  }
.Ltmp0:
0x1f: {  	[sflag:s9] =	ssyncset.done $0x0;
	(pc) =	sbr.rel @p0 .LBB2_2-.Ltmp0, $4  }
0x20: {  	[sflag:s9] =	ssyncadd.s32 $0xFFFFF800  }
0x21: {  	[hbm4b:s11+s2] =	stream.linear.scatter [tilespmem:s8], [sflag:$0x2], $0x800, $0x38;
	[tilespmem:$0x880] =	vst v63  }
0x22: {  	_ =	swait.ge [sflag:s7], $0x800  }
0x23: {  	s13 =	smov.u32 s15;
	s11 =	sadd.s32 $0x100, s11;
	[sflag:s7] =	ssyncset.done $0x0  }
0x24: {  	s12 =	sadd.s32 s12, s6;
	[sflag:s7] =	ssyncadd.s32 $0xFFFFF800  }
0x25: {  	[tilespmem:s2], [sflag:$0x2] =	stream.linear.gather [hbm4b:s12+s2], $0x80, $0x38;
	[tilespmem:$0x880] =	vst v63  }
0x26: {  	_ =	swait.ge [sflag:s7], $0x80  }
0x27: {  	[sflag:s7] =	ssyncset.done $0x0  }
0x28: {  	[sflag:s7] =	ssyncadd.s32 $0xFFFFFF80  }
0x29: {  	[tilespmem:s8], [sflag:$0x1] =	stream.indirect.gather [hbm4b:s3+s8], $0x10, s2, s8, $0xb8;
	[tilespmem:$0x880] =	vst v63  }
0x2a: {  	s10 =	sadd.s32 $0x1, s10;
	_ =	swait.ge [sflag:s9], $0x800  }
0x2b: {  	p0 =	sne.s32 s10, s4;
	[sflag:s9] =	ssyncset.done $0x0  }
.Ltmp1:
0x2c: {  	[sflag:s9] =	ssyncadd.s32 $0xFFFFF800;
	(pc) =	sbr.rel @p0 .LBB2_1-.Ltmp1, $4  }
0x2d: {  	[hbm4b:s11+s2] =	stream.linear.scatter [tilespmem:s8], [sflag:$0x2], $0x800, $0x38;
	[tilespmem:$0x880] =	vst v63  }
0x2e: {  	_ =	swait.ge [sflag:s7], $0x800  }
0x2f: {  	[sflag:s7] =	ssyncset.done $0x0  }
0x30: {  	[sflag:s7] =	ssyncadd.s32 $0xFFFFF800  }
0x31: {  	_ =	sfence.sel $0x180000  }
0x32: {  	[bflag:$0x0] =	sbarrier.arrive $0xFFFF  }
0x33: {  	p0 =	sne.s32 s1, $0x0;
	_ =	strace $0x9000004A  }
0x34: {  	s0 =	sadd.s32 @!p0 $0x100000, s0;
	[bflag:$0x2] =	sbarrier.arrive $0xFFFF  }
0x35: {  	[sflag:s0] =	ssyncadd.tile.s32 @!p0 $0x1;
	_ =	shalt  }
.Lfunc_end2:
_tile_overlayer_lowered:
.L_overlay_start_2:
0x36: {  	(tag) =	ssettag $0x2  }
0x37: {  	s0 =	rddreg [dreg:$0x0];
	s2 =	stileid.u32  }
0x38: {  	s1 =	rddreg [dreg:$0x1];
	p0 =	sne.s32 s2, $0x0  }
0x39: {  	s3 =	rddreg [dreg:$0x2];
	[bflag:$0x3] =	sbarrier.arrive $0xFFFF;
	s2 =	simm.s32 @!p0 $0x1C02  }
0x3a: {  	[timem:s3], [sflag:s2] =	dma.local @!p0 [hbm:s0], s1  }
0x3b: {  	s0 =	simm.s32 @!p0 $0x2  }
0x3c: {  	_ =	swait.ge @!p0 [sflag:s0], s1  }
0x3d: {  	s1 =	ssub.s32 @!p0 $0x0, s1;
	[sflag:s0] =	ssyncset.done @!p0 $0x0  }
0x3e: {  	[sflag:s0] =	ssyncadd.s32 @!p0 s1  }
0x3f: {  	[bflag:$0x3] =	sbarrier.arrive $0xFFFF  }
0x40: {  	_ =	shalt  }

// kernel: kernel.21.cloned.1.call-start
scs
__scs_entry_jumppad:
0x0: {  	(pc) =	sbr.rel $0x88, $3  }
0x1: {  	(tag) =	ssettag $0x0;
	lr =	simm.s32 $0x1  }
0x2: {  	[smem:$0x3F7D] =	sst lr;
	_ =	strace $0xD0000000  }
0x3: {  	_ = 	snop  }
0x4: {  	_ = 	snop  }
0x5: {  	_ = 	snop  }
0x6: {  	_ = 	snop  }
0x7: {  	_ = 	snop  }
__scs_overlays_trampoline_lowered:
0x8: {  	[smem:$0x3F8C] =	sst s0  }
0x9: {  	[smem:$0x3F8D] =	sst s1  }
0xa: {  	[smem:$0x3F8E] =	sst s2  }
0xb: {  	[smem:$0x3F8F] =	sst s3  }
0xc: {  	[smem:$0x3F90] =	sst s4  }
0xd: {  	[smem:$0x3F91] =	sst s5  }
0xe: {  	[smem:$0x3F92] =	sst s6  }
0xf: {  	[smem:$0x3F93] =	sst s7  }
0x10: {  	[smem:$0x3F94] =	sst s8  }
0x11: {  	[smem:$0x3F95] =	sst s9;
	s0 =	simm.s32 @!p0 $0x0  }
0x12: {  	s1 =	sld [smem:$0x3F7B];
	s0 =	simm.s32 @p0 $0x1  }
0x13: {  	[smem:$0x3F96] =	sst s0;
	s0 =	simm.s32 @!p1 $0x0  }
0x14: {  	s2 =	sld [smem:$0x3F7A];
	s0 =	simm.s32 @p1 $0x1  }
0x15: {  	[smem:$0x3F97] =	sst s0;
	s0 =	simm.s32 @!p2 $0x0  }
0x16: {  	s3 =	sld [smem:$0x3FDB];
	s0 =	simm.s32 @p2 $0x1  }
0x17: {  	s4 =	simm.s32 $0x1BF5;
	[smem:$0x3F99] =	sst s0  }
0x18: {  	s0 =	sld [smem:$0x3F7C];
	_ =	swait.ge [sflag:s4], $0x0  }
0x19: {  	s7 =	sld [smem:$0x3F7D]  }
0x1a: {  	s8 =	sadd.s32 $0xFFFFE003, lr  }
0x1b: {  	s9 =	sadd.s32 $0xFFFFFEF7, lr;
	s5 =	simm.s32 $0xFFFFFFFF;
	p2 =	slt.u32 s8, $0xFFFFF086  }
0x1c: {  	p1 =	slt.u32 s9, $0xF7A;
	s5 =	simm.s32 @!p2 $0x0  }
0x1d: {  	s5 =	simm.s32 @p1 $0x1;
	p0 =	seq.s32 s7, s2  }
0x1e: {  	s7 =	smul.u32 @!p0 $0xF7A, s2;
	p2 =	seq.s32 @!p0 s5, $0x0  }
0x1f: {  	s9 =	smul.u32 $0xF7A, s1;
	s8 =	simm.s32 @!p0 $0x1BF5;
	p2 =	por !p2, p0  }
0x20: {  	[sflag:s8] =	ssyncset.s32 @!p0 $0xFFFFF086;
	s6 =	sadd.s32 @!p0 s3, s7;
	s7 =	simm.s32 @!p0 $0x108  }
0x21: {  	s3 =	sadd.s32 s3, s9;
	s6 =	sadd.s32 @!p0 $0x88, s6;
	s7 =	simm.s32 @p2 $0x1082  }
0x22: {  	[simem:s7], [sflag:s8] =	dma.local @!p0 [hbm:s6], $0xF7A  }
0x23: {  	s9 =	sor.u32 $0xD0000000, s2;
	s6 =	simm.s32 $0x108;
	_ =	swait.ge @!p0 [sflag:s8], $0x0  }
0x24: {  	s3 =	sadd.s32 $0x88, s3;
	s6 =	simm.s32 @!p1 $0x1082;
	[sflag:s4] =	ssyncset.s32 $0xFFFFF086  }
0x25: {  	[simem:s6], [sflag:s4] =	dma.local [hbm:s3], $0xF7A  }
0x26: {  	[smem:$0x3F7D] =	sst s1;
	(tag) =	ssettag s2;
	_ =	strace s9  }
0x27: {  	s1 =	sld [smem:$0x3F8D]  }
0x28: {  	s2 =	sld [smem:$0x3F8E]  }
0x29: {  	s4 =	sld [smem:$0x3F90]  }
0x2a: {  	p0 =	seq.s32 s5, $0x0;
	s5 =	sld [smem:$0x3F91]  }
0x2b: {  	s6 =	sld [smem:$0x3F92]  }
0x2c: {  	s7 =	sld [smem:$0x3F93]  }
0x2d: {  	s3 =	simm.s32 $0x108;
	s8 =	sld [smem:$0x3F94]  }
0x2e: {  	s3 =	simm.s32 @!p0 $0x1082;
	s9 =	sld [smem:$0x3F95]  }
0x2f: {  	lr =	sadd.s32 s0, s3;
	s0 =	sld [smem:$0x3F8C]  }
0x30: {  	s3 =	sld [smem:$0x3F8F]  }
0x31: {  	[smem:$0x3F98] =	sst s10  }
0x32: {  	s10 =	sld [smem:$0x3F96];
	_ =	sdelay $0x3  }
0x33: {  	p0 =	seq.s32 s10, $0x1;
	s10 =	sld [smem:$0x3F98];
	_ =	sdelay $0x3  }
0x34: {  	[smem:$0x3F98] =	sst s10  }
0x35: {  	s10 =	sld [smem:$0x3F97];
	_ =	sdelay $0x3  }
0x36: {  	p1 =	seq.s32 s10, $0x1;
	s10 =	sld [smem:$0x3F98];
	_ =	sdelay $0x3  }
0x37: {  	[smem:$0x3F98] =	sst s10  }
0x38: {  	s10 =	sld [smem:$0x3F99]  }
0x39: {  	_ = 	snop;
	(pc) =	sbr.ind lr, $3  }
0x3a: {  	_ = 	snop  }
0x3b: {  	_ = 	snop  }
0x3c: {  	p2 =	seq.s32 s10, $0x1;
	s10 =	sld [smem:$0x3F98]  }
0x3d: {  	_ =	shalt  }
0x3e: {  	_ =	shalt  }
0x3f: {  	_ =	shalt  }
0x40: {  	_ =	shalt  }
0x41: {  	_ =	shalt  }
0x42: {  	_ =	shalt  }
0x43: {  	_ =	shalt  }
0x44: {  	_ =	shalt  }
0x45: {  	_ =	shalt  }
0x46: {  	_ =	shalt  }
0x47: {  	_ =	shalt  }
0x48: {  	_ =	shalt  }
0x49: {  	_ =	shalt  }
0x4a: {  	_ =	shalt  }
0x4b: {  	_ =	shalt  }
0x4c: {  	_ =	shalt  }
0x4d: {  	_ =	shalt  }
0x4e: {  	_ =	shalt  }
0x4f: {  	_ =	shalt  }
0x50: {  	_ =	shalt  }
0x51: {  	_ =	shalt  }
0x52: {  	_ =	shalt  }
0x53: {  	_ =	shalt  }
0x54: {  	_ =	shalt  }
0x55: {  	_ =	shalt  }
0x56: {  	_ =	shalt  }
0x57: {  	_ =	shalt  }
0x58: {  	_ =	shalt  }
0x59: {  	_ =	shalt  }
0x5a: {  	_ =	shalt  }
0x5b: {  	_ =	shalt  }
0x5c: {  	_ =	shalt  }
0x5d: {  	_ =	shalt  }
0x5e: {  	_ =	shalt  }
0x5f: {  	_ =	shalt  }
0x60: {  	_ =	shalt  }
0x61: {  	_ =	shalt  }
0x62: {  	_ =	shalt  }
0x63: {  	_ =	shalt  }
0x64: {  	_ =	shalt  }
0x65: {  	_ =	shalt  }
0x66: {  	_ =	shalt  }
0x67: {  	_ =	shalt  }
0x68: {  	_ =	shalt  }
0x69: {  	_ =	shalt  }
0x6a: {  	_ =	shalt  }
0x6b: {  	_ =	shalt  }
0x6c: {  	_ =	shalt  }
0x6d: {  	_ =	shalt  }
0x6e: {  	_ =	shalt  }
0x6f: {  	_ =	shalt  }
0x70: {  	_ =	shalt  }
0x71: {  	_ =	shalt  }
0x72: {  	_ =	shalt  }
0x73: {  	_ =	shalt  }
0x74: {  	_ =	shalt  }
0x75: {  	_ =	shalt  }
0x76: {  	_ =	shalt  }
0x77: {  	_ =	shalt  }
0x78: {  	_ =	shalt  }
0x79: {  	_ =	shalt  }
0x7a: {  	_ =	shalt  }
0x7b: {  	_ =	shalt  }
0x7c: {  	_ =	shalt  }
0x7d: {  	_ =	shalt  }
0x7e: {  	_ =	shalt  }
0x7f: {  	_ =	shalt  }
0x80: {  	_ =	shalt  }
0x81: {  	_ =	shalt  }
0x82: {  	_ =	shalt  }
0x83: {  	_ =	shalt  }
0x84: {  	_ =	shalt  }
0x85: {  	_ =	shalt  }
0x86: {  	_ =	shalt  }
0x87: {  	_ =	shalt  }
.Lfunc_end0:
.L_simem_size_0:
called_computation.2_lowered:
.L_overlay_start_0:
0x88: {  	s2 =	sld [smem:$0x3FD9]  }
0x89: {  	s3 =	sld [smem:$0x3FFE];
	_ =	sdelay $0x1  }
0x8a: {  	s1 =	srdreg.scid  }
0x8b: {  	s0 =	sand.u32 $0x1, s1  }
0x8c: {  	s16 =	sshll.u32 s0, $0xA;
	s2 =	sadd.s32 s3, s2  }
0x8d: {  	s2 =	sadd.s32 s2, s16  }
0x8e: {  	[smem:$0x3FA4] =	sst s2  }
0x8f: {  	_ = 	snop  }
0x90: {  	(tm) =	ssettm $0x1  }
0x91: {  	s17 =	sld [smem:$0x3FFB];
	_ =	sdelay $0x3  }
0x92: {  	_ =	strace s17  }
0x93: {  	s2 =	sld [smem:$0x3FFC];
	_ =	sdelay $0x3  }
0x94: {  	_ =	strace s2  }
0x95: {  	s2 =	sld [smem:$0x3FFD];
	_ =	sdelay $0x3  }
0x96: {  	_ =	strace s2  }
0x97: {  	_ =	strace $0x8FFFFFFF  }
0x98: {  	s18 =	sld [smem:$0x3FDB];
	_ =	sdelay $0x1  }
0x99: {  	s19 =	simm.s32 $_scs_section_size  }
0x9a: {  	s4 =	simm.s32 $_size__tile_overlayer_lowered;
	s5 =	simm.s32 $_tile_overlayer_lowered  }
0x9b: {  	s22 =	simm.s32 $0x1BFF;
	s21 =	sshll.u32 s5, $0x1;
	s2 =	sadd.s32 s19, s18  }
0x9c: {  	s6 =	simm.s32 $0x0;
	s20 =	sshll.u32 s4, $0x1;
	s4 =	sadd.s32 s21, s2  }
0x9d: {  	[timem:s6], [sflag:s22] =	dma.local [hbm:s4], s20  }
0x9e: {  	_ =	swait.ge [sflag:s22], s20  }
0x9f: {  	s3 =	ssub.s32 $0x0, s20;
	[sflag:s22] =	ssyncset.done $0x0  }
0xa0: {  	[sflag:s22] =	ssyncadd.s32 s3;
	_ =	sdelay $0x1  }
0xa1: {  	s23 =	simm.s32 $0x1B8B  }
0xa2: {  	_ =	swait.ge [sflag:s23], $0x1  }
0xa3: {  	[sflag:s23] =	ssyncset.done $0x0  }
0xa4: {  	s25 =	simm.s32 $0x1B8E;
	s24 =	sld [smem:$0x3FFE];
	[sflag:s23] =	ssyncadd.s32 $0xFFFFFFFF  }
0xa5: {  	s26 =	simm.s32 $execute0_lowered;
	[smem:$0x3FD2] =	sst s25  }
0xa6: {  	s4 =	sshll.u32 s26, $0x1;
	_ =	strace $0x8000004C;
	[dreg:$0x1] =	wrdreg $0xFFFFFFFF  }
0xa7: {  	s28 =	simm.s32 $_size_execute0_lowered;
	s2 =	sadd.s32 s2, s4;
	[dreg:$0x0] =	wrdreg $0x0  }
0xa8: {  	s4 =	sshll.u32 s28, $0x1;
	[dreg:$0x2] =	wrdreg s2  }
0xa9: {  	[dreg:$0x3] =	wrdreg s4  }
0xaa: {  	[dreg:$0x4] =	wrdreg $0xC0  }
0xab: {  	_ =	task [dreg:s6], $0x5FFFF  }
0xac: {  	[dreg:$0x1] =	wrdreg $0xFFFFFFFF  }
0xad: {  	[dreg:$0x0] =	wrdreg $0x60  }
0xae: {  	[dreg:$0x2] =	wrdreg s24  }
0xaf: {  	[dreg:$0x3] =	wrdreg $0x9  }
0xb0: {  	_ =	task.clear_ibuf [dreg:s6], $0x4FFFF;
	_ =	strace $0x9000004C  }
0xb1: {  	s29 =	simm.s32 $0x9;
	_ =	strace $0x8000004E  }
0xb2: {  	_ =	swait.ge [sflag:s29], $0x1  }
0xb3: {  	[sflag:s29] =	ssyncadd.s32 $0xFFFFFFFF  }
0xb4: {  	_ =	strace $0x9000004E  }
0xb5: {  	_ =	sfence  }
0xb6: {  	s30 =	sld [smem:$0x0];
	_ =	sdelay $0x2  }
0xb7: {  	s31 =	sshll.u32 s1, $0xD;
	s1 =	sshrl.u32 s1, $0x2  }
0xb8: {  	s3 =	sand.u32 $0x4000, s31;
	s1 =	sadd.s32 s1, s30  }
0xb9: {  	s0 =	sor.u32 s3, s0;
	s1 =	sshll.u32 s1, $0x11  }
0xba: {  	s0 =	sor.u32 s1, s0  }
0xbb: {  	s0 =	sadd.s32 $0x8F2B, s0  }
0xbc: {  	[sflag:s0] =	ssyncadd.remote.s32 $0x1  }
0xbd: {  	_ =	sfence.sel $0xFFFF  }
0xbe: {  	[dreg:$0x0] =	wrdreg $0xFFFFFFFF;
	(pc) =	sbr.abs _section_cstart, $3  }
0xbf: {  	[dreg:$0x1] =	wrdreg $0xFFFFFFFF  }
0xc0: {  	_ =	task.clear_ibuf [dreg:s6], $0x2FFFF;
	_ =	strace $0x9FFFFFFF  }
0xc1: {  	(tm) =	ssettm $0x7FFFFFFF  }
tec
execute0_lowered:
.L_overlay_start_1:
0x0: {  	(tag) =	ssettag $0x1  }
0x1: {  	s1 =	srdreg.scid  }
0x2: {  	s0 =	stileid.u32;
	s10 =	sand.u32 $0x1, s1  }
0x3: {  	s8 =	rddreg [dreg:$0x0];
	s3 =	sshll.u32 s0, $0x9;
	s4 =	sshll.u32 s10, $0x8  }
0x4: {  	s2 =	simm.s32 $0x0;
	s1 =	rddreg [dreg:$0x1];
	s9 =	sor.u32 s4, s3  }
0x5: {  	[smem:$0x7FF] =	sst s2;
	s11 =	sadd.s32 $0x6800, s8;
	s3 =	sshrl.u32 s9, $0x3  }
0x6: {  	_ =	strace $0x8000004D;
	s4 =	sadd.s32 s11, s3;
	s3 =	simm.s32 $0x2  }
0x7: {  	[tilespmem:s2], [sflag:$0x2] =	stream.linear.gather [hbm4b:s4+s2], $0x80, $0x38;
	[tilespmem:$0x4880] =	vst v63  }
0x8: {  	_ =	swait.ge [sflag:s3], $0x80  }
0x9: {  	s6 =	simm.s32 $0x80;
	[sflag:s3] =	ssyncset.done $0x0  }
0xa: {  	s7 =	simm.s32 $0x1;
	s5 =	sadd.s32 $0x9600, s8;
	[sflag:s3] =	ssyncadd.s32 $0xFFFFFF80  }
0xb: {  	[tilespmem:s6], [sflag:$0x1] =	stream.indirect.gather [hbm4b:s5+s6], $0x90, s2, s6, $0xb8;
	[tilespmem:$0x4880] =	vst v63  }
0xc: {  	s12 =	smul.u32 $0x12, s9;
	_ =	swait.ge [sflag:s7], $0x4800  }
0xd: {  	s13 =	sadd.s32 $0x1FE00, s8;
	[sflag:s7] =	ssyncset.done $0x0  }
0xe: {  	s8 =	sadd.s32 s13, s12;
	[sflag:s7] =	ssyncadd.s32 $0xFFFFB800  }
0xf: {  	[hbm4b:s8+s2] =	stream.linear.scatter [tilespmem:s6], [sflag:$0x2], $0x4800, $0x38;
	[tilespmem:$0x4880] =	vst v63  }
0x10: {  	s30 =	sor.u32 $0x80, s9;
	_ =	swait.ge [sflag:s3], $0x4800  }
0x11: {  	s9 =	sshrl.u32 s30, $0x3;
	[sflag:s3] =	ssyncset.done $0x0  }
0x12: {  	s10 =	ssub.s32 $0x2, s10;
	s9 =	sadd.s32 s11, s9;
	[sflag:s3] =	ssyncadd.s32 $0xFFFFB800  }
0x13: {  	[tilespmem:s2], [sflag:$0x2] =	stream.linear.gather [hbm4b:s9+s2], $0x80, $0x38;
	[tilespmem:$0x4880] =	vst v63  }
0x14: {  	s31 =	sshrl.u32 s10, $0x1;
	_ =	swait.ge [sflag:s3], $0x80  }
0x15: {  	s11 =	ssub.s32 s10, s31;
	[sflag:s3] =	ssyncset.done $0x0  }
0x16: {  	s11 =	smax.u32 s11, $0x1;
	[sflag:s3] =	ssyncadd.s32 $0xFFFFFF80  }
0x17: {  	[tilespmem:s6], [sflag:$0x1] =	stream.indirect.gather [hbm4b:s5+s6], $0x90, s2, s6, $0xb8;
	[tilespmem:$0x4880] =	vst v63  }
0x18: {  	s12 =	smul.u32 $0x12, s30;
	p0 =	sne.s32 s11, $0x1;
	_ =	swait.ge [sflag:s7], $0x4800  }
.Ltmp0:
0x19: {  	[sflag:s7] =	ssyncset.done $0x0;
	(pc) =	sbr.rel @!p0 .LBB2_2-.Ltmp0, $4  }
0x1a: {  	s10 =	sadd.s32 s13, s12;
	[sflag:s7] =	ssyncadd.s32 $0xFFFFB800  }
0x1b: {  	[hbm4b:s10+s2] =	stream.linear.scatter [tilespmem:s6], [sflag:$0x2], $0x4800, $0x38;
	[tilespmem:$0x4880] =	vst v63  }
0x1c: {  	_ =	swait.ge [sflag:s3], $0x4800  }
0x1d: {  	s11 =	sadd.s32 $0xFFFFFFFF, s11;
	[sflag:s3] =	ssyncset.done $0x0  }
.LBB2_1:
0x1e: {  	p0 =	sne.s32 s11, $0x1;
	s11 =	sadd.s32 $0xFFFFFFFF, s11;
	[sflag:s3] =	ssyncadd.s32 $0xFFFFB800  }
0x1f: {  	[tilespmem:s2], [sflag:$0x2] =	stream.linear.gather [hbm4b:s4+s2], $0x80, $0x38;
	[tilespmem:$0x4880] =	vst v63  }
0x20: {  	_ =	swait.ge [sflag:s3], $0x80  }
0x21: {  	[sflag:s3] =	ssyncset.done $0x0  }
0x22: {  	[sflag:s3] =	ssyncadd.s32 $0xFFFFFF80  }
0x23: {  	[tilespmem:s6], [sflag:$0x1] =	stream.indirect.gather [hbm4b:s5+s6], $0x90, s2, s6, $0xb8;
	[tilespmem:$0x4880] =	vst v63  }
0x24: {  	_ =	swait.ge [sflag:s7], $0x4800  }
0x25: {  	[sflag:s7] =	ssyncset.done $0x0  }
0x26: {  	[sflag:s7] =	ssyncadd.s32 $0xFFFFB800  }
0x27: {  	[hbm4b:s8+s2] =	stream.linear.scatter [tilespmem:s6], [sflag:$0x2], $0x4800, $0x38;
	[tilespmem:$0x4880] =	vst v63  }
0x28: {  	_ =	swait.ge [sflag:s3], $0x4800  }
0x29: {  	[sflag:s3] =	ssyncset.done $0x0  }
0x2a: {  	[sflag:s3] =	ssyncadd.s32 $0xFFFFB800  }
0x2b: {  	[tilespmem:s2], [sflag:$0x2] =	stream.linear.gather [hbm4b:s9+s2], $0x80, $0x38;
	[tilespmem:$0x4880] =	vst v63  }
0x2c: {  	_ =	swait.ge [sflag:s3], $0x80  }
0x2d: {  	[sflag:s3] =	ssyncset.done $0x0  }
0x2e: {  	[sflag:s3] =	ssyncadd.s32 $0xFFFFFF80  }
0x2f: {  	[tilespmem:s6], [sflag:$0x1] =	stream.indirect.gather [hbm4b:s5+s6], $0x90, s2, s6, $0xb8;
	[tilespmem:$0x4880] =	vst v63  }
0x30: {  	_ =	swait.ge [sflag:s7], $0x4800  }
.Ltmp1:
0x31: {  	[sflag:s7] =	ssyncset.done $0x0;
	(pc) =	sbr.rel @p0 .LBB2_1-.Ltmp1, $4  }
0x32: {  	[sflag:s7] =	ssyncadd.s32 $0xFFFFB800  }
0x33: {  	[hbm4b:s10+s2] =	stream.linear.scatter [tilespmem:s6], [sflag:$0x2], $0x4800, $0x38;
	[tilespmem:$0x4880] =	vst v63  }
0x34: {  	_ =	swait.ge [sflag:s3], $0x4800  }
0x35: {  	[sflag:s3] =	ssyncset.done $0x0  }
.LBB2_2:
0x36: {  	[sflag:s3] =	ssyncadd.s32 $0xFFFFB800  }
0x37: {  	_ =	sfence.sel $0x180000  }
0x38: {  	[bflag:$0x0] =	sbarrier.arrive $0xFFFF  }
0x39: {  	p0 =	sne.s32 s0, $0x0;
	_ =	strace $0x9000004D  }
0x3a: {  	s0 =	sadd.s32 @!p0 $0x100000, s1;
	[bflag:$0x2] =	sbarrier.arrive $0xFFFF  }
0x3b: {  	[sflag:s0] =	ssyncadd.tile.s32 @!p0 $0x1;
	_ =	shalt  }
.Lfunc_end2:
_tile_overlayer_lowered:
.L_overlay_start_2:
0x3c: {  	(tag) =	ssettag $0x2  }
0x3d: {  	s0 =	rddreg [dreg:$0x0];
	s2 =	stileid.u32  }
0x3e: {  	s1 =	rddreg [dreg:$0x1];
	p0 =	sne.s32 s2, $0x0  }
0x3f: {  	s3 =	rddreg [dreg:$0x2];
	[bflag:$0x3] =	sbarrier.arrive $0xFFFF;
	s2 =	simm.s32 @!p0 $0x1C02  }
0x40: {  	[timem:s3], [sflag:s2] =	dma.local @!p0 [hbm:s0], s1  }
0x41: {  	s0 =	simm.s32 @!p0 $0x2  }
0x42: {  	_ =	swait.ge @!p0 [sflag:s0], s1  }
0x43: {  	s1 =	ssub.s32 @!p0 $0x0, s1;
	[sflag:s0] =	ssyncset.done @!p0 $0x0  }
0x44: {  	[sflag:s0] =	ssyncadd.s32 @!p0 s1  }
0x45: {  	[bflag:$0x3] =	sbarrier.arrive $0xFFFF  }
0x46: {  	_ =	shalt  }

// kernel: kernel.24.cloned.1.call-start
scs
__scs_entry_jumppad:
0x0: {  	(pc) =	sbr.rel $0x88, $3  }
0x1: {  	(tag) =	ssettag $0x0;
	lr =	simm.s32 $0x1  }
0x2: {  	[smem:$0x3F7D] =	sst lr;
	_ =	strace $0xD0000000  }
0x3: {  	_ = 	snop  }
0x4: {  	_ = 	snop  }
0x5: {  	_ = 	snop  }
0x6: {  	_ = 	snop  }
0x7: {  	_ = 	snop  }
__scs_overlays_trampoline_lowered:
0x8: {  	[smem:$0x3F8C] =	sst s0  }
0x9: {  	[smem:$0x3F8D] =	sst s1  }
0xa: {  	[smem:$0x3F8E] =	sst s2  }
0xb: {  	[smem:$0x3F8F] =	sst s3  }
0xc: {  	[smem:$0x3F90] =	sst s4  }
0xd: {  	[smem:$0x3F91] =	sst s5  }
0xe: {  	[smem:$0x3F92] =	sst s6  }
0xf: {  	[smem:$0x3F93] =	sst s7  }
0x10: {  	[smem:$0x3F94] =	sst s8  }
0x11: {  	[smem:$0x3F95] =	sst s9;
	s0 =	simm.s32 @!p0 $0x0  }
0x12: {  	s1 =	sld [smem:$0x3F7B];
	s0 =	simm.s32 @p0 $0x1  }
0x13: {  	[smem:$0x3F96] =	sst s0;
	s0 =	simm.s32 @!p1 $0x0  }
0x14: {  	s2 =	sld [smem:$0x3F7A];
	s0 =	simm.s32 @p1 $0x1  }
0x15: {  	[smem:$0x3F97] =	sst s0;
	s0 =	simm.s32 @!p2 $0x0  }
0x16: {  	s3 =	sld [smem:$0x3FDB];
	s0 =	simm.s32 @p2 $0x1  }
0x17: {  	s4 =	simm.s32 $0x1BF5;
	[smem:$0x3F99] =	sst s0  }
0x18: {  	s0 =	sld [smem:$0x3F7C];
	_ =	swait.ge [sflag:s4], $0x0  }
0x19: {  	s7 =	sld [smem:$0x3F7D]  }
0x1a: {  	s8 =	sadd.s32 $0xFFFFE003, lr  }
0x1b: {  	s9 =	sadd.s32 $0xFFFFFEF7, lr;
	s5 =	simm.s32 $0xFFFFFFFF;
	p2 =	slt.u32 s8, $0xFFFFF086  }
0x1c: {  	p1 =	slt.u32 s9, $0xF7A;
	s5 =	simm.s32 @!p2 $0x0  }
0x1d: {  	s5 =	simm.s32 @p1 $0x1;
	p0 =	seq.s32 s7, s2  }
0x1e: {  	s7 =	smul.u32 @!p0 $0xF7A, s2;
	p2 =	seq.s32 @!p0 s5, $0x0  }
0x1f: {  	s9 =	smul.u32 $0xF7A, s1;
	s8 =	simm.s32 @!p0 $0x1BF5;
	p2 =	por !p2, p0  }
0x20: {  	[sflag:s8] =	ssyncset.s32 @!p0 $0xFFFFF086;
	s6 =	sadd.s32 @!p0 s3, s7;
	s7 =	simm.s32 @!p0 $0x108  }
0x21: {  	s3 =	sadd.s32 s3, s9;
	s6 =	sadd.s32 @!p0 $0x88, s6;
	s7 =	simm.s32 @p2 $0x1082  }
0x22: {  	[simem:s7], [sflag:s8] =	dma.local @!p0 [hbm:s6], $0xF7A  }
0x23: {  	s9 =	sor.u32 $0xD0000000, s2;
	s6 =	simm.s32 $0x108;
	_ =	swait.ge @!p0 [sflag:s8], $0x0  }
0x24: {  	s3 =	sadd.s32 $0x88, s3;
	s6 =	simm.s32 @!p1 $0x1082;
	[sflag:s4] =	ssyncset.s32 $0xFFFFF086  }
0x25: {  	[simem:s6], [sflag:s4] =	dma.local [hbm:s3], $0xF7A  }
0x26: {  	[smem:$0x3F7D] =	sst s1;
	(tag) =	ssettag s2;
	_ =	strace s9  }
0x27: {  	s1 =	sld [smem:$0x3F8D]  }
0x28: {  	s2 =	sld [smem:$0x3F8E]  }
0x29: {  	s4 =	sld [smem:$0x3F90]  }
0x2a: {  	p0 =	seq.s32 s5, $0x0;
	s5 =	sld [smem:$0x3F91]  }
0x2b: {  	s6 =	sld [smem:$0x3F92]  }
0x2c: {  	s7 =	sld [smem:$0x3F93]  }
0x2d: {  	s3 =	simm.s32 $0x108;
	s8 =	sld [smem:$0x3F94]  }
0x2e: {  	s3 =	simm.s32 @!p0 $0x1082;
	s9 =	sld [smem:$0x3F95]  }
0x2f: {  	lr =	sadd.s32 s0, s3;
	s0 =	sld [smem:$0x3F8C]  }
0x30: {  	s3 =	sld [smem:$0x3F8F]  }
0x31: {  	[smem:$0x3F98] =	sst s10  }
0x32: {  	s10 =	sld [smem:$0x3F96];
	_ =	sdelay $0x3  }
0x33: {  	p0 =	seq.s32 s10, $0x1;
	s10 =	sld [smem:$0x3F98];
	_ =	sdelay $0x3  }
0x34: {  	[smem:$0x3F98] =	sst s10  }
0x35: {  	s10 =	sld [smem:$0x3F97];
	_ =	sdelay $0x3  }
0x36: {  	p1 =	seq.s32 s10, $0x1;
	s10 =	sld [smem:$0x3F98];
	_ =	sdelay $0x3  }
0x37: {  	[smem:$0x3F98] =	sst s10  }
0x38: {  	s10 =	sld [smem:$0x3F99]  }
0x39: {  	_ = 	snop;
	(pc) =	sbr.ind lr, $3  }
0x3a: {  	_ = 	snop  }
0x3b: {  	_ = 	snop  }
0x3c: {  	p2 =	seq.s32 s10, $0x1;
	s10 =	sld [smem:$0x3F98]  }
0x3d: {  	_ =	shalt  }
0x3e: {  	_ =	shalt  }
0x3f: {  	_ =	shalt  }
0x40: {  	_ =	shalt  }
0x41: {  	_ =	shalt  }
0x42: {  	_ =	shalt  }
0x43: {  	_ =	shalt  }
0x44: {  	_ =	shalt  }
0x45: {  	_ =	shalt  }
0x46: {  	_ =	shalt  }
0x47: {  	_ =	shalt  }
0x48: {  	_ =	shalt  }
0x49: {  	_ =	shalt  }
0x4a: {  	_ =	shalt  }
0x4b: {  	_ =	shalt  }
0x4c: {  	_ =	shalt  }
0x4d: {  	_ =	shalt  }
0x4e: {  	_ =	shalt  }
0x4f: {  	_ =	shalt  }
0x50: {  	_ =	shalt  }
0x51: {  	_ =	shalt  }
0x52: {  	_ =	shalt  }
0x53: {  	_ =	shalt  }
0x54: {  	_ =	shalt  }
0x55: {  	_ =	shalt  }
0x56: {  	_ =	shalt  }
0x57: {  	_ =	shalt  }
0x58: {  	_ =	shalt  }
0x59: {  	_ =	shalt  }
0x5a: {  	_ =	shalt  }
0x5b: {  	_ =	shalt  }
0x5c: {  	_ =	shalt  }
0x5d: {  	_ =	shalt  }
0x5e: {  	_ =	shalt  }
0x5f: {  	_ =	shalt  }
0x60: {  	_ =	shalt  }
0x61: {  	_ =	shalt  }
0x62: {  	_ =	shalt  }
0x63: {  	_ =	shalt  }
0x64: {  	_ =	shalt  }
0x65: {  	_ =	shalt  }
0x66: {  	_ =	shalt  }
0x67: {  	_ =	shalt  }
0x68: {  	_ =	shalt  }
0x69: {  	_ =	shalt  }
0x6a: {  	_ =	shalt  }
0x6b: {  	_ =	shalt  }
0x6c: {  	_ =	shalt  }
0x6d: {  	_ =	shalt  }
0x6e: {  	_ =	shalt  }
0x6f: {  	_ =	shalt  }
0x70: {  	_ =	shalt  }
0x71: {  	_ =	shalt  }
0x72: {  	_ =	shalt  }
0x73: {  	_ =	shalt  }
0x74: {  	_ =	shalt  }
0x75: {  	_ =	shalt  }
0x76: {  	_ =	shalt  }
0x77: {  	_ =	shalt  }
0x78: {  	_ =	shalt  }
0x79: {  	_ =	shalt  }
0x7a: {  	_ =	shalt  }
0x7b: {  	_ =	shalt  }
0x7c: {  	_ =	shalt  }
0x7d: {  	_ =	shalt  }
0x7e: {  	_ =	shalt  }
0x7f: {  	_ =	shalt  }
0x80: {  	_ =	shalt  }
0x81: {  	_ =	shalt  }
0x82: {  	_ =	shalt  }
0x83: {  	_ =	shalt  }
0x84: {  	_ =	shalt  }
0x85: {  	_ =	shalt  }
0x86: {  	_ =	shalt  }
0x87: {  	_ =	shalt  }
.Lfunc_end0:
.L_simem_size_0:
called_computation.3_lowered:
.L_overlay_start_0:
0x88: {  	s2 =	sld [smem:$0x3FD9]  }
0x89: {  	s3 =	sld [smem:$0x3FFE];
	_ =	sdelay $0x1  }
0x8a: {  	s1 =	srdreg.scid  }
0x8b: {  	s0 =	sand.u32 $0x1, s1  }
0x8c: {  	s16 =	sshll.u32 s0, $0xA;
	s2 =	sadd.s32 s3, s2  }
0x8d: {  	s2 =	sadd.s32 s2, s16  }
0x8e: {  	[smem:$0x3FA4] =	sst s2  }
0x8f: {  	_ = 	snop  }
0x90: {  	(tm) =	ssettm $0x1  }
0x91: {  	s17 =	sld [smem:$0x3FFB];
	_ =	sdelay $0x3  }
0x92: {  	_ =	strace s17  }
0x93: {  	s2 =	sld [smem:$0x3FFC];
	_ =	sdelay $0x3  }
0x94: {  	_ =	strace s2  }
0x95: {  	s2 =	sld [smem:$0x3FFD];
	_ =	sdelay $0x3  }
0x96: {  	_ =	strace s2  }
0x97: {  	_ =	strace $0x8FFFFFFF  }
0x98: {  	s18 =	sld [smem:$0x3FDB];
	_ =	sdelay $0x1  }
0x99: {  	s19 =	simm.s32 $_scs_section_size  }
0x9a: {  	s4 =	simm.s32 $_size__tile_overlayer_lowered;
	s5 =	simm.s32 $_tile_overlayer_lowered  }
0x9b: {  	s22 =	simm.s32 $0x1BFF;
	s21 =	sshll.u32 s5, $0x1;
	s2 =	sadd.s32 s19, s18  }
0x9c: {  	s6 =	simm.s32 $0x0;
	s20 =	sshll.u32 s4, $0x1;
	s4 =	sadd.s32 s21, s2  }
0x9d: {  	[timem:s6], [sflag:s22] =	dma.local [hbm:s4], s20  }
0x9e: {  	_ =	swait.ge [sflag:s22], s20  }
0x9f: {  	s3 =	ssub.s32 $0x0, s20;
	[sflag:s22] =	ssyncset.done $0x0  }
0xa0: {  	[sflag:s22] =	ssyncadd.s32 s3;
	_ =	sdelay $0x1  }
0xa1: {  	s23 =	simm.s32 $0x1B8B  }
0xa2: {  	_ =	swait.ge [sflag:s23], $0x1  }
0xa3: {  	[sflag:s23] =	ssyncset.done $0x0  }
0xa4: {  	s25 =	simm.s32 $0x1B8E;
	s24 =	sld [smem:$0x3FFE];
	[sflag:s23] =	ssyncadd.s32 $0xFFFFFFFF  }
0xa5: {  	s26 =	simm.s32 $execute0_lowered;
	[smem:$0x3FD2] =	sst s25  }
0xa6: {  	s4 =	sshll.u32 s26, $0x1;
	_ =	strace $0x8000004F;
	[dreg:$0x1] =	wrdreg $0xFFFFFFFF  }
0xa7: {  	s28 =	simm.s32 $_size_execute0_lowered;
	s2 =	sadd.s32 s2, s4;
	[dreg:$0x0] =	wrdreg $0x0  }
0xa8: {  	s4 =	sshll.u32 s28, $0x1;
	[dreg:$0x2] =	wrdreg s2  }
0xa9: {  	[dreg:$0x3] =	wrdreg s4  }
0xaa: {  	[dreg:$0x4] =	wrdreg $0xC0  }
0xab: {  	_ =	task [dreg:s6], $0x5FFFF  }
0xac: {  	[dreg:$0x1] =	wrdreg $0xFFFFFFFF  }
0xad: {  	[dreg:$0x0] =	wrdreg $0x60  }
0xae: {  	[dreg:$0x2] =	wrdreg s24  }
0xaf: {  	[dreg:$0x3] =	wrdreg $0x9  }
0xb0: {  	_ =	task.clear_ibuf [dreg:s6], $0x4FFFF;
	_ =	strace $0x9000004F  }
0xb1: {  	s29 =	simm.s32 $0x9;
	_ =	strace $0x80000051  }
0xb2: {  	_ =	swait.ge [sflag:s29], $0x1  }
0xb3: {  	[sflag:s29] =	ssyncadd.s32 $0xFFFFFFFF  }
0xb4: {  	_ =	strace $0x90000051  }
0xb5: {  	_ =	sfence  }
0xb6: {  	s30 =	sld [smem:$0x0];
	_ =	sdelay $0x2  }
0xb7: {  	s31 =	sshll.u32 s1, $0xD;
	s1 =	sshrl.u32 s1, $0x2  }
0xb8: {  	s3 =	sand.u32 $0x4000, s31;
	s1 =	sadd.s32 s1, s30  }
0xb9: {  	s0 =	sor.u32 s3, s0;
	s1 =	sshll.u32 s1, $0x11  }
0xba: {  	s0 =	sor.u32 s1, s0  }
0xbb: {  	s0 =	sadd.s32 $0x8F2B, s0  }
0xbc: {  	[sflag:s0] =	ssyncadd.remote.s32 $0x1  }
0xbd: {  	_ =	sfence.sel $0xFFFF  }
0xbe: {  	[dreg:$0x0] =	wrdreg $0xFFFFFFFF;
	(pc) =	sbr.abs _section_cstart, $3  }
0xbf: {  	[dreg:$0x1] =	wrdreg $0xFFFFFFFF  }
0xc0: {  	_ =	task.clear_ibuf [dreg:s6], $0x2FFFF;
	_ =	strace $0x9FFFFFFF  }
0xc1: {  	(tm) =	ssettm $0x7FFFFFFF  }
tec
execute0_lowered:
.L_overlay_start_1:
0x0: {  	(tag) =	ssettag $0x1  }
0x1: {  	s4 =	rddreg [dreg:$0x0]  }
0x2: {  	s0 =	rddreg [dreg:$0x1];
	s2 =	simm.s32 $0x0;
	s1 =	stileid.u32  }
0x3: {  	s3 =	srdreg.scid;
	s10 =	simm.s32 $0x0;
	s6 =	smul.u32 $0x1400, s1  }
0x4: {  	[smem:$0x7FF] =	sst s2;
	s5 =	sand.u32 $0x1, s3;
	s8 =	smul.u32 $0x16800, s1  }
0x5: {  	s3 =	sadd.s32 $0x9600, s4;
	s7 =	smul.u32 $0xA00, s5;
	s9 =	ssub.s32 $0x2, s5  }
0x6: {  	_ =	strace $0x80000050;
	s5 =	smul.u32 $0xB400, s5;
	s31 =	sshrl.u32 s9, $0x1  }
0x7: {  	s8 =	sadd.s32 s8, s4;
	s6 =	sadd.s32 s7, s6;
	s7 =	ssub.s32 s9, s31  }
0x8: {  	s5 =	sadd.s32 s5, s8;
	s8 =	simm.s32 $0x80;
	s6 =	sshrl.u32 s6, $0x3  }
0x9: {  	s9 =	simm.s32 $0x1;
	s5 =	sadd.s32 $0x1FE00, s5;
	s6 =	sadd.s32 s6, s4  }
0xa: {  	s4 =	smax.u32 s7, $0x1;
	s7 =	simm.s32 $0x2;
	s6 =	sadd.s32 $0x5400, s6  }
.LBB2_1:
0xb: {  	s11 =	sadd.s32 $0x0, s6  }
0xc: {  	[tilespmem:s2], [sflag:$0x2] =	stream.linear.gather [hbm4b:s11+s2], $0x80, $0x38;
	[tilespmem:$0x4880] =	vst v63  }
0xd: {  	_ =	swait.ge [sflag:s7], $0x80  }
0xe: {  	[sflag:s7] =	ssyncset.done $0x0  }
0xf: {  	[sflag:s7] =	ssyncadd.s32 $0xFFFFFF80  }
0x10: {  	[tilespmem:s8], [sflag:$0x1] =	stream.indirect.gather [hbm4b:s3+s8], $0x90, s2, s8, $0xb8;
	[tilespmem:$0x4880] =	vst v63  }
0x11: {  	_ =	swait.ge [sflag:s9], $0x4800  }
0x12: {  	[sflag:s9] =	ssyncset.done $0x0  }
0x13: {  	[sflag:s9] =	ssyncadd.s32 $0xFFFFB800  }
0x14: {  	[hbm4b:s5+s2] =	stream.linear.scatter [tilespmem:s8], [sflag:$0x2], $0x4800, $0x38;
	[tilespmem:$0x4880] =	vst v63  }
0x15: {  	s12 =	simm.s32 $0x10;
	_ =	swait.ge [sflag:s7], $0x4800  }
0x16: {  	s13 =	simm.s32 $0x20;
	s11 =	sadd.s32 $0x900, s5;
	[sflag:s7] =	ssyncset.done $0x0  }
.LBB2_2:
0x17: {  	s14 =	sadd.s32 s12, s6  }
0x18: {  	[sflag:s7] =	ssyncadd.s32 $0xFFFFB800;
	s12 =	smov.u32 s13;
	s15 =	sadd.s32 $0x10, s13  }
0x19: {  	[tilespmem:s2], [sflag:$0x2] =	stream.linear.gather [hbm4b:s14+s2], $0x80, $0x38;
	[tilespmem:$0x4880] =	vst v63  }
0x1a: {  	p0 =	sne.s32 s13, $0x130;
	_ =	swait.ge [sflag:s7], $0x80  }
0x1b: {  	[sflag:s7] =	ssyncset.done $0x0  }
0x1c: {  	[sflag:s7] =	ssyncadd.s32 $0xFFFFFF80  }
0x1d: {  	[tilespmem:s8], [sflag:$0x1] =	stream.indirect.gather [hbm4b:s3+s8], $0x90, s2, s8, $0xb8;
	[tilespmem:$0x4880] =	vst v63  }
0x1e: {  	_ =	swait.ge [sflag:s9], $0x4800  }
.Ltmp0:
0x1f: {  	[sflag:s9] =	ssyncset.done $0x0;
	(pc) =	sbr.rel @p0 .LBB2_2-.Ltmp0, $4  }
0x20: {  	[sflag:s9] =	ssyncadd.s32 $0xFFFFB800  }
0x21: {  	[hbm4b:s11+s2] =	stream.linear.scatter [tilespmem:s8], [sflag:$0x2], $0x4800, $0x38;
	[tilespmem:$0x4880] =	vst v63  }
0x22: {  	_ =	swait.ge [sflag:s7], $0x4800  }
0x23: {  	s13 =	smov.u32 s15;
	s11 =	sadd.s32 $0x900, s11;
	[sflag:s7] =	ssyncset.done $0x0  }
0x24: {  	s12 =	sadd.s32 s12, s6;
	[sflag:s7] =	ssyncadd.s32 $0xFFFFB800  }
0x25: {  	[tilespmem:s2], [sflag:$0x2] =	stream.linear.gather [hbm4b:s12+s2], $0x80, $0x38;
	[tilespmem:$0x4880] =	vst v63  }
0x26: {  	_ =	swait.ge [sflag:s7], $0x80  }
0x27: {  	[sflag:s7] =	ssyncset.done $0x0  }
0x28: {  	[sflag:s7] =	ssyncadd.s32 $0xFFFFFF80  }
0x29: {  	[tilespmem:s8], [sflag:$0x1] =	stream.indirect.gather [hbm4b:s3+s8], $0x90, s2, s8, $0xb8;
	[tilespmem:$0x4880] =	vst v63  }
0x2a: {  	s10 =	sadd.s32 $0x1, s10;
	_ =	swait.ge [sflag:s9], $0x4800  }
0x2b: {  	p0 =	sne.s32 s10, s4;
	[sflag:s9] =	ssyncset.done $0x0  }
.Ltmp1:
0x2c: {  	[sflag:s9] =	ssyncadd.s32 $0xFFFFB800;
	(pc) =	sbr.rel @p0 .LBB2_1-.Ltmp1, $4  }
0x2d: {  	[hbm4b:s11+s2] =	stream.linear.scatter [tilespmem:s8], [sflag:$0x2], $0x4800, $0x38;
	[tilespmem:$0x4880] =	vst v63  }
0x2e: {  	_ =	swait.ge [sflag:s7], $0x4800  }
0x2f: {  	[sflag:s7] =	ssyncset.done $0x0  }
0x30: {  	[sflag:s7] =	ssyncadd.s32 $0xFFFFB800  }
0x31: {  	_ =	sfence.sel $0x180000  }
0x32: {  	[bflag:$0x0] =	sbarrier.arrive $0xFFFF  }
0x33: {  	p0 =	sne.s32 s1, $0x0;
	_ =	strace $0x90000050  }
0x34: {  	s0 =	sadd.s32 @!p0 $0x100000, s0;
	[bflag:$0x2] =	sbarrier.arrive $0xFFFF  }
0x35: {  	[sflag:s0] =	ssyncadd.tile.s32 @!p0 $0x1;
	_ =	shalt  }
.Lfunc_end2:
_tile_overlayer_lowered:
.L_overlay_start_2:
0x36: {  	(tag) =	ssettag $0x2  }
0x37: {  	s0 =	rddreg [dreg:$0x0];
	s2 =	stileid.u32  }
0x38: {  	s1 =	rddreg [dreg:$0x1];
	p0 =	sne.s32 s2, $0x0  }
0x39: {  	s3 =	rddreg [dreg:$0x2];
	[bflag:$0x3] =	sbarrier.arrive $0xFFFF;
	s2 =	simm.s32 @!p0 $0x1C02  }
0x3a: {  	[timem:s3], [sflag:s2] =	dma.local @!p0 [hbm:s0], s1  }
0x3b: {  	s0 =	simm.s32 @!p0 $0x2  }
0x3c: {  	_ =	swait.ge @!p0 [sflag:s0], s1  }
0x3d: {  	s1 =	ssub.s32 @!p0 $0x0, s1;
	[sflag:s0] =	ssyncset.done @!p0 $0x0  }
0x3e: {  	[sflag:s0] =	ssyncadd.s32 @!p0 s1  }
0x3f: {  	[bflag:$0x3] =	sbarrier.arrive $0xFFFF  }
0x40: {  	_ =	shalt  }

</sc_bundles>
